<compile_context>
chip_gen: v7x
topology: tpu7x:2x2x1
jax: 0.10.2.dev20260603
libtpu: 0.0.44.dev20260713+nightly
codegen_flags: <defaults>
</compile_context>

<pallas_src>
import functools

import jax
import jax.numpy as jnp
import numpy as np
from jax import lax
from jax.experimental import pallas as pl
from jax.experimental.pallas import tpu as pltpu
from jax.experimental.pallas import tpu_sc as plsc

N = 10000
E = 320000
L = 128
M = 8
S = 16
IN_DIM = 136
SCALE = 1.0 / np.sqrt(32.0)

NW = 32
E_PAD = 327680
N_PAD = 10240
BLK_E = 1280
GRID_A = E_PAD // BLK_E
GRID_A_REAL = E // BLK_E

EC_MINOR = 128
E_PER_TILE = E_PAD // NW
IDX_ROWS = E_PER_TILE // EC_MINOR
BLK_EDGES = 128
NBLK = E_PER_TILE // BLK_EDGES
NODES_PER_SUB = N_PAD // 16
MOVE_ROWS = 128

U_MINOR = 128
U_ROWS = N_PAD // U_MINOR


REP_BLK = 256


def _repack_kernel(eq_hbm, sh_hbm, eqp_hbm, shp_hbm,
                   b0, b1, t0, t1, i0, i1, o0, o1):
    c = lax.axis_index("c")
    s = lax.axis_index("s")
    wid = s * 2 + c
    iota16 = lax.iota(jnp.int32, 16)

    def _phase(src_hbm, dst_hbm, col_off, width, rb, buf0, buf1, tb0, tb1):
        tot = E // rb
        its = (tot + NW - 1) // NW
        its = its + (its % 2)

        def _issue_in(blk, buf, sem):
            pltpu.async_copy(
                src_hbm.at[pl.ds(blk * rb, rb), pl.ds(col_off, width)],
                buf, sem)

        def _wait_in(buf, sem):
            pltpu.make_async_copy(
                src_hbm.at[pl.ds(0, rb), pl.ds(col_off, width)],
                buf, sem).wait()

        def _wait_out(tbuf, sem):
            pltpu.make_async_copy(tbuf, dst_hbm.at[:, pl.ds(0, rb)], sem).wait()

        def _transpose(buf, tbuf):
            def _grp(g, _):
                rows = g * 16 + iota16
                for f in range(width):
                    v = plsc.load_gather(buf, [rows, jnp.full((16,), f, jnp.int32)])
                    tbuf[f, pl.ds(g * 16, 16)] = v
                return 0
            lax.fori_loop(0, rb // 16, _grp, 0)

        def _process(j, blk, buf, tbuf, isem, osem):
            _wait_in(buf, isem)

            @pl.when(j > 0)
            def _():
                _wait_out(tbuf, osem)
            _transpose(buf, tbuf)
            pltpu.async_copy(tbuf, dst_hbm.at[:, pl.ds(blk * rb, rb)], osem)

        @pl.when(wid < tot)
        def _():
            _issue_in(wid, buf0, i0)

        def _pair(j, _):
            blk0 = wid + (2 * j) * NW
            blk1 = blk0 + NW

            @pl.when(blk1 < tot)
            def _():
                _issue_in(blk1, buf1, i1)

            @pl.when(blk0 < tot)
            def _():
                _process(j, blk0, buf0, tb0, i0, o0)

            @pl.when(blk0 + 2 * NW < tot)
            def _():
                _issue_in(blk0 + 2 * NW, buf0, i0)

            @pl.when(blk1 < tot)
            def _():
                _process(j, blk1, buf1, tb1, i1, o1)
            return 0
        lax.fori_loop(0, its // 2, _pair, 0)

        _wait_out(tb0, o0)
        _wait_out(tb1, o1)

    _phase(eq_hbm, eqp_hbm, 0, S, REP_BLK, b0, b1, t0, t1)
    _phase(sh_hbm, shp_hbm, 0, S, REP_BLK, b0, b1, t0, t1)


def _repack_stage(eq, sh):
    mesh = plsc.VectorSubcoreMesh(core_axis_name="c", subcore_axis_name="s")
    kern = functools.partial(
        pl.kernel,
        mesh=mesh,
        compiler_params=pltpu.CompilerParams(needs_layout_passes=False),
        out_type=[
            jax.ShapeDtypeStruct((S, E), jnp.float32),
            jax.ShapeDtypeStruct((S, E), jnp.float32),
        ],
        scratch_types=[
            pltpu.VMEM((REP_BLK, S), jnp.float32),
            pltpu.VMEM((REP_BLK, S), jnp.float32),
            pltpu.VMEM((S, REP_BLK), jnp.float32),
            pltpu.VMEM((S, REP_BLK), jnp.float32),
            pltpu.SemaphoreType.DMA,
            pltpu.SemaphoreType.DMA,
            pltpu.SemaphoreType.DMA,
            pltpu.SemaphoreType.DMA,
        ],
    )(_repack_kernel)
    return kern(eq, sh)


def _mlp_body(inv_ref, cut_ref, w1_ref, b1_ref, w2_ref, b2_ref, lat_ref):
    bf = jnp.bfloat16
    h = jnp.dot(inv_ref[...].astype(bf), w1_ref[...].astype(bf),
                preferred_element_type=jnp.float32) + b1_ref[...]
    h = h * jax.nn.sigmoid(h)
    lat = jnp.dot(h.astype(bf), w2_ref[...].astype(bf),
                  preferred_element_type=jnp.float32) + b2_ref[...]
    cut_t = cut_ref[0].T
    lat_ref[...] = lat * jnp.concatenate(
        [cut_t[:, j:j + 1] for j in range(BLK_E // 128)], axis=0)


def _dense_body(inv_ref, eq_ref, sh_ref, cut_ref, w1_ref,
                b1_ref, w2_ref, b2_ref, w0r_ref, w1r_ref, t_ref,
                lat_ref, eqw_ref, emb_ref):
    _mlp_body(inv_ref, cut_ref, w1_ref, b1_ref, w2_ref, b2_ref, lat_ref)
    _outer_body(lat_ref, eq_ref, sh_ref, w0r_ref, w1r_ref, t_ref,
                eqw_ref, emb_ref)


def _dense_stage(inv, eqp, shp, cut, W1, b1, W2, b2, W0R, W1R, T):
    clamp = lambda i: jnp.minimum(i, GRID_A_REAL - 1)
    full = lambda a: pl.BlockSpec(a.shape, lambda i: (0,) * a.ndim)
    return pl.pallas_call(
        _dense_body,
        grid=(GRID_A,),
        in_specs=[
            pl.BlockSpec((BLK_E, IN_DIM), lambda i: (clamp(i), 0)),
            pl.BlockSpec((S, BLK_E), lambda i: (0, clamp(i))),
            pl.BlockSpec((S, BLK_E), lambda i: (0, clamp(i))),
            pl.BlockSpec((1, BLK_E // 128, 128), lambda i: (clamp(i), 0, 0)),
            full(W1), full(b1), full(W2), full(b2),
            full(W0R), full(W1R), full(T),
        ],
        out_specs=[
            pl.BlockSpec((BLK_E, L), lambda i: (clamp(i), 0)),
            pl.BlockSpec((BLK_E, L), lambda i: (clamp(i), 0)),
            pl.BlockSpec((BLK_E, L), lambda i: (i, 0)),
        ],
        out_shape=[
            jax.ShapeDtypeStruct((E, L), jnp.float32),
            jax.ShapeDtypeStruct((E, L), jnp.float32),
            jax.ShapeDtypeStruct((E_PAD, L), jnp.float32),
        ],
    )(inv, eqp, shp, cut, W1, b1, W2, b2, W0R, W1R, T)


def _outer_body(lat_ref, eq_ref, sh_ref, w0r_ref, w1r_ref, t_ref,
                eqw_ref, emb_ref):
    bf = jnp.bfloat16
    t = t_ref[...].astype(bf)
    latb = lat_ref[...].astype(bf)
    cdims = (((0,), (0,)), ((), ()))
    eqw_ref[...] = jnp.dot(latb, w0r_ref[...].astype(bf),
                           preferred_element_type=jnp.float32) \
        * lax.dot_general(eq_ref[...].astype(bf), t, cdims,
                          preferred_element_type=jnp.float32)
    emb_ref[...] = (jnp.dot(latb, w1r_ref[...].astype(bf),
                            preferred_element_type=jnp.float32)
                    * lax.dot_general(sh_ref[...].astype(bf), t, cdims,
                                      preferred_element_type=jnp.float32)) * SCALE


def _outer_stage(lat, eqp, shp, W0R, W1R, T):
    clamp = lambda i: jnp.minimum(i, GRID_A_REAL - 1)
    full = lambda a: pl.BlockSpec(a.shape, lambda i: (0,) * a.ndim)
    return pl.pallas_call(
        _outer_body,
        grid=(GRID_A,),
        in_specs=[
            pl.BlockSpec((BLK_E, L), lambda i: (clamp(i), 0)),
            pl.BlockSpec((S, BLK_E), lambda i: (0, clamp(i))),
            pl.BlockSpec((S, BLK_E), lambda i: (0, clamp(i))),
            full(W0R), full(W1R), full(T),
        ],
        out_specs=[
            pl.BlockSpec((BLK_E, L), lambda i: (clamp(i), 0)),
            pl.BlockSpec((BLK_E, L), lambda i: (i, 0)),
        ],
        out_shape=[
            jax.ShapeDtypeStruct((E, L), jnp.float32),
            jax.ShapeDtypeStruct((E_PAD, L), jnp.float32),
        ],
    )(lat, eqp, shp, W0R, W1R, T)


def _scatter_kernel(emb_hbm, ec_hbm, part_hbm, acc_sh, embbuf, embbuf2, idxbuf,
                    sem0, sem1):
    c = lax.axis_index("c")
    s = lax.axis_index("s")
    wid = s * 2 + c

    zrow = jnp.zeros((16,), jnp.float32)

    def _zero_bufs(r, _):
        for k in range(L // 16):
            embbuf[r, pl.ds(k * 16, 16)] = zrow
        return 0
    lax.fori_loop(0, MOVE_ROWS, _zero_bufs, 0)

    for j in range(NODES_PER_SUB // MOVE_ROWS):
        base = s * NODES_PER_SUB + j * MOVE_ROWS
        pltpu.sync_copy(embbuf, acc_sh.at[pl.ds(base, MOVE_ROWS)])
    plsc.subcore_barrier()

    pltpu.sync_copy(ec_hbm.at[pl.ds(wid * IDX_ROWS, IDX_ROWS)], idxbuf)

    base_e = wid * E_PER_TILE

    def _start(blk, buf, sem):
        pltpu.async_copy(emb_hbm.at[pl.ds(base_e + blk * BLK_EDGES, BLK_EDGES)],
                         buf, sem)

    def _wait(buf, sem):
        pltpu.make_async_copy(emb_hbm.at[pl.ds(base_e, BLK_EDGES)], buf, sem).wait()

    _start(0, embbuf, sem0)

    def _block_pair(i, _):
        blk0 = 2 * i
        _start(blk0 + 1, embbuf2, sem1)
        _wait(embbuf, sem0)
        pltpu.sync_copy(embbuf, acc_sh.at[idxbuf.at[blk0]], add=True)

        @pl.when(blk0 + 2 < NBLK)
        def _():
            _start(blk0 + 2, embbuf, sem0)
        _wait(embbuf2, sem1)
        pltpu.sync_copy(embbuf2, acc_sh.at[idxbuf.at[blk0 + 1]], add=True)
        return 0
    lax.fori_loop(0, NBLK // 2, _block_pair, 0)

    plsc.subcore_barrier()

    for j in range(NODES_PER_SUB // MOVE_ROWS):
        base = s * NODES_PER_SUB + j * MOVE_ROWS
        pltpu.sync_copy(acc_sh.at[pl.ds(base, MOVE_ROWS)], embbuf)
        pltpu.sync_copy(embbuf, part_hbm.at[c].at[pl.ds(base, MOVE_ROWS)])


def _scatter_stage(emb, ec2d):
    mesh = plsc.VectorSubcoreMesh(core_axis_name="c", subcore_axis_name="s")
    kern = functools.partial(
        pl.kernel,
        mesh=mesh,
        compiler_params=pltpu.CompilerParams(needs_layout_passes=False),
        out_type=[jax.ShapeDtypeStruct((2, N_PAD, L), jnp.float32)],
        scratch_types=[
            pltpu.VMEM_SHARED((N_PAD, L), jnp.float32),
            pltpu.VMEM((BLK_EDGES, L), jnp.float32),
            pltpu.VMEM((BLK_EDGES, L), jnp.float32),
            pltpu.VMEM((IDX_ROWS, EC_MINOR), jnp.int32),
            pltpu.SemaphoreType.DMA,
            pltpu.SemaphoreType.DMA,
        ],
    )(_scatter_kernel)
    return kern(emb, ec2d)[0]


C1_IDX_ROWS = (E_PAD // EC_MINOR) // 16
C1_CHUNK_ROWS = 8
C1_NCHUNK = U_ROWS // C1_CHUNK_ROWS


def _unique_kernel(ec_hbm, uniq_hbm, presbuf, idxbuf, orbuf, ubuf, pres_sh, csem):
    c = lax.axis_index("c")
    s = lax.axis_index("s")
    zrow = jnp.zeros((16,), jnp.int32)
    ones16 = jnp.ones((16,), jnp.int32)
    iota16 = lax.iota(jnp.int32, 16)

    @pl.when(c == 0)
    def _():
        def _zero(r, _):
            for k in range(U_MINOR // 16):
                presbuf[r, pl.ds(k * 16, 16)] = zrow
            return 0
        lax.fori_loop(0, U_ROWS, _zero, 0)

        pltpu.sync_copy(ec_hbm.at[pl.ds(s * C1_IDX_ROWS, C1_IDX_ROWS)], idxbuf)

        def _row(r, _):
            for k in range(EC_MINOR // 16):
                v = idxbuf[r, pl.ds(k * 16, 16)]
                plsc.store_scatter(presbuf, [v >> 7, v & 127], ones16)
            return 0
        lax.fori_loop(0, C1_IDX_ROWS, _row, 0)
        pltpu.sync_copy(presbuf, pres_sh.at[s])
    plsc.subcore_barrier()

    @pl.when((c == 0) & (s == 0))
    def _():
        def _zero_u(r, _):
            for k in range(U_MINOR // 16):
                ubuf[r, pl.ds(k * 16, 16)] = zrow
            return 0
        lax.fori_loop(0, U_ROWS, _zero_u, 0)

        def _chunk(ch, carry):
            for r in range(16):
                pltpu.async_copy(
                    pres_sh.at[r].at[pl.ds(ch * C1_CHUNK_ROWS, C1_CHUNK_ROWS)],
                    orbuf.at[r], csem)
            for r in range(16):
                pltpu.make_async_copy(
                    pres_sh.at[r].at[pl.ds(0, C1_CHUNK_ROWS)],
                    orbuf.at[r], csem).wait()

            def _group(g, cin):
                gr = g // (U_MINOR // 16)
                sl = pl.ds((g % (U_MINOR // 16)) * 16, 16)
                v = orbuf[0, gr, sl]
                for r in range(1, 16):
                    v = v | orbuf[r, gr, sl]
                nvec = ch * (C1_CHUNK_ROWS * U_MINOR) + g * 16 + iota16
                pres = (v > 0) & (nvec < N)
                pres_i = jnp.where(pres, 1, 0)
                cum = plsc.cumsum(pres_i)
                pos = cin + cum - 1
                plsc.store_scatter(ubuf, [pos >> 7, pos & 127], nvec, mask=pres)
                return cin + jnp.sum(pres_i)
            return lax.fori_loop(0, C1_CHUNK_ROWS * U_MINOR // 16, _group, carry)
        lax.fori_loop(0, C1_NCHUNK, _chunk, jnp.int32(0))

        pltpu.sync_copy(ubuf, uniq_hbm)


def _unique_stage(ec2d):
    mesh = plsc.VectorSubcoreMesh(core_axis_name="c", subcore_axis_name="s")
    kern = functools.partial(
        pl.kernel,
        mesh=mesh,
        compiler_params=pltpu.CompilerParams(needs_layout_passes=False),
        out_type=[jax.ShapeDtypeStruct((U_ROWS, U_MINOR), jnp.int32)],
        scratch_types=[
            pltpu.VMEM((U_ROWS, U_MINOR), jnp.int32),
            pltpu.VMEM((C1_IDX_ROWS, EC_MINOR), jnp.int32),
            pltpu.VMEM((16, C1_CHUNK_ROWS, U_MINOR), jnp.int32),
            pltpu.VMEM((U_ROWS, U_MINOR), jnp.int32),
            pltpu.VMEM_SHARED((16, U_ROWS, U_MINOR), jnp.int32),
            pltpu.SemaphoreType.DMA,
        ],
    )(_unique_kernel)
    return kern(ec2d)[0]


def _gather_kernel(uniq_hbm, part_hbm, out_hbm, idxb, b0, b1, b2, b3, g0, g1):
    c = lax.axis_index("c")
    s = lax.axis_index("s")
    wid = s * 2 + c

    pltpu.sync_copy(uniq_hbm, idxb)
    bufs = [(b0, b1), (b2, b3)]

    def _issue(r, pa, pb, sem):
        idx_row = idxb.at[r]
        pltpu.async_copy(part_hbm.at[0].at[idx_row], pa, sem)
        pltpu.async_copy(part_hbm.at[1].at[idx_row], pb, sem)

    def _wait2(pa, pb, sem):
        idx_row = idxb.at[0]
        pltpu.make_async_copy(part_hbm.at[0].at[idx_row], pa, sem).wait()
        pltpu.make_async_copy(part_hbm.at[1].at[idx_row], pb, sem).wait()

    @pl.when(wid < U_ROWS)
    def _():
        _issue(wid, b0, b1, g0)

    for it in range(3):
        r = wid + it * NW
        pa, pb = bufs[it % 2]
        sem = g0 if it % 2 == 0 else g1
        if it < 2:
            rn = r + NW
            pan, pbn = bufs[(it + 1) % 2]
            semn = g0 if (it + 1) % 2 == 0 else g1

            @pl.when(rn < U_ROWS)
            def _():
                _issue(rn, pan, pbn, semn)

        @pl.when(r < U_ROWS)
        def _():
            _wait2(pa, pb, sem)

            def _add(q, _):
                for k in range(L // 16):
                    sl = pl.ds(k * 16, 16)
                    pa[q, sl] = pa[q, sl] + pb[q, sl]
                return 0
            lax.fori_loop(0, U_MINOR, _add, 0)
            pltpu.sync_copy(pa, out_hbm.at[pl.ds(r * U_MINOR, U_MINOR)])


def _gather_stage(uniq, part):
    mesh = plsc.VectorSubcoreMesh(core_axis_name="c", subcore_axis_name="s")
    kern = functools.partial(
        pl.kernel,
        mesh=mesh,
        compiler_params=pltpu.CompilerParams(needs_layout_passes=False),
        out_type=[jax.ShapeDtypeStruct((N_PAD, L), jnp.float32)],
        scratch_types=[
            pltpu.VMEM((U_ROWS, U_MINOR), jnp.int32),
            pltpu.VMEM((U_MINOR, L), jnp.float32),
            pltpu.VMEM((U_MINOR, L), jnp.float32),
            pltpu.VMEM((U_MINOR, L), jnp.float32),
            pltpu.VMEM((U_MINOR, L), jnp.float32),
            pltpu.SemaphoreType.DMA,
            pltpu.SemaphoreType.DMA,
        ],
    )(_gather_kernel)
    return kern(uniq, part)[0]


def kernel(latents, inv_latent_cat, eq_features, cutoff_coeffs, edge_attr,
           edge_center, active_edges, num_nodes, W1, b1, W2, b2, W_env):
    R = jnp.repeat(jnp.eye(M, dtype=jnp.float32), S, axis=1)
    T = jnp.tile(jnp.eye(S, dtype=jnp.float32), (1, M))
    W0R = W_env[:, :M].astype(jnp.float32) @ R
    W1R = W_env[:, M:2 * M].astype(jnp.float32) @ R

    eqp, shp = _repack_stage(eq_features, edge_attr)
    lat, eqw, emb = _dense_stage(
        inv_latent_cat, eqp, shp,
        cutoff_coeffs.reshape(GRID_A_REAL, BLK_E // 128, 128),
        W1, b1.reshape(1, L), W2, b2.reshape(1, L), W0R, W1R, T)

    ec_pad = jnp.concatenate(
        [edge_center, jnp.full((E_PAD - E,), N, dtype=jnp.int32)])
    ec2d = ec_pad.reshape(E_PAD // EC_MINOR, EC_MINOR)
    part = _scatter_stage(emb, ec2d)
    uniq = _unique_stage(ec2d)
    out = _gather_stage(uniq, part)

    return (lat, eqw.reshape(E, M, S), out[:N].reshape(N, M, S))

# --- scband reference (transcript-rebuilt; emitter-appended) ---
"""Pipeline reference for scband-interaction-module-49632642072858 (READ-ONLY COPY).

The authoritative reference and input builder live on the scoring server;
editing this copy changes nothing except your own understanding.
"""

import jax, jax.numpy as jnp
import numpy as np

N = 10000
E = 320000
L = 128
M = 8
S = 16
IN_DIM = 136
AVG_NUM_NEIGHBORS = 32.0


def setup_inputs(seed: int = 0) -> dict:
    key = jax.random.key(seed)
    ks = jax.random.split(key, 10)
    inp = {}
    inp['latents'] = jnp.zeros((E, L), dtype=jnp.float32)
    inp['inv_latent_cat'] = jax.random.normal(ks[0], (E, IN_DIM), dtype=jnp.float32)
    inp['eq_features'] = jax.random.normal(ks[1], (E, S), dtype=jnp.float32)
    inp['cutoff_coeffs'] = jax.random.uniform(ks[2], (E,), dtype=jnp.float32)
    inp['edge_attr'] = jax.random.normal(ks[3], (E, S), dtype=jnp.float32)
    inp['edge_center'] = jax.random.randint(ks[4], (E,), 0, N, dtype=jnp.int32)
    inp['active_edges'] = jnp.arange(E, dtype=jnp.int32)
    inp['num_nodes'] = N
    # learned parameters (two-body latent MLP, env_embed MLP)
    inp['W1'] = jax.random.normal(ks[5], (IN_DIM, L), dtype=jnp.float32) * (1.0 / np.sqrt(IN_DIM))
    inp['b1'] = jnp.zeros((L,), dtype=jnp.float32)
    inp['W2'] = jax.random.normal(ks[6], (L, L), dtype=jnp.float32) * (1.0 / np.sqrt(L))
    inp['b2'] = jnp.zeros((L,), dtype=jnp.float32)
    inp['W_env'] = jax.random.normal(ks[7], (L, 3 * M)) * (1.0 / np.sqrt(L))
    return inp


def reference(latents, inv_latent_cat, eq_features, cutoff_coeffs, edge_attr,
              edge_center, active_edges, num_nodes, W1, b1, W2, b2, W_env):
    # two-body latent MLP (layer_index == 0 path, use_attention=False, no FiLM, no MACE product)
    h = jax.nn.silu(inv_latent_cat @ W1 + b1)
    new_latents = h @ W2 + b2
    # cutoff envelope scaling
    new_latents = cutoff_coeffs[:, None] * new_latents
    # layer 0: index_copy into the full latent buffer at active edges
    latents = latents.at[active_edges].set(new_latents)
    # env_embed_mlp: generate per-edge channel weights (no bias)
    weights = latents @ W_env
    # first env_weighter application: weight equivariant edge features -> [E, M, S]
    env_w0 = weights[:, :M]
    eq_features_w = env_w0[:, :, None] * eq_features[:, None, :]
    # second env_weighter: weight edge_attr (spherical harmonics) -> emb_latent [E, M, S]
    env_w1 = weights[:, M:2 * M]
    emb_latent = env_w1[:, :, None] * edge_attr[:, None, :]
    # scatter-sum messages onto center nodes
    edge_center = jnp.minimum(edge_center, num_nodes - 1)
    local_env_per_node = jax.ops.segment_sum(emb_latent, edge_center, num_segments=N)
    # env_sum_normalization = rsqrt(avg_num_neighbors)
    local_env_per_node = local_env_per_node * (1.0 / jnp.sqrt(AVG_NUM_NEIGHBORS))
    # gather the active node centers
    active_node_centers = jnp.unique(edge_center, size=N, fill_value=0)
    local_env_active = local_env_per_node[active_node_centers]
    return (latents, eq_features_w, local_env_active)

if __name__ == "__main__":
    import jax
    _d = setup_inputs()
    print(jax.jit(kernel)(*tuple(_d.values())))

</pallas_src>

<mosaic_0001>
#map = affine_map<(d0, d1) -> (0, 0)>
module attributes {stable_mosaic.version = 14 : i64} {
  func.func @_repack_kernel(%arg0: i32, %arg1: i32, %arg2: memref<320000x16xf32, #tpu.memory_space<hbm>>, %arg3: memref<320000x16xf32, #tpu.memory_space<hbm>>, %arg4: memref<16x320000xf32, #tpu.memory_space<hbm>>, %arg5: memref<16x320000xf32, #tpu.memory_space<hbm>>, %arg6: memref<256x16xf32, #tpu.memory_space<vmem>>, %arg7: memref<256x16xf32, #tpu.memory_space<vmem>>, %arg8: memref<16x256xf32, #tpu.memory_space<vmem>>, %arg9: memref<16x256xf32, #tpu.memory_space<vmem>>, %arg10: memref<!tpu.dma_semaphore, #tpu.memory_space<semaphore_mem>>, %arg11: memref<!tpu.dma_semaphore, #tpu.memory_space<semaphore_mem>>, %arg12: memref<!tpu.dma_semaphore, #tpu.memory_space<semaphore_mem>>, %arg13: memref<!tpu.dma_semaphore, #tpu.memory_space<semaphore_mem>>) attributes {dimension_semantics = [#tpu.dimension_semantics<core_parallel>, #tpu.dimension_semantics<subcore_parallel>], iteration_bounds = array<i64: 2, 16>, scalar_prefetch = 0 : i64, scratch_operands = 8 : i64, tpu.core_type = #tpu.core_type<sc_vector_subcore>, window_params = [{transform_indices = #map}, {transform_indices = #map}, {transform_indices = #map}, {transform_indices = #map}]} {
    %mul3A = arith.constant 2 : i32
    %mul3A_0 = arith.muli %arg1, %mul3A : i32
    %add3A = arith.addi %mul3A_0, %arg0 : i32
    %iota3A = tpu.iota {dimensions = array<i32: 0>} : vector<16xi32>
    %lt3A = arith.constant 1250 : i32
    %lt3A_1 = arith.cmpi slt, %add3A, %lt3A : i32
    %convert_element_type3A = arith.extui %lt3A_1 : i1 to i32
    %cond3A = arith.constant 0 : i32
    %cond3A_2 = arith.cmpi ne, %convert_element_type3A, %cond3A : i32
    scf.if %cond3A_2 {
      %mul3A_44 = arith.constant 256 : i32
      %mul3A_45 = arith.muli %add3A, %mul3A_44 : i32
      %dma_start3A = arith.constant 0 : i32
      %dma_start3A_46 = tpu.memref_slice %arg2[%mul3A_45, %dma_start3A] : memref<320000x16xf32, #tpu.memory_space<hbm>> -> memref<256x16xf32, #tpu.memory_space<hbm>>
      %dma_start3A_47 = arith.constant 0 : i32
      %dma_start3A_48 = tpu.memref_slice %arg2[%mul3A_45, %dma_start3A_47] : memref<320000x16xf32, #tpu.memory_space<hbm>> -> memref<256x16xf32, #tpu.memory_space<hbm>>
      tpu.enqueue_dma source(%dma_start3A_48 : memref<256x16xf32, #tpu.memory_space<hbm>>) target(%arg6 : memref<256x16xf32, #tpu.memory_space<vmem>>) target_semaphore(%arg10 : memref<!tpu.dma_semaphore, #tpu.memory_space<semaphore_mem>>)
    } else {
    }
    %scan3A = arith.constant 0 : i32
    %scan3A_3 = arith.constant 0 : i32
    %scan3A_4 = arith.constant 20 : i32
    %scan3A_5 = arith.addi %scan3A_3, %scan3A_4 : i32
    %scan3A_6 = arith.constant 1 : i32
    %scan3A_7 = scf.for %scan3A_44 = %scan3A_3 to %scan3A_5 step %scan3A_6 iter_args(%scan3A_45 = %scan3A) -> (i32)  : i32 {
      %mul3A_46 = arith.constant 2 : i32
      %mul3A_47 = arith.muli %mul3A_46, %scan3A_44 : i32
      %mul3A_48 = arith.constant 32 : i32
      %mul3A_49 = arith.muli %mul3A_47, %mul3A_48 : i32
      %add3A_50 = arith.addi %add3A, %mul3A_49 : i32
      %add3A_51 = arith.constant 32 : i32
      %add3A_52 = arith.addi %add3A_50, %add3A_51 : i32
      %lt3A_53 = arith.constant 1250 : i32
      %lt3A_54 = arith.cmpi slt, %add3A_52, %lt3A_53 : i32
      %convert_element_type3A_55 = arith.extui %lt3A_54 : i1 to i32
      %cond3A_56 = arith.constant 0 : i32
      %cond3A_57 = arith.cmpi ne, %convert_element_type3A_55, %cond3A_56 : i32
      scf.if %cond3A_57 {
        %mul3A_76 = arith.constant 256 : i32
        %mul3A_77 = arith.muli %add3A_52, %mul3A_76 : i32
        %dma_start3A = arith.constant 0 : i32
        %dma_start3A_78 = tpu.memref_slice %arg2[%mul3A_77, %dma_start3A] : memref<320000x16xf32, #tpu.memory_space<hbm>> -> memref<256x16xf32, #tpu.memory_space<hbm>>
        %dma_start3A_79 = arith.constant 0 : i32
        %dma_start3A_80 = tpu.memref_slice %arg2[%mul3A_77, %dma_start3A_79] : memref<320000x16xf32, #tpu.memory_space<hbm>> -> memref<256x16xf32, #tpu.memory_space<hbm>>
        tpu.enqueue_dma source(%dma_start3A_80 : memref<256x16xf32, #tpu.memory_space<hbm>>) target(%arg7 : memref<256x16xf32, #tpu.memory_space<vmem>>) target_semaphore(%arg11 : memref<!tpu.dma_semaphore, #tpu.memory_space<semaphore_mem>>)
      } else {
      }
      %lt3A_58 = arith.constant 1250 : i32
      %lt3A_59 = arith.cmpi slt, %add3A_50, %lt3A_58 : i32
      %convert_element_type3A_60 = arith.extui %lt3A_59 : i1 to i32
      %cond3A_61 = arith.constant 0 : i32
      %cond3A_62 = arith.cmpi ne, %convert_element_type3A_60, %cond3A_61 : i32
      scf.if %cond3A_62 {
        %dma_wait3A_76 = arith.constant 0 : i32
        %dma_wait3A_77 = arith.constant 0 : i32
        %dma_wait3A_78 = tpu.memref_slice %arg2[%dma_wait3A_76, %dma_wait3A_77] : memref<320000x16xf32, #tpu.memory_space<hbm>> -> memref<256x16xf32, #tpu.memory_space<hbm>>
        %dma_wait3A_79 = arith.constant 0 : i32
        %dma_wait3A_80 = arith.constant 0 : i32
        %dma_wait3A_81 = tpu.memref_slice %arg2[%dma_wait3A_79, %dma_wait3A_80] : memref<320000x16xf32, #tpu.memory_space<hbm>> -> memref<256x16xf32, #tpu.memory_space<hbm>>
        tpu.wait_dma2 semaphore(%arg10 : memref<!tpu.dma_semaphore, #tpu.memory_space<semaphore_mem>>) src(%dma_wait3A_81 : memref<256x16xf32, #tpu.memory_space<hbm>>) dst(%arg6 : memref<256x16xf32, #tpu.memory_space<vmem>>)
        %gt3A = arith.constant 0 : i32
        %gt3A_82 = arith.cmpi sgt, %scan3A_44, %gt3A : i32
        %convert_element_type3A_83 = arith.extui %gt3A_82 : i1 to i32
        %cond3A_84 = arith.constant 0 : i32
        %cond3A_85 = arith.cmpi ne, %convert_element_type3A_83, %cond3A_84 : i32
        scf.if %cond3A_85 {
          %dma_wait3A_98 = arith.constant 0 : i32
          %dma_wait3A_99 = arith.constant 0 : i32
          %dma_wait3A_100 = tpu.memref_slice %arg4[%dma_wait3A_98, %dma_wait3A_99] : memref<16x320000xf32, #tpu.memory_space<hbm>> -> memref<16x256xf32, #tpu.memory_space<hbm>>
          %dma_wait3A_101 = arith.constant 0 : i32
          %dma_wait3A_102 = arith.constant 0 : i32
          %dma_wait3A_103 = tpu.memref_slice %arg4[%dma_wait3A_101, %dma_wait3A_102] : memref<16x320000xf32, #tpu.memory_space<hbm>> -> memref<16x256xf32, #tpu.memory_space<hbm>>
          tpu.wait_dma2 semaphore(%arg12 : memref<!tpu.dma_semaphore, #tpu.memory_space<semaphore_mem>>) src(%arg8 : memref<16x256xf32, #tpu.memory_space<vmem>>) dst(%dma_wait3A_103 : memref<16x256xf32, #tpu.memory_space<hbm>>)
        } else {
        }
        %scan3A_86 = arith.constant 0 : i32
        %scan3A_87 = arith.constant 0 : i32
        %scan3A_88 = arith.constant 16 : i32
        %scan3A_89 = arith.addi %scan3A_87, %scan3A_88 : i32
        %scan3A_90 = arith.constant 1 : i32
        %scan3A_91 = scf.for %scan3A_98 = %scan3A_87 to %scan3A_89 step %scan3A_90 iter_args(%scan3A_99 = %scan3A_86) -> (i32)  : i32 {
          %mul3A_100 = arith.constant 16 : i32
          %mul3A_101 = arith.muli %scan3A_98, %mul3A_100 : i32
          %add3A_102 = vector.broadcast %mul3A_101 : i32 to vector<16xi32>
          %add3A_103 = arith.addi %add3A_102, %iota3A : vector<16xi32>
          %broadcast_in_dim3A = arith.constant 0 : i32
          %broadcast_in_dim3A_104 = vector.broadcast %broadcast_in_dim3A : i32 to vector<16xi32>
          %gather3A = tpu.vector_load_idx %arg6[%add3A_103, %broadcast_in_dim3A_104] : memref<256x16xf32, #tpu.memory_space<vmem>>[vector<16xi32>, vector<16xi32>], vector<16xf32>,
          %mul3A_105 = arith.constant 16 : i32
          %mul3A_106 = arith.muli %scan3A_98, %mul3A_105 : i32
          %swap3A = arith.constant 0 : i32
          %swap3A_107 = arith.index_cast %swap3A : i32 to index
          %swap3A_108 = arith.index_cast %mul3A_106 : i32 to index
          %swap3A_109 = tpu.vector_load %arg8[%swap3A_107, %swap3A_108] {strides = array<i32>} : memref<16x256xf32, #tpu.memory_space<vmem>>, vector<16xf32>,
          tpu.vector_store %arg8[%swap3A_107, %swap3A_108], %gather3A {strides = array<i32>} : memref<16x256xf32, #tpu.memory_space<vmem>>, vector<16xf32>,
          %broadcast_in_dim3A_110 = arith.constant 1 : i32
          %broadcast_in_dim3A_111 = vector.broadcast %broadcast_in_dim3A_110 : i32 to vector<16xi32>
          %gather3A_112 = tpu.vector_load_idx %arg6[%add3A_103, %broadcast_in_dim3A_111] : memref<256x16xf32, #tpu.memory_space<vmem>>[vector<16xi32>, vector<16xi32>], vector<16xf32>,
          %mul3A_113 = arith.constant 16 : i32
          %mul3A_114 = arith.muli %scan3A_98, %mul3A_113 : i32
          %swap3A_115 = arith.constant 1 : i32
          %swap3A_116 = arith.index_cast %swap3A_115 : i32 to index
          %swap3A_117 = arith.index_cast %mul3A_114 : i32 to index
          %swap3A_118 = tpu.vector_load %arg8[%swap3A_116, %swap3A_117] {strides = array<i32>} : memref<16x256xf32, #tpu.memory_space<vmem>>, vector<16xf32>,
          tpu.vector_store %arg8[%swap3A_116, %swap3A_117], %gather3A_112 {strides = array<i32>} : memref<16x256xf32, #tpu.memory_space<vmem>>, vector<16xf32>,
          %broadcast_in_dim3A_119 = arith.constant 2 : i32
          %broadcast_in_dim3A_120 = vector.broadcast %broadcast_in_dim3A_119 : i32 to vector<16xi32>
          %gather3A_121 = tpu.vector_load_idx %arg6[%add3A_103, %broadcast_in_dim3A_120] : memref<256x16xf32, #tpu.memory_space<vmem>>[vector<16xi32>, vector<16xi32>], vector<16xf32>,
          %mul3A_122 = arith.constant 16 : i32
          %mul3A_123 = arith.muli %scan3A_98, %mul3A_122 : i32
          %swap3A_124 = arith.constant 2 : i32
          %swap3A_125 = arith.index_cast %swap3A_124 : i32 to index
          %swap3A_126 = arith.index_cast %mul3A_123 : i32 to index
          %swap3A_127 = tpu.vector_load %arg8[%swap3A_125, %swap3A_126] {strides = array<i32>} : memref<16x256xf32, #tpu.memory_space<vmem>>, vector<16xf32>,
          tpu.vector_store %arg8[%swap3A_125, %swap3A_126], %gather3A_121 {strides = array<i32>} : memref<16x256xf32, #tpu.memory_space<vmem>>, vector<16xf32>,
          %broadcast_in_dim3A_128 = arith.constant 3 : i32
          %broadcast_in_dim3A_129 = vector.broadcast %broadcast_in_dim3A_128 : i32 to vector<16xi32>
          %gather3A_130 = tpu.vector_load_idx %arg6[%add3A_103, %broadcast_in_dim3A_129] : memref<256x16xf32, #tpu.memory_space<vmem>>[vector<16xi32>, vector<16xi32>], vector<16xf32>,
          %mul3A_131 = arith.constant 16 : i32
          %mul3A_132 = arith.muli %scan3A_98, %mul3A_131 : i32
          %swap3A_133 = arith.constant 3 : i32
          %swap3A_134 = arith.index_cast %swap3A_133 : i32 to index
          %swap3A_135 = arith.index_cast %mul3A_132 : i32 to index
          %swap3A_136 = tpu.vector_load %arg8[%swap3A_134, %swap3A_135] {strides = array<i32>} : memref<16x256xf32, #tpu.memory_space<vmem>>, vector<16xf32>,
          tpu.vector_store %arg8[%swap3A_134, %swap3A_135], %gather3A_130 {strides = array<i32>} : memref<16x256xf32, #tpu.memory_space<vmem>>, vector<16xf32>,
          %broadcast_in_dim3A_137 = arith.constant 4 : i32
          %broadcast_in_dim3A_138 = vector.broadcast %broadcast_in_dim3A_137 : i32 to vector<16xi32>
          %gather3A_139 = tpu.vector_load_idx %arg6[%add3A_103, %broadcast_in_dim3A_138] : memref<256x16xf32, #tpu.memory_space<vmem>>[vector<16xi32>, vector<16xi32>], vector<16xf32>,
          %mul3A_140 = arith.constant 16 : i32
          %mul3A_141 = arith.muli %scan3A_98, %mul3A_140 : i32
          %swap3A_142 = arith.constant 4 : i32
          %swap3A_143 = arith.index_cast %swap3A_142 : i32 to index
          %swap3A_144 = arith.index_cast %mul3A_141 : i32 to index
          %swap3A_145 = tpu.vector_load %arg8[%swap3A_143, %swap3A_144] {strides = array<i32>} : memref<16x256xf32, #tpu.memory_space<vmem>>, vector<16xf32>,
          tpu.vector_store %arg8[%swap3A_143, %swap3A_144], %gather3A_139 {strides = array<i32>} : memref<16x256xf32, #tpu.memory_space<vmem>>, vector<16xf32>,
          %broadcast_in_dim3A_146 = arith.constant 5 : i32
          %broadcast_in_dim3A_147 = vector.broadcast %broadcast_in_dim3A_146 : i32 to vector<16xi32>
          %gather3A_148 = tpu.vector_load_idx %arg6[%add3A_103, %broadcast_in_dim3A_147] : memref<256x16xf32, #tpu.memory_space<vmem>>[vector<16xi32>, vector<16xi32>], vector<16xf32>,
          %mul3A_149 = arith.constant 16 : i32
          %mul3A_150 = arith.muli %scan3A_98, %mul3A_149 : i32
          %swap3A_151 = arith.constant 5 : i32
          %swap3A_152 = arith.index_cast %swap3A_151 : i32 to index
          %swap3A_153 = arith.index_cast %mul3A_150 : i32 to index
          %swap3A_154 = tpu.vector_load %arg8[%swap3A_152, %swap3A_153] {strides = array<i32>} : memref<16x256xf32, #tpu.memory_space<vmem>>, vector<16xf32>,
          tpu.vector_store %arg8[%swap3A_152, %swap3A_153], %gather3A_148 {strides = array<i32>} : memref<16x256xf32, #tpu.memory_space<vmem>>, vector<16xf32>,
          %broadcast_in_dim3A_155 = arith.constant 6 : i32
          %broadcast_in_dim3A_156 = vector.broadcast %broadcast_in_dim3A_155 : i32 to vector<16xi32>
          %gather3A_157 = tpu.vector_load_idx %arg6[%add3A_103, %broadcast_in_dim3A_156] : memref<256x16xf32, #tpu.memory_space<vmem>>[vector<16xi32>, vector<16xi32>], vector<16xf32>,
          %mul3A_158 = arith.constant 16 : i32
          %mul3A_159 = arith.muli %scan3A_98, %mul3A_158 : i32
          %swap3A_160 = arith.constant 6 : i32
          %swap3A_161 = arith.index_cast %swap3A_160 : i32 to index
          %swap3A_162 = arith.index_cast %mul3A_159 : i32 to index
          %swap3A_163 = tpu.vector_load %arg8[%swap3A_161, %swap3A_162] {strides = array<i32>} : memref<16x256xf32, #tpu.memory_space<vmem>>, vector<16xf32>,
          tpu.vector_store %arg8[%swap3A_161, %swap3A_162], %gather3A_157 {strides = array<i32>} : memref<16x256xf32, #tpu.memory_space<vmem>>, vector<16xf32>,
          %broadcast_in_dim3A_164 = arith.constant 7 : i32
          %broadcast_in_dim3A_165 = vector.broadcast %broadcast_in_dim3A_164 : i32 to vector<16xi32>
          %gather3A_166 = tpu.vector_load_idx %arg6[%add3A_103, %broadcast_in_dim3A_165] : memref<256x16xf32, #tpu.memory_space<vmem>>[vector<16xi32>, vector<16xi32>], vector<16xf32>,
          %mul3A_167 = arith.constant 16 : i32
          %mul3A_168 = arith.muli %scan3A_98, %mul3A_167 : i32
          %swap3A_169 = arith.constant 7 : i32
          %swap3A_170 = arith.index_cast %swap3A_169 : i32 to index
          %swap3A_171 = arith.index_cast %mul3A_168 : i32 to index
          %swap3A_172 = tpu.vector_load %arg8[%swap3A_170, %swap3A_171] {strides = array<i32>} : memref<16x256xf32, #tpu.memory_space<vmem>>, vector<16xf32>,
          tpu.vector_store %arg8[%swap3A_170, %swap3A_171], %gather3A_166 {strides = array<i32>} : memref<16x256xf32, #tpu.memory_space<vmem>>, vector<16xf32>,
          %broadcast_in_dim3A_173 = arith.constant 8 : i32
          %broadcast_in_dim3A_174 = vector.broadcast %broadcast_in_dim3A_173 : i32 to vector<16xi32>
          %gather3A_175 = tpu.vector_load_idx %arg6[%add3A_103, %broadcast_in_dim3A_174] : memref<256x16xf32, #tpu.memory_space<vmem>>[vector<16xi32>, vector<16xi32>], vector<16xf32>,
          %mul3A_176 = arith.constant 16 : i32
          %mul3A_177 = arith.muli %scan3A_98, %mul3A_176 : i32
          %swap3A_178 = arith.constant 8 : i32
          %swap3A_179 = arith.index_cast %swap3A_178 : i32 to index
          %swap3A_180 = arith.index_cast %mul3A_177 : i32 to index
          %swap3A_181 = tpu.vector_load %arg8[%swap3A_179, %swap3A_180] {strides = array<i32>} : memref<16x256xf32, #tpu.memory_space<vmem>>, vector<16xf32>,
          tpu.vector_store %arg8[%swap3A_179, %swap3A_180], %gather3A_175 {strides = array<i32>} : memref<16x256xf32, #tpu.memory_space<vmem>>, vector<16xf32>,
          %broadcast_in_dim3A_182 = arith.constant 9 : i32
          %broadcast_in_dim3A_183 = vector.broadcast %broadcast_in_dim3A_182 : i32 to vector<16xi32>
          %gather3A_184 = tpu.vector_load_idx %arg6[%add3A_103, %broadcast_in_dim3A_183] : memref<256x16xf32, #tpu.memory_space<vmem>>[vector<16xi32>, vector<16xi32>], vector<16xf32>,
          %mul3A_185 = arith.constant 16 : i32
          %mul3A_186 = arith.muli %scan3A_98, %mul3A_185 : i32
          %swap3A_187 = arith.constant 9 : i32
          %swap3A_188 = arith.index_cast %swap3A_187 : i32 to index
          %swap3A_189 = arith.index_cast %mul3A_186 : i32 to index
          %swap3A_190 = tpu.vector_load %arg8[%swap3A_188, %swap3A_189] {strides = array<i32>} : memref<16x256xf32, #tpu.memory_space<vmem>>, vector<16xf32>,
          tpu.vector_store %arg8[%swap3A_188, %swap3A_189], %gather3A_184 {strides = array<i32>} : memref<16x256xf32, #tpu.memory_space<vmem>>, vector<16xf32>,
          %broadcast_in_dim3A_191 = arith.constant 10 : i32
          %broadcast_in_dim3A_192 = vector.broadcast %broadcast_in_dim3A_191 : i32 to vector<16xi32>
          %gather3A_193 = tpu.vector_load_idx %arg6[%add3A_103, %broadcast_in_dim3A_192] : memref<256x16xf32, #tpu.memory_space<vmem>>[vector<16xi32>, vector<16xi32>], vector<16xf32>,
          %mul3A_194 = arith.constant 16 : i32
          %mul3A_195 = arith.muli %scan3A_98, %mul3A_194 : i32
          %swap3A_196 = arith.constant 10 : i32
          %swap3A_197 = arith.index_cast %swap3A_196 : i32 to index
          %swap3A_198 = arith.index_cast %mul3A_195 : i32 to index
          %swap3A_199 = tpu.vector_load %arg8[%swap3A_197, %swap3A_198] {strides = array<i32>} : memref<16x256xf32, #tpu.memory_space<vmem>>, vector<16xf32>,
          tpu.vector_store %arg8[%swap3A_197, %swap3A_198], %gather3A_193 {strides = array<i32>} : memref<16x256xf32, #tpu.memory_space<vmem>>, vector<16xf32>,
          %broadcast_in_dim3A_200 = arith.constant 11 : i32
          %broadcast_in_dim3A_201 = vector.broadcast %broadcast_in_dim3A_200 : i32 to vector<16xi32>
          %gather3A_202 = tpu.vector_load_idx %arg6[%add3A_103, %broadcast_in_dim3A_201] : memref<256x16xf32, #tpu.memory_space<vmem>>[vector<16xi32>, vector<16xi32>], vector<16xf32>,
          %mul3A_203 = arith.constant 16 : i32
          %mul3A_204 = arith.muli %scan3A_98, %mul3A_203 : i32
          %swap3A_205 = arith.constant 11 : i32
          %swap3A_206 = arith.index_cast %swap3A_205 : i32 to index
          %swap3A_207 = arith.index_cast %mul3A_204 : i32 to index
          %swap3A_208 = tpu.vector_load %arg8[%swap3A_206, %swap3A_207] {strides = array<i32>} : memref<16x256xf32, #tpu.memory_space<vmem>>, vector<16xf32>,
          tpu.vector_store %arg8[%swap3A_206, %swap3A_207], %gather3A_202 {strides = array<i32>} : memref<16x256xf32, #tpu.memory_space<vmem>>, vector<16xf32>,
          %broadcast_in_dim3A_209 = arith.constant 12 : i32
          %broadcast_in_dim3A_210 = vector.broadcast %broadcast_in_dim3A_209 : i32 to vector<16xi32>
          %gather3A_211 = tpu.vector_load_idx %arg6[%add3A_103, %broadcast_in_dim3A_210] : memref<256x16xf32, #tpu.memory_space<vmem>>[vector<16xi32>, vector<16xi32>], vector<16xf32>,
          %mul3A_212 = arith.constant 16 : i32
          %mul3A_213 = arith.muli %scan3A_98, %mul3A_212 : i32
          %swap3A_214 = arith.constant 12 : i32
          %swap3A_215 = arith.index_cast %swap3A_214 : i32 to index
          %swap3A_216 = arith.index_cast %mul3A_213 : i32 to index
          %swap3A_217 = tpu.vector_load %arg8[%swap3A_215, %swap3A_216] {strides = array<i32>} : memref<16x256xf32, #tpu.memory_space<vmem>>, vector<16xf32>,
          tpu.vector_store %arg8[%swap3A_215, %swap3A_216], %gather3A_211 {strides = array<i32>} : memref<16x256xf32, #tpu.memory_space<vmem>>, vector<16xf32>,
          %broadcast_in_dim3A_218 = arith.constant 13 : i32
          %broadcast_in_dim3A_219 = vector.broadcast %broadcast_in_dim3A_218 : i32 to vector<16xi32>
          %gather3A_220 = tpu.vector_load_idx %arg6[%add3A_103, %broadcast_in_dim3A_219] : memref<256x16xf32, #tpu.memory_space<vmem>>[vector<16xi32>, vector<16xi32>], vector<16xf32>,
          %mul3A_221 = arith.constant 16 : i32
          %mul3A_222 = arith.muli %scan3A_98, %mul3A_221 : i32
          %swap3A_223 = arith.constant 13 : i32
          %swap3A_224 = arith.index_cast %swap3A_223 : i32 to index
          %swap3A_225 = arith.index_cast %mul3A_222 : i32 to index
          %swap3A_226 = tpu.vector_load %arg8[%swap3A_224, %swap3A_225] {strides = array<i32>} : memref<16x256xf32, #tpu.memory_space<vmem>>, vector<16xf32>,
          tpu.vector_store %arg8[%swap3A_224, %swap3A_225], %gather3A_220 {strides = array<i32>} : memref<16x256xf32, #tpu.memory_space<vmem>>, vector<16xf32>,
          %broadcast_in_dim3A_227 = arith.constant 14 : i32
          %broadcast_in_dim3A_228 = vector.broadcast %broadcast_in_dim3A_227 : i32 to vector<16xi32>
          %gather3A_229 = tpu.vector_load_idx %arg6[%add3A_103, %broadcast_in_dim3A_228] : memref<256x16xf32, #tpu.memory_space<vmem>>[vector<16xi32>, vector<16xi32>], vector<16xf32>,
          %mul3A_230 = arith.constant 16 : i32
          %mul3A_231 = arith.muli %scan3A_98, %mul3A_230 : i32
          %swap3A_232 = arith.constant 14 : i32
          %swap3A_233 = arith.index_cast %swap3A_232 : i32 to index
          %swap3A_234 = arith.index_cast %mul3A_231 : i32 to index
          %swap3A_235 = tpu.vector_load %arg8[%swap3A_233, %swap3A_234] {strides = array<i32>} : memref<16x256xf32, #tpu.memory_space<vmem>>, vector<16xf32>,
          tpu.vector_store %arg8[%swap3A_233, %swap3A_234], %gather3A_229 {strides = array<i32>} : memref<16x256xf32, #tpu.memory_space<vmem>>, vector<16xf32>,
          %broadcast_in_dim3A_236 = arith.constant 15 : i32
          %broadcast_in_dim3A_237 = vector.broadcast %broadcast_in_dim3A_236 : i32 to vector<16xi32>
          %gather3A_238 = tpu.vector_load_idx %arg6[%add3A_103, %broadcast_in_dim3A_237] : memref<256x16xf32, #tpu.memory_space<vmem>>[vector<16xi32>, vector<16xi32>], vector<16xf32>,
          %mul3A_239 = arith.constant 16 : i32
          %mul3A_240 = arith.muli %scan3A_98, %mul3A_239 : i32
          %swap3A_241 = arith.constant 15 : i32
          %swap3A_242 = arith.index_cast %swap3A_241 : i32 to index
          %swap3A_243 = arith.index_cast %mul3A_240 : i32 to index
          %swap3A_244 = tpu.vector_load %arg8[%swap3A_242, %swap3A_243] {strides = array<i32>} : memref<16x256xf32, #tpu.memory_space<vmem>>, vector<16xf32>,
          tpu.vector_store %arg8[%swap3A_242, %swap3A_243], %gather3A_238 {strides = array<i32>} : memref<16x256xf32, #tpu.memory_space<vmem>>, vector<16xf32>,
          %scan3A_245 = arith.constant 0 : i32
          scf.yield %scan3A_245 : i32
        }
        %scan3A_92 = arith.constant 16 : i32
        %mul3A_93 = arith.constant 256 : i32
        %mul3A_94 = arith.muli %add3A_50, %mul3A_93 : i32
        %dma_start3A = arith.constant 0 : i32
        %dma_start3A_95 = tpu.memref_slice %arg4[%dma_start3A, %mul3A_94] : memref<16x320000xf32, #tpu.memory_space<hbm>> -> memref<16x256xf32, #tpu.memory_space<hbm>>
        %dma_start3A_96 = arith.constant 0 : i32
        %dma_start3A_97 = tpu.memref_slice %arg4[%dma_start3A_96, %mul3A_94] : memref<16x320000xf32, #tpu.memory_space<hbm>> -> memref<16x256xf32, #tpu.memory_space<hbm>>
        tpu.enqueue_dma source(%arg8 : memref<16x256xf32, #tpu.memory_space<vmem>>) target(%dma_start3A_97 : memref<16x256xf32, #tpu.memory_space<hbm>>) target_semaphore(%arg12 : memref<!tpu.dma_semaphore, #tpu.memory_space<semaphore_mem>>)
      } else {
      }
      %add3A_63 = arith.constant 64 : i32
      %add3A_64 = arith.addi %add3A_50, %add3A_63 : i32
      %lt3A_65 = arith.constant 1250 : i32
      %lt3A_66 = arith.cmpi slt, %add3A_64, %lt3A_65 : i32
      %convert_element_type3A_67 = arith.extui %lt3A_66 : i1 to i32
      %cond3A_68 = arith.constant 0 : i32
      %cond3A_69 = arith.cmpi ne, %convert_element_type3A_67, %cond3A_68 : i32
      scf.if %cond3A_69 {
        %add3A_76 = arith.constant 64 : i32
        %add3A_77 = arith.addi %add3A_50, %add3A_76 : i32
        %mul3A_78 = arith.constant 256 : i32
        %mul3A_79 = arith.muli %add3A_77, %mul3A_78 : i32
        %dma_start3A = arith.constant 0 : i32
        %dma_start3A_80 = tpu.memref_slice %arg2[%mul3A_79, %dma_start3A] : memref<320000x16xf32, #tpu.memory_space<hbm>> -> memref<256x16xf32, #tpu.memory_space<hbm>>
        %dma_start3A_81 = arith.constant 0 : i32
        %dma_start3A_82 = tpu.memref_slice %arg2[%mul3A_79, %dma_start3A_81] : memref<320000x16xf32, #tpu.memory_space<hbm>> -> memref<256x16xf32, #tpu.memory_space<hbm>>
        tpu.enqueue_dma source(%dma_start3A_82 : memref<256x16xf32, #tpu.memory_space<hbm>>) target(%arg6 : memref<256x16xf32, #tpu.memory_space<vmem>>) target_semaphore(%arg10 : memref<!tpu.dma_semaphore, #tpu.memory_space<semaphore_mem>>)
      } else {
      }
      %lt3A_70 = arith.constant 1250 : i32
      %lt3A_71 = arith.cmpi slt, %add3A_52, %lt3A_70 : i32
      %convert_element_type3A_72 = arith.extui %lt3A_71 : i1 to i32
      %cond3A_73 = arith.constant 0 : i32
      %cond3A_74 = arith.cmpi ne, %convert_element_type3A_72, %cond3A_73 : i32
      scf.if %cond3A_74 {
        %dma_wait3A_76 = arith.constant 0 : i32
        %dma_wait3A_77 = arith.constant 0 : i32
        %dma_wait3A_78 = tpu.memref_slice %arg2[%dma_wait3A_76, %dma_wait3A_77] : memref<320000x16xf32, #tpu.memory_space<hbm>> -> memref<256x16xf32, #tpu.memory_space<hbm>>
        %dma_wait3A_79 = arith.constant 0 : i32
        %dma_wait3A_80 = arith.constant 0 : i32
        %dma_wait3A_81 = tpu.memref_slice %arg2[%dma_wait3A_79, %dma_wait3A_80] : memref<320000x16xf32, #tpu.memory_space<hbm>> -> memref<256x16xf32, #tpu.memory_space<hbm>>
        tpu.wait_dma2 semaphore(%arg11 : memref<!tpu.dma_semaphore, #tpu.memory_space<semaphore_mem>>) src(%dma_wait3A_81 : memref<256x16xf32, #tpu.memory_space<hbm>>) dst(%arg7 : memref<256x16xf32, #tpu.memory_space<vmem>>)
        %gt3A = arith.constant 0 : i32
        %gt3A_82 = arith.cmpi sgt, %scan3A_44, %gt3A : i32
        %convert_element_type3A_83 = arith.extui %gt3A_82 : i1 to i32
        %cond3A_84 = arith.constant 0 : i32
        %cond3A_85 = arith.cmpi ne, %convert_element_type3A_83, %cond3A_84 : i32
        scf.if %cond3A_85 {
          %dma_wait3A_98 = arith.constant 0 : i32
          %dma_wait3A_99 = arith.constant 0 : i32
          %dma_wait3A_100 = tpu.memref_slice %arg4[%dma_wait3A_98, %dma_wait3A_99] : memref<16x320000xf32, #tpu.memory_space<hbm>> -> memref<16x256xf32, #tpu.memory_space<hbm>>
          %dma_wait3A_101 = arith.constant 0 : i32
          %dma_wait3A_102 = arith.constant 0 : i32
          %dma_wait3A_103 = tpu.memref_slice %arg4[%dma_wait3A_101, %dma_wait3A_102] : memref<16x320000xf32, #tpu.memory_space<hbm>> -> memref<16x256xf32, #tpu.memory_space<hbm>>
          tpu.wait_dma2 semaphore(%arg13 : memref<!tpu.dma_semaphore, #tpu.memory_space<semaphore_mem>>) src(%arg9 : memref<16x256xf32, #tpu.memory_space<vmem>>) dst(%dma_wait3A_103 : memref<16x256xf32, #tpu.memory_space<hbm>>)
        } else {
        }
        %scan3A_86 = arith.constant 0 : i32
        %scan3A_87 = arith.constant 0 : i32
        %scan3A_88 = arith.constant 16 : i32
        %scan3A_89 = arith.addi %scan3A_87, %scan3A_88 : i32
        %scan3A_90 = arith.constant 1 : i32
        %scan3A_91 = scf.for %scan3A_98 = %scan3A_87 to %scan3A_89 step %scan3A_90 iter_args(%scan3A_99 = %scan3A_86) -> (i32)  : i32 {
          %mul3A_100 = arith.constant 16 : i32
          %mul3A_101 = arith.muli %scan3A_98, %mul3A_100 : i32
          %add3A_102 = vector.broadcast %mul3A_101 : i32 to vector<16xi32>
          %add3A_103 = arith.addi %add3A_102, %iota3A : vector<16xi32>
          %broadcast_in_dim3A = arith.constant 0 : i32
          %broadcast_in_dim3A_104 = vector.broadcast %broadcast_in_dim3A : i32 to vector<16xi32>
          %gather3A = tpu.vector_load_idx %arg7[%add3A_103, %broadcast_in_dim3A_104] : memref<256x16xf32, #tpu.memory_space<vmem>>[vector<16xi32>, vector<16xi32>], vector<16xf32>,
          %mul3A_105 = arith.constant 16 : i32
          %mul3A_106 = arith.muli %scan3A_98, %mul3A_105 : i32
          %swap3A = arith.constant 0 : i32
          %swap3A_107 = arith.index_cast %swap3A : i32 to index
          %swap3A_108 = arith.index_cast %mul3A_106 : i32 to index
          %swap3A_109 = tpu.vector_load %arg9[%swap3A_107, %swap3A_108] {strides = array<i32>} : memref<16x256xf32, #tpu.memory_space<vmem>>, vector<16xf32>,
          tpu.vector_store %arg9[%swap3A_107, %swap3A_108], %gather3A {strides = array<i32>} : memref<16x256xf32, #tpu.memory_space<vmem>>, vector<16xf32>,
          %broadcast_in_dim3A_110 = arith.constant 1 : i32
          %broadcast_in_dim3A_111 = vector.broadcast %broadcast_in_dim3A_110 : i32 to vector<16xi32>
          %gather3A_112 = tpu.vector_load_idx %arg7[%add3A_103, %broadcast_in_dim3A_111] : memref<256x16xf32, #tpu.memory_space<vmem>>[vector<16xi32>, vector<16xi32>], vector<16xf32>,
          %mul3A_113 = arith.constant 16 : i32
          %mul3A_114 = arith.muli %scan3A_98, %mul3A_113 : i32
          %swap3A_115 = arith.constant 1 : i32
          %swap3A_116 = arith.index_cast %swap3A_115 : i32 to index
          %swap3A_117 = arith.index_cast %mul3A_114 : i32 to index
          %swap3A_118 = tpu.vector_load %arg9[%swap3A_116, %swap3A_117] {strides = array<i32>} : memref<16x256xf32, #tpu.memory_space<vmem>>, vector<16xf32>,
          tpu.vector_store %arg9[%swap3A_116, %swap3A_117], %gather3A_112 {strides = array<i32>} : memref<16x256xf32, #tpu.memory_space<vmem>>, vector<16xf32>,
          %broadcast_in_dim3A_119 = arith.constant 2 : i32
          %broadcast_in_dim3A_120 = vector.broadcast %broadcast_in_dim3A_119 : i32 to vector<16xi32>
          %gather3A_121 = tpu.vector_load_idx %arg7[%add3A_103, %broadcast_in_dim3A_120] : memref<256x16xf32, #tpu.memory_space<vmem>>[vector<16xi32>, vector<16xi32>], vector<16xf32>,
          %mul3A_122 = arith.constant 16 : i32
          %mul3A_123 = arith.muli %scan3A_98, %mul3A_122 : i32
          %swap3A_124 = arith.constant 2 : i32
          %swap3A_125 = arith.index_cast %swap3A_124 : i32 to index
          %swap3A_126 = arith.index_cast %mul3A_123 : i32 to index
          %swap3A_127 = tpu.vector_load %arg9[%swap3A_125, %swap3A_126] {strides = array<i32>} : memref<16x256xf32, #tpu.memory_space<vmem>>, vector<16xf32>,
          tpu.vector_store %arg9[%swap3A_125, %swap3A_126], %gather3A_121 {strides = array<i32>} : memref<16x256xf32, #tpu.memory_space<vmem>>, vector<16xf32>,
          %broadcast_in_dim3A_128 = arith.constant 3 : i32
          %broadcast_in_dim3A_129 = vector.broadcast %broadcast_in_dim3A_128 : i32 to vector<16xi32>
          %gather3A_130 = tpu.vector_load_idx %arg7[%add3A_103, %broadcast_in_dim3A_129] : memref<256x16xf32, #tpu.memory_space<vmem>>[vector<16xi32>, vector<16xi32>], vector<16xf32>,
          %mul3A_131 = arith.constant 16 : i32
          %mul3A_132 = arith.muli %scan3A_98, %mul3A_131 : i32
          %swap3A_133 = arith.constant 3 : i32
          %swap3A_134 = arith.index_cast %swap3A_133 : i32 to index
          %swap3A_135 = arith.index_cast %mul3A_132 : i32 to index
          %swap3A_136 = tpu.vector_load %arg9[%swap3A_134, %swap3A_135] {strides = array<i32>} : memref<16x256xf32, #tpu.memory_space<vmem>>, vector<16xf32>,
          tpu.vector_store %arg9[%swap3A_134, %swap3A_135], %gather3A_130 {strides = array<i32>} : memref<16x256xf32, #tpu.memory_space<vmem>>, vector<16xf32>,
          %broadcast_in_dim3A_137 = arith.constant 4 : i32
          %broadcast_in_dim3A_138 = vector.broadcast %broadcast_in_dim3A_137 : i32 to vector<16xi32>
          %gather3A_139 = tpu.vector_load_idx %arg7[%add3A_103, %broadcast_in_dim3A_138] : memref<256x16xf32, #tpu.memory_space<vmem>>[vector<16xi32>, vector<16xi32>], vector<16xf32>,
          %mul3A_140 = arith.constant 16 : i32
          %mul3A_141 = arith.muli %scan3A_98, %mul3A_140 : i32
          %swap3A_142 = arith.constant 4 : i32
          %swap3A_143 = arith.index_cast %swap3A_142 : i32 to index
          %swap3A_144 = arith.index_cast %mul3A_141 : i32 to index
          %swap3A_145 = tpu.vector_load %arg9[%swap3A_143, %swap3A_144] {strides = array<i32>} : memref<16x256xf32, #tpu.memory_space<vmem>>, vector<16xf32>,
          tpu.vector_store %arg9[%swap3A_143, %swap3A_144], %gather3A_139 {strides = array<i32>} : memref<16x256xf32, #tpu.memory_space<vmem>>, vector<16xf32>,
          %broadcast_in_dim3A_146 = arith.constant 5 : i32
          %broadcast_in_dim3A_147 = vector.broadcast %broadcast_in_dim3A_146 : i32 to vector<16xi32>
          %gather3A_148 = tpu.vector_load_idx %arg7[%add3A_103, %broadcast_in_dim3A_147] : memref<256x16xf32, #tpu.memory_space<vmem>>[vector<16xi32>, vector<16xi32>], vector<16xf32>,
          %mul3A_149 = arith.constant 16 : i32
          %mul3A_150 = arith.muli %scan3A_98, %mul3A_149 : i32
          %swap3A_151 = arith.constant 5 : i32
          %swap3A_152 = arith.index_cast %swap3A_151 : i32 to index
          %swap3A_153 = arith.index_cast %mul3A_150 : i32 to index
          %swap3A_154 = tpu.vector_load %arg9[%swap3A_152, %swap3A_153] {strides = array<i32>} : memref<16x256xf32, #tpu.memory_space<vmem>>, vector<16xf32>,
          tpu.vector_store %arg9[%swap3A_152, %swap3A_153], %gather3A_148 {strides = array<i32>} : memref<16x256xf32, #tpu.memory_space<vmem>>, vector<16xf32>,
          %broadcast_in_dim3A_155 = arith.constant 6 : i32
          %broadcast_in_dim3A_156 = vector.broadcast %broadcast_in_dim3A_155 : i32 to vector<16xi32>
          %gather3A_157 = tpu.vector_load_idx %arg7[%add3A_103, %broadcast_in_dim3A_156] : memref<256x16xf32, #tpu.memory_space<vmem>>[vector<16xi32>, vector<16xi32>], vector<16xf32>,
          %mul3A_158 = arith.constant 16 : i32
          %mul3A_159 = arith.muli %scan3A_98, %mul3A_158 : i32
          %swap3A_160 = arith.constant 6 : i32
          %swap3A_161 = arith.index_cast %swap3A_160 : i32 to index
          %swap3A_162 = arith.index_cast %mul3A_159 : i32 to index
          %swap3A_163 = tpu.vector_load %arg9[%swap3A_161, %swap3A_162] {strides = array<i32>} : memref<16x256xf32, #tpu.memory_space<vmem>>, vector<16xf32>,
          tpu.vector_store %arg9[%swap3A_161, %swap3A_162], %gather3A_157 {strides = array<i32>} : memref<16x256xf32, #tpu.memory_space<vmem>>, vector<16xf32>,
          %broadcast_in_dim3A_164 = arith.constant 7 : i32
          %broadcast_in_dim3A_165 = vector.broadcast %broadcast_in_dim3A_164 : i32 to vector<16xi32>
          %gather3A_166 = tpu.vector_load_idx %arg7[%add3A_103, %broadcast_in_dim3A_165] : memref<256x16xf32, #tpu.memory_space<vmem>>[vector<16xi32>, vector<16xi32>], vector<16xf32>,
          %mul3A_167 = arith.constant 16 : i32
          %mul3A_168 = arith.muli %scan3A_98, %mul3A_167 : i32
          %swap3A_169 = arith.constant 7 : i32
          %swap3A_170 = arith.index_cast %swap3A_169 : i32 to index
          %swap3A_171 = arith.index_cast %mul3A_168 : i32 to index
          %swap3A_172 = tpu.vector_load %arg9[%swap3A_170, %swap3A_171] {strides = array<i32>} : memref<16x256xf32, #tpu.memory_space<vmem>>, vector<16xf32>,
          tpu.vector_store %arg9[%swap3A_170, %swap3A_171], %gather3A_166 {strides = array<i32>} : memref<16x256xf32, #tpu.memory_space<vmem>>, vector<16xf32>,
          %broadcast_in_dim3A_173 = arith.constant 8 : i32
          %broadcast_in_dim3A_174 = vector.broadcast %broadcast_in_dim3A_173 : i32 to vector<16xi32>
          %gather3A_175 = tpu.vector_load_idx %arg7[%add3A_103, %broadcast_in_dim3A_174] : memref<256x16xf32, #tpu.memory_space<vmem>>[vector<16xi32>, vector<16xi32>], vector<16xf32>,
          %mul3A_176 = arith.constant 16 : i32
          %mul3A_177 = arith.muli %scan3A_98, %mul3A_176 : i32
          %swap3A_178 = arith.constant 8 : i32
          %swap3A_179 = arith.index_cast %swap3A_178 : i32 to index
          %swap3A_180 = arith.index_cast %mul3A_177 : i32 to index
          %swap3A_181 = tpu.vector_load %arg9[%swap3A_179, %swap3A_180] {strides = array<i32>} : memref<16x256xf32, #tpu.memory_space<vmem>>, vector<16xf32>,
          tpu.vector_store %arg9[%swap3A_179, %swap3A_180], %gather3A_175 {strides = array<i32>} : memref<16x256xf32, #tpu.memory_space<vmem>>, vector<16xf32>,
          %broadcast_in_dim3A_182 = arith.constant 9 : i32
          %broadcast_in_dim3A_183 = vector.broadcast %broadcast_in_dim3A_182 : i32 to vector<16xi32>
          %gather3A_184 = tpu.vector_load_idx %arg7[%add3A_103, %broadcast_in_dim3A_183] : memref<256x16xf32, #tpu.memory_space<vmem>>[vector<16xi32>, vector<16xi32>], vector<16xf32>,
          %mul3A_185 = arith.constant 16 : i32
          %mul3A_186 = arith.muli %scan3A_98, %mul3A_185 : i32
          %swap3A_187 = arith.constant 9 : i32
          %swap3A_188 = arith.index_cast %swap3A_187 : i32 to index
          %swap3A_189 = arith.index_cast %mul3A_186 : i32 to index
          %swap3A_190 = tpu.vector_load %arg9[%swap3A_188, %swap3A_189] {strides = array<i32>} : memref<16x256xf32, #tpu.memory_space<vmem>>, vector<16xf32>,
          tpu.vector_store %arg9[%swap3A_188, %swap3A_189], %gather3A_184 {strides = array<i32>} : memref<16x256xf32, #tpu.memory_space<vmem>>, vector<16xf32>,
          %broadcast_in_dim3A_191 = arith.constant 10 : i32
          %broadcast_in_dim3A_192 = vector.broadcast %broadcast_in_dim3A_191 : i32 to vector<16xi32>
          %gather3A_193 = tpu.vector_load_idx %arg7[%add3A_103, %broadcast_in_dim3A_192] : memref<256x16xf32, #tpu.memory_space<vmem>>[vector<16xi32>, vector<16xi32>], vector<16xf32>,
          %mul3A_194 = arith.constant 16 : i32
          %mul3A_195 = arith.muli %scan3A_98, %mul3A_194 : i32
          %swap3A_196 = arith.constant 10 : i32
          %swap3A_197 = arith.index_cast %swap3A_196 : i32 to index
          %swap3A_198 = arith.index_cast %mul3A_195 : i32 to index
          %swap3A_199 = tpu.vector_load %arg9[%swap3A_197, %swap3A_198] {strides = array<i32>} : memref<16x256xf32, #tpu.memory_space<vmem>>, vector<16xf32>,
          tpu.vector_store %arg9[%swap3A_197, %swap3A_198], %gather3A_193 {strides = array<i32>} : memref<16x256xf32, #tpu.memory_space<vmem>>, vector<16xf32>,
          %broadcast_in_dim3A_200 = arith.constant 11 : i32
          %broadcast_in_dim3A_201 = vector.broadcast %broadcast_in_dim3A_200 : i32 to vector<16xi32>
          %gather3A_202 = tpu.vector_load_idx %arg7[%add3A_103, %broadcast_in_dim3A_201] : memref<256x16xf32, #tpu.memory_space<vmem>>[vector<16xi32>, vector<16xi32>], vector<16xf32>,
          %mul3A_203 = arith.constant 16 : i32
          %mul3A_204 = arith.muli %scan3A_98, %mul3A_203 : i32
          %swap3A_205 = arith.constant 11 : i32
          %swap3A_206 = arith.index_cast %swap3A_205 : i32 to index
          %swap3A_207 = arith.index_cast %mul3A_204 : i32 to index
          %swap3A_208 = tpu.vector_load %arg9[%swap3A_206, %swap3A_207] {strides = array<i32>} : memref<16x256xf32, #tpu.memory_space<vmem>>, vector<16xf32>,
          tpu.vector_store %arg9[%swap3A_206, %swap3A_207], %gather3A_202 {strides = array<i32>} : memref<16x256xf32, #tpu.memory_space<vmem>>, vector<16xf32>,
          %broadcast_in_dim3A_209 = arith.constant 12 : i32
          %broadcast_in_dim3A_210 = vector.broadcast %broadcast_in_dim3A_209 : i32 to vector<16xi32>
          %gather3A_211 = tpu.vector_load_idx %arg7[%add3A_103, %broadcast_in_dim3A_210] : memref<256x16xf32, #tpu.memory_space<vmem>>[vector<16xi32>, vector<16xi32>], vector<16xf32>,
          %mul3A_212 = arith.constant 16 : i32
          %mul3A_213 = arith.muli %scan3A_98, %mul3A_212 : i32
          %swap3A_214 = arith.constant 12 : i32
          %swap3A_215 = arith.index_cast %swap3A_214 : i32 to index
          %swap3A_216 = arith.index_cast %mul3A_213 : i32 to index
          %swap3A_217 = tpu.vector_load %arg9[%swap3A_215, %swap3A_216] {strides = array<i32>} : memref<16x256xf32, #tpu.memory_space<vmem>>, vector<16xf32>,
          tpu.vector_store %arg9[%swap3A_215, %swap3A_216], %gather3A_211 {strides = array<i32>} : memref<16x256xf32, #tpu.memory_space<vmem>>, vector<16xf32>,
          %broadcast_in_dim3A_218 = arith.constant 13 : i32
          %broadcast_in_dim3A_219 = vector.broadcast %broadcast_in_dim3A_218 : i32 to vector<16xi32>
          %gather3A_220 = tpu.vector_load_idx %arg7[%add3A_103, %broadcast_in_dim3A_219] : memref<256x16xf32, #tpu.memory_space<vmem>>[vector<16xi32>, vector<16xi32>], vector<16xf32>,
          %mul3A_221 = arith.constant 16 : i32
          %mul3A_222 = arith.muli %scan3A_98, %mul3A_221 : i32
          %swap3A_223 = arith.constant 13 : i32
          %swap3A_224 = arith.index_cast %swap3A_223 : i32 to index
          %swap3A_225 = arith.index_cast %mul3A_222 : i32 to index
          %swap3A_226 = tpu.vector_load %arg9[%swap3A_224, %swap3A_225] {strides = array<i32>} : memref<16x256xf32, #tpu.memory_space<vmem>>, vector<16xf32>,
          tpu.vector_store %arg9[%swap3A_224, %swap3A_225], %gather3A_220 {strides = array<i32>} : memref<16x256xf32, #tpu.memory_space<vmem>>, vector<16xf32>,
          %broadcast_in_dim3A_227 = arith.constant 14 : i32
          %broadcast_in_dim3A_228 = vector.broadcast %broadcast_in_dim3A_227 : i32 to vector<16xi32>
          %gather3A_229 = tpu.vector_load_idx %arg7[%add3A_103, %broadcast_in_dim3A_228] : memref<256x16xf32, #tpu.memory_space<vmem>>[vector<16xi32>, vector<16xi32>], vector<16xf32>,
          %mul3A_230 = arith.constant 16 : i32
          %mul3A_231 = arith.muli %scan3A_98, %mul3A_230 : i32
          %swap3A_232 = arith.constant 14 : i32
          %swap3A_233 = arith.index_cast %swap3A_232 : i32 to index
          %swap3A_234 = arith.index_cast %mul3A_231 : i32 to index
          %swap3A_235 = tpu.vector_load %arg9[%swap3A_233, %swap3A_234] {strides = array<i32>} : memref<16x256xf32, #tpu.memory_space<vmem>>, vector<16xf32>,
          tpu.vector_store %arg9[%swap3A_233, %swap3A_234], %gather3A_229 {strides = array<i32>} : memref<16x256xf32, #tpu.memory_space<vmem>>, vector<16xf32>,
          %broadcast_in_dim3A_236 = arith.constant 15 : i32
          %broadcast_in_dim3A_237 = vector.broadcast %broadcast_in_dim3A_236 : i32 to vector<16xi32>
          %gather3A_238 = tpu.vector_load_idx %arg7[%add3A_103, %broadcast_in_dim3A_237] : memref<256x16xf32, #tpu.memory_space<vmem>>[vector<16xi32>, vector<16xi32>], vector<16xf32>,
          %mul3A_239 = arith.constant 16 : i32
          %mul3A_240 = arith.muli %scan3A_98, %mul3A_239 : i32
          %swap3A_241 = arith.constant 15 : i32
          %swap3A_242 = arith.index_cast %swap3A_241 : i32 to index
          %swap3A_243 = arith.index_cast %mul3A_240 : i32 to index
          %swap3A_244 = tpu.vector_load %arg9[%swap3A_242, %swap3A_243] {strides = array<i32>} : memref<16x256xf32, #tpu.memory_space<vmem>>, vector<16xf32>,
          tpu.vector_store %arg9[%swap3A_242, %swap3A_243], %gather3A_238 {strides = array<i32>} : memref<16x256xf32, #tpu.memory_space<vmem>>, vector<16xf32>,
          %scan3A_245 = arith.constant 0 : i32
          scf.yield %scan3A_245 : i32
        }
        %scan3A_92 = arith.constant 16 : i32
        %mul3A_93 = arith.constant 256 : i32
        %mul3A_94 = arith.muli %add3A_52, %mul3A_93 : i32
        %dma_start3A = arith.constant 0 : i32
        %dma_start3A_95 = tpu.memref_slice %arg4[%dma_start3A, %mul3A_94] : memref<16x320000xf32, #tpu.memory_space<hbm>> -> memref<16x256xf32, #tpu.memory_space<hbm>>
        %dma_start3A_96 = arith.constant 0 : i32
        %dma_start3A_97 = tpu.memref_slice %arg4[%dma_start3A_96, %mul3A_94] : memref<16x320000xf32, #tpu.memory_space<hbm>> -> memref<16x256xf32, #tpu.memory_space<hbm>>
        tpu.enqueue_dma source(%arg9 : memref<16x256xf32, #tpu.memory_space<vmem>>) target(%dma_start3A_97 : memref<16x256xf32, #tpu.memory_space<hbm>>) target_semaphore(%arg13 : memref<!tpu.dma_semaphore, #tpu.memory_space<semaphore_mem>>)
      } else {
      }
      %scan3A_75 = arith.constant 0 : i32
      scf.yield %scan3A_75 : i32
    }
    %scan3A_8 = arith.constant 20 : i32
    %dma_wait3A = arith.constant 0 : i32
    %dma_wait3A_9 = arith.constant 0 : i32
    %dma_wait3A_10 = tpu.memref_slice %arg4[%dma_wait3A, %dma_wait3A_9] : memref<16x320000xf32, #tpu.memory_space<hbm>> -> memref<16x256xf32, #tpu.memory_space<hbm>>
    %dma_wait3A_11 = arith.constant 0 : i32
    %dma_wait3A_12 = arith.constant 0 : i32
    %dma_wait3A_13 = tpu.memref_slice %arg4[%dma_wait3A_11, %dma_wait3A_12] : memref<16x320000xf32, #tpu.memory_space<hbm>> -> memref<16x256xf32, #tpu.memory_space<hbm>>
    tpu.wait_dma2 semaphore(%arg12 : memref<!tpu.dma_semaphore, #tpu.memory_space<semaphore_mem>>) src(%arg8 : memref<16x256xf32, #tpu.memory_space<vmem>>) dst(%dma_wait3A_13 : memref<16x256xf32, #tpu.memory_space<hbm>>)
    %dma_wait3A_14 = arith.constant 0 : i32
    %dma_wait3A_15 = arith.constant 0 : i32
    %dma_wait3A_16 = tpu.memref_slice %arg4[%dma_wait3A_14, %dma_wait3A_15] : memref<16x320000xf32, #tpu.memory_space<hbm>> -> memref<16x256xf32, #tpu.memory_space<hbm>>
    %dma_wait3A_17 = arith.constant 0 : i32
    %dma_wait3A_18 = arith.constant 0 : i32
    %dma_wait3A_19 = tpu.memref_slice %arg4[%dma_wait3A_17, %dma_wait3A_18] : memref<16x320000xf32, #tpu.memory_space<hbm>> -> memref<16x256xf32, #tpu.memory_space<hbm>>
    tpu.wait_dma2 semaphore(%arg13 : memref<!tpu.dma_semaphore, #tpu.memory_space<semaphore_mem>>) src(%arg9 : memref<16x256xf32, #tpu.memory_space<vmem>>) dst(%dma_wait3A_19 : memref<16x256xf32, #tpu.memory_space<hbm>>)
    %lt3A_20 = arith.constant 1250 : i32
    %lt3A_21 = arith.cmpi slt, %add3A, %lt3A_20 : i32
    %convert_element_type3A_22 = arith.extui %lt3A_21 : i1 to i32
    %cond3A_23 = arith.constant 0 : i32
    %cond3A_24 = arith.cmpi ne, %convert_element_type3A_22, %cond3A_23 : i32
    scf.if %cond3A_24 {
      %mul3A_44 = arith.constant 256 : i32
      %mul3A_45 = arith.muli %add3A, %mul3A_44 : i32
      %dma_start3A = arith.constant 0 : i32
      %dma_start3A_46 = tpu.memref_slice %arg3[%mul3A_45, %dma_start3A] : memref<320000x16xf32, #tpu.memory_space<hbm>> -> memref<256x16xf32, #tpu.memory_space<hbm>>
      %dma_start3A_47 = arith.constant 0 : i32
      %dma_start3A_48 = tpu.memref_slice %arg3[%mul3A_45, %dma_start3A_47] : memref<320000x16xf32, #tpu.memory_space<hbm>> -> memref<256x16xf32, #tpu.memory_space<hbm>>
      tpu.enqueue_dma source(%dma_start3A_48 : memref<256x16xf32, #tpu.memory_space<hbm>>) target(%arg6 : memref<256x16xf32, #tpu.memory_space<vmem>>) target_semaphore(%arg10 : memref<!tpu.dma_semaphore, #tpu.memory_space<semaphore_mem>>)
    } else {
    }
    %scan3A_25 = arith.constant 0 : i32
    %scan3A_26 = arith.constant 0 : i32
    %scan3A_27 = arith.constant 20 : i32
    %scan3A_28 = arith.addi %scan3A_26, %scan3A_27 : i32
    %scan3A_29 = arith.constant 1 : i32
    %scan3A_30 = scf.for %scan3A_44 = %scan3A_26 to %scan3A_28 step %scan3A_29 iter_args(%scan3A_45 = %scan3A_25) -> (i32)  : i32 {
      %mul3A_46 = arith.constant 2 : i32
      %mul3A_47 = arith.muli %mul3A_46, %scan3A_44 : i32
      %mul3A_48 = arith.constant 32 : i32
      %mul3A_49 = arith.muli %mul3A_47, %mul3A_48 : i32
      %add3A_50 = arith.addi %add3A, %mul3A_49 : i32
      %add3A_51 = arith.constant 32 : i32
      %add3A_52 = arith.addi %add3A_50, %add3A_51 : i32
      %lt3A_53 = arith.constant 1250 : i32
      %lt3A_54 = arith.cmpi slt, %add3A_52, %lt3A_53 : i32
      %convert_element_type3A_55 = arith.extui %lt3A_54 : i1 to i32
      %cond3A_56 = arith.constant 0 : i32
      %cond3A_57 = arith.cmpi ne, %convert_element_type3A_55, %cond3A_56 : i32
      scf.if %cond3A_57 {
        %mul3A_76 = arith.constant 256 : i32
        %mul3A_77 = arith.muli %add3A_52, %mul3A_76 : i32
        %dma_start3A = arith.constant 0 : i32
        %dma_start3A_78 = tpu.memref_slice %arg3[%mul3A_77, %dma_start3A] : memref<320000x16xf32, #tpu.memory_space<hbm>> -> memref<256x16xf32, #tpu.memory_space<hbm>>
        %dma_start3A_79 = arith.constant 0 : i32
        %dma_start3A_80 = tpu.memref_slice %arg3[%mul3A_77, %dma_start3A_79] : memref<320000x16xf32, #tpu.memory_space<hbm>> -> memref<256x16xf32, #tpu.memory_space<hbm>>
        tpu.enqueue_dma source(%dma_start3A_80 : memref<256x16xf32, #tpu.memory_space<hbm>>) target(%arg7 : memref<256x16xf32, #tpu.memory_space<vmem>>) target_semaphore(%arg11 : memref<!tpu.dma_semaphore, #tpu.memory_space<semaphore_mem>>)
      } else {
      }
      %lt3A_58 = arith.constant 1250 : i32
      %lt3A_59 = arith.cmpi slt, %add3A_50, %lt3A_58 : i32
      %convert_element_type3A_60 = arith.extui %lt3A_59 : i1 to i32
      %cond3A_61 = arith.constant 0 : i32
      %cond3A_62 = arith.cmpi ne, %convert_element_type3A_60, %cond3A_61 : i32
      scf.if %cond3A_62 {
        %dma_wait3A_76 = arith.constant 0 : i32
        %dma_wait3A_77 = arith.constant 0 : i32
        %dma_wait3A_78 = tpu.memref_slice %arg3[%dma_wait3A_76, %dma_wait3A_77] : memref<320000x16xf32, #tpu.memory_space<hbm>> -> memref<256x16xf32, #tpu.memory_space<hbm>>
        %dma_wait3A_79 = arith.constant 0 : i32
        %dma_wait3A_80 = arith.constant 0 : i32
        %dma_wait3A_81 = tpu.memref_slice %arg3[%dma_wait3A_79, %dma_wait3A_80] : memref<320000x16xf32, #tpu.memory_space<hbm>> -> memref<256x16xf32, #tpu.memory_space<hbm>>
        tpu.wait_dma2 semaphore(%arg10 : memref<!tpu.dma_semaphore, #tpu.memory_space<semaphore_mem>>) src(%dma_wait3A_81 : memref<256x16xf32, #tpu.memory_space<hbm>>) dst(%arg6 : memref<256x16xf32, #tpu.memory_space<vmem>>)
        %gt3A = arith.constant 0 : i32
        %gt3A_82 = arith.cmpi sgt, %scan3A_44, %gt3A : i32
        %convert_element_type3A_83 = arith.extui %gt3A_82 : i1 to i32
        %cond3A_84 = arith.constant 0 : i32
        %cond3A_85 = arith.cmpi ne, %convert_element_type3A_83, %cond3A_84 : i32
        scf.if %cond3A_85 {
          %dma_wait3A_98 = arith.constant 0 : i32
          %dma_wait3A_99 = arith.constant 0 : i32
          %dma_wait3A_100 = tpu.memref_slice %arg5[%dma_wait3A_98, %dma_wait3A_99] : memref<16x320000xf32, #tpu.memory_space<hbm>> -> memref<16x256xf32, #tpu.memory_space<hbm>>
          %dma_wait3A_101 = arith.constant 0 : i32
          %dma_wait3A_102 = arith.constant 0 : i32
          %dma_wait3A_103 = tpu.memref_slice %arg5[%dma_wait3A_101, %dma_wait3A_102] : memref<16x320000xf32, #tpu.memory_space<hbm>> -> memref<16x256xf32, #tpu.memory_space<hbm>>
          tpu.wait_dma2 semaphore(%arg12 : memref<!tpu.dma_semaphore, #tpu.memory_space<semaphore_mem>>) src(%arg8 : memref<16x256xf32, #tpu.memory_space<vmem>>) dst(%dma_wait3A_103 : memref<16x256xf32, #tpu.memory_space<hbm>>)
        } else {
        }
        %scan3A_86 = arith.constant 0 : i32
        %scan3A_87 = arith.constant 0 : i32
        %scan3A_88 = arith.constant 16 : i32
        %scan3A_89 = arith.addi %scan3A_87, %scan3A_88 : i32
        %scan3A_90 = arith.constant 1 : i32
        %scan3A_91 = scf.for %scan3A_98 = %scan3A_87 to %scan3A_89 step %scan3A_90 iter_args(%scan3A_99 = %scan3A_86) -> (i32)  : i32 {
          %mul3A_100 = arith.constant 16 : i32
          %mul3A_101 = arith.muli %scan3A_98, %mul3A_100 : i32
          %add3A_102 = vector.broadcast %mul3A_101 : i32 to vector<16xi32>
          %add3A_103 = arith.addi %add3A_102, %iota3A : vector<16xi32>
          %broadcast_in_dim3A = arith.constant 0 : i32
          %broadcast_in_dim3A_104 = vector.broadcast %broadcast_in_dim3A : i32 to vector<16xi32>
          %gather3A = tpu.vector_load_idx %arg6[%add3A_103, %broadcast_in_dim3A_104] : memref<256x16xf32, #tpu.memory_space<vmem>>[vector<16xi32>, vector<16xi32>], vector<16xf32>,
          %mul3A_105 = arith.constant 16 : i32
          %mul3A_106 = arith.muli %scan3A_98, %mul3A_105 : i32
          %swap3A = arith.constant 0 : i32
          %swap3A_107 = arith.index_cast %swap3A : i32 to index
          %swap3A_108 = arith.index_cast %mul3A_106 : i32 to index
          %swap3A_109 = tpu.vector_load %arg8[%swap3A_107, %swap3A_108] {strides = array<i32>} : memref<16x256xf32, #tpu.memory_space<vmem>>, vector<16xf32>,
          tpu.vector_store %arg8[%swap3A_107, %swap3A_108], %gather3A {strides = array<i32>} : memref<16x256xf32, #tpu.memory_space<vmem>>, vector<16xf32>,
          %broadcast_in_dim3A_110 = arith.constant 1 : i32
          %broadcast_in_dim3A_111 = vector.broadcast %broadcast_in_dim3A_110 : i32 to vector<16xi32>
          %gather3A_112 = tpu.vector_load_idx %arg6[%add3A_103, %broadcast_in_dim3A_111] : memref<256x16xf32, #tpu.memory_space<vmem>>[vector<16xi32>, vector<16xi32>], vector<16xf32>,
          %mul3A_113 = arith.constant 16 : i32
          %mul3A_114 = arith.muli %scan3A_98, %mul3A_113 : i32
          %swap3A_115 = arith.constant 1 : i32
          %swap3A_116 = arith.index_cast %swap3A_115 : i32 to index
          %swap3A_117 = arith.index_cast %mul3A_114 : i32 to index
          %swap3A_118 = tpu.vector_load %arg8[%swap3A_116, %swap3A_117] {strides = array<i32>} : memref<16x256xf32, #tpu.memory_space<vmem>>, vector<16xf32>,
          tpu.vector_store %arg8[%swap3A_116, %swap3A_117], %gather3A_112 {strides = array<i32>} : memref<16x256xf32, #tpu.memory_space<vmem>>, vector<16xf32>,
          %broadcast_in_dim3A_119 = arith.constant 2 : i32
          %broadcast_in_dim3A_120 = vector.broadcast %broadcast_in_dim3A_119 : i32 to vector<16xi32>
          %gather3A_121 = tpu.vector_load_idx %arg6[%add3A_103, %broadcast_in_dim3A_120] : memref<256x16xf32, #tpu.memory_space<vmem>>[vector<16xi32>, vector<16xi32>], vector<16xf32>,
          %mul3A_122 = arith.constant 16 : i32
          %mul3A_123 = arith.muli %scan3A_98, %mul3A_122 : i32
          %swap3A_124 = arith.constant 2 : i32
          %swap3A_125 = arith.index_cast %swap3A_124 : i32 to index
          %swap3A_126 = arith.index_cast %mul3A_123 : i32 to index
          %swap3A_127 = tpu.vector_load %arg8[%swap3A_125, %swap3A_126] {strides = array<i32>} : memref<16x256xf32, #tpu.memory_space<vmem>>, vector<16xf32>,
          tpu.vector_store %arg8[%swap3A_125, %swap3A_126], %gather3A_121 {strides = array<i32>} : memref<16x256xf32, #tpu.memory_space<vmem>>, vector<16xf32>,
          %broadcast_in_dim3A_128 = arith.constant 3 : i32
          %broadcast_in_dim3A_129 = vector.broadcast %broadcast_in_dim3A_128 : i32 to vector<16xi32>
          %gather3A_130 = tpu.vector_load_idx %arg6[%add3A_103, %broadcast_in_dim3A_129] : memref<256x16xf32, #tpu.memory_space<vmem>>[vector<16xi32>, vector<16xi32>], vector<16xf32>,
          %mul3A_131 = arith.constant 16 : i32
          %mul3A_132 = arith.muli %scan3A_98, %mul3A_131 : i32
          %swap3A_133 = arith.constant 3 : i32
          %swap3A_134 = arith.index_cast %swap3A_133 : i32 to index
          %swap3A_135 = arith.index_cast %mul3A_132 : i32 to index
          %swap3A_136 = tpu.vector_load %arg8[%swap3A_134, %swap3A_135] {strides = array<i32>} : memref<16x256xf32, #tpu.memory_space<vmem>>, vector<16xf32>,
          tpu.vector_store %arg8[%swap3A_134, %swap3A_135], %gather3A_130 {strides = array<i32>} : memref<16x256xf32, #tpu.memory_space<vmem>>, vector<16xf32>,
          %broadcast_in_dim3A_137 = arith.constant 4 : i32
          %broadcast_in_dim3A_138 = vector.broadcast %broadcast_in_dim3A_137 : i32 to vector<16xi32>
          %gather3A_139 = tpu.vector_load_idx %arg6[%add3A_103, %broadcast_in_dim3A_138] : memref<256x16xf32, #tpu.memory_space<vmem>>[vector<16xi32>, vector<16xi32>], vector<16xf32>,
          %mul3A_140 = arith.constant 16 : i32
          %mul3A_141 = arith.muli %scan3A_98, %mul3A_140 : i32
          %swap3A_142 = arith.constant 4 : i32
          %swap3A_143 = arith.index_cast %swap3A_142 : i32 to index
          %swap3A_144 = arith.index_cast %mul3A_141 : i32 to index
          %swap3A_145 = tpu.vector_load %arg8[%swap3A_143, %swap3A_144] {strides = array<i32>} : memref<16x256xf32, #tpu.memory_space<vmem>>, vector<16xf32>,
          tpu.vector_store %arg8[%swap3A_143, %swap3A_144], %gather3A_139 {strides = array<i32>} : memref<16x256xf32, #tpu.memory_space<vmem>>, vector<16xf32>,
          %broadcast_in_dim3A_146 = arith.constant 5 : i32
          %broadcast_in_dim3A_147 = vector.broadcast %broadcast_in_dim3A_146 : i32 to vector<16xi32>
          %gather3A_148 = tpu.vector_load_idx %arg6[%add3A_103, %broadcast_in_dim3A_147] : memref<256x16xf32, #tpu.memory_space<vmem>>[vector<16xi32>, vector<16xi32>], vector<16xf32>,
          %mul3A_149 = arith.constant 16 : i32
          %mul3A_150 = arith.muli %scan3A_98, %mul3A_149 : i32
          %swap3A_151 = arith.constant 5 : i32
          %swap3A_152 = arith.index_cast %swap3A_151 : i32 to index
          %swap3A_153 = arith.index_cast %mul3A_150 : i32 to index
          %swap3A_154 = tpu.vector_load %arg8[%swap3A_152, %swap3A_153] {strides = array<i32>} : memref<16x256xf32, #tpu.memory_space<vmem>>, vector<16xf32>,
          tpu.vector_store %arg8[%swap3A_152, %swap3A_153], %gather3A_148 {strides = array<i32>} : memref<16x256xf32, #tpu.memory_space<vmem>>, vector<16xf32>,
          %broadcast_in_dim3A_155 = arith.constant 6 : i32
          %broadcast_in_dim3A_156 = vector.broadcast %broadcast_in_dim3A_155 : i32 to vector<16xi32>
          %gather3A_157 = tpu.vector_load_idx %arg6[%add3A_103, %broadcast_in_dim3A_156] : memref<256x16xf32, #tpu.memory_space<vmem>>[vector<16xi32>, vector<16xi32>], vector<16xf32>,
          %mul3A_158 = arith.constant 16 : i32
          %mul3A_159 = arith.muli %scan3A_98, %mul3A_158 : i32
          %swap3A_160 = arith.constant 6 : i32
          %swap3A_161 = arith.index_cast %swap3A_160 : i32 to index
          %swap3A_162 = arith.index_cast %mul3A_159 : i32 to index
          %swap3A_163 = tpu.vector_load %arg8[%swap3A_161, %swap3A_162] {strides = array<i32>} : memref<16x256xf32, #tpu.memory_space<vmem>>, vector<16xf32>,
          tpu.vector_store %arg8[%swap3A_161, %swap3A_162], %gather3A_157 {strides = array<i32>} : memref<16x256xf32, #tpu.memory_space<vmem>>, vector<16xf32>,
          %broadcast_in_dim3A_164 = arith.constant 7 : i32
          %broadcast_in_dim3A_165 = vector.broadcast %broadcast_in_dim3A_164 : i32 to vector<16xi32>
          %gather3A_166 = tpu.vector_load_idx %arg6[%add3A_103, %broadcast_in_dim3A_165] : memref<256x16xf32, #tpu.memory_space<vmem>>[vector<16xi32>, vector<16xi32>], vector<16xf32>,
          %mul3A_167 = arith.constant 16 : i32
          %mul3A_168 = arith.muli %scan3A_98, %mul3A_167 : i32
          %swap3A_169 = arith.constant 7 : i32
          %swap3A_170 = arith.index_cast %swap3A_169 : i32 to index
          %swap3A_171 = arith.index_cast %mul3A_168 : i32 to index
          %swap3A_172 = tpu.vector_load %arg8[%swap3A_170, %swap3A_171] {strides = array<i32>} : memref<16x256xf32, #tpu.memory_space<vmem>>, vector<16xf32>,
          tpu.vector_store %arg8[%swap3A_170, %swap3A_171], %gather3A_166 {strides = array<i32>} : memref<16x256xf32, #tpu.memory_space<vmem>>, vector<16xf32>,
          %broadcast_in_dim3A_173 = arith.constant 8 : i32
          %broadcast_in_dim3A_174 = vector.broadcast %broadcast_in_dim3A_173 : i32 to vector<16xi32>
          %gather3A_175 = tpu.vector_load_idx %arg6[%add3A_103, %broadcast_in_dim3A_174] : memref<256x16xf32, #tpu.memory_space<vmem>>[vector<16xi32>, vector<16xi32>], vector<16xf32>,
          %mul3A_176 = arith.constant 16 : i32
          %mul3A_177 = arith.muli %scan3A_98, %mul3A_176 : i32
          %swap3A_178 = arith.constant 8 : i32
          %swap3A_179 = arith.index_cast %swap3A_178 : i32 to index
          %swap3A_180 = arith.index_cast %mul3A_177 : i32 to index
          %swap3A_181 = tpu.vector_load %arg8[%swap3A_179, %swap3A_180] {strides = array<i32>} : memref<16x256xf32, #tpu.memory_space<vmem>>, vector<16xf32>,
          tpu.vector_store %arg8[%swap3A_179, %swap3A_180], %gather3A_175 {strides = array<i32>} : memref<16x256xf32, #tpu.memory_space<vmem>>, vector<16xf32>,
          %broadcast_in_dim3A_182 = arith.constant 9 : i32
          %broadcast_in_dim3A_183 = vector.broadcast %broadcast_in_dim3A_182 : i32 to vector<16xi32>
          %gather3A_184 = tpu.vector_load_idx %arg6[%add3A_103, %broadcast_in_dim3A_183] : memref<256x16xf32, #tpu.memory_space<vmem>>[vector<16xi32>, vector<16xi32>], vector<16xf32>,
          %mul3A_185 = arith.constant 16 : i32
          %mul3A_186 = arith.muli %scan3A_98, %mul3A_185 : i32
          %swap3A_187 = arith.constant 9 : i32
          %swap3A_188 = arith.index_cast %swap3A_187 : i32 to index
          %swap3A_189 = arith.index_cast %mul3A_186 : i32 to index
          %swap3A_190 = tpu.vector_load %arg8[%swap3A_188, %swap3A_189] {strides = array<i32>} : memref<16x256xf32, #tpu.memory_space<vmem>>, vector<16xf32>,
          tpu.vector_store %arg8[%swap3A_188, %swap3A_189], %gather3A_184 {strides = array<i32>} : memref<16x256xf32, #tpu.memory_space<vmem>>, vector<16xf32>,
          %broadcast_in_dim3A_191 = arith.constant 10 : i32
          %broadcast_in_dim3A_192 = vector.broadcast %broadcast_in_dim3A_191 : i32 to vector<16xi32>
          %gather3A_193 = tpu.vector_load_idx %arg6[%add3A_103, %broadcast_in_dim3A_192] : memref<256x16xf32, #tpu.memory_space<vmem>>[vector<16xi32>, vector<16xi32>], vector<16xf32>,
          %mul3A_194 = arith.constant 16 : i32
          %mul3A_195 = arith.muli %scan3A_98, %mul3A_194 : i32
          %swap3A_196 = arith.constant 10 : i32
          %swap3A_197 = arith.index_cast %swap3A_196 : i32 to index
          %swap3A_198 = arith.index_cast %mul3A_195 : i32 to index
          %swap3A_199 = tpu.vector_load %arg8[%swap3A_197, %swap3A_198] {strides = array<i32>} : memref<16x256xf32, #tpu.memory_space<vmem>>, vector<16xf32>,
          tpu.vector_store %arg8[%swap3A_197, %swap3A_198], %gather3A_193 {strides = array<i32>} : memref<16x256xf32, #tpu.memory_space<vmem>>, vector<16xf32>,
          %broadcast_in_dim3A_200 = arith.constant 11 : i32
          %broadcast_in_dim3A_201 = vector.broadcast %broadcast_in_dim3A_200 : i32 to vector<16xi32>
          %gather3A_202 = tpu.vector_load_idx %arg6[%add3A_103, %broadcast_in_dim3A_201] : memref<256x16xf32, #tpu.memory_space<vmem>>[vector<16xi32>, vector<16xi32>], vector<16xf32>,
          %mul3A_203 = arith.constant 16 : i32
          %mul3A_204 = arith.muli %scan3A_98, %mul3A_203 : i32
          %swap3A_205 = arith.constant 11 : i32
          %swap3A_206 = arith.index_cast %swap3A_205 : i32 to index
          %swap3A_207 = arith.index_cast %mul3A_204 : i32 to index
          %swap3A_208 = tpu.vector_load %arg8[%swap3A_206, %swap3A_207] {strides = array<i32>} : memref<16x256xf32, #tpu.memory_space<vmem>>, vector<16xf32>,
          tpu.vector_store %arg8[%swap3A_206, %swap3A_207], %gather3A_202 {strides = array<i32>} : memref<16x256xf32, #tpu.memory_space<vmem>>, vector<16xf32>,
          %broadcast_in_dim3A_209 = arith.constant 12 : i32
          %broadcast_in_dim3A_210 = vector.broadcast %broadcast_in_dim3A_209 : i32 to vector<16xi32>
          %gather3A_211 = tpu.vector_load_idx %arg6[%add3A_103, %broadcast_in_dim3A_210] : memref<256x16xf32, #tpu.memory_space<vmem>>[vector<16xi32>, vector<16xi32>], vector<16xf32>,
          %mul3A_212 = arith.constant 16 : i32
          %mul3A_213 = arith.muli %scan3A_98, %mul3A_212 : i32
          %swap3A_214 = arith.constant 12 : i32
          %swap3A_215 = arith.index_cast %swap3A_214 : i32 to index
          %swap3A_216 = arith.index_cast %mul3A_213 : i32 to index
          %swap3A_217 = tpu.vector_load %arg8[%swap3A_215, %swap3A_216] {strides = array<i32>} : memref<16x256xf32, #tpu.memory_space<vmem>>, vector<16xf32>,
          tpu.vector_store %arg8[%swap3A_215, %swap3A_216], %gather3A_211 {strides = array<i32>} : memref<16x256xf32, #tpu.memory_space<vmem>>, vector<16xf32>,
          %broadcast_in_dim3A_218 = arith.constant 13 : i32
          %broadcast_in_dim3A_219 = vector.broadcast %broadcast_in_dim3A_218 : i32 to vector<16xi32>
          %gather3A_220 = tpu.vector_load_idx %arg6[%add3A_103, %broadcast_in_dim3A_219] : memref<256x16xf32, #tpu.memory_space<vmem>>[vector<16xi32>, vector<16xi32>], vector<16xf32>,
          %mul3A_221 = arith.constant 16 : i32
          %mul3A_222 = arith.muli %scan3A_98, %mul3A_221 : i32
          %swap3A_223 = arith.constant 13 : i32
          %swap3A_224 = arith.index_cast %swap3A_223 : i32 to index
          %swap3A_225 = arith.index_cast %mul3A_222 : i32 to index
          %swap3A_226 = tpu.vector_load %arg8[%swap3A_224, %swap3A_225] {strides = array<i32>} : memref<16x256xf32, #tpu.memory_space<vmem>>, vector<16xf32>,
          tpu.vector_store %arg8[%swap3A_224, %swap3A_225], %gather3A_220 {strides = array<i32>} : memref<16x256xf32, #tpu.memory_space<vmem>>, vector<16xf32>,
          %broadcast_in_dim3A_227 = arith.constant 14 : i32
          %broadcast_in_dim3A_228 = vector.broadcast %broadcast_in_dim3A_227 : i32 to vector<16xi32>
          %gather3A_229 = tpu.vector_load_idx %arg6[%add3A_103, %broadcast_in_dim3A_228] : memref<256x16xf32, #tpu.memory_space<vmem>>[vector<16xi32>, vector<16xi32>], vector<16xf32>,
          %mul3A_230 = arith.constant 16 : i32
          %mul3A_231 = arith.muli %scan3A_98, %mul3A_230 : i32
          %swap3A_232 = arith.constant 14 : i32
          %swap3A_233 = arith.index_cast %swap3A_232 : i32 to index
          %swap3A_234 = arith.index_cast %mul3A_231 : i32 to index
          %swap3A_235 = tpu.vector_load %arg8[%swap3A_233, %swap3A_234] {strides = array<i32>} : memref<16x256xf32, #tpu.memory_space<vmem>>, vector<16xf32>,
          tpu.vector_store %arg8[%swap3A_233, %swap3A_234], %gather3A_229 {strides = array<i32>} : memref<16x256xf32, #tpu.memory_space<vmem>>, vector<16xf32>,
          %broadcast_in_dim3A_236 = arith.constant 15 : i32
          %broadcast_in_dim3A_237 = vector.broadcast %broadcast_in_dim3A_236 : i32 to vector<16xi32>
          %gather3A_238 = tpu.vector_load_idx %arg6[%add3A_103, %broadcast_in_dim3A_237] : memref<256x16xf32, #tpu.memory_space<vmem>>[vector<16xi32>, vector<16xi32>], vector<16xf32>,
          %mul3A_239 = arith.constant 16 : i32
          %mul3A_240 = arith.muli %scan3A_98, %mul3A_239 : i32
          %swap3A_241 = arith.constant 15 : i32
          %swap3A_242 = arith.index_cast %swap3A_241 : i32 to index
          %swap3A_243 = arith.index_cast %mul3A_240 : i32 to index
          %swap3A_244 = tpu.vector_load %arg8[%swap3A_242, %swap3A_243] {strides = array<i32>} : memref<16x256xf32, #tpu.memory_space<vmem>>, vector<16xf32>,
          tpu.vector_store %arg8[%swap3A_242, %swap3A_243], %gather3A_238 {strides = array<i32>} : memref<16x256xf32, #tpu.memory_space<vmem>>, vector<16xf32>,
          %scan3A_245 = arith.constant 0 : i32
          scf.yield %scan3A_245 : i32
        }
        %scan3A_92 = arith.constant 16 : i32
        %mul3A_93 = arith.constant 256 : i32
        %mul3A_94 = arith.muli %add3A_50, %mul3A_93 : i32
        %dma_start3A = arith.constant 0 : i32
        %dma_start3A_95 = tpu.memref_slice %arg5[%dma_start3A, %mul3A_94] : memref<16x320000xf32, #tpu.memory_space<hbm>> -> memref<16x256xf32, #tpu.memory_space<hbm>>
        %dma_start3A_96 = arith.constant 0 : i32
        %dma_start3A_97 = tpu.memref_slice %arg5[%dma_start3A_96, %mul3A_94] : memref<16x320000xf32, #tpu.memory_space<hbm>> -> memref<16x256xf32, #tpu.memory_space<hbm>>
        tpu.enqueue_dma source(%arg8 : memref<16x256xf32, #tpu.memory_space<vmem>>) target(%dma_start3A_97 : memref<16x256xf32, #tpu.memory_space<hbm>>) target_semaphore(%arg12 : memref<!tpu.dma_semaphore, #tpu.memory_space<semaphore_mem>>)
      } else {
      }
      %add3A_63 = arith.constant 64 : i32
      %add3A_64 = arith.addi %add3A_50, %add3A_63 : i32
      %lt3A_65 = arith.constant 1250 : i32
      %lt3A_66 = arith.cmpi slt, %add3A_64, %lt3A_65 : i32
      %convert_element_type3A_67 = arith.extui %lt3A_66 : i1 to i32
      %cond3A_68 = arith.constant 0 : i32
      %cond3A_69 = arith.cmpi ne, %convert_element_type3A_67, %cond3A_68 : i32
      scf.if %cond3A_69 {
        %add3A_76 = arith.constant 64 : i32
        %add3A_77 = arith.addi %add3A_50, %add3A_76 : i32
        %mul3A_78 = arith.constant 256 : i32
        %mul3A_79 = arith.muli %add3A_77, %mul3A_78 : i32
        %dma_start3A = arith.constant 0 : i32
        %dma_start3A_80 = tpu.memref_slice %arg3[%mul3A_79, %dma_start3A] : memref<320000x16xf32, #tpu.memory_space<hbm>> -> memref<256x16xf32, #tpu.memory_space<hbm>>
        %dma_start3A_81 = arith.constant 0 : i32
        %dma_start3A_82 = tpu.memref_slice %arg3[%mul3A_79, %dma_start3A_81] : memref<320000x16xf32, #tpu.memory_space<hbm>> -> memref<256x16xf32, #tpu.memory_space<hbm>>
        tpu.enqueue_dma source(%dma_start3A_82 : memref<256x16xf32, #tpu.memory_space<hbm>>) target(%arg6 : memref<256x16xf32, #tpu.memory_space<vmem>>) target_semaphore(%arg10 : memref<!tpu.dma_semaphore, #tpu.memory_space<semaphore_mem>>)
      } else {
      }
      %lt3A_70 = arith.constant 1250 : i32
      %lt3A_71 = arith.cmpi slt, %add3A_52, %lt3A_70 : i32
      %convert_element_type3A_72 = arith.extui %lt3A_71 : i1 to i32
      %cond3A_73 = arith.constant 0 : i32
      %cond3A_74 = arith.cmpi ne, %convert_element_type3A_72, %cond3A_73 : i32
      scf.if %cond3A_74 {
        %dma_wait3A_76 = arith.constant 0 : i32
        %dma_wait3A_77 = arith.constant 0 : i32
        %dma_wait3A_78 = tpu.memref_slice %arg3[%dma_wait3A_76, %dma_wait3A_77] : memref<320000x16xf32, #tpu.memory_space<hbm>> -> memref<256x16xf32, #tpu.memory_space<hbm>>
        %dma_wait3A_79 = arith.constant 0 : i32
        %dma_wait3A_80 = arith.constant 0 : i32
        %dma_wait3A_81 = tpu.memref_slice %arg3[%dma_wait3A_79, %dma_wait3A_80] : memref<320000x16xf32, #tpu.memory_space<hbm>> -> memref<256x16xf32, #tpu.memory_space<hbm>>
        tpu.wait_dma2 semaphore(%arg11 : memref<!tpu.dma_semaphore, #tpu.memory_space<semaphore_mem>>) src(%dma_wait3A_81 : memref<256x16xf32, #tpu.memory_space<hbm>>) dst(%arg7 : memref<256x16xf32, #tpu.memory_space<vmem>>)
        %gt3A = arith.constant 0 : i32
        %gt3A_82 = arith.cmpi sgt, %scan3A_44, %gt3A : i32
        %convert_element_type3A_83 = arith.extui %gt3A_82 : i1 to i32
        %cond3A_84 = arith.constant 0 : i32
        %cond3A_85 = arith.cmpi ne, %convert_element_type3A_83, %cond3A_84 : i32
        scf.if %cond3A_85 {
          %dma_wait3A_98 = arith.constant 0 : i32
          %dma_wait3A_99 = arith.constant 0 : i32
          %dma_wait3A_100 = tpu.memref_slice %arg5[%dma_wait3A_98, %dma_wait3A_99] : memref<16x320000xf32, #tpu.memory_space<hbm>> -> memref<16x256xf32, #tpu.memory_space<hbm>>
          %dma_wait3A_101 = arith.constant 0 : i32
          %dma_wait3A_102 = arith.constant 0 : i32
          %dma_wait3A_103 = tpu.memref_slice %arg5[%dma_wait3A_101, %dma_wait3A_102] : memref<16x320000xf32, #tpu.memory_space<hbm>> -> memref<16x256xf32, #tpu.memory_space<hbm>>
          tpu.wait_dma2 semaphore(%arg13 : memref<!tpu.dma_semaphore, #tpu.memory_space<semaphore_mem>>) src(%arg9 : memref<16x256xf32, #tpu.memory_space<vmem>>) dst(%dma_wait3A_103 : memref<16x256xf32, #tpu.memory_space<hbm>>)
        } else {
        }
        %scan3A_86 = arith.constant 0 : i32
        %scan3A_87 = arith.constant 0 : i32
        %scan3A_88 = arith.constant 16 : i32
        %scan3A_89 = arith.addi %scan3A_87, %scan3A_88 : i32
        %scan3A_90 = arith.constant 1 : i32
        %scan3A_91 = scf.for %scan3A_98 = %scan3A_87 to %scan3A_89 step %scan3A_90 iter_args(%scan3A_99 = %scan3A_86) -> (i32)  : i32 {
          %mul3A_100 = arith.constant 16 : i32
          %mul3A_101 = arith.muli %scan3A_98, %mul3A_100 : i32
          %add3A_102 = vector.broadcast %mul3A_101 : i32 to vector<16xi32>
          %add3A_103 = arith.addi %add3A_102, %iota3A : vector<16xi32>
          %broadcast_in_dim3A = arith.constant 0 : i32
          %broadcast_in_dim3A_104 = vector.broadcast %broadcast_in_dim3A : i32 to vector<16xi32>
          %gather3A = tpu.vector_load_idx %arg7[%add3A_103, %broadcast_in_dim3A_104] : memref<256x16xf32, #tpu.memory_space<vmem>>[vector<16xi32>, vector<16xi32>], vector<16xf32>,
          %mul3A_105 = arith.constant 16 : i32
          %mul3A_106 = arith.muli %scan3A_98, %mul3A_105 : i32
          %swap3A = arith.constant 0 : i32
          %swap3A_107 = arith.index_cast %swap3A : i32 to index
          %swap3A_108 = arith.index_cast %mul3A_106 : i32 to index
          %swap3A_109 = tpu.vector_load %arg9[%swap3A_107, %swap3A_108] {strides = array<i32>} : memref<16x256xf32, #tpu.memory_space<vmem>>, vector<16xf32>,
          tpu.vector_store %arg9[%swap3A_107, %swap3A_108], %gather3A {strides = array<i32>} : memref<16x256xf32, #tpu.memory_space<vmem>>, vector<16xf32>,
          %broadcast_in_dim3A_110 = arith.constant 1 : i32
          %broadcast_in_dim3A_111 = vector.broadcast %broadcast_in_dim3A_110 : i32 to vector<16xi32>
          %gather3A_112 = tpu.vector_load_idx %arg7[%add3A_103, %broadcast_in_dim3A_111] : memref<256x16xf32, #tpu.memory_space<vmem>>[vector<16xi32>, vector<16xi32>], vector<16xf32>,
          %mul3A_113 = arith.constant 16 : i32
          %mul3A_114 = arith.muli %scan3A_98, %mul3A_113 : i32
          %swap3A_115 = arith.constant 1 : i32
          %swap3A_116 = arith.index_cast %swap3A_115 : i32 to index
          %swap3A_117 = arith.index_cast %mul3A_114 : i32 to index
          %swap3A_118 = tpu.vector_load %arg9[%swap3A_116, %swap3A_117] {strides = array<i32>} : memref<16x256xf32, #tpu.memory_space<vmem>>, vector<16xf32>,
          tpu.vector_store %arg9[%swap3A_116, %swap3A_117], %gather3A_112 {strides = array<i32>} : memref<16x256xf32, #tpu.memory_space<vmem>>, vector<16xf32>,
          %broadcast_in_dim3A_119 = arith.constant 2 : i32
          %broadcast_in_dim3A_120 = vector.broadcast %broadcast_in_dim3A_119 : i32 to vector<16xi32>
          %gather3A_121 = tpu.vector_load_idx %arg7[%add3A_103, %broadcast_in_dim3A_120] : memref<256x16xf32, #tpu.memory_space<vmem>>[vector<16xi32>, vector<16xi32>], vector<16xf32>,
          %mul3A_122 = arith.constant 16 : i32
          %mul3A_123 = arith.muli %scan3A_98, %mul3A_122 : i32
          %swap3A_124 = arith.constant 2 : i32
          %swap3A_125 = arith.index_cast %swap3A_124 : i32 to index
          %swap3A_126 = arith.index_cast %mul3A_123 : i32 to index
          %swap3A_127 = tpu.vector_load %arg9[%swap3A_125, %swap3A_126] {strides = array<i32>} : memref<16x256xf32, #tpu.memory_space<vmem>>, vector<16xf32>,
          tpu.vector_store %arg9[%swap3A_125, %swap3A_126], %gather3A_121 {strides = array<i32>} : memref<16x256xf32, #tpu.memory_space<vmem>>, vector<16xf32>,
          %broadcast_in_dim3A_128 = arith.constant 3 : i32
          %broadcast_in_dim3A_129 = vector.broadcast %broadcast_in_dim3A_128 : i32 to vector<16xi32>
          %gather3A_130 = tpu.vector_load_idx %arg7[%add3A_103, %broadcast_in_dim3A_129] : memref<256x16xf32, #tpu.memory_space<vmem>>[vector<16xi32>, vector<16xi32>], vector<16xf32>,
          %mul3A_131 = arith.constant 16 : i32
          %mul3A_132 = arith.muli %scan3A_98, %mul3A_131 : i32
          %swap3A_133 = arith.constant 3 : i32
          %swap3A_134 = arith.index_cast %swap3A_133 : i32 to index
          %swap3A_135 = arith.index_cast %mul3A_132 : i32 to index
          %swap3A_136 = tpu.vector_load %arg9[%swap3A_134, %swap3A_135] {strides = array<i32>} : memref<16x256xf32, #tpu.memory_space<vmem>>, vector<16xf32>,
          tpu.vector_store %arg9[%swap3A_134, %swap3A_135], %gather3A_130 {strides = array<i32>} : memref<16x256xf32, #tpu.memory_space<vmem>>, vector<16xf32>,
          %broadcast_in_dim3A_137 = arith.constant 4 : i32
          %broadcast_in_dim3A_138 = vector.broadcast %broadcast_in_dim3A_137 : i32 to vector<16xi32>
          %gather3A_139 = tpu.vector_load_idx %arg7[%add3A_103, %broadcast_in_dim3A_138] : memref<256x16xf32, #tpu.memory_space<vmem>>[vector<16xi32>, vector<16xi32>], vector<16xf32>,
          %mul3A_140 = arith.constant 16 : i32
          %mul3A_141 = arith.muli %scan3A_98, %mul3A_140 : i32
          %swap3A_142 = arith.constant 4 : i32
          %swap3A_143 = arith.index_cast %swap3A_142 : i32 to index
          %swap3A_144 = arith.index_cast %mul3A_141 : i32 to index
          %swap3A_145 = tpu.vector_load %arg9[%swap3A_143, %swap3A_144] {strides = array<i32>} : memref<16x256xf32, #tpu.memory_space<vmem>>, vector<16xf32>,
          tpu.vector_store %arg9[%swap3A_143, %swap3A_144], %gather3A_139 {strides = array<i32>} : memref<16x256xf32, #tpu.memory_space<vmem>>, vector<16xf32>,
          %broadcast_in_dim3A_146 = arith.constant 5 : i32
          %broadcast_in_dim3A_147 = vector.broadcast %broadcast_in_dim3A_146 : i32 to vector<16xi32>
          %gather3A_148 = tpu.vector_load_idx %arg7[%add3A_103, %broadcast_in_dim3A_147] : memref<256x16xf32, #tpu.memory_space<vmem>>[vector<16xi32>, vector<16xi32>], vector<16xf32>,
          %mul3A_149 = arith.constant 16 : i32
          %mul3A_150 = arith.muli %scan3A_98, %mul3A_149 : i32
          %swap3A_151 = arith.constant 5 : i32
          %swap3A_152 = arith.index_cast %swap3A_151 : i32 to index
          %swap3A_153 = arith.index_cast %mul3A_150 : i32 to index
          %swap3A_154 = tpu.vector_load %arg9[%swap3A_152, %swap3A_153] {strides = array<i32>} : memref<16x256xf32, #tpu.memory_space<vmem>>, vector<16xf32>,
          tpu.vector_store %arg9[%swap3A_152, %swap3A_153], %gather3A_148 {strides = array<i32>} : memref<16x256xf32, #tpu.memory_space<vmem>>, vector<16xf32>,
          %broadcast_in_dim3A_155 = arith.constant 6 : i32
          %broadcast_in_dim3A_156 = vector.broadcast %broadcast_in_dim3A_155 : i32 to vector<16xi32>
          %gather3A_157 = tpu.vector_load_idx %arg7[%add3A_103, %broadcast_in_dim3A_156] : memref<256x16xf32, #tpu.memory_space<vmem>>[vector<16xi32>, vector<16xi32>], vector<16xf32>,
          %mul3A_158 = arith.constant 16 : i32
          %mul3A_159 = arith.muli %scan3A_98, %mul3A_158 : i32
          %swap3A_160 = arith.constant 6 : i32
          %swap3A_161 = arith.index_cast %swap3A_160 : i32 to index
          %swap3A_162 = arith.index_cast %mul3A_159 : i32 to index
          %swap3A_163 = tpu.vector_load %arg9[%swap3A_161, %swap3A_162] {strides = array<i32>} : memref<16x256xf32, #tpu.memory_space<vmem>>, vector<16xf32>,
          tpu.vector_store %arg9[%swap3A_161, %swap3A_162], %gather3A_157 {strides = array<i32>} : memref<16x256xf32, #tpu.memory_space<vmem>>, vector<16xf32>,
          %broadcast_in_dim3A_164 = arith.constant 7 : i32
          %broadcast_in_dim3A_165 = vector.broadcast %broadcast_in_dim3A_164 : i32 to vector<16xi32>
          %gather3A_166 = tpu.vector_load_idx %arg7[%add3A_103, %broadcast_in_dim3A_165] : memref<256x16xf32, #tpu.memory_space<vmem>>[vector<16xi32>, vector<16xi32>], vector<16xf32>,
          %mul3A_167 = arith.constant 16 : i32
          %mul3A_168 = arith.muli %scan3A_98, %mul3A_167 : i32
          %swap3A_169 = arith.constant 7 : i32
          %swap3A_170 = arith.index_cast %swap3A_169 : i32 to index
          %swap3A_171 = arith.index_cast %mul3A_168 : i32 to index
          %swap3A_172 = tpu.vector_load %arg9[%swap3A_170, %swap3A_171] {strides = array<i32>} : memref<16x256xf32, #tpu.memory_space<vmem>>, vector<16xf32>,
          tpu.vector_store %arg9[%swap3A_170, %swap3A_171], %gather3A_166 {strides = array<i32>} : memref<16x256xf32, #tpu.memory_space<vmem>>, vector<16xf32>,
          %broadcast_in_dim3A_173 = arith.constant 8 : i32
          %broadcast_in_dim3A_174 = vector.broadcast %broadcast_in_dim3A_173 : i32 to vector<16xi32>
          %gather3A_175 = tpu.vector_load_idx %arg7[%add3A_103, %broadcast_in_dim3A_174] : memref<256x16xf32, #tpu.memory_space<vmem>>[vector<16xi32>, vector<16xi32>], vector<16xf32>,
          %mul3A_176 = arith.constant 16 : i32
          %mul3A_177 = arith.muli %scan3A_98, %mul3A_176 : i32
          %swap3A_178 = arith.constant 8 : i32
          %swap3A_179 = arith.index_cast %swap3A_178 : i32 to index
          %swap3A_180 = arith.index_cast %mul3A_177 : i32 to index
          %swap3A_181 = tpu.vector_load %arg9[%swap3A_179, %swap3A_180] {strides = array<i32>} : memref<16x256xf32, #tpu.memory_space<vmem>>, vector<16xf32>,
          tpu.vector_store %arg9[%swap3A_179, %swap3A_180], %gather3A_175 {strides = array<i32>} : memref<16x256xf32, #tpu.memory_space<vmem>>, vector<16xf32>,
          %broadcast_in_dim3A_182 = arith.constant 9 : i32
          %broadcast_in_dim3A_183 = vector.broadcast %broadcast_in_dim3A_182 : i32 to vector<16xi32>
          %gather3A_184 = tpu.vector_load_idx %arg7[%add3A_103, %broadcast_in_dim3A_183] : memref<256x16xf32, #tpu.memory_space<vmem>>[vector<16xi32>, vector<16xi32>], vector<16xf32>,
          %mul3A_185 = arith.constant 16 : i32
          %mul3A_186 = arith.muli %scan3A_98, %mul3A_185 : i32
          %swap3A_187 = arith.constant 9 : i32
          %swap3A_188 = arith.index_cast %swap3A_187 : i32 to index
          %swap3A_189 = arith.index_cast %mul3A_186 : i32 to index
          %swap3A_190 = tpu.vector_load %arg9[%swap3A_188, %swap3A_189] {strides = array<i32>} : memref<16x256xf32, #tpu.memory_space<vmem>>, vector<16xf32>,
          tpu.vector_store %arg9[%swap3A_188, %swap3A_189], %gather3A_184 {strides = array<i32>} : memref<16x256xf32, #tpu.memory_space<vmem>>, vector<16xf32>,
          %broadcast_in_dim3A_191 = arith.constant 10 : i32
          %broadcast_in_dim3A_192 = vector.broadcast %broadcast_in_dim3A_191 : i32 to vector<16xi32>
          %gather3A_193 = tpu.vector_load_idx %arg7[%add3A_103, %broadcast_in_dim3A_192] : memref<256x16xf32, #tpu.memory_space<vmem>>[vector<16xi32>, vector<16xi32>], vector<16xf32>,
          %mul3A_194 = arith.constant 16 : i32
          %mul3A_195 = arith.muli %scan3A_98, %mul3A_194 : i32
          %swap3A_196 = arith.constant 10 : i32
          %swap3A_197 = arith.index_cast %swap3A_196 : i32 to index
          %swap3A_198 = arith.index_cast %mul3A_195 : i32 to index
          %swap3A_199 = tpu.vector_load %arg9[%swap3A_197, %swap3A_198] {strides = array<i32>} : memref<16x256xf32, #tpu.memory_space<vmem>>, vector<16xf32>,
          tpu.vector_store %arg9[%swap3A_197, %swap3A_198], %gather3A_193 {strides = array<i32>} : memref<16x256xf32, #tpu.memory_space<vmem>>, vector<16xf32>,
          %broadcast_in_dim3A_200 = arith.constant 11 : i32
          %broadcast_in_dim3A_201 = vector.broadcast %broadcast_in_dim3A_200 : i32 to vector<16xi32>
          %gather3A_202 = tpu.vector_load_idx %arg7[%add3A_103, %broadcast_in_dim3A_201] : memref<256x16xf32, #tpu.memory_space<vmem>>[vector<16xi32>, vector<16xi32>], vector<16xf32>,
          %mul3A_203 = arith.constant 16 : i32
          %mul3A_204 = arith.muli %scan3A_98, %mul3A_203 : i32
          %swap3A_205 = arith.constant 11 : i32
          %swap3A_206 = arith.index_cast %swap3A_205 : i32 to index
          %swap3A_207 = arith.index_cast %mul3A_204 : i32 to index
          %swap3A_208 = tpu.vector_load %arg9[%swap3A_206, %swap3A_207] {strides = array<i32>} : memref<16x256xf32, #tpu.memory_space<vmem>>, vector<16xf32>,
          tpu.vector_store %arg9[%swap3A_206, %swap3A_207], %gather3A_202 {strides = array<i32>} : memref<16x256xf32, #tpu.memory_space<vmem>>, vector<16xf32>,
          %broadcast_in_dim3A_209 = arith.constant 12 : i32
          %broadcast_in_dim3A_210 = vector.broadcast %broadcast_in_dim3A_209 : i32 to vector<16xi32>
          %gather3A_211 = tpu.vector_load_idx %arg7[%add3A_103, %broadcast_in_dim3A_210] : memref<256x16xf32, #tpu.memory_space<vmem>>[vector<16xi32>, vector<16xi32>], vector<16xf32>,
          %mul3A_212 = arith.constant 16 : i32
          %mul3A_213 = arith.muli %scan3A_98, %mul3A_212 : i32
          %swap3A_214 = arith.constant 12 : i32
          %swap3A_215 = arith.index_cast %swap3A_214 : i32 to index
          %swap3A_216 = arith.index_cast %mul3A_213 : i32 to index
          %swap3A_217 = tpu.vector_load %arg9[%swap3A_215, %swap3A_216] {strides = array<i32>} : memref<16x256xf32, #tpu.memory_space<vmem>>, vector<16xf32>,
          tpu.vector_store %arg9[%swap3A_215, %swap3A_216], %gather3A_211 {strides = array<i32>} : memref<16x256xf32, #tpu.memory_space<vmem>>, vector<16xf32>,
          %broadcast_in_dim3A_218 = arith.constant 13 : i32
          %broadcast_in_dim3A_219 = vector.broadcast %broadcast_in_dim3A_218 : i32 to vector<16xi32>
          %gather3A_220 = tpu.vector_load_idx %arg7[%add3A_103, %broadcast_in_dim3A_219] : memref<256x16xf32, #tpu.memory_space<vmem>>[vector<16xi32>, vector<16xi32>], vector<16xf32>,
          %mul3A_221 = arith.constant 16 : i32
          %mul3A_222 = arith.muli %scan3A_98, %mul3A_221 : i32
          %swap3A_223 = arith.constant 13 : i32
          %swap3A_224 = arith.index_cast %swap3A_223 : i32 to index
          %swap3A_225 = arith.index_cast %mul3A_222 : i32 to index
          %swap3A_226 = tpu.vector_load %arg9[%swap3A_224, %swap3A_225] {strides = array<i32>} : memref<16x256xf32, #tpu.memory_space<vmem>>, vector<16xf32>,
          tpu.vector_store %arg9[%swap3A_224, %swap3A_225], %gather3A_220 {strides = array<i32>} : memref<16x256xf32, #tpu.memory_space<vmem>>, vector<16xf32>,
          %broadcast_in_dim3A_227 = arith.constant 14 : i32
          %broadcast_in_dim3A_228 = vector.broadcast %broadcast_in_dim3A_227 : i32 to vector<16xi32>
          %gather3A_229 = tpu.vector_load_idx %arg7[%add3A_103, %broadcast_in_dim3A_228] : memref<256x16xf32, #tpu.memory_space<vmem>>[vector<16xi32>, vector<16xi32>], vector<16xf32>,
          %mul3A_230 = arith.constant 16 : i32
          %mul3A_231 = arith.muli %scan3A_98, %mul3A_230 : i32
          %swap3A_232 = arith.constant 14 : i32
          %swap3A_233 = arith.index_cast %swap3A_232 : i32 to index
          %swap3A_234 = arith.index_cast %mul3A_231 : i32 to index
          %swap3A_235 = tpu.vector_load %arg9[%swap3A_233, %swap3A_234] {strides = array<i32>} : memref<16x256xf32, #tpu.memory_space<vmem>>, vector<16xf32>,
          tpu.vector_store %arg9[%swap3A_233, %swap3A_234], %gather3A_229 {strides = array<i32>} : memref<16x256xf32, #tpu.memory_space<vmem>>, vector<16xf32>,
          %broadcast_in_dim3A_236 = arith.constant 15 : i32
          %broadcast_in_dim3A_237 = vector.broadcast %broadcast_in_dim3A_236 : i32 to vector<16xi32>
          %gather3A_238 = tpu.vector_load_idx %arg7[%add3A_103, %broadcast_in_dim3A_237] : memref<256x16xf32, #tpu.memory_space<vmem>>[vector<16xi32>, vector<16xi32>], vector<16xf32>,
          %mul3A_239 = arith.constant 16 : i32
          %mul3A_240 = arith.muli %scan3A_98, %mul3A_239 : i32
          %swap3A_241 = arith.constant 15 : i32
          %swap3A_242 = arith.index_cast %swap3A_241 : i32 to index
          %swap3A_243 = arith.index_cast %mul3A_240 : i32 to index
          %swap3A_244 = tpu.vector_load %arg9[%swap3A_242, %swap3A_243] {strides = array<i32>} : memref<16x256xf32, #tpu.memory_space<vmem>>, vector<16xf32>,
          tpu.vector_store %arg9[%swap3A_242, %swap3A_243], %gather3A_238 {strides = array<i32>} : memref<16x256xf32, #tpu.memory_space<vmem>>, vector<16xf32>,
          %scan3A_245 = arith.constant 0 : i32
          scf.yield %scan3A_245 : i32
        }
        %scan3A_92 = arith.constant 16 : i32
        %mul3A_93 = arith.constant 256 : i32
        %mul3A_94 = arith.muli %add3A_52, %mul3A_93 : i32
        %dma_start3A = arith.constant 0 : i32
        %dma_start3A_95 = tpu.memref_slice %arg5[%dma_start3A, %mul3A_94] : memref<16x320000xf32, #tpu.memory_space<hbm>> -> memref<16x256xf32, #tpu.memory_space<hbm>>
        %dma_start3A_96 = arith.constant 0 : i32
        %dma_start3A_97 = tpu.memref_slice %arg5[%dma_start3A_96, %mul3A_94] : memref<16x320000xf32, #tpu.memory_space<hbm>> -> memref<16x256xf32, #tpu.memory_space<hbm>>
        tpu.enqueue_dma source(%arg9 : memref<16x256xf32, #tpu.memory_space<vmem>>) target(%dma_start3A_97 : memref<16x256xf32, #tpu.memory_space<hbm>>) target_semaphore(%arg13 : memref<!tpu.dma_semaphore, #tpu.memory_space<semaphore_mem>>)
      } else {
      }
      %scan3A_75 = arith.constant 0 : i32
      scf.yield %scan3A_75 : i32
    }
    %scan3A_31 = arith.constant 20 : i32
    %dma_wait3A_32 = arith.constant 0 : i32
    %dma_wait3A_33 = arith.constant 0 : i32
    %dma_wait3A_34 = tpu.memref_slice %arg5[%dma_wait3A_32, %dma_wait3A_33] : memref<16x320000xf32, #tpu.memory_space<hbm>> -> memref<16x256xf32, #tpu.memory_space<hbm>>
    %dma_wait3A_35 = arith.constant 0 : i32
    %dma_wait3A_36 = arith.constant 0 : i32
    %dma_wait3A_37 = tpu.memref_slice %arg5[%dma_wait3A_35, %dma_wait3A_36] : memref<16x320000xf32, #tpu.memory_space<hbm>> -> memref<16x256xf32, #tpu.memory_space<hbm>>
    tpu.wait_dma2 semaphore(%arg12 : memref<!tpu.dma_semaphore, #tpu.memory_space<semaphore_mem>>) src(%arg8 : memref<16x256xf32, #tpu.memory_space<vmem>>) dst(%dma_wait3A_37 : memref<16x256xf32, #tpu.memory_space<hbm>>)
    %dma_wait3A_38 = arith.constant 0 : i32
    %dma_wait3A_39 = arith.constant 0 : i32
    %dma_wait3A_40 = tpu.memref_slice %arg5[%dma_wait3A_38, %dma_wait3A_39] : memref<16x320000xf32, #tpu.memory_space<hbm>> -> memref<16x256xf32, #tpu.memory_space<hbm>>
    %dma_wait3A_41 = arith.constant 0 : i32
    %dma_wait3A_42 = arith.constant 0 : i32
    %dma_wait3A_43 = tpu.memref_slice %arg5[%dma_wait3A_41, %dma_wait3A_42] : memref<16x320000xf32, #tpu.memory_space<hbm>> -> memref<16x256xf32, #tpu.memory_space<hbm>>
    tpu.wait_dma2 semaphore(%arg13 : memref<!tpu.dma_semaphore, #tpu.memory_space<semaphore_mem>>) src(%arg9 : memref<16x256xf32, #tpu.memory_space<vmem>>) dst(%dma_wait3A_43 : memref<16x256xf32, #tpu.memory_space<hbm>>)
    return
  }
}

#map = affine_map<(d0, d1) -> (0, 0)>
module attributes {stable_mosaic.version = 14 : i64} {
  func.func @_unique_kernel(%arg0: i32, %arg1: i32, %arg2: memref<2560x128xi32, #tpu.memory_space<hbm>>, %arg3: memref<80x128xi32, #tpu.memory_space<hbm>>, %arg4: memref<80x128xi32, #tpu.memory_space<vmem>>, %arg5: memref<160x128xi32, #tpu.memory_space<vmem>>, %arg6: memref<16x8x128xi32, #tpu.memory_space<vmem>>, %arg7: memref<80x128xi32, #tpu.memory_space<vmem>>, %arg8: memref<16x80x128xi32, #tpu.memory_space<vmem_shared>>, %arg9: memref<!tpu.dma_semaphore, #tpu.memory_space<semaphore_mem>>) attributes {dimension_semantics = [#tpu.dimension_semantics<core_parallel>, #tpu.dimension_semantics<subcore_parallel>], iteration_bounds = array<i64: 2, 16>, scalar_prefetch = 0 : i64, scratch_operands = 6 : i64, tpu.core_type = #tpu.core_type<sc_vector_subcore>, window_params = [{transform_indices = #map}, {transform_indices = #map}]} {
    %broadcast_in_dim3A = arith.constant 0 : i32
    %broadcast_in_dim3A_0 = vector.broadcast %broadcast_in_dim3A : i32 to vector<16xi32>
    %broadcast_in_dim3A_1 = arith.constant 1 : i32
    %broadcast_in_dim3A_2 = vector.broadcast %broadcast_in_dim3A_1 : i32 to vector<16xi32>
    %iota3A = tpu.iota {dimensions = array<i32: 0>} : vector<16xi32>
    %eq3A = arith.constant 0 : i32
    %eq3A_3 = arith.cmpi eq, %arg0, %eq3A : i32
    %convert_element_type3A = arith.extui %eq3A_3 : i1 to i32
    %cond3A = arith.constant 0 : i32
    %cond3A_4 = arith.cmpi ne, %convert_element_type3A, %cond3A : i32
    scf.if %cond3A_4 {
      %scan3A = arith.constant 0 : i32
      %scan3A_12 = arith.constant 0 : i32
      %scan3A_13 = arith.constant 80 : i32
      %scan3A_14 = arith.addi %scan3A_12, %scan3A_13 : i32
      %scan3A_15 = arith.constant 1 : i32
      %scan3A_16 = scf.for %scan3A_26 = %scan3A_12 to %scan3A_14 step %scan3A_15 iter_args(%scan3A_27 = %scan3A) -> (i32)  : i32 {
        %swap3A = arith.index_cast %scan3A_26 : i32 to index
        %swap3A_28 = arith.constant 0 : index
        %swap3A_29 = tpu.vector_load %arg4[%swap3A, %swap3A_28] {strides = array<i32>} : memref<80x128xi32, #tpu.memory_space<vmem>>, vector<16xi32>,
        tpu.vector_store %arg4[%swap3A, %swap3A_28], %broadcast_in_dim3A_0 {strides = array<i32>} : memref<80x128xi32, #tpu.memory_space<vmem>>, vector<16xi32>,
        %swap3A_30 = arith.index_cast %scan3A_26 : i32 to index
        %swap3A_31 = arith.constant 16 : index
        %swap3A_32 = tpu.vector_load %arg4[%swap3A_30, %swap3A_31] {strides = array<i32>} : memref<80x128xi32, #tpu.memory_space<vmem>>, vector<16xi32>,
        tpu.vector_store %arg4[%swap3A_30, %swap3A_31], %broadcast_in_dim3A_0 {strides = array<i32>} : memref<80x128xi32, #tpu.memory_space<vmem>>, vector<16xi32>,
        %swap3A_33 = arith.index_cast %scan3A_26 : i32 to index
        %swap3A_34 = arith.constant 32 : index
        %swap3A_35 = tpu.vector_load %arg4[%swap3A_33, %swap3A_34] {strides = array<i32>} : memref<80x128xi32, #tpu.memory_space<vmem>>, vector<16xi32>,
        tpu.vector_store %arg4[%swap3A_33, %swap3A_34], %broadcast_in_dim3A_0 {strides = array<i32>} : memref<80x128xi32, #tpu.memory_space<vmem>>, vector<16xi32>,
        %swap3A_36 = arith.index_cast %scan3A_26 : i32 to index
        %swap3A_37 = arith.constant 48 : index
        %swap3A_38 = tpu.vector_load %arg4[%swap3A_36, %swap3A_37] {strides = array<i32>} : memref<80x128xi32, #tpu.memory_space<vmem>>, vector<16xi32>,
        tpu.vector_store %arg4[%swap3A_36, %swap3A_37], %broadcast_in_dim3A_0 {strides = array<i32>} : memref<80x128xi32, #tpu.memory_space<vmem>>, vector<16xi32>,
        %swap3A_39 = arith.index_cast %scan3A_26 : i32 to index
        %swap3A_40 = arith.constant 64 : index
        %swap3A_41 = tpu.vector_load %arg4[%swap3A_39, %swap3A_40] {strides = array<i32>} : memref<80x128xi32, #tpu.memory_space<vmem>>, vector<16xi32>,
        tpu.vector_store %arg4[%swap3A_39, %swap3A_40], %broadcast_in_dim3A_0 {strides = array<i32>} : memref<80x128xi32, #tpu.memory_space<vmem>>, vector<16xi32>,
        %swap3A_42 = arith.index_cast %scan3A_26 : i32 to index
        %swap3A_43 = arith.constant 80 : index
        %swap3A_44 = tpu.vector_load %arg4[%swap3A_42, %swap3A_43] {strides = array<i32>} : memref<80x128xi32, #tpu.memory_space<vmem>>, vector<16xi32>,
        tpu.vector_store %arg4[%swap3A_42, %swap3A_43], %broadcast_in_dim3A_0 {strides = array<i32>} : memref<80x128xi32, #tpu.memory_space<vmem>>, vector<16xi32>,
        %swap3A_45 = arith.index_cast %scan3A_26 : i32 to index
        %swap3A_46 = arith.constant 96 : index
        %swap3A_47 = tpu.vector_load %arg4[%swap3A_45, %swap3A_46] {strides = array<i32>} : memref<80x128xi32, #tpu.memory_space<vmem>>, vector<16xi32>,
        tpu.vector_store %arg4[%swap3A_45, %swap3A_46], %broadcast_in_dim3A_0 {strides = array<i32>} : memref<80x128xi32, #tpu.memory_space<vmem>>, vector<16xi32>,
        %swap3A_48 = arith.index_cast %scan3A_26 : i32 to index
        %swap3A_49 = arith.constant 112 : index
        %swap3A_50 = tpu.vector_load %arg4[%swap3A_48, %swap3A_49] {strides = array<i32>} : memref<80x128xi32, #tpu.memory_space<vmem>>, vector<16xi32>,
        tpu.vector_store %arg4[%swap3A_48, %swap3A_49], %broadcast_in_dim3A_0 {strides = array<i32>} : memref<80x128xi32, #tpu.memory_space<vmem>>, vector<16xi32>,
        %scan3A_51 = arith.constant 0 : i32
        scf.yield %scan3A_51 : i32
      }
      %scan3A_17 = arith.constant 80 : i32
      %mul3A = arith.constant 160 : i32
      %mul3A_18 = arith.muli %arg1, %mul3A : i32
      "tpu.region"() ({
        %run_scoped3A = tpu.sem_alloc : memref<!tpu.dma_semaphore, #tpu.memory_space<semaphore_mem>>
        %dma_start3A = arith.constant 0 : i32
        %dma_start3A_26 = tpu.memref_slice %arg2[%mul3A_18, %dma_start3A] : memref<2560x128xi32, #tpu.memory_space<hbm>> -> memref<160x128xi32, #tpu.memory_space<hbm>>
        %dma_start3A_27 = arith.constant 0 : i32
        %dma_start3A_28 = tpu.memref_slice %arg2[%mul3A_18, %dma_start3A_27] : memref<2560x128xi32, #tpu.memory_space<hbm>> -> memref<160x128xi32, #tpu.memory_space<hbm>>
        tpu.enqueue_dma source(%dma_start3A_28 : memref<160x128xi32, #tpu.memory_space<hbm>>) target(%arg5 : memref<160x128xi32, #tpu.memory_space<vmem>>) target_semaphore(%run_scoped3A : memref<!tpu.dma_semaphore, #tpu.memory_space<semaphore_mem>>)
        %dma_wait3A = arith.constant 0 : i32
        %dma_wait3A_29 = tpu.memref_slice %arg2[%mul3A_18, %dma_wait3A] : memref<2560x128xi32, #tpu.memory_space<hbm>> -> memref<160x128xi32, #tpu.memory_space<hbm>>
        %dma_wait3A_30 = arith.constant 0 : i32
        %dma_wait3A_31 = tpu.memref_slice %arg2[%mul3A_18, %dma_wait3A_30] : memref<2560x128xi32, #tpu.memory_space<hbm>> -> memref<160x128xi32, #tpu.memory_space<hbm>>
        tpu.wait_dma2 semaphore(%run_scoped3A : memref<!tpu.dma_semaphore, #tpu.memory_space<semaphore_mem>>) src(%dma_wait3A_31 : memref<160x128xi32, #tpu.memory_space<hbm>>) dst(%arg5 : memref<160x128xi32, #tpu.memory_space<vmem>>)
        tpu.yield
      }) : () -> ()
      %scan3A_19 = arith.constant 0 : i32
      %scan3A_20 = arith.constant 0 : i32
      %scan3A_21 = arith.constant 160 : i32
      %scan3A_22 = arith.addi %scan3A_20, %scan3A_21 : i32
      %scan3A_23 = arith.constant 1 : i32
      %scan3A_24 = scf.for %scan3A_26 = %scan3A_20 to %scan3A_22 step %scan3A_23 iter_args(%scan3A_27 = %scan3A_19) -> (i32)  : i32 {
        %get3A = arith.index_cast %scan3A_26 : i32 to index
        %get3A_28 = arith.constant 0 : index
        %get3A_29 = tpu.vector_load %arg5[%get3A, %get3A_28] {strides = array<i32>} : memref<160x128xi32, #tpu.memory_space<vmem>>, vector<16xi32>,
        %shift_right_arithmetic3A = arith.constant 7 : i32
        %shift_right_arithmetic3A_30 = vector.broadcast %shift_right_arithmetic3A : i32 to vector<16xi32>
        %shift_right_arithmetic3A_31 = arith.shrsi %get3A_29, %shift_right_arithmetic3A_30 : vector<16xi32>
        %and3A_32 = arith.constant 127 : i32
        %and3A_33 = vector.broadcast %and3A_32 : i32 to vector<16xi32>
        %and3A_34 = arith.andi %get3A_29, %and3A_33 : vector<16xi32>
        tpu.vector_store_idx %arg4[%shift_right_arithmetic3A_31, %and3A_34], %broadcast_in_dim3A_2 : memref<80x128xi32, #tpu.memory_space<vmem>>[vector<16xi32>, vector<16xi32>], vector<16xi32>,
        %get3A_35 = arith.index_cast %scan3A_26 : i32 to index
        %get3A_36 = arith.constant 16 : index
        %get3A_37 = tpu.vector_load %arg5[%get3A_35, %get3A_36] {strides = array<i32>} : memref<160x128xi32, #tpu.memory_space<vmem>>, vector<16xi32>,
        %shift_right_arithmetic3A_38 = arith.constant 7 : i32
        %shift_right_arithmetic3A_39 = vector.broadcast %shift_right_arithmetic3A_38 : i32 to vector<16xi32>
        %shift_right_arithmetic3A_40 = arith.shrsi %get3A_37, %shift_right_arithmetic3A_39 : vector<16xi32>
        %and3A_41 = arith.constant 127 : i32
        %and3A_42 = vector.broadcast %and3A_41 : i32 to vector<16xi32>
        %and3A_43 = arith.andi %get3A_37, %and3A_42 : vector<16xi32>
        tpu.vector_store_idx %arg4[%shift_right_arithmetic3A_40, %and3A_43], %broadcast_in_dim3A_2 : memref<80x128xi32, #tpu.memory_space<vmem>>[vector<16xi32>, vector<16xi32>], vector<16xi32>,
        %get3A_44 = arith.index_cast %scan3A_26 : i32 to index
        %get3A_45 = arith.constant 32 : index
        %get3A_46 = tpu.vector_load %arg5[%get3A_44, %get3A_45] {strides = array<i32>} : memref<160x128xi32, #tpu.memory_space<vmem>>, vector<16xi32>,
        %shift_right_arithmetic3A_47 = arith.constant 7 : i32
        %shift_right_arithmetic3A_48 = vector.broadcast %shift_right_arithmetic3A_47 : i32 to vector<16xi32>
        %shift_right_arithmetic3A_49 = arith.shrsi %get3A_46, %shift_right_arithmetic3A_48 : vector<16xi32>
        %and3A_50 = arith.constant 127 : i32
        %and3A_51 = vector.broadcast %and3A_50 : i32 to vector<16xi32>
        %and3A_52 = arith.andi %get3A_46, %and3A_51 : vector<16xi32>
        tpu.vector_store_idx %arg4[%shift_right_arithmetic3A_49, %and3A_52], %broadcast_in_dim3A_2 : memref<80x128xi32, #tpu.memory_space<vmem>>[vector<16xi32>, vector<16xi32>], vector<16xi32>,
        %get3A_53 = arith.index_cast %scan3A_26 : i32 to index
        %get3A_54 = arith.constant 48 : index
        %get3A_55 = tpu.vector_load %arg5[%get3A_53, %get3A_54] {strides = array<i32>} : memref<160x128xi32, #tpu.memory_space<vmem>>, vector<16xi32>,
        %shift_right_arithmetic3A_56 = arith.constant 7 : i32
        %shift_right_arithmetic3A_57 = vector.broadcast %shift_right_arithmetic3A_56 : i32 to vector<16xi32>
        %shift_right_arithmetic3A_58 = arith.shrsi %get3A_55, %shift_right_arithmetic3A_57 : vector<16xi32>
        %and3A_59 = arith.constant 127 : i32
        %and3A_60 = vector.broadcast %and3A_59 : i32 to vector<16xi32>
        %and3A_61 = arith.andi %get3A_55, %and3A_60 : vector<16xi32>
        tpu.vector_store_idx %arg4[%shift_right_arithmetic3A_58, %and3A_61], %broadcast_in_dim3A_2 : memref<80x128xi32, #tpu.memory_space<vmem>>[vector<16xi32>, vector<16xi32>], vector<16xi32>,
        %get3A_62 = arith.index_cast %scan3A_26 : i32 to index
        %get3A_63 = arith.constant 64 : index
        %get3A_64 = tpu.vector_load %arg5[%get3A_62, %get3A_63] {strides = array<i32>} : memref<160x128xi32, #tpu.memory_space<vmem>>, vector<16xi32>,
        %shift_right_arithmetic3A_65 = arith.constant 7 : i32
        %shift_right_arithmetic3A_66 = vector.broadcast %shift_right_arithmetic3A_65 : i32 to vector<16xi32>
        %shift_right_arithmetic3A_67 = arith.shrsi %get3A_64, %shift_right_arithmetic3A_66 : vector<16xi32>
        %and3A_68 = arith.constant 127 : i32
        %and3A_69 = vector.broadcast %and3A_68 : i32 to vector<16xi32>
        %and3A_70 = arith.andi %get3A_64, %and3A_69 : vector<16xi32>
        tpu.vector_store_idx %arg4[%shift_right_arithmetic3A_67, %and3A_70], %broadcast_in_dim3A_2 : memref<80x128xi32, #tpu.memory_space<vmem>>[vector<16xi32>, vector<16xi32>], vector<16xi32>,
        %get3A_71 = arith.index_cast %scan3A_26 : i32 to index
        %get3A_72 = arith.constant 80 : index
        %get3A_73 = tpu.vector_load %arg5[%get3A_71, %get3A_72] {strides = array<i32>} : memref<160x128xi32, #tpu.memory_space<vmem>>, vector<16xi32>,
        %shift_right_arithmetic3A_74 = arith.constant 7 : i32
        %shift_right_arithmetic3A_75 = vector.broadcast %shift_right_arithmetic3A_74 : i32 to vector<16xi32>
        %shift_right_arithmetic3A_76 = arith.shrsi %get3A_73, %shift_right_arithmetic3A_75 : vector<16xi32>
        %and3A_77 = arith.constant 127 : i32
        %and3A_78 = vector.broadcast %and3A_77 : i32 to vector<16xi32>
        %and3A_79 = arith.andi %get3A_73, %and3A_78 : vector<16xi32>
        tpu.vector_store_idx %arg4[%shift_right_arithmetic3A_76, %and3A_79], %broadcast_in_dim3A_2 : memref<80x128xi32, #tpu.memory_space<vmem>>[vector<16xi32>, vector<16xi32>], vector<16xi32>,
        %get3A_80 = arith.index_cast %scan3A_26 : i32 to index
        %get3A_81 = arith.constant 96 : index
        %get3A_82 = tpu.vector_load %arg5[%get3A_80, %get3A_81] {strides = array<i32>} : memref<160x128xi32, #tpu.memory_space<vmem>>, vector<16xi32>,
        %shift_right_arithmetic3A_83 = arith.constant 7 : i32
        %shift_right_arithmetic3A_84 = vector.broadcast %shift_right_arithmetic3A_83 : i32 to vector<16xi32>
        %shift_right_arithmetic3A_85 = arith.shrsi %get3A_82, %shift_right_arithmetic3A_84 : vector<16xi32>
        %and3A_86 = arith.constant 127 : i32
        %and3A_87 = vector.broadcast %and3A_86 : i32 to vector<16xi32>
        %and3A_88 = arith.andi %get3A_82, %and3A_87 : vector<16xi32>
        tpu.vector_store_idx %arg4[%shift_right_arithmetic3A_85, %and3A_88], %broadcast_in_dim3A_2 : memref<80x128xi32, #tpu.memory_space<vmem>>[vector<16xi32>, vector<16xi32>], vector<16xi32>,
        %get3A_89 = arith.index_cast %scan3A_26 : i32 to index
        %get3A_90 = arith.constant 112 : index
        %get3A_91 = tpu.vector_load %arg5[%get3A_89, %get3A_90] {strides = array<i32>} : memref<160x128xi32, #tpu.memory_space<vmem>>, vector<16xi32>,
        %shift_right_arithmetic3A_92 = arith.constant 7 : i32
        %shift_right_arithmetic3A_93 = vector.broadcast %shift_right_arithmetic3A_92 : i32 to vector<16xi32>
        %shift_right_arithmetic3A_94 = arith.shrsi %get3A_91, %shift_right_arithmetic3A_93 : vector<16xi32>
        %and3A_95 = arith.constant 127 : i32
        %and3A_96 = vector.broadcast %and3A_95 : i32 to vector<16xi32>
        %and3A_97 = arith.andi %get3A_91, %and3A_96 : vector<16xi32>
        tpu.vector_store_idx %arg4[%shift_right_arithmetic3A_94, %and3A_97], %broadcast_in_dim3A_2 : memref<80x128xi32, #tpu.memory_space<vmem>>[vector<16xi32>, vector<16xi32>], vector<16xi32>,
        %scan3A_98 = arith.constant 0 : i32
        scf.yield %scan3A_98 : i32
      }
      %scan3A_25 = arith.constant 160 : i32
      "tpu.region"() ({
        %run_scoped3A = tpu.sem_alloc : memref<!tpu.dma_semaphore, #tpu.memory_space<semaphore_mem>>
        %dma_start3A = arith.constant 0 : i32
        %dma_start3A_26 = arith.constant 0 : i32
        %dma_start3A_27 = tpu.memref_slice %arg8[%arg1, %dma_start3A, %dma_start3A_26] : memref<16x80x128xi32, #tpu.memory_space<vmem_shared>> -> memref<1x80x128xi32, #tpu.memory_space<vmem_shared>>
        %dma_start3A_28 = tpu.memref_squeeze %dma_start3A_27 : memref<1x80x128xi32, #tpu.memory_space<vmem_shared>> -> memref<80x128xi32, #tpu.memory_space<vmem_shared>>
        %dma_start3A_29 = arith.constant 0 : i32
        %dma_start3A_30 = arith.constant 0 : i32
        %dma_start3A_31 = tpu.memref_slice %arg8[%arg1, %dma_start3A_29, %dma_start3A_30] : memref<16x80x128xi32, #tpu.memory_space<vmem_shared>> -> memref<1x80x128xi32, #tpu.memory_space<vmem_shared>>
        %dma_start3A_32 = tpu.memref_squeeze %dma_start3A_31 : memref<1x80x128xi32, #tpu.memory_space<vmem_shared>> -> memref<80x128xi32, #tpu.memory_space<vmem_shared>>
        tpu.enqueue_dma source(%arg4 : memref<80x128xi32, #tpu.memory_space<vmem>>) target(%dma_start3A_32 : memref<80x128xi32, #tpu.memory_space<vmem_shared>>) target_semaphore(%run_scoped3A : memref<!tpu.dma_semaphore, #tpu.memory_space<semaphore_mem>>)
        %dma_wait3A = arith.constant 0 : i32
        %dma_wait3A_33 = arith.constant 0 : i32
        %dma_wait3A_34 = tpu.memref_slice %arg8[%arg1, %dma_wait3A, %dma_wait3A_33] : memref<16x80x128xi32, #tpu.memory_space<vmem_shared>> -> memref<1x80x128xi32, #tpu.memory_space<vmem_shared>>
        %dma_wait3A_35 = tpu.memref_squeeze %dma_wait3A_34 : memref<1x80x128xi32, #tpu.memory_space<vmem_shared>> -> memref<80x128xi32, #tpu.memory_space<vmem_shared>>
        %dma_wait3A_36 = arith.constant 0 : i32
        %dma_wait3A_37 = arith.constant 0 : i32
        %dma_wait3A_38 = tpu.memref_slice %arg8[%arg1, %dma_wait3A_36, %dma_wait3A_37] : memref<16x80x128xi32, #tpu.memory_space<vmem_shared>> -> memref<1x80x128xi32, #tpu.memory_space<vmem_shared>>
        %dma_wait3A_39 = tpu.memref_squeeze %dma_wait3A_38 : memref<1x80x128xi32, #tpu.memory_space<vmem_shared>> -> memref<80x128xi32, #tpu.memory_space<vmem_shared>>
        tpu.wait_dma2 semaphore(%run_scoped3A : memref<!tpu.dma_semaphore, #tpu.memory_space<semaphore_mem>>) src(%arg4 : memref<80x128xi32, #tpu.memory_space<vmem>>) dst(%dma_wait3A_39 : memref<80x128xi32, #tpu.memory_space<vmem_shared>>)
        tpu.yield
      }) : () -> ()
    } else {
    }
    %barrier3A = arith.constant 0 : index
    tpu.barrier barrier_id(%barrier3A)
    %eq3A_5 = arith.constant 0 : i32
    %eq3A_6 = arith.cmpi eq, %arg0, %eq3A_5 : i32
    %eq3A_7 = arith.constant 0 : i32
    %eq3A_8 = arith.cmpi eq, %arg1, %eq3A_7 : i32
    %and3A = arith.andi %eq3A_6, %eq3A_8 : i1
    %convert_element_type3A_9 = arith.extui %and3A : i1 to i32
    %cond3A_10 = arith.constant 0 : i32
    %cond3A_11 = arith.cmpi ne, %convert_element_type3A_9, %cond3A_10 : i32
    scf.if %cond3A_11 {
      %scan3A = arith.constant 0 : i32
      %scan3A_12 = arith.constant 0 : i32
      %scan3A_13 = arith.constant 80 : i32
      %scan3A_14 = arith.addi %scan3A_12, %scan3A_13 : i32
      %scan3A_15 = arith.constant 1 : i32
      %scan3A_16 = scf.for %scan3A_25 = %scan3A_12 to %scan3A_14 step %scan3A_15 iter_args(%scan3A_26 = %scan3A) -> (i32)  : i32 {
        %swap3A = arith.index_cast %scan3A_25 : i32 to index
        %swap3A_27 = arith.constant 0 : index
        %swap3A_28 = tpu.vector_load %arg7[%swap3A, %swap3A_27] {strides = array<i32>} : memref<80x128xi32, #tpu.memory_space<vmem>>, vector<16xi32>,
        tpu.vector_store %arg7[%swap3A, %swap3A_27], %broadcast_in_dim3A_0 {strides = array<i32>} : memref<80x128xi32, #tpu.memory_space<vmem>>, vector<16xi32>,
        %swap3A_29 = arith.index_cast %scan3A_25 : i32 to index
        %swap3A_30 = arith.constant 16 : index
        %swap3A_31 = tpu.vector_load %arg7[%swap3A_29, %swap3A_30] {strides = array<i32>} : memref<80x128xi32, #tpu.memory_space<vmem>>, vector<16xi32>,
        tpu.vector_store %arg7[%swap3A_29, %swap3A_30], %broadcast_in_dim3A_0 {strides = array<i32>} : memref<80x128xi32, #tpu.memory_space<vmem>>, vector<16xi32>,
        %swap3A_32 = arith.index_cast %scan3A_25 : i32 to index
        %swap3A_33 = arith.constant 32 : index
        %swap3A_34 = tpu.vector_load %arg7[%swap3A_32, %swap3A_33] {strides = array<i32>} : memref<80x128xi32, #tpu.memory_space<vmem>>, vector<16xi32>,
        tpu.vector_store %arg7[%swap3A_32, %swap3A_33], %broadcast_in_dim3A_0 {strides = array<i32>} : memref<80x128xi32, #tpu.memory_space<vmem>>, vector<16xi32>,
        %swap3A_35 = arith.index_cast %scan3A_25 : i32 to index
        %swap3A_36 = arith.constant 48 : index
        %swap3A_37 = tpu.vector_load %arg7[%swap3A_35, %swap3A_36] {strides = array<i32>} : memref<80x128xi32, #tpu.memory_space<vmem>>, vector<16xi32>,
        tpu.vector_store %arg7[%swap3A_35, %swap3A_36], %broadcast_in_dim3A_0 {strides = array<i32>} : memref<80x128xi32, #tpu.memory_space<vmem>>, vector<16xi32>,
        %swap3A_38 = arith.index_cast %scan3A_25 : i32 to index
        %swap3A_39 = arith.constant 64 : index
        %swap3A_40 = tpu.vector_load %arg7[%swap3A_38, %swap3A_39] {strides = array<i32>} : memref<80x128xi32, #tpu.memory_space<vmem>>, vector<16xi32>,
        tpu.vector_store %arg7[%swap3A_38, %swap3A_39], %broadcast_in_dim3A_0 {strides = array<i32>} : memref<80x128xi32, #tpu.memory_space<vmem>>, vector<16xi32>,
        %swap3A_41 = arith.index_cast %scan3A_25 : i32 to index
        %swap3A_42 = arith.constant 80 : index
        %swap3A_43 = tpu.vector_load %arg7[%swap3A_41, %swap3A_42] {strides = array<i32>} : memref<80x128xi32, #tpu.memory_space<vmem>>, vector<16xi32>,
        tpu.vector_store %arg7[%swap3A_41, %swap3A_42], %broadcast_in_dim3A_0 {strides = array<i32>} : memref<80x128xi32, #tpu.memory_space<vmem>>, vector<16xi32>,
        %swap3A_44 = arith.index_cast %scan3A_25 : i32 to index
        %swap3A_45 = arith.constant 96 : index
        %swap3A_46 = tpu.vector_load %arg7[%swap3A_44, %swap3A_45] {strides = array<i32>} : memref<80x128xi32, #tpu.memory_space<vmem>>, vector<16xi32>,
        tpu.vector_store %arg7[%swap3A_44, %swap3A_45], %broadcast_in_dim3A_0 {strides = array<i32>} : memref<80x128xi32, #tpu.memory_space<vmem>>, vector<16xi32>,
        %swap3A_47 = arith.index_cast %scan3A_25 : i32 to index
        %swap3A_48 = arith.constant 112 : index
        %swap3A_49 = tpu.vector_load %arg7[%swap3A_47, %swap3A_48] {strides = array<i32>} : memref<80x128xi32, #tpu.memory_space<vmem>>, vector<16xi32>,
        tpu.vector_store %arg7[%swap3A_47, %swap3A_48], %broadcast_in_dim3A_0 {strides = array<i32>} : memref<80x128xi32, #tpu.memory_space<vmem>>, vector<16xi32>,
        %scan3A_50 = arith.constant 0 : i32
        scf.yield %scan3A_50 : i32
      }
      %scan3A_17 = arith.constant 80 : i32
      %scan3A_18 = arith.constant 0 : i32
      %scan3A_19 = arith.constant 0 : i32
      %scan3A_20 = arith.constant 10 : i32
      %scan3A_21 = arith.addi %scan3A_19, %scan3A_20 : i32
      %scan3A_22 = arith.constant 1 : i32
      %scan3A_23 = scf.for %scan3A_25 = %scan3A_19 to %scan3A_21 step %scan3A_22 iter_args(%scan3A_26 = %scan3A_18) -> (i32)  : i32 {
        %mul3A = arith.constant 8 : i32
        %mul3A_27 = arith.muli %scan3A_25, %mul3A : i32
        %dma_start3A = arith.constant 0 : i32
        %dma_start3A_28 = arith.constant 0 : i32
        %dma_start3A_29 = arith.constant 0 : i32
        %dma_start3A_30 = arith.constant 0 : i32
        %dma_start3A_31 = tpu.memref_slice %arg6[%dma_start3A_28, %dma_start3A_29, %dma_start3A_30] : memref<16x8x128xi32, #tpu.memory_space<vmem>> -> memref<1x8x128xi32, #tpu.memory_space<vmem>>
        %dma_start3A_32 = tpu.memref_squeeze %dma_start3A_31 : memref<1x8x128xi32, #tpu.memory_space<vmem>> -> memref<8x128xi32, #tpu.memory_space<vmem>>
        %dma_start3A_33 = arith.constant 0 : i32
        %dma_start3A_34 = arith.constant 0 : i32
        %dma_start3A_35 = tpu.memref_slice %arg8[%dma_start3A, %dma_start3A_33, %dma_start3A_34] : memref<16x80x128xi32, #tpu.memory_space<vmem_shared>> -> memref<1x80x128xi32, #tpu.memory_space<vmem_shared>>
        %dma_start3A_36 = tpu.memref_squeeze %dma_start3A_35 : memref<1x80x128xi32, #tpu.memory_space<vmem_shared>> -> memref<80x128xi32, #tpu.memory_space<vmem_shared>>
        %dma_start3A_37 = arith.constant 0 : i32
        %dma_start3A_38 = tpu.memref_slice %dma_start3A_36[%mul3A_27, %dma_start3A_37] : memref<80x128xi32, #tpu.memory_space<vmem_shared>> -> memref<8x128xi32, #tpu.memory_space<vmem_shared>>
        %dma_start3A_39 = arith.constant 0 : i32
        %dma_start3A_40 = arith.constant 0 : i32
        %dma_start3A_41 = tpu.memref_slice %arg6[%dma_start3A_28, %dma_start3A_39, %dma_start3A_40] : memref<16x8x128xi32, #tpu.memory_space<vmem>> -> memref<1x8x128xi32, #tpu.memory_space<vmem>>
        %dma_start3A_42 = tpu.memref_squeeze %dma_start3A_41 : memref<1x8x128xi32, #tpu.memory_space<vmem>> -> memref<8x128xi32, #tpu.memory_space<vmem>>
        %dma_start3A_43 = arith.constant 0 : i32
        %dma_start3A_44 = arith.constant 0 : i32
        %dma_start3A_45 = tpu.memref_slice %arg8[%dma_start3A, %dma_start3A_43, %dma_start3A_44] : memref<16x80x128xi32, #tpu.memory_space<vmem_shared>> -> memref<1x80x128xi32, #tpu.memory_space<vmem_shared>>
        %dma_start3A_46 = tpu.memref_squeeze %dma_start3A_45 : memref<1x80x128xi32, #tpu.memory_space<vmem_shared>> -> memref<80x128xi32, #tpu.memory_space<vmem_shared>>
        %dma_start3A_47 = arith.constant 0 : i32
        %dma_start3A_48 = tpu.memref_slice %dma_start3A_46[%mul3A_27, %dma_start3A_47] : memref<80x128xi32, #tpu.memory_space<vmem_shared>> -> memref<8x128xi32, #tpu.memory_space<vmem_shared>>
        tpu.enqueue_dma source(%dma_start3A_48 : memref<8x128xi32, #tpu.memory_space<vmem_shared>>) target(%dma_start3A_42 : memref<8x128xi32, #tpu.memory_space<vmem>>) target_semaphore(%arg9 : memref<!tpu.dma_semaphore, #tpu.memory_space<semaphore_mem>>)
        %mul3A_49 = arith.constant 8 : i32
        %mul3A_50 = arith.muli %scan3A_25, %mul3A_49 : i32
        %dma_start3A_51 = arith.constant 1 : i32
        %dma_start3A_52 = arith.constant 1 : i32
        %dma_start3A_53 = arith.constant 0 : i32
        %dma_start3A_54 = arith.constant 0 : i32
        %dma_start3A_55 = tpu.memref_slice %arg6[%dma_start3A_52, %dma_start3A_53, %dma_start3A_54] : memref<16x8x128xi32, #tpu.memory_space<vmem>> -> memref<1x8x128xi32, #tpu.memory_space<vmem>>
        %dma_start3A_56 = tpu.memref_squeeze %dma_start3A_55 : memref<1x8x128xi32, #tpu.memory_space<vmem>> -> memref<8x128xi32, #tpu.memory_space<vmem>>
        %dma_start3A_57 = arith.constant 0 : i32
        %dma_start3A_58 = arith.constant 0 : i32
        %dma_start3A_59 = tpu.memref_slice %arg8[%dma_start3A_51, %dma_start3A_57, %dma_start3A_58] : memref<16x80x128xi32, #tpu.memory_space<vmem_shared>> -> memref<1x80x128xi32, #tpu.memory_space<vmem_shared>>
        %dma_start3A_60 = tpu.memref_squeeze %dma_start3A_59 : memref<1x80x128xi32, #tpu.memory_space<vmem_shared>> -> memref<80x128xi32, #tpu.memory_space<vmem_shared>>
        %dma_start3A_61 = arith.constant 0 : i32
        %dma_start3A_62 = tpu.memref_slice %dma_start3A_60[%mul3A_50, %dma_start3A_61] : memref<80x128xi32, #tpu.memory_space<vmem_shared>> -> memref<8x128xi32, #tpu.memory_space<vmem_shared>>
        %dma_start3A_63 = arith.constant 0 : i32
        %dma_start3A_64 = arith.constant 0 : i32
        %dma_start3A_65 = tpu.memref_slice %arg6[%dma_start3A_52, %dma_start3A_63, %dma_start3A_64] : memref<16x8x128xi32, #tpu.memory_space<vmem>> -> memref<1x8x128xi32, #tpu.memory_space<vmem>>
        %dma_start3A_66 = tpu.memref_squeeze %dma_start3A_65 : memref<1x8x128xi32, #tpu.memory_space<vmem>> -> memref<8x128xi32, #tpu.memory_space<vmem>>
        %dma_start3A_67 = arith.constant 0 : i32
        %dma_start3A_68 = arith.constant 0 : i32
        %dma_start3A_69 = tpu.memref_slice %arg8[%dma_start3A_51, %dma_start3A_67, %dma_start3A_68] : memref<16x80x128xi32, #tpu.memory_space<vmem_shared>> -> memref<1x80x128xi32, #tpu.memory_space<vmem_shared>>
        %dma_start3A_70 = tpu.memref_squeeze %dma_start3A_69 : memref<1x80x128xi32, #tpu.memory_space<vmem_shared>> -> memref<80x128xi32, #tpu.memory_space<vmem_shared>>
        %dma_start3A_71 = arith.constant 0 : i32
        %dma_start3A_72 = tpu.memref_slice %dma_start3A_70[%mul3A_50, %dma_start3A_71] : memref<80x128xi32, #tpu.memory_space<vmem_shared>> -> memref<8x128xi32, #tpu.memory_space<vmem_shared>>
        tpu.enqueue_dma source(%dma_start3A_72 : memref<8x128xi32, #tpu.memory_space<vmem_shared>>) target(%dma_start3A_66 : memref<8x128xi32, #tpu.memory_space<vmem>>) target_semaphore(%arg9 : memref<!tpu.dma_semaphore, #tpu.memory_space<semaphore_mem>>)
        %mul3A_73 = arith.constant 8 : i32
        %mul3A_74 = arith.muli %scan3A_25, %mul3A_73 : i32
        %dma_start3A_75 = arith.constant 2 : i32
        %dma_start3A_76 = arith.constant 2 : i32
        %dma_start3A_77 = arith.constant 0 : i32
        %dma_start3A_78 = arith.constant 0 : i32
        %dma_start3A_79 = tpu.memref_slice %arg6[%dma_start3A_76, %dma_start3A_77, %dma_start3A_78] : memref<16x8x128xi32, #tpu.memory_space<vmem>> -> memref<1x8x128xi32, #tpu.memory_space<vmem>>
        %dma_start3A_80 = tpu.memref_squeeze %dma_start3A_79 : memref<1x8x128xi32, #tpu.memory_space<vmem>> -> memref<8x128xi32, #tpu.memory_space<vmem>>
        %dma_start3A_81 = arith.constant 0 : i32
        %dma_start3A_82 = arith.constant 0 : i32
        %dma_start3A_83 = tpu.memref_slice %arg8[%dma_start3A_75, %dma_start3A_81, %dma_start3A_82] : memref<16x80x128xi32, #tpu.memory_space<vmem_shared>> -> memref<1x80x128xi32, #tpu.memory_space<vmem_shared>>
        %dma_start3A_84 = tpu.memref_squeeze %dma_start3A_83 : memref<1x80x128xi32, #tpu.memory_space<vmem_shared>> -> memref<80x128xi32, #tpu.memory_space<vmem_shared>>
        %dma_start3A_85 = arith.constant 0 : i32
        %dma_start3A_86 = tpu.memref_slice %dma_start3A_84[%mul3A_74, %dma_start3A_85] : memref<80x128xi32, #tpu.memory_space<vmem_shared>> -> memref<8x128xi32, #tpu.memory_space<vmem_shared>>
        %dma_start3A_87 = arith.constant 0 : i32
        %dma_start3A_88 = arith.constant 0 : i32
        %dma_start3A_89 = tpu.memref_slice %arg6[%dma_start3A_76, %dma_start3A_87, %dma_start3A_88] : memref<16x8x128xi32, #tpu.memory_space<vmem>> -> memref<1x8x128xi32, #tpu.memory_space<vmem>>
        %dma_start3A_90 = tpu.memref_squeeze %dma_start3A_89 : memref<1x8x128xi32, #tpu.memory_space<vmem>> -> memref<8x128xi32, #tpu.memory_space<vmem>>
        %dma_start3A_91 = arith.constant 0 : i32
        %dma_start3A_92 = arith.constant 0 : i32
        %dma_start3A_93 = tpu.memref_slice %arg8[%dma_start3A_75, %dma_start3A_91, %dma_start3A_92] : memref<16x80x128xi32, #tpu.memory_space<vmem_shared>> -> memref<1x80x128xi32, #tpu.memory_space<vmem_shared>>
        %dma_start3A_94 = tpu.memref_squeeze %dma_start3A_93 : memref<1x80x128xi32, #tpu.memory_space<vmem_shared>> -> memref<80x128xi32, #tpu.memory_space<vmem_shared>>
        %dma_start3A_95 = arith.constant 0 : i32
        %dma_start3A_96 = tpu.memref_slice %dma_start3A_94[%mul3A_74, %dma_start3A_95] : memref<80x128xi32, #tpu.memory_space<vmem_shared>> -> memref<8x128xi32, #tpu.memory_space<vmem_shared>>
        tpu.enqueue_dma source(%dma_start3A_96 : memref<8x128xi32, #tpu.memory_space<vmem_shared>>) target(%dma_start3A_90 : memref<8x128xi32, #tpu.memory_space<vmem>>) target_semaphore(%arg9 : memref<!tpu.dma_semaphore, #tpu.memory_space<semaphore_mem>>)
        %mul3A_97 = arith.constant 8 : i32
        %mul3A_98 = arith.muli %scan3A_25, %mul3A_97 : i32
        %dma_start3A_99 = arith.constant 3 : i32
        %dma_start3A_100 = arith.constant 3 : i32
        %dma_start3A_101 = arith.constant 0 : i32
        %dma_start3A_102 = arith.constant 0 : i32
        %dma_start3A_103 = tpu.memref_slice %arg6[%dma_start3A_100, %dma_start3A_101, %dma_start3A_102] : memref<16x8x128xi32, #tpu.memory_space<vmem>> -> memref<1x8x128xi32, #tpu.memory_space<vmem>>
        %dma_start3A_104 = tpu.memref_squeeze %dma_start3A_103 : memref<1x8x128xi32, #tpu.memory_space<vmem>> -> memref<8x128xi32, #tpu.memory_space<vmem>>
        %dma_start3A_105 = arith.constant 0 : i32
        %dma_start3A_106 = arith.constant 0 : i32
        %dma_start3A_107 = tpu.memref_slice %arg8[%dma_start3A_99, %dma_start3A_105, %dma_start3A_106] : memref<16x80x128xi32, #tpu.memory_space<vmem_shared>> -> memref<1x80x128xi32, #tpu.memory_space<vmem_shared>>
        %dma_start3A_108 = tpu.memref_squeeze %dma_start3A_107 : memref<1x80x128xi32, #tpu.memory_space<vmem_shared>> -> memref<80x128xi32, #tpu.memory_space<vmem_shared>>
        %dma_start3A_109 = arith.constant 0 : i32
        %dma_start3A_110 = tpu.memref_slice %dma_start3A_108[%mul3A_98, %dma_start3A_109] : memref<80x128xi32, #tpu.memory_space<vmem_shared>> -> memref<8x128xi32, #tpu.memory_space<vmem_shared>>
        %dma_start3A_111 = arith.constant 0 : i32
        %dma_start3A_112 = arith.constant 0 : i32
        %dma_start3A_113 = tpu.memref_slice %arg6[%dma_start3A_100, %dma_start3A_111, %dma_start3A_112] : memref<16x8x128xi32, #tpu.memory_space<vmem>> -> memref<1x8x128xi32, #tpu.memory_space<vmem>>
        %dma_start3A_114 = tpu.memref_squeeze %dma_start3A_113 : memref<1x8x128xi32, #tpu.memory_space<vmem>> -> memref<8x128xi32, #tpu.memory_space<vmem>>
        %dma_start3A_115 = arith.constant 0 : i32
        %dma_start3A_116 = arith.constant 0 : i32
        %dma_start3A_117 = tpu.memref_slice %arg8[%dma_start3A_99, %dma_start3A_115, %dma_start3A_116] : memref<16x80x128xi32, #tpu.memory_space<vmem_shared>> -> memref<1x80x128xi32, #tpu.memory_space<vmem_shared>>
        %dma_start3A_118 = tpu.memref_squeeze %dma_start3A_117 : memref<1x80x128xi32, #tpu.memory_space<vmem_shared>> -> memref<80x128xi32, #tpu.memory_space<vmem_shared>>
        %dma_start3A_119 = arith.constant 0 : i32
        %dma_start3A_120 = tpu.memref_slice %dma_start3A_118[%mul3A_98, %dma_start3A_119] : memref<80x128xi32, #tpu.memory_space<vmem_shared>> -> memref<8x128xi32, #tpu.memory_space<vmem_shared>>
        tpu.enqueue_dma source(%dma_start3A_120 : memref<8x128xi32, #tpu.memory_space<vmem_shared>>) target(%dma_start3A_114 : memref<8x128xi32, #tpu.memory_space<vmem>>) target_semaphore(%arg9 : memref<!tpu.dma_semaphore, #tpu.memory_space<semaphore_mem>>)
        %mul3A_121 = arith.constant 8 : i32
        %mul3A_122 = arith.muli %scan3A_25, %mul3A_121 : i32
        %dma_start3A_123 = arith.constant 4 : i32
        %dma_start3A_124 = arith.constant 4 : i32
        %dma_start3A_125 = arith.constant 0 : i32
        %dma_start3A_126 = arith.constant 0 : i32
        %dma_start3A_127 = tpu.memref_slice %arg6[%dma_start3A_124, %dma_start3A_125, %dma_start3A_126] : memref<16x8x128xi32, #tpu.memory_space<vmem>> -> memref<1x8x128xi32, #tpu.memory_space<vmem>>
        %dma_start3A_128 = tpu.memref_squeeze %dma_start3A_127 : memref<1x8x128xi32, #tpu.memory_space<vmem>> -> memref<8x128xi32, #tpu.memory_space<vmem>>
        %dma_start3A_129 = arith.constant 0 : i32
        %dma_start3A_130 = arith.constant 0 : i32
        %dma_start3A_131 = tpu.memref_slice %arg8[%dma_start3A_123, %dma_start3A_129, %dma_start3A_130] : memref<16x80x128xi32, #tpu.memory_space<vmem_shared>> -> memref<1x80x128xi32, #tpu.memory_space<vmem_shared>>
        %dma_start3A_132 = tpu.memref_squeeze %dma_start3A_131 : memref<1x80x128xi32, #tpu.memory_space<vmem_shared>> -> memref<80x128xi32, #tpu.memory_space<vmem_shared>>
        %dma_start3A_133 = arith.constant 0 : i32
        %dma_start3A_134 = tpu.memref_slice %dma_start3A_132[%mul3A_122, %dma_start3A_133] : memref<80x128xi32, #tpu.memory_space<vmem_shared>> -> memref<8x128xi32, #tpu.memory_space<vmem_shared>>
        %dma_start3A_135 = arith.constant 0 : i32
        %dma_start3A_136 = arith.constant 0 : i32
        %dma_start3A_137 = tpu.memref_slice %arg6[%dma_start3A_124, %dma_start3A_135, %dma_start3A_136] : memref<16x8x128xi32, #tpu.memory_space<vmem>> -> memref<1x8x128xi32, #tpu.memory_space<vmem>>
        %dma_start3A_138 = tpu.memref_squeeze %dma_start3A_137 : memref<1x8x128xi32, #tpu.memory_space<vmem>> -> memref<8x128xi32, #tpu.memory_space<vmem>>
        %dma_start3A_139 = arith.constant 0 : i32
        %dma_start3A_140 = arith.constant 0 : i32
        %dma_start3A_141 = tpu.memref_slice %arg8[%dma_start3A_123, %dma_start3A_139, %dma_start3A_140] : memref<16x80x128xi32, #tpu.memory_space<vmem_shared>> -> memref<1x80x128xi32, #tpu.memory_space<vmem_shared>>
        %dma_start3A_142 = tpu.memref_squeeze %dma_start3A_141 : memref<1x80x128xi32, #tpu.memory_space<vmem_shared>> -> memref<80x128xi32, #tpu.memory_space<vmem_shared>>
        %dma_start3A_143 = arith.constant 0 : i32
        %dma_start3A_144 = tpu.memref_slice %dma_start3A_142[%mul3A_122, %dma_start3A_143] : memref<80x128xi32, #tpu.memory_space<vmem_shared>> -> memref<8x128xi32, #tpu.memory_space<vmem_shared>>
        tpu.enqueue_dma source(%dma_start3A_144 : memref<8x128xi32, #tpu.memory_space<vmem_shared>>) target(%dma_start3A_138 : memref<8x128xi32, #tpu.memory_space<vmem>>) target_semaphore(%arg9 : memref<!tpu.dma_semaphore, #tpu.memory_space<semaphore_mem>>)
        %mul3A_145 = arith.constant 8 : i32
        %mul3A_146 = arith.muli %scan3A_25, %mul3A_145 : i32
        %dma_start3A_147 = arith.constant 5 : i32
        %dma_start3A_148 = arith.constant 5 : i32
        %dma_start3A_149 = arith.constant 0 : i32
        %dma_start3A_150 = arith.constant 0 : i32
        %dma_start3A_151 = tpu.memref_slice %arg6[%dma_start3A_148, %dma_start3A_149, %dma_start3A_150] : memref<16x8x128xi32, #tpu.memory_space<vmem>> -> memref<1x8x128xi32, #tpu.memory_space<vmem>>
        %dma_start3A_152 = tpu.memref_squeeze %dma_start3A_151 : memref<1x8x128xi32, #tpu.memory_space<vmem>> -> memref<8x128xi32, #tpu.memory_space<vmem>>
        %dma_start3A_153 = arith.constant 0 : i32
        %dma_start3A_154 = arith.constant 0 : i32
        %dma_start3A_155 = tpu.memref_slice %arg8[%dma_start3A_147, %dma_start3A_153, %dma_start3A_154] : memref<16x80x128xi32, #tpu.memory_space<vmem_shared>> -> memref<1x80x128xi32, #tpu.memory_space<vmem_shared>>
        %dma_start3A_156 = tpu.memref_squeeze %dma_start3A_155 : memref<1x80x128xi32, #tpu.memory_space<vmem_shared>> -> memref<80x128xi32, #tpu.memory_space<vmem_shared>>
        %dma_start3A_157 = arith.constant 0 : i32
        %dma_start3A_158 = tpu.memref_slice %dma_start3A_156[%mul3A_146, %dma_start3A_157] : memref<80x128xi32, #tpu.memory_space<vmem_shared>> -> memref<8x128xi32, #tpu.memory_space<vmem_shared>>
        %dma_start3A_159 = arith.constant 0 : i32
        %dma_start3A_160 = arith.constant 0 : i32
        %dma_start3A_161 = tpu.memref_slice %arg6[%dma_start3A_148, %dma_start3A_159, %dma_start3A_160] : memref<16x8x128xi32, #tpu.memory_space<vmem>> -> memref<1x8x128xi32, #tpu.memory_space<vmem>>
        %dma_start3A_162 = tpu.memref_squeeze %dma_start3A_161 : memref<1x8x128xi32, #tpu.memory_space<vmem>> -> memref<8x128xi32, #tpu.memory_space<vmem>>
        %dma_start3A_163 = arith.constant 0 : i32
        %dma_start3A_164 = arith.constant 0 : i32
        %dma_start3A_165 = tpu.memref_slice %arg8[%dma_start3A_147, %dma_start3A_163, %dma_start3A_164] : memref<16x80x128xi32, #tpu.memory_space<vmem_shared>> -> memref<1x80x128xi32, #tpu.memory_space<vmem_shared>>
        %dma_start3A_166 = tpu.memref_squeeze %dma_start3A_165 : memref<1x80x128xi32, #tpu.memory_space<vmem_shared>> -> memref<80x128xi32, #tpu.memory_space<vmem_shared>>
        %dma_start3A_167 = arith.constant 0 : i32
        %dma_start3A_168 = tpu.memref_slice %dma_start3A_166[%mul3A_146, %dma_start3A_167] : memref<80x128xi32, #tpu.memory_space<vmem_shared>> -> memref<8x128xi32, #tpu.memory_space<vmem_shared>>
        tpu.enqueue_dma source(%dma_start3A_168 : memref<8x128xi32, #tpu.memory_space<vmem_shared>>) target(%dma_start3A_162 : memref<8x128xi32, #tpu.memory_space<vmem>>) target_semaphore(%arg9 : memref<!tpu.dma_semaphore, #tpu.memory_space<semaphore_mem>>)
        %mul3A_169 = arith.constant 8 : i32
        %mul3A_170 = arith.muli %scan3A_25, %mul3A_169 : i32
        %dma_start3A_171 = arith.constant 6 : i32
        %dma_start3A_172 = arith.constant 6 : i32
        %dma_start3A_173 = arith.constant 0 : i32
        %dma_start3A_174 = arith.constant 0 : i32
        %dma_start3A_175 = tpu.memref_slice %arg6[%dma_start3A_172, %dma_start3A_173, %dma_start3A_174] : memref<16x8x128xi32, #tpu.memory_space<vmem>> -> memref<1x8x128xi32, #tpu.memory_space<vmem>>
        %dma_start3A_176 = tpu.memref_squeeze %dma_start3A_175 : memref<1x8x128xi32, #tpu.memory_space<vmem>> -> memref<8x128xi32, #tpu.memory_space<vmem>>
        %dma_start3A_177 = arith.constant 0 : i32
        %dma_start3A_178 = arith.constant 0 : i32
        %dma_start3A_179 = tpu.memref_slice %arg8[%dma_start3A_171, %dma_start3A_177, %dma_start3A_178] : memref<16x80x128xi32, #tpu.memory_space<vmem_shared>> -> memref<1x80x128xi32, #tpu.memory_space<vmem_shared>>
        %dma_start3A_180 = tpu.memref_squeeze %dma_start3A_179 : memref<1x80x128xi32, #tpu.memory_space<vmem_shared>> -> memref<80x128xi32, #tpu.memory_space<vmem_shared>>
        %dma_start3A_181 = arith.constant 0 : i32
        %dma_start3A_182 = tpu.memref_slice %dma_start3A_180[%mul3A_170, %dma_start3A_181] : memref<80x128xi32, #tpu.memory_space<vmem_shared>> -> memref<8x128xi32, #tpu.memory_space<vmem_shared>>
        %dma_start3A_183 = arith.constant 0 : i32
        %dma_start3A_184 = arith.constant 0 : i32
        %dma_start3A_185 = tpu.memref_slice %arg6[%dma_start3A_172, %dma_start3A_183, %dma_start3A_184] : memref<16x8x128xi32, #tpu.memory_space<vmem>> -> memref<1x8x128xi32, #tpu.memory_space<vmem>>
        %dma_start3A_186 = tpu.memref_squeeze %dma_start3A_185 : memref<1x8x128xi32, #tpu.memory_space<vmem>> -> memref<8x128xi32, #tpu.memory_space<vmem>>
        %dma_start3A_187 = arith.constant 0 : i32
        %dma_start3A_188 = arith.constant 0 : i32
        %dma_start3A_189 = tpu.memref_slice %arg8[%dma_start3A_171, %dma_start3A_187, %dma_start3A_188] : memref<16x80x128xi32, #tpu.memory_space<vmem_shared>> -> memref<1x80x128xi32, #tpu.memory_space<vmem_shared>>
        %dma_start3A_190 = tpu.memref_squeeze %dma_start3A_189 : memref<1x80x128xi32, #tpu.memory_space<vmem_shared>> -> memref<80x128xi32, #tpu.memory_space<vmem_shared>>
        %dma_start3A_191 = arith.constant 0 : i32
        %dma_start3A_192 = tpu.memref_slice %dma_start3A_190[%mul3A_170, %dma_start3A_191] : memref<80x128xi32, #tpu.memory_space<vmem_shared>> -> memref<8x128xi32, #tpu.memory_space<vmem_shared>>
        tpu.enqueue_dma source(%dma_start3A_192 : memref<8x128xi32, #tpu.memory_space<vmem_shared>>) target(%dma_start3A_186 : memref<8x128xi32, #tpu.memory_space<vmem>>) target_semaphore(%arg9 : memref<!tpu.dma_semaphore, #tpu.memory_space<semaphore_mem>>)
        %mul3A_193 = arith.constant 8 : i32
        %mul3A_194 = arith.muli %scan3A_25, %mul3A_193 : i32
        %dma_start3A_195 = arith.constant 7 : i32
        %dma_start3A_196 = arith.constant 7 : i32
        %dma_start3A_197 = arith.constant 0 : i32
        %dma_start3A_198 = arith.constant 0 : i32
        %dma_start3A_199 = tpu.memref_slice %arg6[%dma_start3A_196, %dma_start3A_197, %dma_start3A_198] : memref<16x8x128xi32, #tpu.memory_space<vmem>> -> memref<1x8x128xi32, #tpu.memory_space<vmem>>
        %dma_start3A_200 = tpu.memref_squeeze %dma_start3A_199 : memref<1x8x128xi32, #tpu.memory_space<vmem>> -> memref<8x128xi32, #tpu.memory_space<vmem>>
        %dma_start3A_201 = arith.constant 0 : i32
        %dma_start3A_202 = arith.constant 0 : i32
        %dma_start3A_203 = tpu.memref_slice %arg8[%dma_start3A_195, %dma_start3A_201, %dma_start3A_202] : memref<16x80x128xi32, #tpu.memory_space<vmem_shared>> -> memref<1x80x128xi32, #tpu.memory_space<vmem_shared>>
        %dma_start3A_204 = tpu.memref_squeeze %dma_start3A_203 : memref<1x80x128xi32, #tpu.memory_space<vmem_shared>> -> memref<80x128xi32, #tpu.memory_space<vmem_shared>>
        %dma_start3A_205 = arith.constant 0 : i32
        %dma_start3A_206 = tpu.memref_slice %dma_start3A_204[%mul3A_194, %dma_start3A_205] : memref<80x128xi32, #tpu.memory_space<vmem_shared>> -> memref<8x128xi32, #tpu.memory_space<vmem_shared>>
        %dma_start3A_207 = arith.constant 0 : i32
        %dma_start3A_208 = arith.constant 0 : i32
        %dma_start3A_209 = tpu.memref_slice %arg6[%dma_start3A_196, %dma_start3A_207, %dma_start3A_208] : memref<16x8x128xi32, #tpu.memory_space<vmem>> -> memref<1x8x128xi32, #tpu.memory_space<vmem>>
        %dma_start3A_210 = tpu.memref_squeeze %dma_start3A_209 : memref<1x8x128xi32, #tpu.memory_space<vmem>> -> memref<8x128xi32, #tpu.memory_space<vmem>>
        %dma_start3A_211 = arith.constant 0 : i32
        %dma_start3A_212 = arith.constant 0 : i32
        %dma_start3A_213 = tpu.memref_slice %arg8[%dma_start3A_195, %dma_start3A_211, %dma_start3A_212] : memref<16x80x128xi32, #tpu.memory_space<vmem_shared>> -> memref<1x80x128xi32, #tpu.memory_space<vmem_shared>>
        %dma_start3A_214 = tpu.memref_squeeze %dma_start3A_213 : memref<1x80x128xi32, #tpu.memory_space<vmem_shared>> -> memref<80x128xi32, #tpu.memory_space<vmem_shared>>
        %dma_start3A_215 = arith.constant 0 : i32
        %dma_start3A_216 = tpu.memref_slice %dma_start3A_214[%mul3A_194, %dma_start3A_215] : memref<80x128xi32, #tpu.memory_space<vmem_shared>> -> memref<8x128xi32, #tpu.memory_space<vmem_shared>>
        tpu.enqueue_dma source(%dma_start3A_216 : memref<8x128xi32, #tpu.memory_space<vmem_shared>>) target(%dma_start3A_210 : memref<8x128xi32, #tpu.memory_space<vmem>>) target_semaphore(%arg9 : memref<!tpu.dma_semaphore, #tpu.memory_space<semaphore_mem>>)
        %mul3A_217 = arith.constant 8 : i32
        %mul3A_218 = arith.muli %scan3A_25, %mul3A_217 : i32
        %dma_start3A_219 = arith.constant 8 : i32
        %dma_start3A_220 = arith.constant 8 : i32
        %dma_start3A_221 = arith.constant 0 : i32
        %dma_start3A_222 = arith.constant 0 : i32
        %dma_start3A_223 = tpu.memref_slice %arg6[%dma_start3A_220, %dma_start3A_221, %dma_start3A_222] : memref<16x8x128xi32, #tpu.memory_space<vmem>> -> memref<1x8x128xi32, #tpu.memory_space<vmem>>
        %dma_start3A_224 = tpu.memref_squeeze %dma_start3A_223 : memref<1x8x128xi32, #tpu.memory_space<vmem>> -> memref<8x128xi32, #tpu.memory_space<vmem>>
        %dma_start3A_225 = arith.constant 0 : i32
        %dma_start3A_226 = arith.constant 0 : i32
        %dma_start3A_227 = tpu.memref_slice %arg8[%dma_start3A_219, %dma_start3A_225, %dma_start3A_226] : memref<16x80x128xi32, #tpu.memory_space<vmem_shared>> -> memref<1x80x128xi32, #tpu.memory_space<vmem_shared>>
        %dma_start3A_228 = tpu.memref_squeeze %dma_start3A_227 : memref<1x80x128xi32, #tpu.memory_space<vmem_shared>> -> memref<80x128xi32, #tpu.memory_space<vmem_shared>>
        %dma_start3A_229 = arith.constant 0 : i32
        %dma_start3A_230 = tpu.memref_slice %dma_start3A_228[%mul3A_218, %dma_start3A_229] : memref<80x128xi32, #tpu.memory_space<vmem_shared>> -> memref<8x128xi32, #tpu.memory_space<vmem_shared>>
        %dma_start3A_231 = arith.constant 0 : i32
        %dma_start3A_232 = arith.constant 0 : i32
        %dma_start3A_233 = tpu.memref_slice %arg6[%dma_start3A_220, %dma_start3A_231, %dma_start3A_232] : memref<16x8x128xi32, #tpu.memory_space<vmem>> -> memref<1x8x128xi32, #tpu.memory_space<vmem>>
        %dma_start3A_234 = tpu.memref_squeeze %dma_start3A_233 : memref<1x8x128xi32, #tpu.memory_space<vmem>> -> memref<8x128xi32, #tpu.memory_space<vmem>>
        %dma_start3A_235 = arith.constant 0 : i32
        %dma_start3A_236 = arith.constant 0 : i32
        %dma_start3A_237 = tpu.memref_slice %arg8[%dma_start3A_219, %dma_start3A_235, %dma_start3A_236] : memref<16x80x128xi32, #tpu.memory_space<vmem_shared>> -> memref<1x80x128xi32, #tpu.memory_space<vmem_shared>>
        %dma_start3A_238 = tpu.memref_squeeze %dma_start3A_237 : memref<1x80x128xi32, #tpu.memory_space<vmem_shared>> -> memref<80x128xi32, #tpu.memory_space<vmem_shared>>
        %dma_start3A_239 = arith.constant 0 : i32
        %dma_start3A_240 = tpu.memref_slice %dma_start3A_238[%mul3A_218, %dma_start3A_239] : memref<80x128xi32, #tpu.memory_space<vmem_shared>> -> memref<8x128xi32, #tpu.memory_space<vmem_shared>>
        tpu.enqueue_dma source(%dma_start3A_240 : memref<8x128xi32, #tpu.memory_space<vmem_shared>>) target(%dma_start3A_234 : memref<8x128xi32, #tpu.memory_space<vmem>>) target_semaphore(%arg9 : memref<!tpu.dma_semaphore, #tpu.memory_space<semaphore_mem>>)
        %mul3A_241 = arith.constant 8 : i32
        %mul3A_242 = arith.muli %scan3A_25, %mul3A_241 : i32
        %dma_start3A_243 = arith.constant 9 : i32
        %dma_start3A_244 = arith.constant 9 : i32
        %dma_start3A_245 = arith.constant 0 : i32
        %dma_start3A_246 = arith.constant 0 : i32
        %dma_start3A_247 = tpu.memref_slice %arg6[%dma_start3A_244, %dma_start3A_245, %dma_start3A_246] : memref<16x8x128xi32, #tpu.memory_space<vmem>> -> memref<1x8x128xi32, #tpu.memory_space<vmem>>
        %dma_start3A_248 = tpu.memref_squeeze %dma_start3A_247 : memref<1x8x128xi32, #tpu.memory_space<vmem>> -> memref<8x128xi32, #tpu.memory_space<vmem>>
        %dma_start3A_249 = arith.constant 0 : i32
        %dma_start3A_250 = arith.constant 0 : i32
        %dma_start3A_251 = tpu.memref_slice %arg8[%dma_start3A_243, %dma_start3A_249, %dma_start3A_250] : memref<16x80x128xi32, #tpu.memory_space<vmem_shared>> -> memref<1x80x128xi32, #tpu.memory_space<vmem_shared>>
        %dma_start3A_252 = tpu.memref_squeeze %dma_start3A_251 : memref<1x80x128xi32, #tpu.memory_space<vmem_shared>> -> memref<80x128xi32, #tpu.memory_space<vmem_shared>>
        %dma_start3A_253 = arith.constant 0 : i32
        %dma_start3A_254 = tpu.memref_slice %dma_start3A_252[%mul3A_242, %dma_start3A_253] : memref<80x128xi32, #tpu.memory_space<vmem_shared>> -> memref<8x128xi32, #tpu.memory_space<vmem_shared>>
        %dma_start3A_255 = arith.constant 0 : i32
        %dma_start3A_256 = arith.constant 0 : i32
        %dma_start3A_257 = tpu.memref_slice %arg6[%dma_start3A_244, %dma_start3A_255, %dma_start3A_256] : memref<16x8x128xi32, #tpu.memory_space<vmem>> -> memref<1x8x128xi32, #tpu.memory_space<vmem>>
        %dma_start3A_258 = tpu.memref_squeeze %dma_start3A_257 : memref<1x8x128xi32, #tpu.memory_space<vmem>> -> memref<8x128xi32, #tpu.memory_space<vmem>>
        %dma_start3A_259 = arith.constant 0 : i32
        %dma_start3A_260 = arith.constant 0 : i32
        %dma_start3A_261 = tpu.memref_slice %arg8[%dma_start3A_243, %dma_start3A_259, %dma_start3A_260] : memref<16x80x128xi32, #tpu.memory_space<vmem_shared>> -> memref<1x80x128xi32, #tpu.memory_space<vmem_shared>>
        %dma_start3A_262 = tpu.memref_squeeze %dma_start3A_261 : memref<1x80x128xi32, #tpu.memory_space<vmem_shared>> -> memref<80x128xi32, #tpu.memory_space<vmem_shared>>
        %dma_start3A_263 = arith.constant 0 : i32
        %dma_start3A_264 = tpu.memref_slice %dma_start3A_262[%mul3A_242, %dma_start3A_263] : memref<80x128xi32, #tpu.memory_space<vmem_shared>> -> memref<8x128xi32, #tpu.memory_space<vmem_shared>>
        tpu.enqueue_dma source(%dma_start3A_264 : memref<8x128xi32, #tpu.memory_space<vmem_shared>>) target(%dma_start3A_258 : memref<8x128xi32, #tpu.memory_space<vmem>>) target_semaphore(%arg9 : memref<!tpu.dma_semaphore, #tpu.memory_space<semaphore_mem>>)
        %mul3A_265 = arith.constant 8 : i32
        %mul3A_266 = arith.muli %scan3A_25, %mul3A_265 : i32
        %dma_start3A_267 = arith.constant 10 : i32
        %dma_start3A_268 = arith.constant 10 : i32
        %dma_start3A_269 = arith.constant 0 : i32
        %dma_start3A_270 = arith.constant 0 : i32
        %dma_start3A_271 = tpu.memref_slice %arg6[%dma_start3A_268, %dma_start3A_269, %dma_start3A_270] : memref<16x8x128xi32, #tpu.memory_space<vmem>> -> memref<1x8x128xi32, #tpu.memory_space<vmem>>
        %dma_start3A_272 = tpu.memref_squeeze %dma_start3A_271 : memref<1x8x128xi32, #tpu.memory_space<vmem>> -> memref<8x128xi32, #tpu.memory_space<vmem>>
        %dma_start3A_273 = arith.constant 0 : i32
        %dma_start3A_274 = arith.constant 0 : i32
        %dma_start3A_275 = tpu.memref_slice %arg8[%dma_start3A_267, %dma_start3A_273, %dma_start3A_274] : memref<16x80x128xi32, #tpu.memory_space<vmem_shared>> -> memref<1x80x128xi32, #tpu.memory_space<vmem_shared>>
        %dma_start3A_276 = tpu.memref_squeeze %dma_start3A_275 : memref<1x80x128xi32, #tpu.memory_space<vmem_shared>> -> memref<80x128xi32, #tpu.memory_space<vmem_shared>>
        %dma_start3A_277 = arith.constant 0 : i32
        %dma_start3A_278 = tpu.memref_slice %dma_start3A_276[%mul3A_266, %dma_start3A_277] : memref<80x128xi32, #tpu.memory_space<vmem_shared>> -> memref<8x128xi32, #tpu.memory_space<vmem_shared>>
        %dma_start3A_279 = arith.constant 0 : i32
        %dma_start3A_280 = arith.constant 0 : i32
        %dma_start3A_281 = tpu.memref_slice %arg6[%dma_start3A_268, %dma_start3A_279, %dma_start3A_280] : memref<16x8x128xi32, #tpu.memory_space<vmem>> -> memref<1x8x128xi32, #tpu.memory_space<vmem>>
        %dma_start3A_282 = tpu.memref_squeeze %dma_start3A_281 : memref<1x8x128xi32, #tpu.memory_space<vmem>> -> memref<8x128xi32, #tpu.memory_space<vmem>>
        %dma_start3A_283 = arith.constant 0 : i32
        %dma_start3A_284 = arith.constant 0 : i32
        %dma_start3A_285 = tpu.memref_slice %arg8[%dma_start3A_267, %dma_start3A_283, %dma_start3A_284] : memref<16x80x128xi32, #tpu.memory_space<vmem_shared>> -> memref<1x80x128xi32, #tpu.memory_space<vmem_shared>>
        %dma_start3A_286 = tpu.memref_squeeze %dma_start3A_285 : memref<1x80x128xi32, #tpu.memory_space<vmem_shared>> -> memref<80x128xi32, #tpu.memory_space<vmem_shared>>
        %dma_start3A_287 = arith.constant 0 : i32
        %dma_start3A_288 = tpu.memref_slice %dma_start3A_286[%mul3A_266, %dma_start3A_287] : memref<80x128xi32, #tpu.memory_space<vmem_shared>> -> memref<8x128xi32, #tpu.memory_space<vmem_shared>>
        tpu.enqueue_dma source(%dma_start3A_288 : memref<8x128xi32, #tpu.memory_space<vmem_shared>>) target(%dma_start3A_282 : memref<8x128xi32, #tpu.memory_space<vmem>>) target_semaphore(%arg9 : memref<!tpu.dma_semaphore, #tpu.memory_space<semaphore_mem>>)
        %mul3A_289 = arith.constant 8 : i32
        %mul3A_290 = arith.muli %scan3A_25, %mul3A_289 : i32
        %dma_start3A_291 = arith.constant 11 : i32
        %dma_start3A_292 = arith.constant 11 : i32
        %dma_start3A_293 = arith.constant 0 : i32
        %dma_start3A_294 = arith.constant 0 : i32
        %dma_start3A_295 = tpu.memref_slice %arg6[%dma_start3A_292, %dma_start3A_293, %dma_start3A_294] : memref<16x8x128xi32, #tpu.memory_space<vmem>> -> memref<1x8x128xi32, #tpu.memory_space<vmem>>
        %dma_start3A_296 = tpu.memref_squeeze %dma_start3A_295 : memref<1x8x128xi32, #tpu.memory_space<vmem>> -> memref<8x128xi32, #tpu.memory_space<vmem>>
        %dma_start3A_297 = arith.constant 0 : i32
        %dma_start3A_298 = arith.constant 0 : i32
        %dma_start3A_299 = tpu.memref_slice %arg8[%dma_start3A_291, %dma_start3A_297, %dma_start3A_298] : memref<16x80x128xi32, #tpu.memory_space<vmem_shared>> -> memref<1x80x128xi32, #tpu.memory_space<vmem_shared>>
        %dma_start3A_300 = tpu.memref_squeeze %dma_start3A_299 : memref<1x80x128xi32, #tpu.memory_space<vmem_shared>> -> memref<80x128xi32, #tpu.memory_space<vmem_shared>>
        %dma_start3A_301 = arith.constant 0 : i32
        %dma_start3A_302 = tpu.memref_slice %dma_start3A_300[%mul3A_290, %dma_start3A_301] : memref<80x128xi32, #tpu.memory_space<vmem_shared>> -> memref<8x128xi32, #tpu.memory_space<vmem_shared>>
        %dma_start3A_303 = arith.constant 0 : i32
        %dma_start3A_304 = arith.constant 0 : i32
        %dma_start3A_305 = tpu.memref_slice %arg6[%dma_start3A_292, %dma_start3A_303, %dma_start3A_304] : memref<16x8x128xi32, #tpu.memory_space<vmem>> -> memref<1x8x128xi32, #tpu.memory_space<vmem>>
        %dma_start3A_306 = tpu.memref_squeeze %dma_start3A_305 : memref<1x8x128xi32, #tpu.memory_space<vmem>> -> memref<8x128xi32, #tpu.memory_space<vmem>>
        %dma_start3A_307 = arith.constant 0 : i32
        %dma_start3A_308 = arith.constant 0 : i32
        %dma_start3A_309 = tpu.memref_slice %arg8[%dma_start3A_291, %dma_start3A_307, %dma_start3A_308] : memref<16x80x128xi32, #tpu.memory_space<vmem_shared>> -> memref<1x80x128xi32, #tpu.memory_space<vmem_shared>>
        %dma_start3A_310 = tpu.memref_squeeze %dma_start3A_309 : memref<1x80x128xi32, #tpu.memory_space<vmem_shared>> -> memref<80x128xi32, #tpu.memory_space<vmem_shared>>
        %dma_start3A_311 = arith.constant 0 : i32
        %dma_start3A_312 = tpu.memref_slice %dma_start3A_310[%mul3A_290, %dma_start3A_311] : memref<80x128xi32, #tpu.memory_space<vmem_shared>> -> memref<8x128xi32, #tpu.memory_space<vmem_shared>>
        tpu.enqueue_dma source(%dma_start3A_312 : memref<8x128xi32, #tpu.memory_space<vmem_shared>>) target(%dma_start3A_306 : memref<8x128xi32, #tpu.memory_space<vmem>>) target_semaphore(%arg9 : memref<!tpu.dma_semaphore, #tpu.memory_space<semaphore_mem>>)
        %mul3A_313 = arith.constant 8 : i32
        %mul3A_314 = arith.muli %scan3A_25, %mul3A_313 : i32
        %dma_start3A_315 = arith.constant 12 : i32
        %dma_start3A_316 = arith.constant 12 : i32
        %dma_start3A_317 = arith.constant 0 : i32
        %dma_start3A_318 = arith.constant 0 : i32
        %dma_start3A_319 = tpu.memref_slice %arg6[%dma_start3A_316, %dma_start3A_317, %dma_start3A_318] : memref<16x8x128xi32, #tpu.memory_space<vmem>> -> memref<1x8x128xi32, #tpu.memory_space<vmem>>
        %dma_start3A_320 = tpu.memref_squeeze %dma_start3A_319 : memref<1x8x128xi32, #tpu.memory_space<vmem>> -> memref<8x128xi32, #tpu.memory_space<vmem>>
        %dma_start3A_321 = arith.constant 0 : i32
        %dma_start3A_322 = arith.constant 0 : i32
        %dma_start3A_323 = tpu.memref_slice %arg8[%dma_start3A_315, %dma_start3A_321, %dma_start3A_322] : memref<16x80x128xi32, #tpu.memory_space<vmem_shared>> -> memref<1x80x128xi32, #tpu.memory_space<vmem_shared>>
        %dma_start3A_324 = tpu.memref_squeeze %dma_start3A_323 : memref<1x80x128xi32, #tpu.memory_space<vmem_shared>> -> memref<80x128xi32, #tpu.memory_space<vmem_shared>>
        %dma_start3A_325 = arith.constant 0 : i32
        %dma_start3A_326 = tpu.memref_slice %dma_start3A_324[%mul3A_314, %dma_start3A_325] : memref<80x128xi32, #tpu.memory_space<vmem_shared>> -> memref<8x128xi32, #tpu.memory_space<vmem_shared>>
        %dma_start3A_327 = arith.constant 0 : i32
        %dma_start3A_328 = arith.constant 0 : i32
        %dma_start3A_329 = tpu.memref_slice %arg6[%dma_start3A_316, %dma_start3A_327, %dma_start3A_328] : memref<16x8x128xi32, #tpu.memory_space<vmem>> -> memref<1x8x128xi32, #tpu.memory_space<vmem>>
        %dma_start3A_330 = tpu.memref_squeeze %dma_start3A_329 : memref<1x8x128xi32, #tpu.memory_space<vmem>> -> memref<8x128xi32, #tpu.memory_space<vmem>>
        %dma_start3A_331 = arith.constant 0 : i32
        %dma_start3A_332 = arith.constant 0 : i32
        %dma_start3A_333 = tpu.memref_slice %arg8[%dma_start3A_315, %dma_start3A_331, %dma_start3A_332] : memref<16x80x128xi32, #tpu.memory_space<vmem_shared>> -> memref<1x80x128xi32, #tpu.memory_space<vmem_shared>>
        %dma_start3A_334 = tpu.memref_squeeze %dma_start3A_333 : memref<1x80x128xi32, #tpu.memory_space<vmem_shared>> -> memref<80x128xi32, #tpu.memory_space<vmem_shared>>
        %dma_start3A_335 = arith.constant 0 : i32
        %dma_start3A_336 = tpu.memref_slice %dma_start3A_334[%mul3A_314, %dma_start3A_335] : memref<80x128xi32, #tpu.memory_space<vmem_shared>> -> memref<8x128xi32, #tpu.memory_space<vmem_shared>>
        tpu.enqueue_dma source(%dma_start3A_336 : memref<8x128xi32, #tpu.memory_space<vmem_shared>>) target(%dma_start3A_330 : memref<8x128xi32, #tpu.memory_space<vmem>>) target_semaphore(%arg9 : memref<!tpu.dma_semaphore, #tpu.memory_space<semaphore_mem>>)
        %mul3A_337 = arith.constant 8 : i32
        %mul3A_338 = arith.muli %scan3A_25, %mul3A_337 : i32
        %dma_start3A_339 = arith.constant 13 : i32
        %dma_start3A_340 = arith.constant 13 : i32
        %dma_start3A_341 = arith.constant 0 : i32
        %dma_start3A_342 = arith.constant 0 : i32
        %dma_start3A_343 = tpu.memref_slice %arg6[%dma_start3A_340, %dma_start3A_341, %dma_start3A_342] : memref<16x8x128xi32, #tpu.memory_space<vmem>> -> memref<1x8x128xi32, #tpu.memory_space<vmem>>
        %dma_start3A_344 = tpu.memref_squeeze %dma_start3A_343 : memref<1x8x128xi32, #tpu.memory_space<vmem>> -> memref<8x128xi32, #tpu.memory_space<vmem>>
        %dma_start3A_345 = arith.constant 0 : i32
        %dma_start3A_346 = arith.constant 0 : i32
        %dma_start3A_347 = tpu.memref_slice %arg8[%dma_start3A_339, %dma_start3A_345, %dma_start3A_346] : memref<16x80x128xi32, #tpu.memory_space<vmem_shared>> -> memref<1x80x128xi32, #tpu.memory_space<vmem_shared>>
        %dma_start3A_348 = tpu.memref_squeeze %dma_start3A_347 : memref<1x80x128xi32, #tpu.memory_space<vmem_shared>> -> memref<80x128xi32, #tpu.memory_space<vmem_shared>>
        %dma_start3A_349 = arith.constant 0 : i32
        %dma_start3A_350 = tpu.memref_slice %dma_start3A_348[%mul3A_338, %dma_start3A_349] : memref<80x128xi32, #tpu.memory_space<vmem_shared>> -> memref<8x128xi32, #tpu.memory_space<vmem_shared>>
        %dma_start3A_351 = arith.constant 0 : i32
        %dma_start3A_352 = arith.constant 0 : i32
        %dma_start3A_353 = tpu.memref_slice %arg6[%dma_start3A_340, %dma_start3A_351, %dma_start3A_352] : memref<16x8x128xi32, #tpu.memory_space<vmem>> -> memref<1x8x128xi32, #tpu.memory_space<vmem>>
        %dma_start3A_354 = tpu.memref_squeeze %dma_start3A_353 : memref<1x8x128xi32, #tpu.memory_space<vmem>> -> memref<8x128xi32, #tpu.memory_space<vmem>>
        %dma_start3A_355 = arith.constant 0 : i32
        %dma_start3A_356 = arith.constant 0 : i32
        %dma_start3A_357 = tpu.memref_slice %arg8[%dma_start3A_339, %dma_start3A_355, %dma_start3A_356] : memref<16x80x128xi32, #tpu.memory_space<vmem_shared>> -> memref<1x80x128xi32, #tpu.memory_space<vmem_shared>>
        %dma_start3A_358 = tpu.memref_squeeze %dma_start3A_357 : memref<1x80x128xi32, #tpu.memory_space<vmem_shared>> -> memref<80x128xi32, #tpu.memory_space<vmem_shared>>
        %dma_start3A_359 = arith.constant 0 : i32
        %dma_start3A_360 = tpu.memref_slice %dma_start3A_358[%mul3A_338, %dma_start3A_359] : memref<80x128xi32, #tpu.memory_space<vmem_shared>> -> memref<8x128xi32, #tpu.memory_space<vmem_shared>>
        tpu.enqueue_dma source(%dma_start3A_360 : memref<8x128xi32, #tpu.memory_space<vmem_shared>>) target(%dma_start3A_354 : memref<8x128xi32, #tpu.memory_space<vmem>>) target_semaphore(%arg9 : memref<!tpu.dma_semaphore, #tpu.memory_space<semaphore_mem>>)
        %mul3A_361 = arith.constant 8 : i32
        %mul3A_362 = arith.muli %scan3A_25, %mul3A_361 : i32
        %dma_start3A_363 = arith.constant 14 : i32
        %dma_start3A_364 = arith.constant 14 : i32
        %dma_start3A_365 = arith.constant 0 : i32
        %dma_start3A_366 = arith.constant 0 : i32
        %dma_start3A_367 = tpu.memref_slice %arg6[%dma_start3A_364, %dma_start3A_365, %dma_start3A_366] : memref<16x8x128xi32, #tpu.memory_space<vmem>> -> memref<1x8x128xi32, #tpu.memory_space<vmem>>
        %dma_start3A_368 = tpu.memref_squeeze %dma_start3A_367 : memref<1x8x128xi32, #tpu.memory_space<vmem>> -> memref<8x128xi32, #tpu.memory_space<vmem>>
        %dma_start3A_369 = arith.constant 0 : i32
        %dma_start3A_370 = arith.constant 0 : i32
        %dma_start3A_371 = tpu.memref_slice %arg8[%dma_start3A_363, %dma_start3A_369, %dma_start3A_370] : memref<16x80x128xi32, #tpu.memory_space<vmem_shared>> -> memref<1x80x128xi32, #tpu.memory_space<vmem_shared>>
        %dma_start3A_372 = tpu.memref_squeeze %dma_start3A_371 : memref<1x80x128xi32, #tpu.memory_space<vmem_shared>> -> memref<80x128xi32, #tpu.memory_space<vmem_shared>>
        %dma_start3A_373 = arith.constant 0 : i32
        %dma_start3A_374 = tpu.memref_slice %dma_start3A_372[%mul3A_362, %dma_start3A_373] : memref<80x128xi32, #tpu.memory_space<vmem_shared>> -> memref<8x128xi32, #tpu.memory_space<vmem_shared>>
        %dma_start3A_375 = arith.constant 0 : i32
        %dma_start3A_376 = arith.constant 0 : i32
        %dma_start3A_377 = tpu.memref_slice %arg6[%dma_start3A_364, %dma_start3A_375, %dma_start3A_376] : memref<16x8x128xi32, #tpu.memory_space<vmem>> -> memref<1x8x128xi32, #tpu.memory_space<vmem>>
        %dma_start3A_378 = tpu.memref_squeeze %dma_start3A_377 : memref<1x8x128xi32, #tpu.memory_space<vmem>> -> memref<8x128xi32, #tpu.memory_space<vmem>>
        %dma_start3A_379 = arith.constant 0 : i32
        %dma_start3A_380 = arith.constant 0 : i32
        %dma_start3A_381 = tpu.memref_slice %arg8[%dma_start3A_363, %dma_start3A_379, %dma_start3A_380] : memref<16x80x128xi32, #tpu.memory_space<vmem_shared>> -> memref<1x80x128xi32, #tpu.memory_space<vmem_shared>>
        %dma_start3A_382 = tpu.memref_squeeze %dma_start3A_381 : memref<1x80x128xi32, #tpu.memory_space<vmem_shared>> -> memref<80x128xi32, #tpu.memory_space<vmem_shared>>
        %dma_start3A_383 = arith.constant 0 : i32
        %dma_start3A_384 = tpu.memref_slice %dma_start3A_382[%mul3A_362, %dma_start3A_383] : memref<80x128xi32, #tpu.memory_space<vmem_shared>> -> memref<8x128xi32, #tpu.memory_space<vmem_shared>>
        tpu.enqueue_dma source(%dma_start3A_384 : memref<8x128xi32, #tpu.memory_space<vmem_shared>>) target(%dma_start3A_378 : memref<8x128xi32, #tpu.memory_space<vmem>>) target_semaphore(%arg9 : memref<!tpu.dma_semaphore, #tpu.memory_space<semaphore_mem>>)
        %mul3A_385 = arith.constant 8 : i32
        %mul3A_386 = arith.muli %scan3A_25, %mul3A_385 : i32
        %dma_start3A_387 = arith.constant 15 : i32
        %dma_start3A_388 = arith.constant 15 : i32
        %dma_start3A_389 = arith.constant 0 : i32
        %dma_start3A_390 = arith.constant 0 : i32
        %dma_start3A_391 = tpu.memref_slice %arg6[%dma_start3A_388, %dma_start3A_389, %dma_start3A_390] : memref<16x8x128xi32, #tpu.memory_space<vmem>> -> memref<1x8x128xi32, #tpu.memory_space<vmem>>
        %dma_start3A_392 = tpu.memref_squeeze %dma_start3A_391 : memref<1x8x128xi32, #tpu.memory_space<vmem>> -> memref<8x128xi32, #tpu.memory_space<vmem>>
        %dma_start3A_393 = arith.constant 0 : i32
        %dma_start3A_394 = arith.constant 0 : i32
        %dma_start3A_395 = tpu.memref_slice %arg8[%dma_start3A_387, %dma_start3A_393, %dma_start3A_394] : memref<16x80x128xi32, #tpu.memory_space<vmem_shared>> -> memref<1x80x128xi32, #tpu.memory_space<vmem_shared>>
        %dma_start3A_396 = tpu.memref_squeeze %dma_start3A_395 : memref<1x80x128xi32, #tpu.memory_space<vmem_shared>> -> memref<80x128xi32, #tpu.memory_space<vmem_shared>>
        %dma_start3A_397 = arith.constant 0 : i32
        %dma_start3A_398 = tpu.memref_slice %dma_start3A_396[%mul3A_386, %dma_start3A_397] : memref<80x128xi32, #tpu.memory_space<vmem_shared>> -> memref<8x128xi32, #tpu.memory_space<vmem_shared>>
        %dma_start3A_399 = arith.constant 0 : i32
        %dma_start3A_400 = arith.constant 0 : i32
        %dma_start3A_401 = tpu.memref_slice %arg6[%dma_start3A_388, %dma_start3A_399, %dma_start3A_400] : memref<16x8x128xi32, #tpu.memory_space<vmem>> -> memref<1x8x128xi32, #tpu.memory_space<vmem>>
        %dma_start3A_402 = tpu.memref_squeeze %dma_start3A_401 : memref<1x8x128xi32, #tpu.memory_space<vmem>> -> memref<8x128xi32, #tpu.memory_space<vmem>>
        %dma_start3A_403 = arith.constant 0 : i32
        %dma_start3A_404 = arith.constant 0 : i32
        %dma_start3A_405 = tpu.memref_slice %arg8[%dma_start3A_387, %dma_start3A_403, %dma_start3A_404] : memref<16x80x128xi32, #tpu.memory_space<vmem_shared>> -> memref<1x80x128xi32, #tpu.memory_space<vmem_shared>>
        %dma_start3A_406 = tpu.memref_squeeze %dma_start3A_405 : memref<1x80x128xi32, #tpu.memory_space<vmem_shared>> -> memref<80x128xi32, #tpu.memory_space<vmem_shared>>
        %dma_start3A_407 = arith.constant 0 : i32
        %dma_start3A_408 = tpu.memref_slice %dma_start3A_406[%mul3A_386, %dma_start3A_407] : memref<80x128xi32, #tpu.memory_space<vmem_shared>> -> memref<8x128xi32, #tpu.memory_space<vmem_shared>>
        tpu.enqueue_dma source(%dma_start3A_408 : memref<8x128xi32, #tpu.memory_space<vmem_shared>>) target(%dma_start3A_402 : memref<8x128xi32, #tpu.memory_space<vmem>>) target_semaphore(%arg9 : memref<!tpu.dma_semaphore, #tpu.memory_space<semaphore_mem>>)
        %dma_wait3A = arith.constant 0 : i32
        %dma_wait3A_409 = arith.constant 0 : i32
        %dma_wait3A_410 = arith.constant 0 : i32
        %dma_wait3A_411 = arith.constant 0 : i32
        %dma_wait3A_412 = tpu.memref_slice %arg6[%dma_wait3A_409, %dma_wait3A_410, %dma_wait3A_411] : memref<16x8x128xi32, #tpu.memory_space<vmem>> -> memref<1x8x128xi32, #tpu.memory_space<vmem>>
        %dma_wait3A_413 = tpu.memref_squeeze %dma_wait3A_412 : memref<1x8x128xi32, #tpu.memory_space<vmem>> -> memref<8x128xi32, #tpu.memory_space<vmem>>
        %dma_wait3A_414 = arith.constant 0 : i32
        %dma_wait3A_415 = arith.constant 0 : i32
        %dma_wait3A_416 = tpu.memref_slice %arg8[%dma_wait3A, %dma_wait3A_414, %dma_wait3A_415] : memref<16x80x128xi32, #tpu.memory_space<vmem_shared>> -> memref<1x80x128xi32, #tpu.memory_space<vmem_shared>>
        %dma_wait3A_417 = tpu.memref_squeeze %dma_wait3A_416 : memref<1x80x128xi32, #tpu.memory_space<vmem_shared>> -> memref<80x128xi32, #tpu.memory_space<vmem_shared>>
        %dma_wait3A_418 = arith.constant 0 : i32
        %dma_wait3A_419 = arith.constant 0 : i32
        %dma_wait3A_420 = tpu.memref_slice %dma_wait3A_417[%dma_wait3A_418, %dma_wait3A_419] : memref<80x128xi32, #tpu.memory_space<vmem_shared>> -> memref<8x128xi32, #tpu.memory_space<vmem_shared>>
        %dma_wait3A_421 = arith.constant 0 : i32
        %dma_wait3A_422 = arith.constant 0 : i32
        %dma_wait3A_423 = tpu.memref_slice %arg6[%dma_wait3A_409, %dma_wait3A_421, %dma_wait3A_422] : memref<16x8x128xi32, #tpu.memory_space<vmem>> -> memref<1x8x128xi32, #tpu.memory_space<vmem>>
        %dma_wait3A_424 = tpu.memref_squeeze %dma_wait3A_423 : memref<1x8x128xi32, #tpu.memory_space<vmem>> -> memref<8x128xi32, #tpu.memory_space<vmem>>
        %dma_wait3A_425 = arith.constant 0 : i32
        %dma_wait3A_426 = arith.constant 0 : i32
        %dma_wait3A_427 = tpu.memref_slice %arg8[%dma_wait3A, %dma_wait3A_425, %dma_wait3A_426] : memref<16x80x128xi32, #tpu.memory_space<vmem_shared>> -> memref<1x80x128xi32, #tpu.memory_space<vmem_shared>>
        %dma_wait3A_428 = tpu.memref_squeeze %dma_wait3A_427 : memref<1x80x128xi32, #tpu.memory_space<vmem_shared>> -> memref<80x128xi32, #tpu.memory_space<vmem_shared>>
        %dma_wait3A_429 = arith.constant 0 : i32
        %dma_wait3A_430 = arith.constant 0 : i32
        %dma_wait3A_431 = tpu.memref_slice %dma_wait3A_428[%dma_wait3A_429, %dma_wait3A_430] : memref<80x128xi32, #tpu.memory_space<vmem_shared>> -> memref<8x128xi32, #tpu.memory_space<vmem_shared>>
        tpu.wait_dma2 semaphore(%arg9 : memref<!tpu.dma_semaphore, #tpu.memory_space<semaphore_mem>>) src(%dma_wait3A_431 : memref<8x128xi32, #tpu.memory_space<vmem_shared>>) dst(%dma_wait3A_424 : memref<8x128xi32, #tpu.memory_space<vmem>>)
        %dma_wait3A_432 = arith.constant 1 : i32
        %dma_wait3A_433 = arith.constant 1 : i32
        %dma_wait3A_434 = arith.constant 0 : i32
        %dma_wait3A_435 = arith.constant 0 : i32
        %dma_wait3A_436 = tpu.memref_slice %arg6[%dma_wait3A_433, %dma_wait3A_434, %dma_wait3A_435] : memref<16x8x128xi32, #tpu.memory_space<vmem>> -> memref<1x8x128xi32, #tpu.memory_space<vmem>>
        %dma_wait3A_437 = tpu.memref_squeeze %dma_wait3A_436 : memref<1x8x128xi32, #tpu.memory_space<vmem>> -> memref<8x128xi32, #tpu.memory_space<vmem>>
        %dma_wait3A_438 = arith.constant 0 : i32
        %dma_wait3A_439 = arith.constant 0 : i32
        %dma_wait3A_440 = tpu.memref_slice %arg8[%dma_wait3A_432, %dma_wait3A_438, %dma_wait3A_439] : memref<16x80x128xi32, #tpu.memory_space<vmem_shared>> -> memref<1x80x128xi32, #tpu.memory_space<vmem_shared>>
        %dma_wait3A_441 = tpu.memref_squeeze %dma_wait3A_440 : memref<1x80x128xi32, #tpu.memory_space<vmem_shared>> -> memref<80x128xi32, #tpu.memory_space<vmem_shared>>
        %dma_wait3A_442 = arith.constant 0 : i32
        %dma_wait3A_443 = arith.constant 0 : i32
        %dma_wait3A_444 = tpu.memref_slice %dma_wait3A_441[%dma_wait3A_442, %dma_wait3A_443] : memref<80x128xi32, #tpu.memory_space<vmem_shared>> -> memref<8x128xi32, #tpu.memory_space<vmem_shared>>
        %dma_wait3A_445 = arith.constant 0 : i32
        %dma_wait3A_446 = arith.constant 0 : i32
        %dma_wait3A_447 = tpu.memref_slice %arg6[%dma_wait3A_433, %dma_wait3A_445, %dma_wait3A_446] : memref<16x8x128xi32, #tpu.memory_space<vmem>> -> memref<1x8x128xi32, #tpu.memory_space<vmem>>
        %dma_wait3A_448 = tpu.memref_squeeze %dma_wait3A_447 : memref<1x8x128xi32, #tpu.memory_space<vmem>> -> memref<8x128xi32, #tpu.memory_space<vmem>>
        %dma_wait3A_449 = arith.constant 0 : i32
        %dma_wait3A_450 = arith.constant 0 : i32
        %dma_wait3A_451 = tpu.memref_slice %arg8[%dma_wait3A_432, %dma_wait3A_449, %dma_wait3A_450] : memref<16x80x128xi32, #tpu.memory_space<vmem_shared>> -> memref<1x80x128xi32, #tpu.memory_space<vmem_shared>>
        %dma_wait3A_452 = tpu.memref_squeeze %dma_wait3A_451 : memref<1x80x128xi32, #tpu.memory_space<vmem_shared>> -> memref<80x128xi32, #tpu.memory_space<vmem_shared>>
        %dma_wait3A_453 = arith.constant 0 : i32
        %dma_wait3A_454 = arith.constant 0 : i32
        %dma_wait3A_455 = tpu.memref_slice %dma_wait3A_452[%dma_wait3A_453, %dma_wait3A_454] : memref<80x128xi32, #tpu.memory_space<vmem_shared>> -> memref<8x128xi32, #tpu.memory_space<vmem_shared>>
        tpu.wait_dma2 semaphore(%arg9 : memref<!tpu.dma_semaphore, #tpu.memory_space<semaphore_mem>>) src(%dma_wait3A_455 : memref<8x128xi32, #tpu.memory_space<vmem_shared>>) dst(%dma_wait3A_448 : memref<8x128xi32, #tpu.memory_space<vmem>>)
        %dma_wait3A_456 = arith.constant 2 : i32
        %dma_wait3A_457 = arith.constant 2 : i32
        %dma_wait3A_458 = arith.constant 0 : i32
        %dma_wait3A_459 = arith.constant 0 : i32
        %dma_wait3A_460 = tpu.memref_slice %arg6[%dma_wait3A_457, %dma_wait3A_458, %dma_wait3A_459] : memref<16x8x128xi32, #tpu.memory_space<vmem>> -> memref<1x8x128xi32, #tpu.memory_space<vmem>>
        %dma_wait3A_461 = tpu.memref_squeeze %dma_wait3A_460 : memref<1x8x128xi32, #tpu.memory_space<vmem>> -> memref<8x128xi32, #tpu.memory_space<vmem>>
        %dma_wait3A_462 = arith.constant 0 : i32
        %dma_wait3A_463 = arith.constant 0 : i32
        %dma_wait3A_464 = tpu.memref_slice %arg8[%dma_wait3A_456, %dma_wait3A_462, %dma_wait3A_463] : memref<16x80x128xi32, #tpu.memory_space<vmem_shared>> -> memref<1x80x128xi32, #tpu.memory_space<vmem_shared>>
        %dma_wait3A_465 = tpu.memref_squeeze %dma_wait3A_464 : memref<1x80x128xi32, #tpu.memory_space<vmem_shared>> -> memref<80x128xi32, #tpu.memory_space<vmem_shared>>
        %dma_wait3A_466 = arith.constant 0 : i32
        %dma_wait3A_467 = arith.constant 0 : i32
        %dma_wait3A_468 = tpu.memref_slice %dma_wait3A_465[%dma_wait3A_466, %dma_wait3A_467] : memref<80x128xi32, #tpu.memory_space<vmem_shared>> -> memref<8x128xi32, #tpu.memory_space<vmem_shared>>
        %dma_wait3A_469 = arith.constant 0 : i32
        %dma_wait3A_470 = arith.constant 0 : i32
        %dma_wait3A_471 = tpu.memref_slice %arg6[%dma_wait3A_457, %dma_wait3A_469, %dma_wait3A_470] : memref<16x8x128xi32, #tpu.memory_space<vmem>> -> memref<1x8x128xi32, #tpu.memory_space<vmem>>
        %dma_wait3A_472 = tpu.memref_squeeze %dma_wait3A_471 : memref<1x8x128xi32, #tpu.memory_space<vmem>> -> memref<8x128xi32, #tpu.memory_space<vmem>>
        %dma_wait3A_473 = arith.constant 0 : i32
        %dma_wait3A_474 = arith.constant 0 : i32
        %dma_wait3A_475 = tpu.memref_slice %arg8[%dma_wait3A_456, %dma_wait3A_473, %dma_wait3A_474] : memref<16x80x128xi32, #tpu.memory_space<vmem_shared>> -> memref<1x80x128xi32, #tpu.memory_space<vmem_shared>>
        %dma_wait3A_476 = tpu.memref_squeeze %dma_wait3A_475 : memref<1x80x128xi32, #tpu.memory_space<vmem_shared>> -> memref<80x128xi32, #tpu.memory_space<vmem_shared>>
        %dma_wait3A_477 = arith.constant 0 : i32
        %dma_wait3A_478 = arith.constant 0 : i32
        %dma_wait3A_479 = tpu.memref_slice %dma_wait3A_476[%dma_wait3A_477, %dma_wait3A_478] : memref<80x128xi32, #tpu.memory_space<vmem_shared>> -> memref<8x128xi32, #tpu.memory_space<vmem_shared>>
        tpu.wait_dma2 semaphore(%arg9 : memref<!tpu.dma_semaphore, #tpu.memory_space<semaphore_mem>>) src(%dma_wait3A_479 : memref<8x128xi32, #tpu.memory_space<vmem_shared>>) dst(%dma_wait3A_472 : memref<8x128xi32, #tpu.memory_space<vmem>>)
        %dma_wait3A_480 = arith.constant 3 : i32
        %dma_wait3A_481 = arith.constant 3 : i32
        %dma_wait3A_482 = arith.constant 0 : i32
        %dma_wait3A_483 = arith.constant 0 : i32
        %dma_wait3A_484 = tpu.memref_slice %arg6[%dma_wait3A_481, %dma_wait3A_482, %dma_wait3A_483] : memref<16x8x128xi32, #tpu.memory_space<vmem>> -> memref<1x8x128xi32, #tpu.memory_space<vmem>>
        %dma_wait3A_485 = tpu.memref_squeeze %dma_wait3A_484 : memref<1x8x128xi32, #tpu.memory_space<vmem>> -> memref<8x128xi32, #tpu.memory_space<vmem>>
        %dma_wait3A_486 = arith.constant 0 : i32
        %dma_wait3A_487 = arith.constant 0 : i32
        %dma_wait3A_488 = tpu.memref_slice %arg8[%dma_wait3A_480, %dma_wait3A_486, %dma_wait3A_487] : memref<16x80x128xi32, #tpu.memory_space<vmem_shared>> -> memref<1x80x128xi32, #tpu.memory_space<vmem_shared>>
        %dma_wait3A_489 = tpu.memref_squeeze %dma_wait3A_488 : memref<1x80x128xi32, #tpu.memory_space<vmem_shared>> -> memref<80x128xi32, #tpu.memory_space<vmem_shared>>
        %dma_wait3A_490 = arith.constant 0 : i32
        %dma_wait3A_491 = arith.constant 0 : i32
        %dma_wait3A_492 = tpu.memref_slice %dma_wait3A_489[%dma_wait3A_490, %dma_wait3A_491] : memref<80x128xi32, #tpu.memory_space<vmem_shared>> -> memref<8x128xi32, #tpu.memory_space<vmem_shared>>
        %dma_wait3A_493 = arith.constant 0 : i32
        %dma_wait3A_494 = arith.constant 0 : i32
        %dma_wait3A_495 = tpu.memref_slice %arg6[%dma_wait3A_481, %dma_wait3A_493, %dma_wait3A_494] : memref<16x8x128xi32, #tpu.memory_space<vmem>> -> memref<1x8x128xi32, #tpu.memory_space<vmem>>
        %dma_wait3A_496 = tpu.memref_squeeze %dma_wait3A_495 : memref<1x8x128xi32, #tpu.memory_space<vmem>> -> memref<8x128xi32, #tpu.memory_space<vmem>>
        %dma_wait3A_497 = arith.constant 0 : i32
        %dma_wait3A_498 = arith.constant 0 : i32
        %dma_wait3A_499 = tpu.memref_slice %arg8[%dma_wait3A_480, %dma_wait3A_497, %dma_wait3A_498] : memref<16x80x128xi32, #tpu.memory_space<vmem_shared>> -> memref<1x80x128xi32, #tpu.memory_space<vmem_shared>>
        %dma_wait3A_500 = tpu.memref_squeeze %dma_wait3A_499 : memref<1x80x128xi32, #tpu.memory_space<vmem_shared>> -> memref<80x128xi32, #tpu.memory_space<vmem_shared>>
        %dma_wait3A_501 = arith.constant 0 : i32
        %dma_wait3A_502 = arith.constant 0 : i32
        %dma_wait3A_503 = tpu.memref_slice %dma_wait3A_500[%dma_wait3A_501, %dma_wait3A_502] : memref<80x128xi32, #tpu.memory_space<vmem_shared>> -> memref<8x128xi32, #tpu.memory_space<vmem_shared>>
        tpu.wait_dma2 semaphore(%arg9 : memref<!tpu.dma_semaphore, #tpu.memory_space<semaphore_mem>>) src(%dma_wait3A_503 : memref<8x128xi32, #tpu.memory_space<vmem_shared>>) dst(%dma_wait3A_496 : memref<8x128xi32, #tpu.memory_space<vmem>>)
        %dma_wait3A_504 = arith.constant 4 : i32
        %dma_wait3A_505 = arith.constant 4 : i32
        %dma_wait3A_506 = arith.constant 0 : i32
        %dma_wait3A_507 = arith.constant 0 : i32
        %dma_wait3A_508 = tpu.memref_slice %arg6[%dma_wait3A_505, %dma_wait3A_506, %dma_wait3A_507] : memref<16x8x128xi32, #tpu.memory_space<vmem>> -> memref<1x8x128xi32, #tpu.memory_space<vmem>>
        %dma_wait3A_509 = tpu.memref_squeeze %dma_wait3A_508 : memref<1x8x128xi32, #tpu.memory_space<vmem>> -> memref<8x128xi32, #tpu.memory_space<vmem>>
        %dma_wait3A_510 = arith.constant 0 : i32
        %dma_wait3A_511 = arith.constant 0 : i32
        %dma_wait3A_512 = tpu.memref_slice %arg8[%dma_wait3A_504, %dma_wait3A_510, %dma_wait3A_511] : memref<16x80x128xi32, #tpu.memory_space<vmem_shared>> -> memref<1x80x128xi32, #tpu.memory_space<vmem_shared>>
        %dma_wait3A_513 = tpu.memref_squeeze %dma_wait3A_512 : memref<1x80x128xi32, #tpu.memory_space<vmem_shared>> -> memref<80x128xi32, #tpu.memory_space<vmem_shared>>
        %dma_wait3A_514 = arith.constant 0 : i32
        %dma_wait3A_515 = arith.constant 0 : i32
        %dma_wait3A_516 = tpu.memref_slice %dma_wait3A_513[%dma_wait3A_514, %dma_wait3A_515] : memref<80x128xi32, #tpu.memory_space<vmem_shared>> -> memref<8x128xi32, #tpu.memory_space<vmem_shared>>
        %dma_wait3A_517 = arith.constant 0 : i32
        %dma_wait3A_518 = arith.constant 0 : i32
        %dma_wait3A_519 = tpu.memref_slice %arg6[%dma_wait3A_505, %dma_wait3A_517, %dma_wait3A_518] : memref<16x8x128xi32, #tpu.memory_space<vmem>> -> memref<1x8x128xi32, #tpu.memory_space<vmem>>
        %dma_wait3A_520 = tpu.memref_squeeze %dma_wait3A_519 : memref<1x8x128xi32, #tpu.memory_space<vmem>> -> memref<8x128xi32, #tpu.memory_space<vmem>>
        %dma_wait3A_521 = arith.constant 0 : i32
        %dma_wait3A_522 = arith.constant 0 : i32
        %dma_wait3A_523 = tpu.memref_slice %arg8[%dma_wait3A_504, %dma_wait3A_521, %dma_wait3A_522] : memref<16x80x128xi32, #tpu.memory_space<vmem_shared>> -> memref<1x80x128xi32, #tpu.memory_space<vmem_shared>>
        %dma_wait3A_524 = tpu.memref_squeeze %dma_wait3A_523 : memref<1x80x128xi32, #tpu.memory_space<vmem_shared>> -> memref<80x128xi32, #tpu.memory_space<vmem_shared>>
        %dma_wait3A_525 = arith.constant 0 : i32
        %dma_wait3A_526 = arith.constant 0 : i32
        %dma_wait3A_527 = tpu.memref_slice %dma_wait3A_524[%dma_wait3A_525, %dma_wait3A_526] : memref<80x128xi32, #tpu.memory_space<vmem_shared>> -> memref<8x128xi32, #tpu.memory_space<vmem_shared>>
        tpu.wait_dma2 semaphore(%arg9 : memref<!tpu.dma_semaphore, #tpu.memory_space<semaphore_mem>>) src(%dma_wait3A_527 : memref<8x128xi32, #tpu.memory_space<vmem_shared>>) dst(%dma_wait3A_520 : memref<8x128xi32, #tpu.memory_space<vmem>>)
        %dma_wait3A_528 = arith.constant 5 : i32
        %dma_wait3A_529 = arith.constant 5 : i32
        %dma_wait3A_530 = arith.constant 0 : i32
        %dma_wait3A_531 = arith.constant 0 : i32
        %dma_wait3A_532 = tpu.memref_slice %arg6[%dma_wait3A_529, %dma_wait3A_530, %dma_wait3A_531] : memref<16x8x128xi32, #tpu.memory_space<vmem>> -> memref<1x8x128xi32, #tpu.memory_space<vmem>>
        %dma_wait3A_533 = tpu.memref_squeeze %dma_wait3A_532 : memref<1x8x128xi32, #tpu.memory_space<vmem>> -> memref<8x128xi32, #tpu.memory_space<vmem>>
        %dma_wait3A_534 = arith.constant 0 : i32
        %dma_wait3A_535 = arith.constant 0 : i32
        %dma_wait3A_536 = tpu.memref_slice %arg8[%dma_wait3A_528, %dma_wait3A_534, %dma_wait3A_535] : memref<16x80x128xi32, #tpu.memory_space<vmem_shared>> -> memref<1x80x128xi32, #tpu.memory_space<vmem_shared>>
        %dma_wait3A_537 = tpu.memref_squeeze %dma_wait3A_536 : memref<1x80x128xi32, #tpu.memory_space<vmem_shared>> -> memref<80x128xi32, #tpu.memory_space<vmem_shared>>
        %dma_wait3A_538 = arith.constant 0 : i32
        %dma_wait3A_539 = arith.constant 0 : i32
        %dma_wait3A_540 = tpu.memref_slice %dma_wait3A_537[%dma_wait3A_538, %dma_wait3A_539] : memref<80x128xi32, #tpu.memory_space<vmem_shared>> -> memref<8x128xi32, #tpu.memory_space<vmem_shared>>
        %dma_wait3A_541 = arith.constant 0 : i32
        %dma_wait3A_542 = arith.constant 0 : i32
        %dma_wait3A_543 = tpu.memref_slice %arg6[%dma_wait3A_529, %dma_wait3A_541, %dma_wait3A_542] : memref<16x8x128xi32, #tpu.memory_space<vmem>> -> memref<1x8x128xi32, #tpu.memory_space<vmem>>
        %dma_wait3A_544 = tpu.memref_squeeze %dma_wait3A_543 : memref<1x8x128xi32, #tpu.memory_space<vmem>> -> memref<8x128xi32, #tpu.memory_space<vmem>>
        %dma_wait3A_545 = arith.constant 0 : i32
        %dma_wait3A_546 = arith.constant 0 : i32
        %dma_wait3A_547 = tpu.memref_slice %arg8[%dma_wait3A_528, %dma_wait3A_545, %dma_wait3A_546] : memref<16x80x128xi32, #tpu.memory_space<vmem_shared>> -> memref<1x80x128xi32, #tpu.memory_space<vmem_shared>>
        %dma_wait3A_548 = tpu.memref_squeeze %dma_wait3A_547 : memref<1x80x128xi32, #tpu.memory_space<vmem_shared>> -> memref<80x128xi32, #tpu.memory_space<vmem_shared>>
        %dma_wait3A_549 = arith.constant 0 : i32
        %dma_wait3A_550 = arith.constant 0 : i32
        %dma_wait3A_551 = tpu.memref_slice %dma_wait3A_548[%dma_wait3A_549, %dma_wait3A_550] : memref<80x128xi32, #tpu.memory_space<vmem_shared>> -> memref<8x128xi32, #tpu.memory_space<vmem_shared>>
        tpu.wait_dma2 semaphore(%arg9 : memref<!tpu.dma_semaphore, #tpu.memory_space<semaphore_mem>>) src(%dma_wait3A_551 : memref<8x128xi32, #tpu.memory_space<vmem_shared>>) dst(%dma_wait3A_544 : memref<8x128xi32, #tpu.memory_space<vmem>>)
        %dma_wait3A_552 = arith.constant 6 : i32
        %dma_wait3A_553 = arith.constant 6 : i32
        %dma_wait3A_554 = arith.constant 0 : i32
        %dma_wait3A_555 = arith.constant 0 : i32
        %dma_wait3A_556 = tpu.memref_slice %arg6[%dma_wait3A_553, %dma_wait3A_554, %dma_wait3A_555] : memref<16x8x128xi32, #tpu.memory_space<vmem>> -> memref<1x8x128xi32, #tpu.memory_space<vmem>>
        %dma_wait3A_557 = tpu.memref_squeeze %dma_wait3A_556 : memref<1x8x128xi32, #tpu.memory_space<vmem>> -> memref<8x128xi32, #tpu.memory_space<vmem>>
        %dma_wait3A_558 = arith.constant 0 : i32
        %dma_wait3A_559 = arith.constant 0 : i32
        %dma_wait3A_560 = tpu.memref_slice %arg8[%dma_wait3A_552, %dma_wait3A_558, %dma_wait3A_559] : memref<16x80x128xi32, #tpu.memory_space<vmem_shared>> -> memref<1x80x128xi32, #tpu.memory_space<vmem_shared>>
        %dma_wait3A_561 = tpu.memref_squeeze %dma_wait3A_560 : memref<1x80x128xi32, #tpu.memory_space<vmem_shared>> -> memref<80x128xi32, #tpu.memory_space<vmem_shared>>
        %dma_wait3A_562 = arith.constant 0 : i32
        %dma_wait3A_563 = arith.constant 0 : i32
        %dma_wait3A_564 = tpu.memref_slice %dma_wait3A_561[%dma_wait3A_562, %dma_wait3A_563] : memref<80x128xi32, #tpu.memory_space<vmem_shared>> -> memref<8x128xi32, #tpu.memory_space<vmem_shared>>
        %dma_wait3A_565 = arith.constant 0 : i32
        %dma_wait3A_566 = arith.constant 0 : i32
        %dma_wait3A_567 = tpu.memref_slice %arg6[%dma_wait3A_553, %dma_wait3A_565, %dma_wait3A_566] : memref<16x8x128xi32, #tpu.memory_space<vmem>> -> memref<1x8x128xi32, #tpu.memory_space<vmem>>
        %dma_wait3A_568 = tpu.memref_squeeze %dma_wait3A_567 : memref<1x8x128xi32, #tpu.memory_space<vmem>> -> memref<8x128xi32, #tpu.memory_space<vmem>>
        %dma_wait3A_569 = arith.constant 0 : i32
        %dma_wait3A_570 = arith.constant 0 : i32
        %dma_wait3A_571 = tpu.memref_slice %arg8[%dma_wait3A_552, %dma_wait3A_569, %dma_wait3A_570] : memref<16x80x128xi32, #tpu.memory_space<vmem_shared>> -> memref<1x80x128xi32, #tpu.memory_space<vmem_shared>>
        %dma_wait3A_572 = tpu.memref_squeeze %dma_wait3A_571 : memref<1x80x128xi32, #tpu.memory_space<vmem_shared>> -> memref<80x128xi32, #tpu.memory_space<vmem_shared>>
        %dma_wait3A_573 = arith.constant 0 : i32
        %dma_wait3A_574 = arith.constant 0 : i32
        %dma_wait3A_575 = tpu.memref_slice %dma_wait3A_572[%dma_wait3A_573, %dma_wait3A_574] : memref<80x128xi32, #tpu.memory_space<vmem_shared>> -> memref<8x128xi32, #tpu.memory_space<vmem_shared>>
        tpu.wait_dma2 semaphore(%arg9 : memref<!tpu.dma_semaphore, #tpu.memory_space<semaphore_mem>>) src(%dma_wait3A_575 : memref<8x128xi32, #tpu.memory_space<vmem_shared>>) dst(%dma_wait3A_568 : memref<8x128xi32, #tpu.memory_space<vmem>>)
        %dma_wait3A_576 = arith.constant 7 : i32
        %dma_wait3A_577 = arith.constant 7 : i32
        %dma_wait3A_578 = arith.constant 0 : i32
        %dma_wait3A_579 = arith.constant 0 : i32
        %dma_wait3A_580 = tpu.memref_slice %arg6[%dma_wait3A_577, %dma_wait3A_578, %dma_wait3A_579] : memref<16x8x128xi32, #tpu.memory_space<vmem>> -> memref<1x8x128xi32, #tpu.memory_space<vmem>>
        %dma_wait3A_581 = tpu.memref_squeeze %dma_wait3A_580 : memref<1x8x128xi32, #tpu.memory_space<vmem>> -> memref<8x128xi32, #tpu.memory_space<vmem>>
        %dma_wait3A_582 = arith.constant 0 : i32
        %dma_wait3A_583 = arith.constant 0 : i32
        %dma_wait3A_584 = tpu.memref_slice %arg8[%dma_wait3A_576, %dma_wait3A_582, %dma_wait3A_583] : memref<16x80x128xi32, #tpu.memory_space<vmem_shared>> -> memref<1x80x128xi32, #tpu.memory_space<vmem_shared>>
        %dma_wait3A_585 = tpu.memref_squeeze %dma_wait3A_584 : memref<1x80x128xi32, #tpu.memory_space<vmem_shared>> -> memref<80x128xi32, #tpu.memory_space<vmem_shared>>
        %dma_wait3A_586 = arith.constant 0 : i32
        %dma_wait3A_587 = arith.constant 0 : i32
        %dma_wait3A_588 = tpu.memref_slice %dma_wait3A_585[%dma_wait3A_586, %dma_wait3A_587] : memref<80x128xi32, #tpu.memory_space<vmem_shared>> -> memref<8x128xi32, #tpu.memory_space<vmem_shared>>
        %dma_wait3A_589 = arith.constant 0 : i32
        %dma_wait3A_590 = arith.constant 0 : i32
        %dma_wait3A_591 = tpu.memref_slice %arg6[%dma_wait3A_577, %dma_wait3A_589, %dma_wait3A_590] : memref<16x8x128xi32, #tpu.memory_space<vmem>> -> memref<1x8x128xi32, #tpu.memory_space<vmem>>
        %dma_wait3A_592 = tpu.memref_squeeze %dma_wait3A_591 : memref<1x8x128xi32, #tpu.memory_space<vmem>> -> memref<8x128xi32, #tpu.memory_space<vmem>>
        %dma_wait3A_593 = arith.constant 0 : i32
        %dma_wait3A_594 = arith.constant 0 : i32
        %dma_wait3A_595 = tpu.memref_slice %arg8[%dma_wait3A_576, %dma_wait3A_593, %dma_wait3A_594] : memref<16x80x128xi32, #tpu.memory_space<vmem_shared>> -> memref<1x80x128xi32, #tpu.memory_space<vmem_shared>>
        %dma_wait3A_596 = tpu.memref_squeeze %dma_wait3A_595 : memref<1x80x128xi32, #tpu.memory_space<vmem_shared>> -> memref<80x128xi32, #tpu.memory_space<vmem_shared>>
        %dma_wait3A_597 = arith.constant 0 : i32
        %dma_wait3A_598 = arith.constant 0 : i32
        %dma_wait3A_599 = tpu.memref_slice %dma_wait3A_596[%dma_wait3A_597, %dma_wait3A_598] : memref<80x128xi32, #tpu.memory_space<vmem_shared>> -> memref<8x128xi32, #tpu.memory_space<vmem_shared>>
        tpu.wait_dma2 semaphore(%arg9 : memref<!tpu.dma_semaphore, #tpu.memory_space<semaphore_mem>>) src(%dma_wait3A_599 : memref<8x128xi32, #tpu.memory_space<vmem_shared>>) dst(%dma_wait3A_592 : memref<8x128xi32, #tpu.memory_space<vmem>>)
        %dma_wait3A_600 = arith.constant 8 : i32
        %dma_wait3A_601 = arith.constant 8 : i32
        %dma_wait3A_602 = arith.constant 0 : i32
        %dma_wait3A_603 = arith.constant 0 : i32
        %dma_wait3A_604 = tpu.memref_slice %arg6[%dma_wait3A_601, %dma_wait3A_602, %dma_wait3A_603] : memref<16x8x128xi32, #tpu.memory_space<vmem>> -> memref<1x8x128xi32, #tpu.memory_space<vmem>>
        %dma_wait3A_605 = tpu.memref_squeeze %dma_wait3A_604 : memref<1x8x128xi32, #tpu.memory_space<vmem>> -> memref<8x128xi32, #tpu.memory_space<vmem>>
        %dma_wait3A_606 = arith.constant 0 : i32
        %dma_wait3A_607 = arith.constant 0 : i32
        %dma_wait3A_608 = tpu.memref_slice %arg8[%dma_wait3A_600, %dma_wait3A_606, %dma_wait3A_607] : memref<16x80x128xi32, #tpu.memory_space<vmem_shared>> -> memref<1x80x128xi32, #tpu.memory_space<vmem_shared>>
        %dma_wait3A_609 = tpu.memref_squeeze %dma_wait3A_608 : memref<1x80x128xi32, #tpu.memory_space<vmem_shared>> -> memref<80x128xi32, #tpu.memory_space<vmem_shared>>
        %dma_wait3A_610 = arith.constant 0 : i32
        %dma_wait3A_611 = arith.constant 0 : i32
        %dma_wait3A_612 = tpu.memref_slice %dma_wait3A_609[%dma_wait3A_610, %dma_wait3A_611] : memref<80x128xi32, #tpu.memory_space<vmem_shared>> -> memref<8x128xi32, #tpu.memory_space<vmem_shared>>
        %dma_wait3A_613 = arith.constant 0 : i32
        %dma_wait3A_614 = arith.constant 0 : i32
        %dma_wait3A_615 = tpu.memref_slice %arg6[%dma_wait3A_601, %dma_wait3A_613, %dma_wait3A_614] : memref<16x8x128xi32, #tpu.memory_space<vmem>> -> memref<1x8x128xi32, #tpu.memory_space<vmem>>
        %dma_wait3A_616 = tpu.memref_squeeze %dma_wait3A_615 : memref<1x8x128xi32, #tpu.memory_space<vmem>> -> memref<8x128xi32, #tpu.memory_space<vmem>>
        %dma_wait3A_617 = arith.constant 0 : i32
        %dma_wait3A_618 = arith.constant 0 : i32
        %dma_wait3A_619 = tpu.memref_slice %arg8[%dma_wait3A_600, %dma_wait3A_617, %dma_wait3A_618] : memref<16x80x128xi32, #tpu.memory_space<vmem_shared>> -> memref<1x80x128xi32, #tpu.memory_space<vmem_shared>>
        %dma_wait3A_620 = tpu.memref_squeeze %dma_wait3A_619 : memref<1x80x128xi32, #tpu.memory_space<vmem_shared>> -> memref<80x128xi32, #tpu.memory_space<vmem_shared>>
        %dma_wait3A_621 = arith.constant 0 : i32
        %dma_wait3A_622 = arith.constant 0 : i32
        %dma_wait3A_623 = tpu.memref_slice %dma_wait3A_620[%dma_wait3A_621, %dma_wait3A_622] : memref<80x128xi32, #tpu.memory_space<vmem_shared>> -> memref<8x128xi32, #tpu.memory_space<vmem_shared>>
        tpu.wait_dma2 semaphore(%arg9 : memref<!tpu.dma_semaphore, #tpu.memory_space<semaphore_mem>>) src(%dma_wait3A_623 : memref<8x128xi32, #tpu.memory_space<vmem_shared>>) dst(%dma_wait3A_616 : memref<8x128xi32, #tpu.memory_space<vmem>>)
        %dma_wait3A_624 = arith.constant 9 : i32
        %dma_wait3A_625 = arith.constant 9 : i32
        %dma_wait3A_626 = arith.constant 0 : i32
        %dma_wait3A_627 = arith.constant 0 : i32
        %dma_wait3A_628 = tpu.memref_slice %arg6[%dma_wait3A_625, %dma_wait3A_626, %dma_wait3A_627] : memref<16x8x128xi32, #tpu.memory_space<vmem>> -> memref<1x8x128xi32, #tpu.memory_space<vmem>>
        %dma_wait3A_629 = tpu.memref_squeeze %dma_wait3A_628 : memref<1x8x128xi32, #tpu.memory_space<vmem>> -> memref<8x128xi32, #tpu.memory_space<vmem>>
        %dma_wait3A_630 = arith.constant 0 : i32
        %dma_wait3A_631 = arith.constant 0 : i32
        %dma_wait3A_632 = tpu.memref_slice %arg8[%dma_wait3A_624, %dma_wait3A_630, %dma_wait3A_631] : memref<16x80x128xi32, #tpu.memory_space<vmem_shared>> -> memref<1x80x128xi32, #tpu.memory_space<vmem_shared>>
        %dma_wait3A_633 = tpu.memref_squeeze %dma_wait3A_632 : memref<1x80x128xi32, #tpu.memory_space<vmem_shared>> -> memref<80x128xi32, #tpu.memory_space<vmem_shared>>
        %dma_wait3A_634 = arith.constant 0 : i32
        %dma_wait3A_635 = arith.constant 0 : i32
        %dma_wait3A_636 = tpu.memref_slice %dma_wait3A_633[%dma_wait3A_634, %dma_wait3A_635] : memref<80x128xi32, #tpu.memory_space<vmem_shared>> -> memref<8x128xi32, #tpu.memory_space<vmem_shared>>
        %dma_wait3A_637 = arith.constant 0 : i32
        %dma_wait3A_638 = arith.constant 0 : i32
        %dma_wait3A_639 = tpu.memref_slice %arg6[%dma_wait3A_625, %dma_wait3A_637, %dma_wait3A_638] : memref<16x8x128xi32, #tpu.memory_space<vmem>> -> memref<1x8x128xi32, #tpu.memory_space<vmem>>
        %dma_wait3A_640 = tpu.memref_squeeze %dma_wait3A_639 : memref<1x8x128xi32, #tpu.memory_space<vmem>> -> memref<8x128xi32, #tpu.memory_space<vmem>>
        %dma_wait3A_641 = arith.constant 0 : i32
        %dma_wait3A_642 = arith.constant 0 : i32
        %dma_wait3A_643 = tpu.memref_slice %arg8[%dma_wait3A_624, %dma_wait3A_641, %dma_wait3A_642] : memref<16x80x128xi32, #tpu.memory_space<vmem_shared>> -> memref<1x80x128xi32, #tpu.memory_space<vmem_shared>>
        %dma_wait3A_644 = tpu.memref_squeeze %dma_wait3A_643 : memref<1x80x128xi32, #tpu.memory_space<vmem_shared>> -> memref<80x128xi32, #tpu.memory_space<vmem_shared>>
        %dma_wait3A_645 = arith.constant 0 : i32
        %dma_wait3A_646 = arith.constant 0 : i32
        %dma_wait3A_647 = tpu.memref_slice %dma_wait3A_644[%dma_wait3A_645, %dma_wait3A_646] : memref<80x128xi32, #tpu.memory_space<vmem_shared>> -> memref<8x128xi32, #tpu.memory_space<vmem_shared>>
        tpu.wait_dma2 semaphore(%arg9 : memref<!tpu.dma_semaphore, #tpu.memory_space<semaphore_mem>>) src(%dma_wait3A_647 : memref<8x128xi32, #tpu.memory_space<vmem_shared>>) dst(%dma_wait3A_640 : memref<8x128xi32, #tpu.memory_space<vmem>>)
        %dma_wait3A_648 = arith.constant 10 : i32
        %dma_wait3A_649 = arith.constant 10 : i32
        %dma_wait3A_650 = arith.constant 0 : i32
        %dma_wait3A_651 = arith.constant 0 : i32
        %dma_wait3A_652 = tpu.memref_slice %arg6[%dma_wait3A_649, %dma_wait3A_650, %dma_wait3A_651] : memref<16x8x128xi32, #tpu.memory_space<vmem>> -> memref<1x8x128xi32, #tpu.memory_space<vmem>>
        %dma_wait3A_653 = tpu.memref_squeeze %dma_wait3A_652 : memref<1x8x128xi32, #tpu.memory_space<vmem>> -> memref<8x128xi32, #tpu.memory_space<vmem>>
        %dma_wait3A_654 = arith.constant 0 : i32
        %dma_wait3A_655 = arith.constant 0 : i32
        %dma_wait3A_656 = tpu.memref_slice %arg8[%dma_wait3A_648, %dma_wait3A_654, %dma_wait3A_655] : memref<16x80x128xi32, #tpu.memory_space<vmem_shared>> -> memref<1x80x128xi32, #tpu.memory_space<vmem_shared>>
        %dma_wait3A_657 = tpu.memref_squeeze %dma_wait3A_656 : memref<1x80x128xi32, #tpu.memory_space<vmem_shared>> -> memref<80x128xi32, #tpu.memory_space<vmem_shared>>
        %dma_wait3A_658 = arith.constant 0 : i32
        %dma_wait3A_659 = arith.constant 0 : i32
        %dma_wait3A_660 = tpu.memref_slice %dma_wait3A_657[%dma_wait3A_658, %dma_wait3A_659] : memref<80x128xi32, #tpu.memory_space<vmem_shared>> -> memref<8x128xi32, #tpu.memory_space<vmem_shared>>
        %dma_wait3A_661 = arith.constant 0 : i32
        %dma_wait3A_662 = arith.constant 0 : i32
        %dma_wait3A_663 = tpu.memref_slice %arg6[%dma_wait3A_649, %dma_wait3A_661, %dma_wait3A_662] : memref<16x8x128xi32, #tpu.memory_space<vmem>> -> memref<1x8x128xi32, #tpu.memory_space<vmem>>
        %dma_wait3A_664 = tpu.memref_squeeze %dma_wait3A_663 : memref<1x8x128xi32, #tpu.memory_space<vmem>> -> memref<8x128xi32, #tpu.memory_space<vmem>>
        %dma_wait3A_665 = arith.constant 0 : i32
        %dma_wait3A_666 = arith.constant 0 : i32
        %dma_wait3A_667 = tpu.memref_slice %arg8[%dma_wait3A_648, %dma_wait3A_665, %dma_wait3A_666] : memref<16x80x128xi32, #tpu.memory_space<vmem_shared>> -> memref<1x80x128xi32, #tpu.memory_space<vmem_shared>>
        %dma_wait3A_668 = tpu.memref_squeeze %dma_wait3A_667 : memref<1x80x128xi32, #tpu.memory_space<vmem_shared>> -> memref<80x128xi32, #tpu.memory_space<vmem_shared>>
        %dma_wait3A_669 = arith.constant 0 : i32
        %dma_wait3A_670 = arith.constant 0 : i32
        %dma_wait3A_671 = tpu.memref_slice %dma_wait3A_668[%dma_wait3A_669, %dma_wait3A_670] : memref<80x128xi32, #tpu.memory_space<vmem_shared>> -> memref<8x128xi32, #tpu.memory_space<vmem_shared>>
        tpu.wait_dma2 semaphore(%arg9 : memref<!tpu.dma_semaphore, #tpu.memory_space<semaphore_mem>>) src(%dma_wait3A_671 : memref<8x128xi32, #tpu.memory_space<vmem_shared>>) dst(%dma_wait3A_664 : memref<8x128xi32, #tpu.memory_space<vmem>>)
        %dma_wait3A_672 = arith.constant 11 : i32
        %dma_wait3A_673 = arith.constant 11 : i32
        %dma_wait3A_674 = arith.constant 0 : i32
        %dma_wait3A_675 = arith.constant 0 : i32
        %dma_wait3A_676 = tpu.memref_slice %arg6[%dma_wait3A_673, %dma_wait3A_674, %dma_wait3A_675] : memref<16x8x128xi32, #tpu.memory_space<vmem>> -> memref<1x8x128xi32, #tpu.memory_space<vmem>>
        %dma_wait3A_677 = tpu.memref_squeeze %dma_wait3A_676 : memref<1x8x128xi32, #tpu.memory_space<vmem>> -> memref<8x128xi32, #tpu.memory_space<vmem>>
        %dma_wait3A_678 = arith.constant 0 : i32
        %dma_wait3A_679 = arith.constant 0 : i32
        %dma_wait3A_680 = tpu.memref_slice %arg8[%dma_wait3A_672, %dma_wait3A_678, %dma_wait3A_679] : memref<16x80x128xi32, #tpu.memory_space<vmem_shared>> -> memref<1x80x128xi32, #tpu.memory_space<vmem_shared>>
        %dma_wait3A_681 = tpu.memref_squeeze %dma_wait3A_680 : memref<1x80x128xi32, #tpu.memory_space<vmem_shared>> -> memref<80x128xi32, #tpu.memory_space<vmem_shared>>
        %dma_wait3A_682 = arith.constant 0 : i32
        %dma_wait3A_683 = arith.constant 0 : i32
        %dma_wait3A_684 = tpu.memref_slice %dma_wait3A_681[%dma_wait3A_682, %dma_wait3A_683] : memref<80x128xi32, #tpu.memory_space<vmem_shared>> -> memref<8x128xi32, #tpu.memory_space<vmem_shared>>
        %dma_wait3A_685 = arith.constant 0 : i32
        %dma_wait3A_686 = arith.constant 0 : i32
        %dma_wait3A_687 = tpu.memref_slice %arg6[%dma_wait3A_673, %dma_wait3A_685, %dma_wait3A_686] : memref<16x8x128xi32, #tpu.memory_space<vmem>> -> memref<1x8x128xi32, #tpu.memory_space<vmem>>
        %dma_wait3A_688 = tpu.memref_squeeze %dma_wait3A_687 : memref<1x8x128xi32, #tpu.memory_space<vmem>> -> memref<8x128xi32, #tpu.memory_space<vmem>>
        %dma_wait3A_689 = arith.constant 0 : i32
        %dma_wait3A_690 = arith.constant 0 : i32
        %dma_wait3A_691 = tpu.memref_slice %arg8[%dma_wait3A_672, %dma_wait3A_689, %dma_wait3A_690] : memref<16x80x128xi32, #tpu.memory_space<vmem_shared>> -> memref<1x80x128xi32, #tpu.memory_space<vmem_shared>>
        %dma_wait3A_692 = tpu.memref_squeeze %dma_wait3A_691 : memref<1x80x128xi32, #tpu.memory_space<vmem_shared>> -> memref<80x128xi32, #tpu.memory_space<vmem_shared>>
        %dma_wait3A_693 = arith.constant 0 : i32
        %dma_wait3A_694 = arith.constant 0 : i32
        %dma_wait3A_695 = tpu.memref_slice %dma_wait3A_692[%dma_wait3A_693, %dma_wait3A_694] : memref<80x128xi32, #tpu.memory_space<vmem_shared>> -> memref<8x128xi32, #tpu.memory_space<vmem_shared>>
        tpu.wait_dma2 semaphore(%arg9 : memref<!tpu.dma_semaphore, #tpu.memory_space<semaphore_mem>>) src(%dma_wait3A_695 : memref<8x128xi32, #tpu.memory_space<vmem_shared>>) dst(%dma_wait3A_688 : memref<8x128xi32, #tpu.memory_space<vmem>>)
        %dma_wait3A_696 = arith.constant 12 : i32
        %dma_wait3A_697 = arith.constant 12 : i32
        %dma_wait3A_698 = arith.constant 0 : i32
        %dma_wait3A_699 = arith.constant 0 : i32
        %dma_wait3A_700 = tpu.memref_slice %arg6[%dma_wait3A_697, %dma_wait3A_698, %dma_wait3A_699] : memref<16x8x128xi32, #tpu.memory_space<vmem>> -> memref<1x8x128xi32, #tpu.memory_space<vmem>>
        %dma_wait3A_701 = tpu.memref_squeeze %dma_wait3A_700 : memref<1x8x128xi32, #tpu.memory_space<vmem>> -> memref<8x128xi32, #tpu.memory_space<vmem>>
        %dma_wait3A_702 = arith.constant 0 : i32
        %dma_wait3A_703 = arith.constant 0 : i32
        %dma_wait3A_704 = tpu.memref_slice %arg8[%dma_wait3A_696, %dma_wait3A_702, %dma_wait3A_703] : memref<16x80x128xi32, #tpu.memory_space<vmem_shared>> -> memref<1x80x128xi32, #tpu.memory_space<vmem_shared>>
        %dma_wait3A_705 = tpu.memref_squeeze %dma_wait3A_704 : memref<1x80x128xi32, #tpu.memory_space<vmem_shared>> -> memref<80x128xi32, #tpu.memory_space<vmem_shared>>
        %dma_wait3A_706 = arith.constant 0 : i32
        %dma_wait3A_707 = arith.constant 0 : i32
        %dma_wait3A_708 = tpu.memref_slice %dma_wait3A_705[%dma_wait3A_706, %dma_wait3A_707] : memref<80x128xi32, #tpu.memory_space<vmem_shared>> -> memref<8x128xi32, #tpu.memory_space<vmem_shared>>
        %dma_wait3A_709 = arith.constant 0 : i32
        %dma_wait3A_710 = arith.constant 0 : i32
        %dma_wait3A_711 = tpu.memref_slice %arg6[%dma_wait3A_697, %dma_wait3A_709, %dma_wait3A_710] : memref<16x8x128xi32, #tpu.memory_space<vmem>> -> memref<1x8x128xi32, #tpu.memory_space<vmem>>
        %dma_wait3A_712 = tpu.memref_squeeze %dma_wait3A_711 : memref<1x8x128xi32, #tpu.memory_space<vmem>> -> memref<8x128xi32, #tpu.memory_space<vmem>>
        %dma_wait3A_713 = arith.constant 0 : i32
        %dma_wait3A_714 = arith.constant 0 : i32
        %dma_wait3A_715 = tpu.memref_slice %arg8[%dma_wait3A_696, %dma_wait3A_713, %dma_wait3A_714] : memref<16x80x128xi32, #tpu.memory_space<vmem_shared>> -> memref<1x80x128xi32, #tpu.memory_space<vmem_shared>>
        %dma_wait3A_716 = tpu.memref_squeeze %dma_wait3A_715 : memref<1x80x128xi32, #tpu.memory_space<vmem_shared>> -> memref<80x128xi32, #tpu.memory_space<vmem_shared>>
        %dma_wait3A_717 = arith.constant 0 : i32
        %dma_wait3A_718 = arith.constant 0 : i32
        %dma_wait3A_719 = tpu.memref_slice %dma_wait3A_716[%dma_wait3A_717, %dma_wait3A_718] : memref<80x128xi32, #tpu.memory_space<vmem_shared>> -> memref<8x128xi32, #tpu.memory_space<vmem_shared>>
        tpu.wait_dma2 semaphore(%arg9 : memref<!tpu.dma_semaphore, #tpu.memory_space<semaphore_mem>>) src(%dma_wait3A_719 : memref<8x128xi32, #tpu.memory_space<vmem_shared>>) dst(%dma_wait3A_712 : memref<8x128xi32, #tpu.memory_space<vmem>>)
        %dma_wait3A_720 = arith.constant 13 : i32
        %dma_wait3A_721 = arith.constant 13 : i32
        %dma_wait3A_722 = arith.constant 0 : i32
        %dma_wait3A_723 = arith.constant 0 : i32
        %dma_wait3A_724 = tpu.memref_slice %arg6[%dma_wait3A_721, %dma_wait3A_722, %dma_wait3A_723] : memref<16x8x128xi32, #tpu.memory_space<vmem>> -> memref<1x8x128xi32, #tpu.memory_space<vmem>>
        %dma_wait3A_725 = tpu.memref_squeeze %dma_wait3A_724 : memref<1x8x128xi32, #tpu.memory_space<vmem>> -> memref<8x128xi32, #tpu.memory_space<vmem>>
        %dma_wait3A_726 = arith.constant 0 : i32
        %dma_wait3A_727 = arith.constant 0 : i32
        %dma_wait3A_728 = tpu.memref_slice %arg8[%dma_wait3A_720, %dma_wait3A_726, %dma_wait3A_727] : memref<16x80x128xi32, #tpu.memory_space<vmem_shared>> -> memref<1x80x128xi32, #tpu.memory_space<vmem_shared>>
        %dma_wait3A_729 = tpu.memref_squeeze %dma_wait3A_728 : memref<1x80x128xi32, #tpu.memory_space<vmem_shared>> -> memref<80x128xi32, #tpu.memory_space<vmem_shared>>
        %dma_wait3A_730 = arith.constant 0 : i32
        %dma_wait3A_731 = arith.constant 0 : i32
        %dma_wait3A_732 = tpu.memref_slice %dma_wait3A_729[%dma_wait3A_730, %dma_wait3A_731] : memref<80x128xi32, #tpu.memory_space<vmem_shared>> -> memref<8x128xi32, #tpu.memory_space<vmem_shared>>
        %dma_wait3A_733 = arith.constant 0 : i32
        %dma_wait3A_734 = arith.constant 0 : i32
        %dma_wait3A_735 = tpu.memref_slice %arg6[%dma_wait3A_721, %dma_wait3A_733, %dma_wait3A_734] : memref<16x8x128xi32, #tpu.memory_space<vmem>> -> memref<1x8x128xi32, #tpu.memory_space<vmem>>
        %dma_wait3A_736 = tpu.memref_squeeze %dma_wait3A_735 : memref<1x8x128xi32, #tpu.memory_space<vmem>> -> memref<8x128xi32, #tpu.memory_space<vmem>>
        %dma_wait3A_737 = arith.constant 0 : i32
        %dma_wait3A_738 = arith.constant 0 : i32
        %dma_wait3A_739 = tpu.memref_slice %arg8[%dma_wait3A_720, %dma_wait3A_737, %dma_wait3A_738] : memref<16x80x128xi32, #tpu.memory_space<vmem_shared>> -> memref<1x80x128xi32, #tpu.memory_space<vmem_shared>>
        %dma_wait3A_740 = tpu.memref_squeeze %dma_wait3A_739 : memref<1x80x128xi32, #tpu.memory_space<vmem_shared>> -> memref<80x128xi32, #tpu.memory_space<vmem_shared>>
        %dma_wait3A_741 = arith.constant 0 : i32
        %dma_wait3A_742 = arith.constant 0 : i32
        %dma_wait3A_743 = tpu.memref_slice %dma_wait3A_740[%dma_wait3A_741, %dma_wait3A_742] : memref<80x128xi32, #tpu.memory_space<vmem_shared>> -> memref<8x128xi32, #tpu.memory_space<vmem_shared>>
        tpu.wait_dma2 semaphore(%arg9 : memref<!tpu.dma_semaphore, #tpu.memory_space<semaphore_mem>>) src(%dma_wait3A_743 : memref<8x128xi32, #tpu.memory_space<vmem_shared>>) dst(%dma_wait3A_736 : memref<8x128xi32, #tpu.memory_space<vmem>>)
        %dma_wait3A_744 = arith.constant 14 : i32
        %dma_wait3A_745 = arith.constant 14 : i32
        %dma_wait3A_746 = arith.constant 0 : i32
        %dma_wait3A_747 = arith.constant 0 : i32
        %dma_wait3A_748 = tpu.memref_slice %arg6[%dma_wait3A_745, %dma_wait3A_746, %dma_wait3A_747] : memref<16x8x128xi32, #tpu.memory_space<vmem>> -> memref<1x8x128xi32, #tpu.memory_space<vmem>>
        %dma_wait3A_749 = tpu.memref_squeeze %dma_wait3A_748 : memref<1x8x128xi32, #tpu.memory_space<vmem>> -> memref<8x128xi32, #tpu.memory_space<vmem>>
        %dma_wait3A_750 = arith.constant 0 : i32
        %dma_wait3A_751 = arith.constant 0 : i32
        %dma_wait3A_752 = tpu.memref_slice %arg8[%dma_wait3A_744, %dma_wait3A_750, %dma_wait3A_751] : memref<16x80x128xi32, #tpu.memory_space<vmem_shared>> -> memref<1x80x128xi32, #tpu.memory_space<vmem_shared>>
        %dma_wait3A_753 = tpu.memref_squeeze %dma_wait3A_752 : memref<1x80x128xi32, #tpu.memory_space<vmem_shared>> -> memref<80x128xi32, #tpu.memory_space<vmem_shared>>
        %dma_wait3A_754 = arith.constant 0 : i32
        %dma_wait3A_755 = arith.constant 0 : i32
        %dma_wait3A_756 = tpu.memref_slice %dma_wait3A_753[%dma_wait3A_754, %dma_wait3A_755] : memref<80x128xi32, #tpu.memory_space<vmem_shared>> -> memref<8x128xi32, #tpu.memory_space<vmem_shared>>
        %dma_wait3A_757 = arith.constant 0 : i32
        %dma_wait3A_758 = arith.constant 0 : i32
        %dma_wait3A_759 = tpu.memref_slice %arg6[%dma_wait3A_745, %dma_wait3A_757, %dma_wait3A_758] : memref<16x8x128xi32, #tpu.memory_space<vmem>> -> memref<1x8x128xi32, #tpu.memory_space<vmem>>
        %dma_wait3A_760 = tpu.memref_squeeze %dma_wait3A_759 : memref<1x8x128xi32, #tpu.memory_space<vmem>> -> memref<8x128xi32, #tpu.memory_space<vmem>>
        %dma_wait3A_761 = arith.constant 0 : i32
        %dma_wait3A_762 = arith.constant 0 : i32
        %dma_wait3A_763 = tpu.memref_slice %arg8[%dma_wait3A_744, %dma_wait3A_761, %dma_wait3A_762] : memref<16x80x128xi32, #tpu.memory_space<vmem_shared>> -> memref<1x80x128xi32, #tpu.memory_space<vmem_shared>>
        %dma_wait3A_764 = tpu.memref_squeeze %dma_wait3A_763 : memref<1x80x128xi32, #tpu.memory_space<vmem_shared>> -> memref<80x128xi32, #tpu.memory_space<vmem_shared>>
        %dma_wait3A_765 = arith.constant 0 : i32
        %dma_wait3A_766 = arith.constant 0 : i32
        %dma_wait3A_767 = tpu.memref_slice %dma_wait3A_764[%dma_wait3A_765, %dma_wait3A_766] : memref<80x128xi32, #tpu.memory_space<vmem_shared>> -> memref<8x128xi32, #tpu.memory_space<vmem_shared>>
        tpu.wait_dma2 semaphore(%arg9 : memref<!tpu.dma_semaphore, #tpu.memory_space<semaphore_mem>>) src(%dma_wait3A_767 : memref<8x128xi32, #tpu.memory_space<vmem_shared>>) dst(%dma_wait3A_760 : memref<8x128xi32, #tpu.memory_space<vmem>>)
        %dma_wait3A_768 = arith.constant 15 : i32
        %dma_wait3A_769 = arith.constant 15 : i32
        %dma_wait3A_770 = arith.constant 0 : i32
        %dma_wait3A_771 = arith.constant 0 : i32
        %dma_wait3A_772 = tpu.memref_slice %arg6[%dma_wait3A_769, %dma_wait3A_770, %dma_wait3A_771] : memref<16x8x128xi32, #tpu.memory_space<vmem>> -> memref<1x8x128xi32, #tpu.memory_space<vmem>>
        %dma_wait3A_773 = tpu.memref_squeeze %dma_wait3A_772 : memref<1x8x128xi32, #tpu.memory_space<vmem>> -> memref<8x128xi32, #tpu.memory_space<vmem>>
        %dma_wait3A_774 = arith.constant 0 : i32
        %dma_wait3A_775 = arith.constant 0 : i32
        %dma_wait3A_776 = tpu.memref_slice %arg8[%dma_wait3A_768, %dma_wait3A_774, %dma_wait3A_775] : memref<16x80x128xi32, #tpu.memory_space<vmem_shared>> -> memref<1x80x128xi32, #tpu.memory_space<vmem_shared>>
        %dma_wait3A_777 = tpu.memref_squeeze %dma_wait3A_776 : memref<1x80x128xi32, #tpu.memory_space<vmem_shared>> -> memref<80x128xi32, #tpu.memory_space<vmem_shared>>
        %dma_wait3A_778 = arith.constant 0 : i32
        %dma_wait3A_779 = arith.constant 0 : i32
        %dma_wait3A_780 = tpu.memref_slice %dma_wait3A_777[%dma_wait3A_778, %dma_wait3A_779] : memref<80x128xi32, #tpu.memory_space<vmem_shared>> -> memref<8x128xi32, #tpu.memory_space<vmem_shared>>
        %dma_wait3A_781 = arith.constant 0 : i32
        %dma_wait3A_782 = arith.constant 0 : i32
        %dma_wait3A_783 = tpu.memref_slice %arg6[%dma_wait3A_769, %dma_wait3A_781, %dma_wait3A_782] : memref<16x8x128xi32, #tpu.memory_space<vmem>> -> memref<1x8x128xi32, #tpu.memory_space<vmem>>
        %dma_wait3A_784 = tpu.memref_squeeze %dma_wait3A_783 : memref<1x8x128xi32, #tpu.memory_space<vmem>> -> memref<8x128xi32, #tpu.memory_space<vmem>>
        %dma_wait3A_785 = arith.constant 0 : i32
        %dma_wait3A_786 = arith.constant 0 : i32
        %dma_wait3A_787 = tpu.memref_slice %arg8[%dma_wait3A_768, %dma_wait3A_785, %dma_wait3A_786] : memref<16x80x128xi32, #tpu.memory_space<vmem_shared>> -> memref<1x80x128xi32, #tpu.memory_space<vmem_shared>>
        %dma_wait3A_788 = tpu.memref_squeeze %dma_wait3A_787 : memref<1x80x128xi32, #tpu.memory_space<vmem_shared>> -> memref<80x128xi32, #tpu.memory_space<vmem_shared>>
        %dma_wait3A_789 = arith.constant 0 : i32
        %dma_wait3A_790 = arith.constant 0 : i32
        %dma_wait3A_791 = tpu.memref_slice %dma_wait3A_788[%dma_wait3A_789, %dma_wait3A_790] : memref<80x128xi32, #tpu.memory_space<vmem_shared>> -> memref<8x128xi32, #tpu.memory_space<vmem_shared>>
        tpu.wait_dma2 semaphore(%arg9 : memref<!tpu.dma_semaphore, #tpu.memory_space<semaphore_mem>>) src(%dma_wait3A_791 : memref<8x128xi32, #tpu.memory_space<vmem_shared>>) dst(%dma_wait3A_784 : memref<8x128xi32, #tpu.memory_space<vmem>>)
        %scan3A_792 = arith.constant 0 : i32
        %scan3A_793 = arith.constant 64 : i32
        %scan3A_794 = arith.addi %scan3A_792, %scan3A_793 : i32
        %scan3A_795 = arith.constant 1 : i32
        %scan3A_796 = scf.for %scan3A_798 = %scan3A_792 to %scan3A_794 step %scan3A_795 iter_args(%scan3A_799 = %scan3A_26) -> (i32)  : i32 {
          %jit3A = arith.constant 8 : i32
          %div3A = arith.divsi %scan3A_798, %jit3A : i32
          %sign3A = arith.constant 0 : i32
          %sign3A_800 = arith.cmpi sgt, %scan3A_798, %sign3A : i32
          %sign3A_801 = arith.extui %sign3A_800 : i1 to i32
          %sign3A_802 = arith.constant 0 : i32
          %sign3A_803 = arith.cmpi slt, %scan3A_798, %sign3A_802 : i32
          %sign3A_804 = arith.extui %sign3A_803 : i1 to i32
          %sign3A_805 = arith.subi %sign3A_801, %sign3A_804 : i32
          %sign3A_806 = arith.constant 0 : i32
          %sign3A_807 = arith.cmpi sgt, %jit3A, %sign3A_806 : i32
          %sign3A_808 = arith.extui %sign3A_807 : i1 to i32
          %sign3A_809 = arith.constant 0 : i32
          %sign3A_810 = arith.cmpi slt, %jit3A, %sign3A_809 : i32
          %sign3A_811 = arith.extui %sign3A_810 : i1 to i32
          %sign3A_812 = arith.subi %sign3A_808, %sign3A_811 : i32
          %ne3A = arith.cmpi ne, %sign3A_805, %sign3A_812 : i32
          %rem3A = arith.remsi %scan3A_798, %jit3A : i32
          %ne3A_813 = arith.constant 0 : i32
          %ne3A_814 = arith.cmpi ne, %rem3A, %ne3A_813 : i32
          %and3A_815 = arith.andi %ne3A, %ne3A_814 : i1
          %sub3A = arith.constant 1 : i32
          %sub3A_816 = arith.subi %div3A, %sub3A : i32
          %select_n3A = arith.select %and3A_815, %sub3A_816, %div3A : i32
          %jit3A_817 = arith.constant 8 : i32
          %eq3A_818 = arith.constant 0 : i32
          %eq3A_819 = arith.cmpi eq, %jit3A_817, %eq3A_818 : i32
          %jit3A_820 = arith.constant 1 : i32
          %select_n3A_821 = arith.select %eq3A_819, %jit3A_820, %jit3A_817 : i32
          %rem3A_822 = arith.remsi %scan3A_798, %select_n3A_821 : i32
          %ne3A_823 = arith.constant 0 : i32
          %ne3A_824 = arith.cmpi ne, %rem3A_822, %ne3A_823 : i32
          %lt3A = arith.constant 0 : i32
          %lt3A_825 = arith.cmpi slt, %rem3A_822, %lt3A : i32
          %lt3A_826 = arith.constant 0 : i32
          %lt3A_827 = arith.cmpi slt, %select_n3A_821, %lt3A_826 : i32
          %ne3A_828 = arith.xori %lt3A_825, %lt3A_827 : i1
          %and3A_829 = arith.andi %ne3A_828, %ne3A_824 : i1
          %add3A = arith.addi %rem3A_822, %select_n3A_821 : i32
          %select_n3A_830 = arith.select %and3A_829, %add3A, %rem3A_822 : i32
          %mul3A_831 = arith.constant 16 : i32
          %mul3A_832 = arith.muli %select_n3A_830, %mul3A_831 : i32
          %get3A = arith.constant 0 : i32
          %get3A_833 = arith.index_cast %get3A : i32 to index
          %get3A_834 = arith.index_cast %select_n3A : i32 to index
          %get3A_835 = arith.index_cast %mul3A_832 : i32 to index
          %get3A_836 = tpu.vector_load %arg6[%get3A_833, %get3A_834, %get3A_835] {strides = array<i32>} : memref<16x8x128xi32, #tpu.memory_space<vmem>>, vector<16xi32>,
          %get3A_837 = arith.constant 1 : i32
          %get3A_838 = arith.index_cast %get3A_837 : i32 to index
          %get3A_839 = arith.index_cast %select_n3A : i32 to index
          %get3A_840 = arith.index_cast %mul3A_832 : i32 to index
          %get3A_841 = tpu.vector_load %arg6[%get3A_838, %get3A_839, %get3A_840] {strides = array<i32>} : memref<16x8x128xi32, #tpu.memory_space<vmem>>, vector<16xi32>,
          %or3A = arith.ori %get3A_836, %get3A_841 : vector<16xi32>
          %get3A_842 = arith.constant 2 : i32
          %get3A_843 = arith.index_cast %get3A_842 : i32 to index
          %get3A_844 = arith.index_cast %select_n3A : i32 to index
          %get3A_845 = arith.index_cast %mul3A_832 : i32 to index
          %get3A_846 = tpu.vector_load %arg6[%get3A_843, %get3A_844, %get3A_845] {strides = array<i32>} : memref<16x8x128xi32, #tpu.memory_space<vmem>>, vector<16xi32>,
          %or3A_847 = arith.ori %or3A, %get3A_846 : vector<16xi32>
          %get3A_848 = arith.constant 3 : i32
          %get3A_849 = arith.index_cast %get3A_848 : i32 to index
          %get3A_850 = arith.index_cast %select_n3A : i32 to index
          %get3A_851 = arith.index_cast %mul3A_832 : i32 to index
          %get3A_852 = tpu.vector_load %arg6[%get3A_849, %get3A_850, %get3A_851] {strides = array<i32>} : memref<16x8x128xi32, #tpu.memory_space<vmem>>, vector<16xi32>,
          %or3A_853 = arith.ori %or3A_847, %get3A_852 : vector<16xi32>
          %get3A_854 = arith.constant 4 : i32
          %get3A_855 = arith.index_cast %get3A_854 : i32 to index
          %get3A_856 = arith.index_cast %select_n3A : i32 to index
          %get3A_857 = arith.index_cast %mul3A_832 : i32 to index
          %get3A_858 = tpu.vector_load %arg6[%get3A_855, %get3A_856, %get3A_857] {strides = array<i32>} : memref<16x8x128xi32, #tpu.memory_space<vmem>>, vector<16xi32>,
          %or3A_859 = arith.ori %or3A_853, %get3A_858 : vector<16xi32>
          %get3A_860 = arith.constant 5 : i32
          %get3A_861 = arith.index_cast %get3A_860 : i32 to index
          %get3A_862 = arith.index_cast %select_n3A : i32 to index
          %get3A_863 = arith.index_cast %mul3A_832 : i32 to index
          %get3A_864 = tpu.vector_load %arg6[%get3A_861, %get3A_862, %get3A_863] {strides = array<i32>} : memref<16x8x128xi32, #tpu.memory_space<vmem>>, vector<16xi32>,
          %or3A_865 = arith.ori %or3A_859, %get3A_864 : vector<16xi32>
          %get3A_866 = arith.constant 6 : i32
          %get3A_867 = arith.index_cast %get3A_866 : i32 to index
          %get3A_868 = arith.index_cast %select_n3A : i32 to index
          %get3A_869 = arith.index_cast %mul3A_832 : i32 to index
          %get3A_870 = tpu.vector_load %arg6[%get3A_867, %get3A_868, %get3A_869] {strides = array<i32>} : memref<16x8x128xi32, #tpu.memory_space<vmem>>, vector<16xi32>,
          %or3A_871 = arith.ori %or3A_865, %get3A_870 : vector<16xi32>
          %get3A_872 = arith.constant 7 : i32
          %get3A_873 = arith.index_cast %get3A_872 : i32 to index
          %get3A_874 = arith.index_cast %select_n3A : i32 to index
          %get3A_875 = arith.index_cast %mul3A_832 : i32 to index
          %get3A_876 = tpu.vector_load %arg6[%get3A_873, %get3A_874, %get3A_875] {strides = array<i32>} : memref<16x8x128xi32, #tpu.memory_space<vmem>>, vector<16xi32>,
          %or3A_877 = arith.ori %or3A_871, %get3A_876 : vector<16xi32>
          %get3A_878 = arith.constant 8 : i32
          %get3A_879 = arith.index_cast %get3A_878 : i32 to index
          %get3A_880 = arith.index_cast %select_n3A : i32 to index
          %get3A_881 = arith.index_cast %mul3A_832 : i32 to index
          %get3A_882 = tpu.vector_load %arg6[%get3A_879, %get3A_880, %get3A_881] {strides = array<i32>} : memref<16x8x128xi32, #tpu.memory_space<vmem>>, vector<16xi32>,
          %or3A_883 = arith.ori %or3A_877, %get3A_882 : vector<16xi32>
          %get3A_884 = arith.constant 9 : i32
          %get3A_885 = arith.index_cast %get3A_884 : i32 to index
          %get3A_886 = arith.index_cast %select_n3A : i32 to index
          %get3A_887 = arith.index_cast %mul3A_832 : i32 to index
          %get3A_888 = tpu.vector_load %arg6[%get3A_885, %get3A_886, %get3A_887] {strides = array<i32>} : memref<16x8x128xi32, #tpu.memory_space<vmem>>, vector<16xi32>,
          %or3A_889 = arith.ori %or3A_883, %get3A_888 : vector<16xi32>
          %get3A_890 = arith.constant 10 : i32
          %get3A_891 = arith.index_cast %get3A_890 : i32 to index
          %get3A_892 = arith.index_cast %select_n3A : i32 to index
          %get3A_893 = arith.index_cast %mul3A_832 : i32 to index
          %get3A_894 = tpu.vector_load %arg6[%get3A_891, %get3A_892, %get3A_893] {strides = array<i32>} : memref<16x8x128xi32, #tpu.memory_space<vmem>>, vector<16xi32>,
          %or3A_895 = arith.ori %or3A_889, %get3A_894 : vector<16xi32>
          %get3A_896 = arith.constant 11 : i32
          %get3A_897 = arith.index_cast %get3A_896 : i32 to index
          %get3A_898 = arith.index_cast %select_n3A : i32 to index
          %get3A_899 = arith.index_cast %mul3A_832 : i32 to index
          %get3A_900 = tpu.vector_load %arg6[%get3A_897, %get3A_898, %get3A_899] {strides = array<i32>} : memref<16x8x128xi32, #tpu.memory_space<vmem>>, vector<16xi32>,
          %or3A_901 = arith.ori %or3A_895, %get3A_900 : vector<16xi32>
          %get3A_902 = arith.constant 12 : i32
          %get3A_903 = arith.index_cast %get3A_902 : i32 to index
          %get3A_904 = arith.index_cast %select_n3A : i32 to index
          %get3A_905 = arith.index_cast %mul3A_832 : i32 to index
          %get3A_906 = tpu.vector_load %arg6[%get3A_903, %get3A_904, %get3A_905] {strides = array<i32>} : memref<16x8x128xi32, #tpu.memory_space<vmem>>, vector<16xi32>,
          %or3A_907 = arith.ori %or3A_901, %get3A_906 : vector<16xi32>
          %get3A_908 = arith.constant 13 : i32
          %get3A_909 = arith.index_cast %get3A_908 : i32 to index
          %get3A_910 = arith.index_cast %select_n3A : i32 to index
          %get3A_911 = arith.index_cast %mul3A_832 : i32 to index
          %get3A_912 = tpu.vector_load %arg6[%get3A_909, %get3A_910, %get3A_911] {strides = array<i32>} : memref<16x8x128xi32, #tpu.memory_space<vmem>>, vector<16xi32>,
          %or3A_913 = arith.ori %or3A_907, %get3A_912 : vector<16xi32>
          %get3A_914 = arith.constant 14 : i32
          %get3A_915 = arith.index_cast %get3A_914 : i32 to index
          %get3A_916 = arith.index_cast %select_n3A : i32 to index
          %get3A_917 = arith.index_cast %mul3A_832 : i32 to index
          %get3A_918 = tpu.vector_load %arg6[%get3A_915, %get3A_916, %get3A_917] {strides = array<i32>} : memref<16x8x128xi32, #tpu.memory_space<vmem>>, vector<16xi32>,
          %or3A_919 = arith.ori %or3A_913, %get3A_918 : vector<16xi32>
          %get3A_920 = arith.constant 15 : i32
          %get3A_921 = arith.index_cast %get3A_920 : i32 to index
          %get3A_922 = arith.index_cast %select_n3A : i32 to index
          %get3A_923 = arith.index_cast %mul3A_832 : i32 to index
          %get3A_924 = tpu.vector_load %arg6[%get3A_921, %get3A_922, %get3A_923] {strides = array<i32>} : memref<16x8x128xi32, #tpu.memory_space<vmem>>, vector<16xi32>,
          %or3A_925 = arith.ori %or3A_919, %get3A_924 : vector<16xi32>
          %mul3A_926 = arith.constant 1024 : i32
          %mul3A_927 = arith.muli %scan3A_25, %mul3A_926 : i32
          %mul3A_928 = arith.constant 16 : i32
          %mul3A_929 = arith.muli %scan3A_798, %mul3A_928 : i32
          %add3A_930 = arith.addi %mul3A_927, %mul3A_929 : i32
          %add3A_931 = vector.broadcast %add3A_930 : i32 to vector<16xi32>
          %add3A_932 = arith.addi %add3A_931, %iota3A : vector<16xi32>
          %gt3A = arith.constant 0 : i32
          %gt3A_933 = vector.broadcast %gt3A : i32 to vector<16xi32>
          %gt3A_934 = arith.cmpi sgt, %or3A_925, %gt3A_933 : vector<16xi32>
          %lt3A_935 = arith.constant 10000 : i32
          %lt3A_936 = vector.broadcast %lt3A_935 : i32 to vector<16xi32>
          %lt3A_937 = arith.cmpi slt, %add3A_932, %lt3A_936 : vector<16xi32>
          %and3A_938 = arith.andi %gt3A_934, %lt3A_937 : vector<16xi1>
          %jit3A_939 = arith.constant 1 : i32
          %jit3A_940 = arith.constant 0 : i32
          %broadcast_in_dim3A_941 = vector.broadcast %jit3A_939 : i32 to vector<16xi32>
          %broadcast_in_dim3A_942 = vector.broadcast %jit3A_940 : i32 to vector<16xi32>
          %select_n3A_943 = arith.select %and3A_938, %broadcast_in_dim3A_941, %broadcast_in_dim3A_942 : vector<16xi1>, vector<16xi32>
          %broadcast_in_dim3A_944 = arith.constant true
          %broadcast_in_dim3A_945 = vector.broadcast %broadcast_in_dim3A_944 : i1 to vector<16xi1>
          %masked_cumsum3A = tpu.scan <sum>, %select_n3A_943 masked %broadcast_in_dim3A_945 : vector<16xi32>, vector<16xi1> -> vector<16xi32>
          %add3A_946 = vector.broadcast %scan3A_799 : i32 to vector<16xi32>
          %add3A_947 = arith.addi %add3A_946, %masked_cumsum3A : vector<16xi32>
          %sub3A_948 = arith.constant 1 : i32
          %sub3A_949 = vector.broadcast %sub3A_948 : i32 to vector<16xi32>
          %sub3A_950 = arith.subi %add3A_947, %sub3A_949 : vector<16xi32>
          %shift_right_arithmetic3A = arith.constant 7 : i32
          %shift_right_arithmetic3A_951 = vector.broadcast %shift_right_arithmetic3A : i32 to vector<16xi32>
          %shift_right_arithmetic3A_952 = arith.shrsi %sub3A_950, %shift_right_arithmetic3A_951 : vector<16xi32>
          %and3A_953 = arith.constant 127 : i32
          %and3A_954 = vector.broadcast %and3A_953 : i32 to vector<16xi32>
          %and3A_955 = arith.andi %sub3A_950, %and3A_954 : vector<16xi32>
          tpu.vector_store_idx %arg7[%shift_right_arithmetic3A_952, %and3A_955], %add3A_932 masked %and3A_938 : memref<80x128xi32, #tpu.memory_space<vmem>>[vector<16xi32>, vector<16xi32>], vector<16xi32>, vector<16xi1>
          %reduce_sum3A = arith.constant true
          %reduce_sum3A_956 = vector.broadcast %reduce_sum3A : i1 to vector<16xi1>
          %reduce_sum3A_957 = tpu.scan <sum>, %select_n3A_943 masked %reduce_sum3A_956 : vector<16xi32>, vector<16xi1> -> vector<16xi32>
          %reduce_sum3A_958 = vector.extract %reduce_sum3A_957[15] : i32 from vector<16xi32>
          %add3A_959 = arith.addi %scan3A_799, %reduce_sum3A_958 : i32
          scf.yield %add3A_959 : i32
        }
        %scan3A_797 = arith.constant 64 : i32
        scf.yield %scan3A_796 : i32
      }
      %scan3A_24 = arith.constant 10 : i32
      "tpu.region"() ({
        %run_scoped3A = tpu.sem_alloc : memref<!tpu.dma_semaphore, #tpu.memory_space<semaphore_mem>>
        tpu.enqueue_dma source(%arg7 : memref<80x128xi32, #tpu.memory_space<vmem>>) target(%arg3 : memref<80x128xi32, #tpu.memory_space<hbm>>) target_semaphore(%run_scoped3A : memref<!tpu.dma_semaphore, #tpu.memory_space<semaphore_mem>>)
        tpu.wait_dma2 semaphore(%run_scoped3A : memref<!tpu.dma_semaphore, #tpu.memory_space<semaphore_mem>>) src(%arg7 : memref<80x128xi32, #tpu.memory_space<vmem>>) dst(%arg3 : memref<80x128xi32, #tpu.memory_space<hbm>>)
        tpu.yield
      }) : () -> ()
    } else {
    }
    return
  }
}

#map = affine_map<(d0, d1) -> (0, 0)>
#map1 = affine_map<(d0, d1) -> (0, 0, 0)>
module attributes {stable_mosaic.version = 14 : i64} {
  func.func @_scatter_kernel(%arg0: i32, %arg1: i32, %arg2: memref<327680x128xf32, #tpu.memory_space<hbm>>, %arg3: memref<2560x128xi32, #tpu.memory_space<hbm>>, %arg4: memref<2x10240x128xf32, #tpu.memory_space<hbm>>, %arg5: memref<10240x128xf32, #tpu.memory_space<vmem_shared>>, %arg6: memref<128x128xf32, #tpu.memory_space<vmem>>, %arg7: memref<128x128xf32, #tpu.memory_space<vmem>>, %arg8: memref<80x128xi32, #tpu.memory_space<vmem>>, %arg9: memref<!tpu.dma_semaphore, #tpu.memory_space<semaphore_mem>>, %arg10: memref<!tpu.dma_semaphore, #tpu.memory_space<semaphore_mem>>) attributes {dimension_semantics = [#tpu.dimension_semantics<core_parallel>, #tpu.dimension_semantics<subcore_parallel>], iteration_bounds = array<i64: 2, 16>, scalar_prefetch = 0 : i64, scratch_operands = 6 : i64, tpu.core_type = #tpu.core_type<sc_vector_subcore>, window_params = [{transform_indices = #map}, {transform_indices = #map}, {transform_indices = #map1}]} {
    %mul3A = arith.constant 2 : i32
    %mul3A_0 = arith.muli %arg1, %mul3A : i32
    %add3A = arith.addi %mul3A_0, %arg0 : i32
    %broadcast_in_dim3A = arith.constant 0.000000e+00 : f32
    %broadcast_in_dim3A_1 = vector.broadcast %broadcast_in_dim3A : f32 to vector<16xf32>
    %scan3A = arith.constant 0 : i32
    %scan3A_2 = arith.constant 0 : i32
    %scan3A_3 = arith.constant 128 : i32
    %scan3A_4 = arith.addi %scan3A_2, %scan3A_3 : i32
    %scan3A_5 = arith.constant 1 : i32
    %scan3A_6 = scf.for %scan3A_65 = %scan3A_2 to %scan3A_4 step %scan3A_5 iter_args(%scan3A_66 = %scan3A) -> (i32)  : i32 {
      %swap3A = arith.index_cast %scan3A_65 : i32 to index
      %swap3A_67 = arith.constant 0 : index
      %swap3A_68 = tpu.vector_load %arg6[%swap3A, %swap3A_67] {strides = array<i32>} : memref<128x128xf32, #tpu.memory_space<vmem>>, vector<16xf32>,
      tpu.vector_store %arg6[%swap3A, %swap3A_67], %broadcast_in_dim3A_1 {strides = array<i32>} : memref<128x128xf32, #tpu.memory_space<vmem>>, vector<16xf32>,
      %swap3A_69 = arith.index_cast %scan3A_65 : i32 to index
      %swap3A_70 = arith.constant 16 : index
      %swap3A_71 = tpu.vector_load %arg6[%swap3A_69, %swap3A_70] {strides = array<i32>} : memref<128x128xf32, #tpu.memory_space<vmem>>, vector<16xf32>,
      tpu.vector_store %arg6[%swap3A_69, %swap3A_70], %broadcast_in_dim3A_1 {strides = array<i32>} : memref<128x128xf32, #tpu.memory_space<vmem>>, vector<16xf32>,
      %swap3A_72 = arith.index_cast %scan3A_65 : i32 to index
      %swap3A_73 = arith.constant 32 : index
      %swap3A_74 = tpu.vector_load %arg6[%swap3A_72, %swap3A_73] {strides = array<i32>} : memref<128x128xf32, #tpu.memory_space<vmem>>, vector<16xf32>,
      tpu.vector_store %arg6[%swap3A_72, %swap3A_73], %broadcast_in_dim3A_1 {strides = array<i32>} : memref<128x128xf32, #tpu.memory_space<vmem>>, vector<16xf32>,
      %swap3A_75 = arith.index_cast %scan3A_65 : i32 to index
      %swap3A_76 = arith.constant 48 : index
      %swap3A_77 = tpu.vector_load %arg6[%swap3A_75, %swap3A_76] {strides = array<i32>} : memref<128x128xf32, #tpu.memory_space<vmem>>, vector<16xf32>,
      tpu.vector_store %arg6[%swap3A_75, %swap3A_76], %broadcast_in_dim3A_1 {strides = array<i32>} : memref<128x128xf32, #tpu.memory_space<vmem>>, vector<16xf32>,
      %swap3A_78 = arith.index_cast %scan3A_65 : i32 to index
      %swap3A_79 = arith.constant 64 : index
      %swap3A_80 = tpu.vector_load %arg6[%swap3A_78, %swap3A_79] {strides = array<i32>} : memref<128x128xf32, #tpu.memory_space<vmem>>, vector<16xf32>,
      tpu.vector_store %arg6[%swap3A_78, %swap3A_79], %broadcast_in_dim3A_1 {strides = array<i32>} : memref<128x128xf32, #tpu.memory_space<vmem>>, vector<16xf32>,
      %swap3A_81 = arith.index_cast %scan3A_65 : i32 to index
      %swap3A_82 = arith.constant 80 : index
      %swap3A_83 = tpu.vector_load %arg6[%swap3A_81, %swap3A_82] {strides = array<i32>} : memref<128x128xf32, #tpu.memory_space<vmem>>, vector<16xf32>,
      tpu.vector_store %arg6[%swap3A_81, %swap3A_82], %broadcast_in_dim3A_1 {strides = array<i32>} : memref<128x128xf32, #tpu.memory_space<vmem>>, vector<16xf32>,
      %swap3A_84 = arith.index_cast %scan3A_65 : i32 to index
      %swap3A_85 = arith.constant 96 : index
      %swap3A_86 = tpu.vector_load %arg6[%swap3A_84, %swap3A_85] {strides = array<i32>} : memref<128x128xf32, #tpu.memory_space<vmem>>, vector<16xf32>,
      tpu.vector_store %arg6[%swap3A_84, %swap3A_85], %broadcast_in_dim3A_1 {strides = array<i32>} : memref<128x128xf32, #tpu.memory_space<vmem>>, vector<16xf32>,
      %swap3A_87 = arith.index_cast %scan3A_65 : i32 to index
      %swap3A_88 = arith.constant 112 : index
      %swap3A_89 = tpu.vector_load %arg6[%swap3A_87, %swap3A_88] {strides = array<i32>} : memref<128x128xf32, #tpu.memory_space<vmem>>, vector<16xf32>,
      tpu.vector_store %arg6[%swap3A_87, %swap3A_88], %broadcast_in_dim3A_1 {strides = array<i32>} : memref<128x128xf32, #tpu.memory_space<vmem>>, vector<16xf32>,
      %scan3A_90 = arith.constant 0 : i32
      scf.yield %scan3A_90 : i32
    }
    %scan3A_7 = arith.constant 128 : i32
    %mul3A_8 = arith.constant 640 : i32
    %mul3A_9 = arith.muli %arg1, %mul3A_8 : i32
    %add3A_10 = arith.constant 0 : i32
    %add3A_11 = arith.addi %mul3A_9, %add3A_10 : i32
    "tpu.region"() ({
      %run_scoped3A = tpu.sem_alloc : memref<!tpu.dma_semaphore, #tpu.memory_space<semaphore_mem>>
      %dma_start3A_65 = arith.constant 0 : i32
      %dma_start3A_66 = tpu.memref_slice %arg5[%add3A_11, %dma_start3A_65] : memref<10240x128xf32, #tpu.memory_space<vmem_shared>> -> memref<128x128xf32, #tpu.memory_space<vmem_shared>>
      %dma_start3A_67 = arith.constant 0 : i32
      %dma_start3A_68 = tpu.memref_slice %arg5[%add3A_11, %dma_start3A_67] : memref<10240x128xf32, #tpu.memory_space<vmem_shared>> -> memref<128x128xf32, #tpu.memory_space<vmem_shared>>
      tpu.enqueue_dma source(%arg6 : memref<128x128xf32, #tpu.memory_space<vmem>>) target(%dma_start3A_68 : memref<128x128xf32, #tpu.memory_space<vmem_shared>>) target_semaphore(%run_scoped3A : memref<!tpu.dma_semaphore, #tpu.memory_space<semaphore_mem>>)
      %dma_wait3A = arith.constant 0 : i32
      %dma_wait3A_69 = tpu.memref_slice %arg5[%add3A_11, %dma_wait3A] : memref<10240x128xf32, #tpu.memory_space<vmem_shared>> -> memref<128x128xf32, #tpu.memory_space<vmem_shared>>
      %dma_wait3A_70 = arith.constant 0 : i32
      %dma_wait3A_71 = tpu.memref_slice %arg5[%add3A_11, %dma_wait3A_70] : memref<10240x128xf32, #tpu.memory_space<vmem_shared>> -> memref<128x128xf32, #tpu.memory_space<vmem_shared>>
      tpu.wait_dma2 semaphore(%run_scoped3A : memref<!tpu.dma_semaphore, #tpu.memory_space<semaphore_mem>>) src(%arg6 : memref<128x128xf32, #tpu.memory_space<vmem>>) dst(%dma_wait3A_71 : memref<128x128xf32, #tpu.memory_space<vmem_shared>>)
      tpu.yield
    }) : () -> ()
    %mul3A_12 = arith.constant 640 : i32
    %mul3A_13 = arith.muli %arg1, %mul3A_12 : i32
    %add3A_14 = arith.constant 128 : i32
    %add3A_15 = arith.addi %mul3A_13, %add3A_14 : i32
    "tpu.region"() ({
      %run_scoped3A = tpu.sem_alloc : memref<!tpu.dma_semaphore, #tpu.memory_space<semaphore_mem>>
      %dma_start3A_65 = arith.constant 0 : i32
      %dma_start3A_66 = tpu.memref_slice %arg5[%add3A_15, %dma_start3A_65] : memref<10240x128xf32, #tpu.memory_space<vmem_shared>> -> memref<128x128xf32, #tpu.memory_space<vmem_shared>>
      %dma_start3A_67 = arith.constant 0 : i32
      %dma_start3A_68 = tpu.memref_slice %arg5[%add3A_15, %dma_start3A_67] : memref<10240x128xf32, #tpu.memory_space<vmem_shared>> -> memref<128x128xf32, #tpu.memory_space<vmem_shared>>
      tpu.enqueue_dma source(%arg6 : memref<128x128xf32, #tpu.memory_space<vmem>>) target(%dma_start3A_68 : memref<128x128xf32, #tpu.memory_space<vmem_shared>>) target_semaphore(%run_scoped3A : memref<!tpu.dma_semaphore, #tpu.memory_space<semaphore_mem>>)
      %dma_wait3A = arith.constant 0 : i32
      %dma_wait3A_69 = tpu.memref_slice %arg5[%add3A_15, %dma_wait3A] : memref<10240x128xf32, #tpu.memory_space<vmem_shared>> -> memref<128x128xf32, #tpu.memory_space<vmem_shared>>
      %dma_wait3A_70 = arith.constant 0 : i32
      %dma_wait3A_71 = tpu.memref_slice %arg5[%add3A_15, %dma_wait3A_70] : memref<10240x128xf32, #tpu.memory_space<vmem_shared>> -> memref<128x128xf32, #tpu.memory_space<vmem_shared>>
      tpu.wait_dma2 semaphore(%run_scoped3A : memref<!tpu.dma_semaphore, #tpu.memory_space<semaphore_mem>>) src(%arg6 : memref<128x128xf32, #tpu.memory_space<vmem>>) dst(%dma_wait3A_71 : memref<128x128xf32, #tpu.memory_space<vmem_shared>>)
      tpu.yield
    }) : () -> ()
    %mul3A_16 = arith.constant 640 : i32
    %mul3A_17 = arith.muli %arg1, %mul3A_16 : i32
    %add3A_18 = arith.constant 256 : i32
    %add3A_19 = arith.addi %mul3A_17, %add3A_18 : i32
    "tpu.region"() ({
      %run_scoped3A = tpu.sem_alloc : memref<!tpu.dma_semaphore, #tpu.memory_space<semaphore_mem>>
      %dma_start3A_65 = arith.constant 0 : i32
      %dma_start3A_66 = tpu.memref_slice %arg5[%add3A_19, %dma_start3A_65] : memref<10240x128xf32, #tpu.memory_space<vmem_shared>> -> memref<128x128xf32, #tpu.memory_space<vmem_shared>>
      %dma_start3A_67 = arith.constant 0 : i32
      %dma_start3A_68 = tpu.memref_slice %arg5[%add3A_19, %dma_start3A_67] : memref<10240x128xf32, #tpu.memory_space<vmem_shared>> -> memref<128x128xf32, #tpu.memory_space<vmem_shared>>
      tpu.enqueue_dma source(%arg6 : memref<128x128xf32, #tpu.memory_space<vmem>>) target(%dma_start3A_68 : memref<128x128xf32, #tpu.memory_space<vmem_shared>>) target_semaphore(%run_scoped3A : memref<!tpu.dma_semaphore, #tpu.memory_space<semaphore_mem>>)
      %dma_wait3A = arith.constant 0 : i32
      %dma_wait3A_69 = tpu.memref_slice %arg5[%add3A_19, %dma_wait3A] : memref<10240x128xf32, #tpu.memory_space<vmem_shared>> -> memref<128x128xf32, #tpu.memory_space<vmem_shared>>
      %dma_wait3A_70 = arith.constant 0 : i32
      %dma_wait3A_71 = tpu.memref_slice %arg5[%add3A_19, %dma_wait3A_70] : memref<10240x128xf32, #tpu.memory_space<vmem_shared>> -> memref<128x128xf32, #tpu.memory_space<vmem_shared>>
      tpu.wait_dma2 semaphore(%run_scoped3A : memref<!tpu.dma_semaphore, #tpu.memory_space<semaphore_mem>>) src(%arg6 : memref<128x128xf32, #tpu.memory_space<vmem>>) dst(%dma_wait3A_71 : memref<128x128xf32, #tpu.memory_space<vmem_shared>>)
      tpu.yield
    }) : () -> ()
    %mul3A_20 = arith.constant 640 : i32
    %mul3A_21 = arith.muli %arg1, %mul3A_20 : i32
    %add3A_22 = arith.constant 384 : i32
    %add3A_23 = arith.addi %mul3A_21, %add3A_22 : i32
    "tpu.region"() ({
      %run_scoped3A = tpu.sem_alloc : memref<!tpu.dma_semaphore, #tpu.memory_space<semaphore_mem>>
      %dma_start3A_65 = arith.constant 0 : i32
      %dma_start3A_66 = tpu.memref_slice %arg5[%add3A_23, %dma_start3A_65] : memref<10240x128xf32, #tpu.memory_space<vmem_shared>> -> memref<128x128xf32, #tpu.memory_space<vmem_shared>>
      %dma_start3A_67 = arith.constant 0 : i32
      %dma_start3A_68 = tpu.memref_slice %arg5[%add3A_23, %dma_start3A_67] : memref<10240x128xf32, #tpu.memory_space<vmem_shared>> -> memref<128x128xf32, #tpu.memory_space<vmem_shared>>
      tpu.enqueue_dma source(%arg6 : memref<128x128xf32, #tpu.memory_space<vmem>>) target(%dma_start3A_68 : memref<128x128xf32, #tpu.memory_space<vmem_shared>>) target_semaphore(%run_scoped3A : memref<!tpu.dma_semaphore, #tpu.memory_space<semaphore_mem>>)
      %dma_wait3A = arith.constant 0 : i32
      %dma_wait3A_69 = tpu.memref_slice %arg5[%add3A_23, %dma_wait3A] : memref<10240x128xf32, #tpu.memory_space<vmem_shared>> -> memref<128x128xf32, #tpu.memory_space<vmem_shared>>
      %dma_wait3A_70 = arith.constant 0 : i32
      %dma_wait3A_71 = tpu.memref_slice %arg5[%add3A_23, %dma_wait3A_70] : memref<10240x128xf32, #tpu.memory_space<vmem_shared>> -> memref<128x128xf32, #tpu.memory_space<vmem_shared>>
      tpu.wait_dma2 semaphore(%run_scoped3A : memref<!tpu.dma_semaphore, #tpu.memory_space<semaphore_mem>>) src(%arg6 : memref<128x128xf32, #tpu.memory_space<vmem>>) dst(%dma_wait3A_71 : memref<128x128xf32, #tpu.memory_space<vmem_shared>>)
      tpu.yield
    }) : () -> ()
    %mul3A_24 = arith.constant 640 : i32
    %mul3A_25 = arith.muli %arg1, %mul3A_24 : i32
    %add3A_26 = arith.constant 512 : i32
    %add3A_27 = arith.addi %mul3A_25, %add3A_26 : i32
    "tpu.region"() ({
      %run_scoped3A = tpu.sem_alloc : memref<!tpu.dma_semaphore, #tpu.memory_space<semaphore_mem>>
      %dma_start3A_65 = arith.constant 0 : i32
      %dma_start3A_66 = tpu.memref_slice %arg5[%add3A_27, %dma_start3A_65] : memref<10240x128xf32, #tpu.memory_space<vmem_shared>> -> memref<128x128xf32, #tpu.memory_space<vmem_shared>>
      %dma_start3A_67 = arith.constant 0 : i32
      %dma_start3A_68 = tpu.memref_slice %arg5[%add3A_27, %dma_start3A_67] : memref<10240x128xf32, #tpu.memory_space<vmem_shared>> -> memref<128x128xf32, #tpu.memory_space<vmem_shared>>
      tpu.enqueue_dma source(%arg6 : memref<128x128xf32, #tpu.memory_space<vmem>>) target(%dma_start3A_68 : memref<128x128xf32, #tpu.memory_space<vmem_shared>>) target_semaphore(%run_scoped3A : memref<!tpu.dma_semaphore, #tpu.memory_space<semaphore_mem>>)
      %dma_wait3A = arith.constant 0 : i32
      %dma_wait3A_69 = tpu.memref_slice %arg5[%add3A_27, %dma_wait3A] : memref<10240x128xf32, #tpu.memory_space<vmem_shared>> -> memref<128x128xf32, #tpu.memory_space<vmem_shared>>
      %dma_wait3A_70 = arith.constant 0 : i32
      %dma_wait3A_71 = tpu.memref_slice %arg5[%add3A_27, %dma_wait3A_70] : memref<10240x128xf32, #tpu.memory_space<vmem_shared>> -> memref<128x128xf32, #tpu.memory_space<vmem_shared>>
      tpu.wait_dma2 semaphore(%run_scoped3A : memref<!tpu.dma_semaphore, #tpu.memory_space<semaphore_mem>>) src(%arg6 : memref<128x128xf32, #tpu.memory_space<vmem>>) dst(%dma_wait3A_71 : memref<128x128xf32, #tpu.memory_space<vmem_shared>>)
      tpu.yield
    }) : () -> ()
    %barrier3A = arith.constant 0 : index
    tpu.barrier barrier_id(%barrier3A)
    %mul3A_28 = arith.constant 80 : i32
    %mul3A_29 = arith.muli %add3A, %mul3A_28 : i32
    "tpu.region"() ({
      %run_scoped3A = tpu.sem_alloc : memref<!tpu.dma_semaphore, #tpu.memory_space<semaphore_mem>>
      %dma_start3A_65 = arith.constant 0 : i32
      %dma_start3A_66 = tpu.memref_slice %arg3[%mul3A_29, %dma_start3A_65] : memref<2560x128xi32, #tpu.memory_space<hbm>> -> memref<80x128xi32, #tpu.memory_space<hbm>>
      %dma_start3A_67 = arith.constant 0 : i32
      %dma_start3A_68 = tpu.memref_slice %arg3[%mul3A_29, %dma_start3A_67] : memref<2560x128xi32, #tpu.memory_space<hbm>> -> memref<80x128xi32, #tpu.memory_space<hbm>>
      tpu.enqueue_dma source(%dma_start3A_68 : memref<80x128xi32, #tpu.memory_space<hbm>>) target(%arg8 : memref<80x128xi32, #tpu.memory_space<vmem>>) target_semaphore(%run_scoped3A : memref<!tpu.dma_semaphore, #tpu.memory_space<semaphore_mem>>)
      %dma_wait3A = arith.constant 0 : i32
      %dma_wait3A_69 = tpu.memref_slice %arg3[%mul3A_29, %dma_wait3A] : memref<2560x128xi32, #tpu.memory_space<hbm>> -> memref<80x128xi32, #tpu.memory_space<hbm>>
      %dma_wait3A_70 = arith.constant 0 : i32
      %dma_wait3A_71 = tpu.memref_slice %arg3[%mul3A_29, %dma_wait3A_70] : memref<2560x128xi32, #tpu.memory_space<hbm>> -> memref<80x128xi32, #tpu.memory_space<hbm>>
      tpu.wait_dma2 semaphore(%run_scoped3A : memref<!tpu.dma_semaphore, #tpu.memory_space<semaphore_mem>>) src(%dma_wait3A_71 : memref<80x128xi32, #tpu.memory_space<hbm>>) dst(%arg8 : memref<80x128xi32, #tpu.memory_space<vmem>>)
      tpu.yield
    }) : () -> ()
    %mul3A_30 = arith.constant 10240 : i32
    %mul3A_31 = arith.muli %add3A, %mul3A_30 : i32
    %add3A_32 = arith.constant 0 : i32
    %add3A_33 = arith.addi %mul3A_31, %add3A_32 : i32
    %dma_start3A = arith.constant 0 : i32
    %dma_start3A_34 = tpu.memref_slice %arg2[%add3A_33, %dma_start3A] : memref<327680x128xf32, #tpu.memory_space<hbm>> -> memref<128x128xf32, #tpu.memory_space<hbm>>
    %dma_start3A_35 = arith.constant 0 : i32
    %dma_start3A_36 = tpu.memref_slice %arg2[%add3A_33, %dma_start3A_35] : memref<327680x128xf32, #tpu.memory_space<hbm>> -> memref<128x128xf32, #tpu.memory_space<hbm>>
    tpu.enqueue_dma source(%dma_start3A_36 : memref<128x128xf32, #tpu.memory_space<hbm>>) target(%arg6 : memref<128x128xf32, #tpu.memory_space<vmem>>) target_semaphore(%arg9 : memref<!tpu.dma_semaphore, #tpu.memory_space<semaphore_mem>>)
    %scan3A_37 = arith.constant 0 : i32
    %scan3A_38 = arith.constant 0 : i32
    %scan3A_39 = arith.constant 40 : i32
    %scan3A_40 = arith.addi %scan3A_38, %scan3A_39 : i32
    %scan3A_41 = arith.constant 1 : i32
    %scan3A_42 = scf.for %scan3A_65 = %scan3A_38 to %scan3A_40 step %scan3A_41 iter_args(%scan3A_66 = %scan3A_37) -> (i32)  : i32 {
      %mul3A_67 = arith.constant 2 : i32
      %mul3A_68 = arith.muli %mul3A_67, %scan3A_65 : i32
      %add3A_69 = arith.constant 1 : i32
      %add3A_70 = arith.addi %mul3A_68, %add3A_69 : i32
      %mul3A_71 = arith.constant 128 : i32
      %mul3A_72 = arith.muli %add3A_70, %mul3A_71 : i32
      %add3A_73 = arith.addi %mul3A_31, %mul3A_72 : i32
      %dma_start3A_74 = arith.constant 0 : i32
      %dma_start3A_75 = tpu.memref_slice %arg2[%add3A_73, %dma_start3A_74] : memref<327680x128xf32, #tpu.memory_space<hbm>> -> memref<128x128xf32, #tpu.memory_space<hbm>>
      %dma_start3A_76 = arith.constant 0 : i32
      %dma_start3A_77 = tpu.memref_slice %arg2[%add3A_73, %dma_start3A_76] : memref<327680x128xf32, #tpu.memory_space<hbm>> -> memref<128x128xf32, #tpu.memory_space<hbm>>
      tpu.enqueue_dma source(%dma_start3A_77 : memref<128x128xf32, #tpu.memory_space<hbm>>) target(%arg7 : memref<128x128xf32, #tpu.memory_space<vmem>>) target_semaphore(%arg10 : memref<!tpu.dma_semaphore, #tpu.memory_space<semaphore_mem>>)
      %dma_wait3A = arith.constant 0 : i32
      %dma_wait3A_78 = tpu.memref_slice %arg2[%mul3A_31, %dma_wait3A] : memref<327680x128xf32, #tpu.memory_space<hbm>> -> memref<128x128xf32, #tpu.memory_space<hbm>>
      %dma_wait3A_79 = arith.constant 0 : i32
      %dma_wait3A_80 = tpu.memref_slice %arg2[%mul3A_31, %dma_wait3A_79] : memref<327680x128xf32, #tpu.memory_space<hbm>> -> memref<128x128xf32, #tpu.memory_space<hbm>>
      tpu.wait_dma2 semaphore(%arg9 : memref<!tpu.dma_semaphore, #tpu.memory_space<semaphore_mem>>) src(%dma_wait3A_80 : memref<128x128xf32, #tpu.memory_space<hbm>>) dst(%arg6 : memref<128x128xf32, #tpu.memory_space<vmem>>)
      "tpu.region"() ({
        %run_scoped3A = tpu.sem_alloc : memref<!tpu.dma_semaphore, #tpu.memory_space<semaphore_mem>>
        %dma_start3A_92 = arith.constant 0 : i32
        %dma_start3A_93 = tpu.memref_slice %arg8[%mul3A_68, %dma_start3A_92] : memref<80x128xi32, #tpu.memory_space<vmem>> -> memref<1x128xi32, #tpu.memory_space<vmem>>
        %dma_start3A_94 = tpu.memref_squeeze %dma_start3A_93 : memref<1x128xi32, #tpu.memory_space<vmem>> -> memref<128xi32, #tpu.memory_space<vmem>>
        %dma_start3A_95 = arith.constant 0 : i32
        %dma_start3A_96 = arith.constant 0 : i32
        %dma_start3A_97 = tpu.memref_slice %arg5[%dma_start3A_95, %dma_start3A_96] : memref<10240x128xf32, #tpu.memory_space<vmem_shared>> -> memref<10240x128xf32, #tpu.memory_space<vmem_shared>>
        tpu.enqueue_indirect_dma source(%arg6 : memref<128x128xf32, #tpu.memory_space<vmem>>) target(%dma_start3A_97 : memref<10240x128xf32, #tpu.memory_space<vmem_shared>>) offsets(%dma_start3A_94 : memref<128xi32, #tpu.memory_space<vmem>>) semaphore(%run_scoped3A : memref<!tpu.dma_semaphore, #tpu.memory_space<semaphore_mem>>) {add = true}
        %dma_wait3A_98 = arith.constant 0 : i32
        %dma_wait3A_99 = tpu.memref_slice %arg8[%mul3A_68, %dma_wait3A_98] : memref<80x128xi32, #tpu.memory_space<vmem>> -> memref<1x128xi32, #tpu.memory_space<vmem>>
        %dma_wait3A_100 = tpu.memref_squeeze %dma_wait3A_99 : memref<1x128xi32, #tpu.memory_space<vmem>> -> memref<128xi32, #tpu.memory_space<vmem>>
        %dma_wait3A_101 = arith.constant 0 : i32
        %dma_wait3A_102 = arith.constant 0 : i32
        %dma_wait3A_103 = tpu.memref_slice %arg5[%dma_wait3A_101, %dma_wait3A_102] : memref<10240x128xf32, #tpu.memory_space<vmem_shared>> -> memref<10240x128xf32, #tpu.memory_space<vmem_shared>>
        tpu.wait_indirect_dma semaphore(%run_scoped3A : memref<!tpu.dma_semaphore, #tpu.memory_space<semaphore_mem>>) src(%arg6 : memref<128x128xf32, #tpu.memory_space<vmem>>) dst(%dma_wait3A_103 : memref<10240x128xf32, #tpu.memory_space<vmem_shared>>)
        tpu.yield
      }) : () -> ()
      %add3A_81 = arith.constant 2 : i32
      %add3A_82 = arith.addi %mul3A_68, %add3A_81 : i32
      %lt3A = arith.constant 80 : i32
      %lt3A_83 = arith.cmpi slt, %add3A_82, %lt3A : i32
      %convert_element_type3A = arith.extui %lt3A_83 : i1 to i32
      %cond3A = arith.constant 0 : i32
      %cond3A_84 = arith.cmpi ne, %convert_element_type3A, %cond3A : i32
      scf.if %cond3A_84 {
        %add3A_92 = arith.constant 2 : i32
        %add3A_93 = arith.addi %mul3A_68, %add3A_92 : i32
        %mul3A_94 = arith.constant 128 : i32
        %mul3A_95 = arith.muli %add3A_93, %mul3A_94 : i32
        %add3A_96 = arith.addi %mul3A_31, %mul3A_95 : i32
        %dma_start3A_97 = arith.constant 0 : i32
        %dma_start3A_98 = tpu.memref_slice %arg2[%add3A_96, %dma_start3A_97] : memref<327680x128xf32, #tpu.memory_space<hbm>> -> memref<128x128xf32, #tpu.memory_space<hbm>>
        %dma_start3A_99 = arith.constant 0 : i32
        %dma_start3A_100 = tpu.memref_slice %arg2[%add3A_96, %dma_start3A_99] : memref<327680x128xf32, #tpu.memory_space<hbm>> -> memref<128x128xf32, #tpu.memory_space<hbm>>
        tpu.enqueue_dma source(%dma_start3A_100 : memref<128x128xf32, #tpu.memory_space<hbm>>) target(%arg6 : memref<128x128xf32, #tpu.memory_space<vmem>>) target_semaphore(%arg9 : memref<!tpu.dma_semaphore, #tpu.memory_space<semaphore_mem>>)
      } else {
      }
      %dma_wait3A_85 = arith.constant 0 : i32
      %dma_wait3A_86 = tpu.memref_slice %arg2[%mul3A_31, %dma_wait3A_85] : memref<327680x128xf32, #tpu.memory_space<hbm>> -> memref<128x128xf32, #tpu.memory_space<hbm>>
      %dma_wait3A_87 = arith.constant 0 : i32
      %dma_wait3A_88 = tpu.memref_slice %arg2[%mul3A_31, %dma_wait3A_87] : memref<327680x128xf32, #tpu.memory_space<hbm>> -> memref<128x128xf32, #tpu.memory_space<hbm>>
      tpu.wait_dma2 semaphore(%arg10 : memref<!tpu.dma_semaphore, #tpu.memory_space<semaphore_mem>>) src(%dma_wait3A_88 : memref<128x128xf32, #tpu.memory_space<hbm>>) dst(%arg7 : memref<128x128xf32, #tpu.memory_space<vmem>>)
      %add3A_89 = arith.constant 1 : i32
      %add3A_90 = arith.addi %mul3A_68, %add3A_89 : i32
      "tpu.region"() ({
        %run_scoped3A = tpu.sem_alloc : memref<!tpu.dma_semaphore, #tpu.memory_space<semaphore_mem>>
        %dma_start3A_92 = arith.constant 0 : i32
        %dma_start3A_93 = tpu.memref_slice %arg8[%add3A_90, %dma_start3A_92] : memref<80x128xi32, #tpu.memory_space<vmem>> -> memref<1x128xi32, #tpu.memory_space<vmem>>
        %dma_start3A_94 = tpu.memref_squeeze %dma_start3A_93 : memref<1x128xi32, #tpu.memory_space<vmem>> -> memref<128xi32, #tpu.memory_space<vmem>>
        %dma_start3A_95 = arith.constant 0 : i32
        %dma_start3A_96 = arith.constant 0 : i32
        %dma_start3A_97 = tpu.memref_slice %arg5[%dma_start3A_95, %dma_start3A_96] : memref<10240x128xf32, #tpu.memory_space<vmem_shared>> -> memref<10240x128xf32, #tpu.memory_space<vmem_shared>>
        tpu.enqueue_indirect_dma source(%arg7 : memref<128x128xf32, #tpu.memory_space<vmem>>) target(%dma_start3A_97 : memref<10240x128xf32, #tpu.memory_space<vmem_shared>>) offsets(%dma_start3A_94 : memref<128xi32, #tpu.memory_space<vmem>>) semaphore(%run_scoped3A : memref<!tpu.dma_semaphore, #tpu.memory_space<semaphore_mem>>) {add = true}
        %dma_wait3A_98 = arith.constant 0 : i32
        %dma_wait3A_99 = tpu.memref_slice %arg8[%add3A_90, %dma_wait3A_98] : memref<80x128xi32, #tpu.memory_space<vmem>> -> memref<1x128xi32, #tpu.memory_space<vmem>>
        %dma_wait3A_100 = tpu.memref_squeeze %dma_wait3A_99 : memref<1x128xi32, #tpu.memory_space<vmem>> -> memref<128xi32, #tpu.memory_space<vmem>>
        %dma_wait3A_101 = arith.constant 0 : i32
        %dma_wait3A_102 = arith.constant 0 : i32
        %dma_wait3A_103 = tpu.memref_slice %arg5[%dma_wait3A_101, %dma_wait3A_102] : memref<10240x128xf32, #tpu.memory_space<vmem_shared>> -> memref<10240x128xf32, #tpu.memory_space<vmem_shared>>
        tpu.wait_indirect_dma semaphore(%run_scoped3A : memref<!tpu.dma_semaphore, #tpu.memory_space<semaphore_mem>>) src(%arg7 : memref<128x128xf32, #tpu.memory_space<vmem>>) dst(%dma_wait3A_103 : memref<10240x128xf32, #tpu.memory_space<vmem_shared>>)
        tpu.yield
      }) : () -> ()
      %scan3A_91 = arith.constant 0 : i32
      scf.yield %scan3A_91 : i32
    }
    %scan3A_43 = arith.constant 40 : i32
    %barrier3A_44 = arith.constant 0 : index
    tpu.barrier barrier_id(%barrier3A_44)
    %mul3A_45 = arith.constant 640 : i32
    %mul3A_46 = arith.muli %arg1, %mul3A_45 : i32
    %add3A_47 = arith.constant 0 : i32
    %add3A_48 = arith.addi %mul3A_46, %add3A_47 : i32
    "tpu.region"() ({
      %run_scoped3A = tpu.sem_alloc : memref<!tpu.dma_semaphore, #tpu.memory_space<semaphore_mem>>
      %dma_start3A_65 = arith.constant 0 : i32
      %dma_start3A_66 = tpu.memref_slice %arg5[%add3A_48, %dma_start3A_65] : memref<10240x128xf32, #tpu.memory_space<vmem_shared>> -> memref<128x128xf32, #tpu.memory_space<vmem_shared>>
      %dma_start3A_67 = arith.constant 0 : i32
      %dma_start3A_68 = tpu.memref_slice %arg5[%add3A_48, %dma_start3A_67] : memref<10240x128xf32, #tpu.memory_space<vmem_shared>> -> memref<128x128xf32, #tpu.memory_space<vmem_shared>>
      tpu.enqueue_dma source(%dma_start3A_68 : memref<128x128xf32, #tpu.memory_space<vmem_shared>>) target(%arg6 : memref<128x128xf32, #tpu.memory_space<vmem>>) target_semaphore(%run_scoped3A : memref<!tpu.dma_semaphore, #tpu.memory_space<semaphore_mem>>)
      %dma_wait3A = arith.constant 0 : i32
      %dma_wait3A_69 = tpu.memref_slice %arg5[%add3A_48, %dma_wait3A] : memref<10240x128xf32, #tpu.memory_space<vmem_shared>> -> memref<128x128xf32, #tpu.memory_space<vmem_shared>>
      %dma_wait3A_70 = arith.constant 0 : i32
      %dma_wait3A_71 = tpu.memref_slice %arg5[%add3A_48, %dma_wait3A_70] : memref<10240x128xf32, #tpu.memory_space<vmem_shared>> -> memref<128x128xf32, #tpu.memory_space<vmem_shared>>
      tpu.wait_dma2 semaphore(%run_scoped3A : memref<!tpu.dma_semaphore, #tpu.memory_space<semaphore_mem>>) src(%dma_wait3A_71 : memref<128x128xf32, #tpu.memory_space<vmem_shared>>) dst(%arg6 : memref<128x128xf32, #tpu.memory_space<vmem>>)
      tpu.yield
    }) : () -> ()
    "tpu.region"() ({
      %run_scoped3A = tpu.sem_alloc : memref<!tpu.dma_semaphore, #tpu.memory_space<semaphore_mem>>
      %dma_start3A_65 = arith.constant 0 : i32
      %dma_start3A_66 = arith.constant 0 : i32
      %dma_start3A_67 = tpu.memref_slice %arg4[%arg0, %dma_start3A_65, %dma_start3A_66] : memref<2x10240x128xf32, #tpu.memory_space<hbm>> -> memref<1x10240x128xf32, #tpu.memory_space<hbm>>
      %dma_start3A_68 = tpu.memref_squeeze %dma_start3A_67 : memref<1x10240x128xf32, #tpu.memory_space<hbm>> -> memref<10240x128xf32, #tpu.memory_space<hbm>>
      %dma_start3A_69 = arith.constant 0 : i32
      %dma_start3A_70 = tpu.memref_slice %dma_start3A_68[%add3A_48, %dma_start3A_69] : memref<10240x128xf32, #tpu.memory_space<hbm>> -> memref<128x128xf32, #tpu.memory_space<hbm>>
      %dma_start3A_71 = arith.constant 0 : i32
      %dma_start3A_72 = arith.constant 0 : i32
      %dma_start3A_73 = tpu.memref_slice %arg4[%arg0, %dma_start3A_71, %dma_start3A_72] : memref<2x10240x128xf32, #tpu.memory_space<hbm>> -> memref<1x10240x128xf32, #tpu.memory_space<hbm>>
      %dma_start3A_74 = tpu.memref_squeeze %dma_start3A_73 : memref<1x10240x128xf32, #tpu.memory_space<hbm>> -> memref<10240x128xf32, #tpu.memory_space<hbm>>
      %dma_start3A_75 = arith.constant 0 : i32
      %dma_start3A_76 = tpu.memref_slice %dma_start3A_74[%add3A_48, %dma_start3A_75] : memref<10240x128xf32, #tpu.memory_space<hbm>> -> memref<128x128xf32, #tpu.memory_space<hbm>>
      tpu.enqueue_dma source(%arg6 : memref<128x128xf32, #tpu.memory_space<vmem>>) target(%dma_start3A_76 : memref<128x128xf32, #tpu.memory_space<hbm>>) target_semaphore(%run_scoped3A : memref<!tpu.dma_semaphore, #tpu.memory_space<semaphore_mem>>)
      %dma_wait3A = arith.constant 0 : i32
      %dma_wait3A_77 = arith.constant 0 : i32
      %dma_wait3A_78 = tpu.memref_slice %arg4[%arg0, %dma_wait3A, %dma_wait3A_77] : memref<2x10240x128xf32, #tpu.memory_space<hbm>> -> memref<1x10240x128xf32, #tpu.memory_space<hbm>>
      %dma_wait3A_79 = tpu.memref_squeeze %dma_wait3A_78 : memref<1x10240x128xf32, #tpu.memory_space<hbm>> -> memref<10240x128xf32, #tpu.memory_space<hbm>>
      %dma_wait3A_80 = arith.constant 0 : i32
      %dma_wait3A_81 = tpu.memref_slice %dma_wait3A_79[%add3A_48, %dma_wait3A_80] : memref<10240x128xf32, #tpu.memory_space<hbm>> -> memref<128x128xf32, #tpu.memory_space<hbm>>
      %dma_wait3A_82 = arith.constant 0 : i32
      %dma_wait3A_83 = arith.constant 0 : i32
      %dma_wait3A_84 = tpu.memref_slice %arg4[%arg0, %dma_wait3A_82, %dma_wait3A_83] : memref<2x10240x128xf32, #tpu.memory_space<hbm>> -> memref<1x10240x128xf32, #tpu.memory_space<hbm>>
      %dma_wait3A_85 = tpu.memref_squeeze %dma_wait3A_84 : memref<1x10240x128xf32, #tpu.memory_space<hbm>> -> memref<10240x128xf32, #tpu.memory_space<hbm>>
      %dma_wait3A_86 = arith.constant 0 : i32
      %dma_wait3A_87 = tpu.memref_slice %dma_wait3A_85[%add3A_48, %dma_wait3A_86] : memref<10240x128xf32, #tpu.memory_space<hbm>> -> memref<128x128xf32, #tpu.memory_space<hbm>>
      tpu.wait_dma2 semaphore(%run_scoped3A : memref<!tpu.dma_semaphore, #tpu.memory_space<semaphore_mem>>) src(%arg6 : memref<128x128xf32, #tpu.memory_space<vmem>>) dst(%dma_wait3A_87 : memref<128x128xf32, #tpu.memory_space<hbm>>)
      tpu.yield
    }) : () -> ()
    %mul3A_49 = arith.constant 640 : i32
    %mul3A_50 = arith.muli %arg1, %mul3A_49 : i32
    %add3A_51 = arith.constant 128 : i32
    %add3A_52 = arith.addi %mul3A_50, %add3A_51 : i32
    "tpu.region"() ({
      %run_scoped3A = tpu.sem_alloc : memref<!tpu.dma_semaphore, #tpu.memory_space<semaphore_mem>>
      %dma_start3A_65 = arith.constant 0 : i32
      %dma_start3A_66 = tpu.memref_slice %arg5[%add3A_52, %dma_start3A_65] : memref<10240x128xf32, #tpu.memory_space<vmem_shared>> -> memref<128x128xf32, #tpu.memory_space<vmem_shared>>
      %dma_start3A_67 = arith.constant 0 : i32
      %dma_start3A_68 = tpu.memref_slice %arg5[%add3A_52, %dma_start3A_67] : memref<10240x128xf32, #tpu.memory_space<vmem_shared>> -> memref<128x128xf32, #tpu.memory_space<vmem_shared>>
      tpu.enqueue_dma source(%dma_start3A_68 : memref<128x128xf32, #tpu.memory_space<vmem_shared>>) target(%arg6 : memref<128x128xf32, #tpu.memory_space<vmem>>) target_semaphore(%run_scoped3A : memref<!tpu.dma_semaphore, #tpu.memory_space<semaphore_mem>>)
      %dma_wait3A = arith.constant 0 : i32
      %dma_wait3A_69 = tpu.memref_slice %arg5[%add3A_52, %dma_wait3A] : memref<10240x128xf32, #tpu.memory_space<vmem_shared>> -> memref<128x128xf32, #tpu.memory_space<vmem_shared>>
      %dma_wait3A_70 = arith.constant 0 : i32
      %dma_wait3A_71 = tpu.memref_slice %arg5[%add3A_52, %dma_wait3A_70] : memref<10240x128xf32, #tpu.memory_space<vmem_shared>> -> memref<128x128xf32, #tpu.memory_space<vmem_shared>>
      tpu.wait_dma2 semaphore(%run_scoped3A : memref<!tpu.dma_semaphore, #tpu.memory_space<semaphore_mem>>) src(%dma_wait3A_71 : memref<128x128xf32, #tpu.memory_space<vmem_shared>>) dst(%arg6 : memref<128x128xf32, #tpu.memory_space<vmem>>)
      tpu.yield
    }) : () -> ()
    "tpu.region"() ({
      %run_scoped3A = tpu.sem_alloc : memref<!tpu.dma_semaphore, #tpu.memory_space<semaphore_mem>>
      %dma_start3A_65 = arith.constant 0 : i32
      %dma_start3A_66 = arith.constant 0 : i32
      %dma_start3A_67 = tpu.memref_slice %arg4[%arg0, %dma_start3A_65, %dma_start3A_66] : memref<2x10240x128xf32, #tpu.memory_space<hbm>> -> memref<1x10240x128xf32, #tpu.memory_space<hbm>>
      %dma_start3A_68 = tpu.memref_squeeze %dma_start3A_67 : memref<1x10240x128xf32, #tpu.memory_space<hbm>> -> memref<10240x128xf32, #tpu.memory_space<hbm>>
      %dma_start3A_69 = arith.constant 0 : i32
      %dma_start3A_70 = tpu.memref_slice %dma_start3A_68[%add3A_52, %dma_start3A_69] : memref<10240x128xf32, #tpu.memory_space<hbm>> -> memref<128x128xf32, #tpu.memory_space<hbm>>
      %dma_start3A_71 = arith.constant 0 : i32
      %dma_start3A_72 = arith.constant 0 : i32
      %dma_start3A_73 = tpu.memref_slice %arg4[%arg0, %dma_start3A_71, %dma_start3A_72] : memref<2x10240x128xf32, #tpu.memory_space<hbm>> -> memref<1x10240x128xf32, #tpu.memory_space<hbm>>
      %dma_start3A_74 = tpu.memref_squeeze %dma_start3A_73 : memref<1x10240x128xf32, #tpu.memory_space<hbm>> -> memref<10240x128xf32, #tpu.memory_space<hbm>>
      %dma_start3A_75 = arith.constant 0 : i32
      %dma_start3A_76 = tpu.memref_slice %dma_start3A_74[%add3A_52, %dma_start3A_75] : memref<10240x128xf32, #tpu.memory_space<hbm>> -> memref<128x128xf32, #tpu.memory_space<hbm>>
      tpu.enqueue_dma source(%arg6 : memref<128x128xf32, #tpu.memory_space<vmem>>) target(%dma_start3A_76 : memref<128x128xf32, #tpu.memory_space<hbm>>) target_semaphore(%run_scoped3A : memref<!tpu.dma_semaphore, #tpu.memory_space<semaphore_mem>>)
      %dma_wait3A = arith.constant 0 : i32
      %dma_wait3A_77 = arith.constant 0 : i32
      %dma_wait3A_78 = tpu.memref_slice %arg4[%arg0, %dma_wait3A, %dma_wait3A_77] : memref<2x10240x128xf32, #tpu.memory_space<hbm>> -> memref<1x10240x128xf32, #tpu.memory_space<hbm>>
      %dma_wait3A_79 = tpu.memref_squeeze %dma_wait3A_78 : memref<1x10240x128xf32, #tpu.memory_space<hbm>> -> memref<10240x128xf32, #tpu.memory_space<hbm>>
      %dma_wait3A_80 = arith.constant 0 : i32
      %dma_wait3A_81 = tpu.memref_slice %dma_wait3A_79[%add3A_52, %dma_wait3A_80] : memref<10240x128xf32, #tpu.memory_space<hbm>> -> memref<128x128xf32, #tpu.memory_space<hbm>>
      %dma_wait3A_82 = arith.constant 0 : i32
      %dma_wait3A_83 = arith.constant 0 : i32
      %dma_wait3A_84 = tpu.memref_slice %arg4[%arg0, %dma_wait3A_82, %dma_wait3A_83] : memref<2x10240x128xf32, #tpu.memory_space<hbm>> -> memref<1x10240x128xf32, #tpu.memory_space<hbm>>
      %dma_wait3A_85 = tpu.memref_squeeze %dma_wait3A_84 : memref<1x10240x128xf32, #tpu.memory_space<hbm>> -> memref<10240x128xf32, #tpu.memory_space<hbm>>
      %dma_wait3A_86 = arith.constant 0 : i32
      %dma_wait3A_87 = tpu.memref_slice %dma_wait3A_85[%add3A_52, %dma_wait3A_86] : memref<10240x128xf32, #tpu.memory_space<hbm>> -> memref<128x128xf32, #tpu.memory_space<hbm>>
      tpu.wait_dma2 semaphore(%run_scoped3A : memref<!tpu.dma_semaphore, #tpu.memory_space<semaphore_mem>>) src(%arg6 : memref<128x128xf32, #tpu.memory_space<vmem>>) dst(%dma_wait3A_87 : memref<128x128xf32, #tpu.memory_space<hbm>>)
      tpu.yield
    }) : () -> ()
    %mul3A_53 = arith.constant 640 : i32
    %mul3A_54 = arith.muli %arg1, %mul3A_53 : i32
    %add3A_55 = arith.constant 256 : i32
    %add3A_56 = arith.addi %mul3A_54, %add3A_55 : i32
    "tpu.region"() ({
      %run_scoped3A = tpu.sem_alloc : memref<!tpu.dma_semaphore, #tpu.memory_space<semaphore_mem>>
      %dma_start3A_65 = arith.constant 0 : i32
      %dma_start3A_66 = tpu.memref_slice %arg5[%add3A_56, %dma_start3A_65] : memref<10240x128xf32, #tpu.memory_space<vmem_shared>> -> memref<128x128xf32, #tpu.memory_space<vmem_shared>>
      %dma_start3A_67 = arith.constant 0 : i32
      %dma_start3A_68 = tpu.memref_slice %arg5[%add3A_56, %dma_start3A_67] : memref<10240x128xf32, #tpu.memory_space<vmem_shared>> -> memref<128x128xf32, #tpu.memory_space<vmem_shared>>
      tpu.enqueue_dma source(%dma_start3A_68 : memref<128x128xf32, #tpu.memory_space<vmem_shared>>) target(%arg6 : memref<128x128xf32, #tpu.memory_space<vmem>>) target_semaphore(%run_scoped3A : memref<!tpu.dma_semaphore, #tpu.memory_space<semaphore_mem>>)
      %dma_wait3A = arith.constant 0 : i32
      %dma_wait3A_69 = tpu.memref_slice %arg5[%add3A_56, %dma_wait3A] : memref<10240x128xf32, #tpu.memory_space<vmem_shared>> -> memref<128x128xf32, #tpu.memory_space<vmem_shared>>
      %dma_wait3A_70 = arith.constant 0 : i32
      %dma_wait3A_71 = tpu.memref_slice %arg5[%add3A_56, %dma_wait3A_70] : memref<10240x128xf32, #tpu.memory_space<vmem_shared>> -> memref<128x128xf32, #tpu.memory_space<vmem_shared>>
      tpu.wait_dma2 semaphore(%run_scoped3A : memref<!tpu.dma_semaphore, #tpu.memory_space<semaphore_mem>>) src(%dma_wait3A_71 : memref<128x128xf32, #tpu.memory_space<vmem_shared>>) dst(%arg6 : memref<128x128xf32, #tpu.memory_space<vmem>>)
      tpu.yield
    }) : () -> ()
    "tpu.region"() ({
      %run_scoped3A = tpu.sem_alloc : memref<!tpu.dma_semaphore, #tpu.memory_space<semaphore_mem>>
      %dma_start3A_65 = arith.constant 0 : i32
      %dma_start3A_66 = arith.constant 0 : i32
      %dma_start3A_67 = tpu.memref_slice %arg4[%arg0, %dma_start3A_65, %dma_start3A_66] : memref<2x10240x128xf32, #tpu.memory_space<hbm>> -> memref<1x10240x128xf32, #tpu.memory_space<hbm>>
      %dma_start3A_68 = tpu.memref_squeeze %dma_start3A_67 : memref<1x10240x128xf32, #tpu.memory_space<hbm>> -> memref<10240x128xf32, #tpu.memory_space<hbm>>
      %dma_start3A_69 = arith.constant 0 : i32
      %dma_start3A_70 = tpu.memref_slice %dma_start3A_68[%add3A_56, %dma_start3A_69] : memref<10240x128xf32, #tpu.memory_space<hbm>> -> memref<128x128xf32, #tpu.memory_space<hbm>>
      %dma_start3A_71 = arith.constant 0 : i32
      %dma_start3A_72 = arith.constant 0 : i32
      %dma_start3A_73 = tpu.memref_slice %arg4[%arg0, %dma_start3A_71, %dma_start3A_72] : memref<2x10240x128xf32, #tpu.memory_space<hbm>> -> memref<1x10240x128xf32, #tpu.memory_space<hbm>>
      %dma_start3A_74 = tpu.memref_squeeze %dma_start3A_73 : memref<1x10240x128xf32, #tpu.memory_space<hbm>> -> memref<10240x128xf32, #tpu.memory_space<hbm>>
      %dma_start3A_75 = arith.constant 0 : i32
      %dma_start3A_76 = tpu.memref_slice %dma_start3A_74[%add3A_56, %dma_start3A_75] : memref<10240x128xf32, #tpu.memory_space<hbm>> -> memref<128x128xf32, #tpu.memory_space<hbm>>
      tpu.enqueue_dma source(%arg6 : memref<128x128xf32, #tpu.memory_space<vmem>>) target(%dma_start3A_76 : memref<128x128xf32, #tpu.memory_space<hbm>>) target_semaphore(%run_scoped3A : memref<!tpu.dma_semaphore, #tpu.memory_space<semaphore_mem>>)
      %dma_wait3A = arith.constant 0 : i32
      %dma_wait3A_77 = arith.constant 0 : i32
      %dma_wait3A_78 = tpu.memref_slice %arg4[%arg0, %dma_wait3A, %dma_wait3A_77] : memref<2x10240x128xf32, #tpu.memory_space<hbm>> -> memref<1x10240x128xf32, #tpu.memory_space<hbm>>
      %dma_wait3A_79 = tpu.memref_squeeze %dma_wait3A_78 : memref<1x10240x128xf32, #tpu.memory_space<hbm>> -> memref<10240x128xf32, #tpu.memory_space<hbm>>
      %dma_wait3A_80 = arith.constant 0 : i32
      %dma_wait3A_81 = tpu.memref_slice %dma_wait3A_79[%add3A_56, %dma_wait3A_80] : memref<10240x128xf32, #tpu.memory_space<hbm>> -> memref<128x128xf32, #tpu.memory_space<hbm>>
      %dma_wait3A_82 = arith.constant 0 : i32
      %dma_wait3A_83 = arith.constant 0 : i32
      %dma_wait3A_84 = tpu.memref_slice %arg4[%arg0, %dma_wait3A_82, %dma_wait3A_83] : memref<2x10240x128xf32, #tpu.memory_space<hbm>> -> memref<1x10240x128xf32, #tpu.memory_space<hbm>>
      %dma_wait3A_85 = tpu.memref_squeeze %dma_wait3A_84 : memref<1x10240x128xf32, #tpu.memory_space<hbm>> -> memref<10240x128xf32, #tpu.memory_space<hbm>>
      %dma_wait3A_86 = arith.constant 0 : i32
      %dma_wait3A_87 = tpu.memref_slice %dma_wait3A_85[%add3A_56, %dma_wait3A_86] : memref<10240x128xf32, #tpu.memory_space<hbm>> -> memref<128x128xf32, #tpu.memory_space<hbm>>
      tpu.wait_dma2 semaphore(%run_scoped3A : memref<!tpu.dma_semaphore, #tpu.memory_space<semaphore_mem>>) src(%arg6 : memref<128x128xf32, #tpu.memory_space<vmem>>) dst(%dma_wait3A_87 : memref<128x128xf32, #tpu.memory_space<hbm>>)
      tpu.yield
    }) : () -> ()
    %mul3A_57 = arith.constant 640 : i32
    %mul3A_58 = arith.muli %arg1, %mul3A_57 : i32
    %add3A_59 = arith.constant 384 : i32
    %add3A_60 = arith.addi %mul3A_58, %add3A_59 : i32
    "tpu.region"() ({
      %run_scoped3A = tpu.sem_alloc : memref<!tpu.dma_semaphore, #tpu.memory_space<semaphore_mem>>
      %dma_start3A_65 = arith.constant 0 : i32
      %dma_start3A_66 = tpu.memref_slice %arg5[%add3A_60, %dma_start3A_65] : memref<10240x128xf32, #tpu.memory_space<vmem_shared>> -> memref<128x128xf32, #tpu.memory_space<vmem_shared>>
      %dma_start3A_67 = arith.constant 0 : i32
      %dma_start3A_68 = tpu.memref_slice %arg5[%add3A_60, %dma_start3A_67] : memref<10240x128xf32, #tpu.memory_space<vmem_shared>> -> memref<128x128xf32, #tpu.memory_space<vmem_shared>>
      tpu.enqueue_dma source(%dma_start3A_68 : memref<128x128xf32, #tpu.memory_space<vmem_shared>>) target(%arg6 : memref<128x128xf32, #tpu.memory_space<vmem>>) target_semaphore(%run_scoped3A : memref<!tpu.dma_semaphore, #tpu.memory_space<semaphore_mem>>)
      %dma_wait3A = arith.constant 0 : i32
      %dma_wait3A_69 = tpu.memref_slice %arg5[%add3A_60, %dma_wait3A] : memref<10240x128xf32, #tpu.memory_space<vmem_shared>> -> memref<128x128xf32, #tpu.memory_space<vmem_shared>>
      %dma_wait3A_70 = arith.constant 0 : i32
      %dma_wait3A_71 = tpu.memref_slice %arg5[%add3A_60, %dma_wait3A_70] : memref<10240x128xf32, #tpu.memory_space<vmem_shared>> -> memref<128x128xf32, #tpu.memory_space<vmem_shared>>
      tpu.wait_dma2 semaphore(%run_scoped3A : memref<!tpu.dma_semaphore, #tpu.memory_space<semaphore_mem>>) src(%dma_wait3A_71 : memref<128x128xf32, #tpu.memory_space<vmem_shared>>) dst(%arg6 : memref<128x128xf32, #tpu.memory_space<vmem>>)
      tpu.yield
    }) : () -> ()
    "tpu.region"() ({
      %run_scoped3A = tpu.sem_alloc : memref<!tpu.dma_semaphore, #tpu.memory_space<semaphore_mem>>
      %dma_start3A_65 = arith.constant 0 : i32
      %dma_start3A_66 = arith.constant 0 : i32
      %dma_start3A_67 = tpu.memref_slice %arg4[%arg0, %dma_start3A_65, %dma_start3A_66] : memref<2x10240x128xf32, #tpu.memory_space<hbm>> -> memref<1x10240x128xf32, #tpu.memory_space<hbm>>
      %dma_start3A_68 = tpu.memref_squeeze %dma_start3A_67 : memref<1x10240x128xf32, #tpu.memory_space<hbm>> -> memref<10240x128xf32, #tpu.memory_space<hbm>>
      %dma_start3A_69 = arith.constant 0 : i32
      %dma_start3A_70 = tpu.memref_slice %dma_start3A_68[%add3A_60, %dma_start3A_69] : memref<10240x128xf32, #tpu.memory_space<hbm>> -> memref<128x128xf32, #tpu.memory_space<hbm>>
      %dma_start3A_71 = arith.constant 0 : i32
      %dma_start3A_72 = arith.constant 0 : i32
      %dma_start3A_73 = tpu.memref_slice %arg4[%arg0, %dma_start3A_71, %dma_start3A_72] : memref<2x10240x128xf32, #tpu.memory_space<hbm>> -> memref<1x10240x128xf32, #tpu.memory_space<hbm>>
      %dma_start3A_74 = tpu.memref_squeeze %dma_start3A_73 : memref<1x10240x128xf32, #tpu.memory_space<hbm>> -> memref<10240x128xf32, #tpu.memory_space<hbm>>
      %dma_start3A_75 = arith.constant 0 : i32
      %dma_start3A_76 = tpu.memref_slice %dma_start3A_74[%add3A_60, %dma_start3A_75] : memref<10240x128xf32, #tpu.memory_space<hbm>> -> memref<128x128xf32, #tpu.memory_space<hbm>>
      tpu.enqueue_dma source(%arg6 : memref<128x128xf32, #tpu.memory_space<vmem>>) target(%dma_start3A_76 : memref<128x128xf32, #tpu.memory_space<hbm>>) target_semaphore(%run_scoped3A : memref<!tpu.dma_semaphore, #tpu.memory_space<semaphore_mem>>)
      %dma_wait3A = arith.constant 0 : i32
      %dma_wait3A_77 = arith.constant 0 : i32
      %dma_wait3A_78 = tpu.memref_slice %arg4[%arg0, %dma_wait3A, %dma_wait3A_77] : memref<2x10240x128xf32, #tpu.memory_space<hbm>> -> memref<1x10240x128xf32, #tpu.memory_space<hbm>>
      %dma_wait3A_79 = tpu.memref_squeeze %dma_wait3A_78 : memref<1x10240x128xf32, #tpu.memory_space<hbm>> -> memref<10240x128xf32, #tpu.memory_space<hbm>>
      %dma_wait3A_80 = arith.constant 0 : i32
      %dma_wait3A_81 = tpu.memref_slice %dma_wait3A_79[%add3A_60, %dma_wait3A_80] : memref<10240x128xf32, #tpu.memory_space<hbm>> -> memref<128x128xf32, #tpu.memory_space<hbm>>
      %dma_wait3A_82 = arith.constant 0 : i32
      %dma_wait3A_83 = arith.constant 0 : i32
      %dma_wait3A_84 = tpu.memref_slice %arg4[%arg0, %dma_wait3A_82, %dma_wait3A_83] : memref<2x10240x128xf32, #tpu.memory_space<hbm>> -> memref<1x10240x128xf32, #tpu.memory_space<hbm>>
      %dma_wait3A_85 = tpu.memref_squeeze %dma_wait3A_84 : memref<1x10240x128xf32, #tpu.memory_space<hbm>> -> memref<10240x128xf32, #tpu.memory_space<hbm>>
      %dma_wait3A_86 = arith.constant 0 : i32
      %dma_wait3A_87 = tpu.memref_slice %dma_wait3A_85[%add3A_60, %dma_wait3A_86] : memref<10240x128xf32, #tpu.memory_space<hbm>> -> memref<128x128xf32, #tpu.memory_space<hbm>>
      tpu.wait_dma2 semaphore(%run_scoped3A : memref<!tpu.dma_semaphore, #tpu.memory_space<semaphore_mem>>) src(%arg6 : memref<128x128xf32, #tpu.memory_space<vmem>>) dst(%dma_wait3A_87 : memref<128x128xf32, #tpu.memory_space<hbm>>)
      tpu.yield
    }) : () -> ()
    %mul3A_61 = arith.constant 640 : i32
    %mul3A_62 = arith.muli %arg1, %mul3A_61 : i32
    %add3A_63 = arith.constant 512 : i32
    %add3A_64 = arith.addi %mul3A_62, %add3A_63 : i32
    "tpu.region"() ({
      %run_scoped3A = tpu.sem_alloc : memref<!tpu.dma_semaphore, #tpu.memory_space<semaphore_mem>>
      %dma_start3A_65 = arith.constant 0 : i32
      %dma_start3A_66 = tpu.memref_slice %arg5[%add3A_64, %dma_start3A_65] : memref<10240x128xf32, #tpu.memory_space<vmem_shared>> -> memref<128x128xf32, #tpu.memory_space<vmem_shared>>
      %dma_start3A_67 = arith.constant 0 : i32
      %dma_start3A_68 = tpu.memref_slice %arg5[%add3A_64, %dma_start3A_67] : memref<10240x128xf32, #tpu.memory_space<vmem_shared>> -> memref<128x128xf32, #tpu.memory_space<vmem_shared>>
      tpu.enqueue_dma source(%dma_start3A_68 : memref<128x128xf32, #tpu.memory_space<vmem_shared>>) target(%arg6 : memref<128x128xf32, #tpu.memory_space<vmem>>) target_semaphore(%run_scoped3A : memref<!tpu.dma_semaphore, #tpu.memory_space<semaphore_mem>>)
      %dma_wait3A = arith.constant 0 : i32
      %dma_wait3A_69 = tpu.memref_slice %arg5[%add3A_64, %dma_wait3A] : memref<10240x128xf32, #tpu.memory_space<vmem_shared>> -> memref<128x128xf32, #tpu.memory_space<vmem_shared>>
      %dma_wait3A_70 = arith.constant 0 : i32
      %dma_wait3A_71 = tpu.memref_slice %arg5[%add3A_64, %dma_wait3A_70] : memref<10240x128xf32, #tpu.memory_space<vmem_shared>> -> memref<128x128xf32, #tpu.memory_space<vmem_shared>>
      tpu.wait_dma2 semaphore(%run_scoped3A : memref<!tpu.dma_semaphore, #tpu.memory_space<semaphore_mem>>) src(%dma_wait3A_71 : memref<128x128xf32, #tpu.memory_space<vmem_shared>>) dst(%arg6 : memref<128x128xf32, #tpu.memory_space<vmem>>)
      tpu.yield
    }) : () -> ()
    "tpu.region"() ({
      %run_scoped3A = tpu.sem_alloc : memref<!tpu.dma_semaphore, #tpu.memory_space<semaphore_mem>>
      %dma_start3A_65 = arith.constant 0 : i32
      %dma_start3A_66 = arith.constant 0 : i32
      %dma_start3A_67 = tpu.memref_slice %arg4[%arg0, %dma_start3A_65, %dma_start3A_66] : memref<2x10240x128xf32, #tpu.memory_space<hbm>> -> memref<1x10240x128xf32, #tpu.memory_space<hbm>>
      %dma_start3A_68 = tpu.memref_squeeze %dma_start3A_67 : memref<1x10240x128xf32, #tpu.memory_space<hbm>> -> memref<10240x128xf32, #tpu.memory_space<hbm>>
      %dma_start3A_69 = arith.constant 0 : i32
      %dma_start3A_70 = tpu.memref_slice %dma_start3A_68[%add3A_64, %dma_start3A_69] : memref<10240x128xf32, #tpu.memory_space<hbm>> -> memref<128x128xf32, #tpu.memory_space<hbm>>
      %dma_start3A_71 = arith.constant 0 : i32
      %dma_start3A_72 = arith.constant 0 : i32
      %dma_start3A_73 = tpu.memref_slice %arg4[%arg0, %dma_start3A_71, %dma_start3A_72] : memref<2x10240x128xf32, #tpu.memory_space<hbm>> -> memref<1x10240x128xf32, #tpu.memory_space<hbm>>
      %dma_start3A_74 = tpu.memref_squeeze %dma_start3A_73 : memref<1x10240x128xf32, #tpu.memory_space<hbm>> -> memref<10240x128xf32, #tpu.memory_space<hbm>>
      %dma_start3A_75 = arith.constant 0 : i32
      %dma_start3A_76 = tpu.memref_slice %dma_start3A_74[%add3A_64, %dma_start3A_75] : memref<10240x128xf32, #tpu.memory_space<hbm>> -> memref<128x128xf32, #tpu.memory_space<hbm>>
      tpu.enqueue_dma source(%arg6 : memref<128x128xf32, #tpu.memory_space<vmem>>) target(%dma_start3A_76 : memref<128x128xf32, #tpu.memory_space<hbm>>) target_semaphore(%run_scoped3A : memref<!tpu.dma_semaphore, #tpu.memory_space<semaphore_mem>>)
      %dma_wait3A = arith.constant 0 : i32
      %dma_wait3A_77 = arith.constant 0 : i32
      %dma_wait3A_78 = tpu.memref_slice %arg4[%arg0, %dma_wait3A, %dma_wait3A_77] : memref<2x10240x128xf32, #tpu.memory_space<hbm>> -> memref<1x10240x128xf32, #tpu.memory_space<hbm>>
      %dma_wait3A_79 = tpu.memref_squeeze %dma_wait3A_78 : memref<1x10240x128xf32, #tpu.memory_space<hbm>> -> memref<10240x128xf32, #tpu.memory_space<hbm>>
      %dma_wait3A_80 = arith.constant 0 : i32
      %dma_wait3A_81 = tpu.memref_slice %dma_wait3A_79[%add3A_64, %dma_wait3A_80] : memref<10240x128xf32, #tpu.memory_space<hbm>> -> memref<128x128xf32, #tpu.memory_space<hbm>>
      %dma_wait3A_82 = arith.constant 0 : i32
      %dma_wait3A_83 = arith.constant 0 : i32
      %dma_wait3A_84 = tpu.memref_slice %arg4[%arg0, %dma_wait3A_82, %dma_wait3A_83] : memref<2x10240x128xf32, #tpu.memory_space<hbm>> -> memref<1x10240x128xf32, #tpu.memory_space<hbm>>
      %dma_wait3A_85 = tpu.memref_squeeze %dma_wait3A_84 : memref<1x10240x128xf32, #tpu.memory_space<hbm>> -> memref<10240x128xf32, #tpu.memory_space<hbm>>
      %dma_wait3A_86 = arith.constant 0 : i32
      %dma_wait3A_87 = tpu.memref_slice %dma_wait3A_85[%add3A_64, %dma_wait3A_86] : memref<10240x128xf32, #tpu.memory_space<hbm>> -> memref<128x128xf32, #tpu.memory_space<hbm>>
      tpu.wait_dma2 semaphore(%run_scoped3A : memref<!tpu.dma_semaphore, #tpu.memory_space<semaphore_mem>>) src(%arg6 : memref<128x128xf32, #tpu.memory_space<vmem>>) dst(%dma_wait3A_87 : memref<128x128xf32, #tpu.memory_space<hbm>>)
      tpu.yield
    }) : () -> ()
    return
  }
}

#map = affine_map<(d0, d1) -> (0, 0)>
#map1 = affine_map<(d0, d1) -> (0, 0, 0)>
module attributes {stable_mosaic.version = 14 : i64} {
  func.func @_gather_kernel(%arg0: i32, %arg1: i32, %arg2: memref<80x128xi32, #tpu.memory_space<hbm>>, %arg3: memref<2x10240x128xf32, #tpu.memory_space<hbm>>, %arg4: memref<10240x128xf32, #tpu.memory_space<hbm>>, %arg5: memref<80x128xi32, #tpu.memory_space<vmem>>, %arg6: memref<128x128xf32, #tpu.memory_space<vmem>>, %arg7: memref<128x128xf32, #tpu.memory_space<vmem>>, %arg8: memref<128x128xf32, #tpu.memory_space<vmem>>, %arg9: memref<128x128xf32, #tpu.memory_space<vmem>>, %arg10: memref<!tpu.dma_semaphore, #tpu.memory_space<semaphore_mem>>, %arg11: memref<!tpu.dma_semaphore, #tpu.memory_space<semaphore_mem>>) attributes {dimension_semantics = [#tpu.dimension_semantics<core_parallel>, #tpu.dimension_semantics<subcore_parallel>], iteration_bounds = array<i64: 2, 16>, scalar_prefetch = 0 : i64, scratch_operands = 7 : i64, tpu.core_type = #tpu.core_type<sc_vector_subcore>, window_params = [{transform_indices = #map}, {transform_indices = #map1}, {transform_indices = #map}]} {
    %mul3A = arith.constant 2 : i32
    %mul3A_0 = arith.muli %arg1, %mul3A : i32
    %add3A = arith.addi %mul3A_0, %arg0 : i32
    "tpu.region"() ({
      %run_scoped3A = tpu.sem_alloc : memref<!tpu.dma_semaphore, #tpu.memory_space<semaphore_mem>>
      tpu.enqueue_dma source(%arg2 : memref<80x128xi32, #tpu.memory_space<hbm>>) target(%arg5 : memref<80x128xi32, #tpu.memory_space<vmem>>) target_semaphore(%run_scoped3A : memref<!tpu.dma_semaphore, #tpu.memory_space<semaphore_mem>>)
      tpu.wait_dma2 semaphore(%run_scoped3A : memref<!tpu.dma_semaphore, #tpu.memory_space<semaphore_mem>>) src(%arg2 : memref<80x128xi32, #tpu.memory_space<hbm>>) dst(%arg5 : memref<80x128xi32, #tpu.memory_space<vmem>>)
      tpu.yield
    }) : () -> ()
    %lt3A = arith.constant 80 : i32
    %lt3A_1 = arith.cmpi slt, %add3A, %lt3A : i32
    %convert_element_type3A = arith.extui %lt3A_1 : i1 to i32
    %cond3A = arith.constant 0 : i32
    %cond3A_2 = arith.cmpi ne, %convert_element_type3A, %cond3A : i32
    scf.if %cond3A_2 {
      %dma_start3A = arith.constant 0 : i32
      %dma_start3A_38 = arith.constant 0 : i32
      %dma_start3A_39 = tpu.memref_slice %arg5[%add3A, %dma_start3A_38] : memref<80x128xi32, #tpu.memory_space<vmem>> -> memref<1x128xi32, #tpu.memory_space<vmem>>
      %dma_start3A_40 = tpu.memref_squeeze %dma_start3A_39 : memref<1x128xi32, #tpu.memory_space<vmem>> -> memref<128xi32, #tpu.memory_space<vmem>>
      %dma_start3A_41 = arith.constant 0 : i32
      %dma_start3A_42 = arith.constant 0 : i32
      %dma_start3A_43 = tpu.memref_slice %arg3[%dma_start3A, %dma_start3A_41, %dma_start3A_42] : memref<2x10240x128xf32, #tpu.memory_space<hbm>> -> memref<1x10240x128xf32, #tpu.memory_space<hbm>>
      %dma_start3A_44 = tpu.memref_squeeze %dma_start3A_43 : memref<1x10240x128xf32, #tpu.memory_space<hbm>> -> memref<10240x128xf32, #tpu.memory_space<hbm>>
      %dma_start3A_45 = arith.constant 0 : i32
      %dma_start3A_46 = arith.constant 0 : i32
      %dma_start3A_47 = tpu.memref_slice %dma_start3A_44[%dma_start3A_45, %dma_start3A_46] : memref<10240x128xf32, #tpu.memory_space<hbm>> -> memref<10240x128xf32, #tpu.memory_space<hbm>>
      tpu.enqueue_indirect_dma source(%dma_start3A_47 : memref<10240x128xf32, #tpu.memory_space<hbm>>) target(%arg6 : memref<128x128xf32, #tpu.memory_space<vmem>>) offsets(%dma_start3A_40 : memref<128xi32, #tpu.memory_space<vmem>>) semaphore(%arg10 : memref<!tpu.dma_semaphore, #tpu.memory_space<semaphore_mem>>)
      %dma_start3A_48 = arith.constant 1 : i32
      %dma_start3A_49 = arith.constant 0 : i32
      %dma_start3A_50 = tpu.memref_slice %arg5[%add3A, %dma_start3A_49] : memref<80x128xi32, #tpu.memory_space<vmem>> -> memref<1x128xi32, #tpu.memory_space<vmem>>
      %dma_start3A_51 = tpu.memref_squeeze %dma_start3A_50 : memref<1x128xi32, #tpu.memory_space<vmem>> -> memref<128xi32, #tpu.memory_space<vmem>>
      %dma_start3A_52 = arith.constant 0 : i32
      %dma_start3A_53 = arith.constant 0 : i32
      %dma_start3A_54 = tpu.memref_slice %arg3[%dma_start3A_48, %dma_start3A_52, %dma_start3A_53] : memref<2x10240x128xf32, #tpu.memory_space<hbm>> -> memref<1x10240x128xf32, #tpu.memory_space<hbm>>
      %dma_start3A_55 = tpu.memref_squeeze %dma_start3A_54 : memref<1x10240x128xf32, #tpu.memory_space<hbm>> -> memref<10240x128xf32, #tpu.memory_space<hbm>>
      %dma_start3A_56 = arith.constant 0 : i32
      %dma_start3A_57 = arith.constant 0 : i32
      %dma_start3A_58 = tpu.memref_slice %dma_start3A_55[%dma_start3A_56, %dma_start3A_57] : memref<10240x128xf32, #tpu.memory_space<hbm>> -> memref<10240x128xf32, #tpu.memory_space<hbm>>
      tpu.enqueue_indirect_dma source(%dma_start3A_58 : memref<10240x128xf32, #tpu.memory_space<hbm>>) target(%arg7 : memref<128x128xf32, #tpu.memory_space<vmem>>) offsets(%dma_start3A_51 : memref<128xi32, #tpu.memory_space<vmem>>) semaphore(%arg10 : memref<!tpu.dma_semaphore, #tpu.memory_space<semaphore_mem>>)
    } else {
    }
    %add3A_3 = arith.constant 0 : i32
    %add3A_4 = arith.addi %add3A, %add3A_3 : i32
    %add3A_5 = arith.constant 32 : i32
    %add3A_6 = arith.addi %add3A_4, %add3A_5 : i32
    %lt3A_7 = arith.constant 80 : i32
    %lt3A_8 = arith.cmpi slt, %add3A_6, %lt3A_7 : i32
    %convert_element_type3A_9 = arith.extui %lt3A_8 : i1 to i32
    %cond3A_10 = arith.constant 0 : i32
    %cond3A_11 = arith.cmpi ne, %convert_element_type3A_9, %cond3A_10 : i32
    scf.if %cond3A_11 {
      %dma_start3A = arith.constant 0 : i32
      %dma_start3A_38 = arith.constant 0 : i32
      %dma_start3A_39 = tpu.memref_slice %arg5[%add3A_6, %dma_start3A_38] : memref<80x128xi32, #tpu.memory_space<vmem>> -> memref<1x128xi32, #tpu.memory_space<vmem>>
      %dma_start3A_40 = tpu.memref_squeeze %dma_start3A_39 : memref<1x128xi32, #tpu.memory_space<vmem>> -> memref<128xi32, #tpu.memory_space<vmem>>
      %dma_start3A_41 = arith.constant 0 : i32
      %dma_start3A_42 = arith.constant 0 : i32
      %dma_start3A_43 = tpu.memref_slice %arg3[%dma_start3A, %dma_start3A_41, %dma_start3A_42] : memref<2x10240x128xf32, #tpu.memory_space<hbm>> -> memref<1x10240x128xf32, #tpu.memory_space<hbm>>
      %dma_start3A_44 = tpu.memref_squeeze %dma_start3A_43 : memref<1x10240x128xf32, #tpu.memory_space<hbm>> -> memref<10240x128xf32, #tpu.memory_space<hbm>>
      %dma_start3A_45 = arith.constant 0 : i32
      %dma_start3A_46 = arith.constant 0 : i32
      %dma_start3A_47 = tpu.memref_slice %dma_start3A_44[%dma_start3A_45, %dma_start3A_46] : memref<10240x128xf32, #tpu.memory_space<hbm>> -> memref<10240x128xf32, #tpu.memory_space<hbm>>
      tpu.enqueue_indirect_dma source(%dma_start3A_47 : memref<10240x128xf32, #tpu.memory_space<hbm>>) target(%arg8 : memref<128x128xf32, #tpu.memory_space<vmem>>) offsets(%dma_start3A_40 : memref<128xi32, #tpu.memory_space<vmem>>) semaphore(%arg11 : memref<!tpu.dma_semaphore, #tpu.memory_space<semaphore_mem>>)
      %dma_start3A_48 = arith.constant 1 : i32
      %dma_start3A_49 = arith.constant 0 : i32
      %dma_start3A_50 = tpu.memref_slice %arg5[%add3A_6, %dma_start3A_49] : memref<80x128xi32, #tpu.memory_space<vmem>> -> memref<1x128xi32, #tpu.memory_space<vmem>>
      %dma_start3A_51 = tpu.memref_squeeze %dma_start3A_50 : memref<1x128xi32, #tpu.memory_space<vmem>> -> memref<128xi32, #tpu.memory_space<vmem>>
      %dma_start3A_52 = arith.constant 0 : i32
      %dma_start3A_53 = arith.constant 0 : i32
      %dma_start3A_54 = tpu.memref_slice %arg3[%dma_start3A_48, %dma_start3A_52, %dma_start3A_53] : memref<2x10240x128xf32, #tpu.memory_space<hbm>> -> memref<1x10240x128xf32, #tpu.memory_space<hbm>>
      %dma_start3A_55 = tpu.memref_squeeze %dma_start3A_54 : memref<1x10240x128xf32, #tpu.memory_space<hbm>> -> memref<10240x128xf32, #tpu.memory_space<hbm>>
      %dma_start3A_56 = arith.constant 0 : i32
      %dma_start3A_57 = arith.constant 0 : i32
      %dma_start3A_58 = tpu.memref_slice %dma_start3A_55[%dma_start3A_56, %dma_start3A_57] : memref<10240x128xf32, #tpu.memory_space<hbm>> -> memref<10240x128xf32, #tpu.memory_space<hbm>>
      tpu.enqueue_indirect_dma source(%dma_start3A_58 : memref<10240x128xf32, #tpu.memory_space<hbm>>) target(%arg9 : memref<128x128xf32, #tpu.memory_space<vmem>>) offsets(%dma_start3A_51 : memref<128xi32, #tpu.memory_space<vmem>>) semaphore(%arg11 : memref<!tpu.dma_semaphore, #tpu.memory_space<semaphore_mem>>)
    } else {
    }
    %lt3A_12 = arith.constant 80 : i32
    %lt3A_13 = arith.cmpi slt, %add3A_4, %lt3A_12 : i32
    %convert_element_type3A_14 = arith.extui %lt3A_13 : i1 to i32
    %cond3A_15 = arith.constant 0 : i32
    %cond3A_16 = arith.cmpi ne, %convert_element_type3A_14, %cond3A_15 : i32
    scf.if %cond3A_16 {
      %dma_wait3A = arith.constant 0 : i32
      %dma_wait3A_38 = arith.constant 0 : i32
      %dma_wait3A_39 = arith.constant 0 : i32
      %dma_wait3A_40 = tpu.memref_slice %arg5[%dma_wait3A_38, %dma_wait3A_39] : memref<80x128xi32, #tpu.memory_space<vmem>> -> memref<1x128xi32, #tpu.memory_space<vmem>>
      %dma_wait3A_41 = tpu.memref_squeeze %dma_wait3A_40 : memref<1x128xi32, #tpu.memory_space<vmem>> -> memref<128xi32, #tpu.memory_space<vmem>>
      %dma_wait3A_42 = arith.constant 0 : i32
      %dma_wait3A_43 = arith.constant 0 : i32
      %dma_wait3A_44 = tpu.memref_slice %arg3[%dma_wait3A, %dma_wait3A_42, %dma_wait3A_43] : memref<2x10240x128xf32, #tpu.memory_space<hbm>> -> memref<1x10240x128xf32, #tpu.memory_space<hbm>>
      %dma_wait3A_45 = tpu.memref_squeeze %dma_wait3A_44 : memref<1x10240x128xf32, #tpu.memory_space<hbm>> -> memref<10240x128xf32, #tpu.memory_space<hbm>>
      %dma_wait3A_46 = arith.constant 0 : i32
      %dma_wait3A_47 = arith.constant 0 : i32
      %dma_wait3A_48 = tpu.memref_slice %dma_wait3A_45[%dma_wait3A_46, %dma_wait3A_47] : memref<10240x128xf32, #tpu.memory_space<hbm>> -> memref<10240x128xf32, #tpu.memory_space<hbm>>
      tpu.wait_indirect_dma semaphore(%arg10 : memref<!tpu.dma_semaphore, #tpu.memory_space<semaphore_mem>>) src(%dma_wait3A_48 : memref<10240x128xf32, #tpu.memory_space<hbm>>) dst(%arg6 : memref<128x128xf32, #tpu.memory_space<vmem>>)
      %dma_wait3A_49 = arith.constant 1 : i32
      %dma_wait3A_50 = arith.constant 0 : i32
      %dma_wait3A_51 = arith.constant 0 : i32
      %dma_wait3A_52 = tpu.memref_slice %arg5[%dma_wait3A_50, %dma_wait3A_51] : memref<80x128xi32, #tpu.memory_space<vmem>> -> memref<1x128xi32, #tpu.memory_space<vmem>>
      %dma_wait3A_53 = tpu.memref_squeeze %dma_wait3A_52 : memref<1x128xi32, #tpu.memory_space<vmem>> -> memref<128xi32, #tpu.memory_space<vmem>>
      %dma_wait3A_54 = arith.constant 0 : i32
      %dma_wait3A_55 = arith.constant 0 : i32
      %dma_wait3A_56 = tpu.memref_slice %arg3[%dma_wait3A_49, %dma_wait3A_54, %dma_wait3A_55] : memref<2x10240x128xf32, #tpu.memory_space<hbm>> -> memref<1x10240x128xf32, #tpu.memory_space<hbm>>
      %dma_wait3A_57 = tpu.memref_squeeze %dma_wait3A_56 : memref<1x10240x128xf32, #tpu.memory_space<hbm>> -> memref<10240x128xf32, #tpu.memory_space<hbm>>
      %dma_wait3A_58 = arith.constant 0 : i32
      %dma_wait3A_59 = arith.constant 0 : i32
      %dma_wait3A_60 = tpu.memref_slice %dma_wait3A_57[%dma_wait3A_58, %dma_wait3A_59] : memref<10240x128xf32, #tpu.memory_space<hbm>> -> memref<10240x128xf32, #tpu.memory_space<hbm>>
      tpu.wait_indirect_dma semaphore(%arg10 : memref<!tpu.dma_semaphore, #tpu.memory_space<semaphore_mem>>) src(%dma_wait3A_60 : memref<10240x128xf32, #tpu.memory_space<hbm>>) dst(%arg7 : memref<128x128xf32, #tpu.memory_space<vmem>>)
      %scan3A = arith.constant 0 : i32
      %scan3A_61 = arith.constant 0 : i32
      %scan3A_62 = arith.constant 128 : i32
      %scan3A_63 = arith.addi %scan3A_61, %scan3A_62 : i32
      %scan3A_64 = arith.constant 1 : i32
      %scan3A_65 = scf.for %scan3A_69 = %scan3A_61 to %scan3A_63 step %scan3A_64 iter_args(%scan3A_70 = %scan3A) -> (i32)  : i32 {
        %get3A = arith.index_cast %scan3A_69 : i32 to index
        %get3A_71 = arith.constant 0 : index
        %get3A_72 = tpu.vector_load %arg6[%get3A, %get3A_71] {strides = array<i32>} : memref<128x128xf32, #tpu.memory_space<vmem>>, vector<16xf32>,
        %get3A_73 = arith.index_cast %scan3A_69 : i32 to index
        %get3A_74 = arith.constant 0 : index
        %get3A_75 = tpu.vector_load %arg7[%get3A_73, %get3A_74] {strides = array<i32>} : memref<128x128xf32, #tpu.memory_space<vmem>>, vector<16xf32>,
        %add3A_76 = arith.addf %get3A_72, %get3A_75 : vector<16xf32>
        %swap3A = arith.index_cast %scan3A_69 : i32 to index
        %swap3A_77 = arith.constant 0 : index
        %swap3A_78 = tpu.vector_load %arg6[%swap3A, %swap3A_77] {strides = array<i32>} : memref<128x128xf32, #tpu.memory_space<vmem>>, vector<16xf32>,
        tpu.vector_store %arg6[%swap3A, %swap3A_77], %add3A_76 {strides = array<i32>} : memref<128x128xf32, #tpu.memory_space<vmem>>, vector<16xf32>,
        %get3A_79 = arith.index_cast %scan3A_69 : i32 to index
        %get3A_80 = arith.constant 16 : index
        %get3A_81 = tpu.vector_load %arg6[%get3A_79, %get3A_80] {strides = array<i32>} : memref<128x128xf32, #tpu.memory_space<vmem>>, vector<16xf32>,
        %get3A_82 = arith.index_cast %scan3A_69 : i32 to index
        %get3A_83 = arith.constant 16 : index
        %get3A_84 = tpu.vector_load %arg7[%get3A_82, %get3A_83] {strides = array<i32>} : memref<128x128xf32, #tpu.memory_space<vmem>>, vector<16xf32>,
        %add3A_85 = arith.addf %get3A_81, %get3A_84 : vector<16xf32>
        %swap3A_86 = arith.index_cast %scan3A_69 : i32 to index
        %swap3A_87 = arith.constant 16 : index
        %swap3A_88 = tpu.vector_load %arg6[%swap3A_86, %swap3A_87] {strides = array<i32>} : memref<128x128xf32, #tpu.memory_space<vmem>>, vector<16xf32>,
        tpu.vector_store %arg6[%swap3A_86, %swap3A_87], %add3A_85 {strides = array<i32>} : memref<128x128xf32, #tpu.memory_space<vmem>>, vector<16xf32>,
        %get3A_89 = arith.index_cast %scan3A_69 : i32 to index
        %get3A_90 = arith.constant 32 : index
        %get3A_91 = tpu.vector_load %arg6[%get3A_89, %get3A_90] {strides = array<i32>} : memref<128x128xf32, #tpu.memory_space<vmem>>, vector<16xf32>,
        %get3A_92 = arith.index_cast %scan3A_69 : i32 to index
        %get3A_93 = arith.constant 32 : index
        %get3A_94 = tpu.vector_load %arg7[%get3A_92, %get3A_93] {strides = array<i32>} : memref<128x128xf32, #tpu.memory_space<vmem>>, vector<16xf32>,
        %add3A_95 = arith.addf %get3A_91, %get3A_94 : vector<16xf32>
        %swap3A_96 = arith.index_cast %scan3A_69 : i32 to index
        %swap3A_97 = arith.constant 32 : index
        %swap3A_98 = tpu.vector_load %arg6[%swap3A_96, %swap3A_97] {strides = array<i32>} : memref<128x128xf32, #tpu.memory_space<vmem>>, vector<16xf32>,
        tpu.vector_store %arg6[%swap3A_96, %swap3A_97], %add3A_95 {strides = array<i32>} : memref<128x128xf32, #tpu.memory_space<vmem>>, vector<16xf32>,
        %get3A_99 = arith.index_cast %scan3A_69 : i32 to index
        %get3A_100 = arith.constant 48 : index
        %get3A_101 = tpu.vector_load %arg6[%get3A_99, %get3A_100] {strides = array<i32>} : memref<128x128xf32, #tpu.memory_space<vmem>>, vector<16xf32>,
        %get3A_102 = arith.index_cast %scan3A_69 : i32 to index
        %get3A_103 = arith.constant 48 : index
        %get3A_104 = tpu.vector_load %arg7[%get3A_102, %get3A_103] {strides = array<i32>} : memref<128x128xf32, #tpu.memory_space<vmem>>, vector<16xf32>,
        %add3A_105 = arith.addf %get3A_101, %get3A_104 : vector<16xf32>
        %swap3A_106 = arith.index_cast %scan3A_69 : i32 to index
        %swap3A_107 = arith.constant 48 : index
        %swap3A_108 = tpu.vector_load %arg6[%swap3A_106, %swap3A_107] {strides = array<i32>} : memref<128x128xf32, #tpu.memory_space<vmem>>, vector<16xf32>,
        tpu.vector_store %arg6[%swap3A_106, %swap3A_107], %add3A_105 {strides = array<i32>} : memref<128x128xf32, #tpu.memory_space<vmem>>, vector<16xf32>,
        %get3A_109 = arith.index_cast %scan3A_69 : i32 to index
        %get3A_110 = arith.constant 64 : index
        %get3A_111 = tpu.vector_load %arg6[%get3A_109, %get3A_110] {strides = array<i32>} : memref<128x128xf32, #tpu.memory_space<vmem>>, vector<16xf32>,
        %get3A_112 = arith.index_cast %scan3A_69 : i32 to index
        %get3A_113 = arith.constant 64 : index
        %get3A_114 = tpu.vector_load %arg7[%get3A_112, %get3A_113] {strides = array<i32>} : memref<128x128xf32, #tpu.memory_space<vmem>>, vector<16xf32>,
        %add3A_115 = arith.addf %get3A_111, %get3A_114 : vector<16xf32>
        %swap3A_116 = arith.index_cast %scan3A_69 : i32 to index
        %swap3A_117 = arith.constant 64 : index
        %swap3A_118 = tpu.vector_load %arg6[%swap3A_116, %swap3A_117] {strides = array<i32>} : memref<128x128xf32, #tpu.memory_space<vmem>>, vector<16xf32>,
        tpu.vector_store %arg6[%swap3A_116, %swap3A_117], %add3A_115 {strides = array<i32>} : memref<128x128xf32, #tpu.memory_space<vmem>>, vector<16xf32>,
        %get3A_119 = arith.index_cast %scan3A_69 : i32 to index
        %get3A_120 = arith.constant 80 : index
        %get3A_121 = tpu.vector_load %arg6[%get3A_119, %get3A_120] {strides = array<i32>} : memref<128x128xf32, #tpu.memory_space<vmem>>, vector<16xf32>,
        %get3A_122 = arith.index_cast %scan3A_69 : i32 to index
        %get3A_123 = arith.constant 80 : index
        %get3A_124 = tpu.vector_load %arg7[%get3A_122, %get3A_123] {strides = array<i32>} : memref<128x128xf32, #tpu.memory_space<vmem>>, vector<16xf32>,
        %add3A_125 = arith.addf %get3A_121, %get3A_124 : vector<16xf32>
        %swap3A_126 = arith.index_cast %scan3A_69 : i32 to index
        %swap3A_127 = arith.constant 80 : index
        %swap3A_128 = tpu.vector_load %arg6[%swap3A_126, %swap3A_127] {strides = array<i32>} : memref<128x128xf32, #tpu.memory_space<vmem>>, vector<16xf32>,
        tpu.vector_store %arg6[%swap3A_126, %swap3A_127], %add3A_125 {strides = array<i32>} : memref<128x128xf32, #tpu.memory_space<vmem>>, vector<16xf32>,
        %get3A_129 = arith.index_cast %scan3A_69 : i32 to index
        %get3A_130 = arith.constant 96 : index
        %get3A_131 = tpu.vector_load %arg6[%get3A_129, %get3A_130] {strides = array<i32>} : memref<128x128xf32, #tpu.memory_space<vmem>>, vector<16xf32>,
        %get3A_132 = arith.index_cast %scan3A_69 : i32 to index
        %get3A_133 = arith.constant 96 : index
        %get3A_134 = tpu.vector_load %arg7[%get3A_132, %get3A_133] {strides = array<i32>} : memref<128x128xf32, #tpu.memory_space<vmem>>, vector<16xf32>,
        %add3A_135 = arith.addf %get3A_131, %get3A_134 : vector<16xf32>
        %swap3A_136 = arith.index_cast %scan3A_69 : i32 to index
        %swap3A_137 = arith.constant 96 : index
        %swap3A_138 = tpu.vector_load %arg6[%swap3A_136, %swap3A_137] {strides = array<i32>} : memref<128x128xf32, #tpu.memory_space<vmem>>, vector<16xf32>,
        tpu.vector_store %arg6[%swap3A_136, %swap3A_137], %add3A_135 {strides = array<i32>} : memref<128x128xf32, #tpu.memory_space<vmem>>, vector<16xf32>,
        %get3A_139 = arith.index_cast %scan3A_69 : i32 to index
        %get3A_140 = arith.constant 112 : index
        %get3A_141 = tpu.vector_load %arg6[%get3A_139, %get3A_140] {strides = array<i32>} : memref<128x128xf32, #tpu.memory_space<vmem>>, vector<16xf32>,
        %get3A_142 = arith.index_cast %scan3A_69 : i32 to index
        %get3A_143 = arith.constant 112 : index
        %get3A_144 = tpu.vector_load %arg7[%get3A_142, %get3A_143] {strides = array<i32>} : memref<128x128xf32, #tpu.memory_space<vmem>>, vector<16xf32>,
        %add3A_145 = arith.addf %get3A_141, %get3A_144 : vector<16xf32>
        %swap3A_146 = arith.index_cast %scan3A_69 : i32 to index
        %swap3A_147 = arith.constant 112 : index
        %swap3A_148 = tpu.vector_load %arg6[%swap3A_146, %swap3A_147] {strides = array<i32>} : memref<128x128xf32, #tpu.memory_space<vmem>>, vector<16xf32>,
        tpu.vector_store %arg6[%swap3A_146, %swap3A_147], %add3A_145 {strides = array<i32>} : memref<128x128xf32, #tpu.memory_space<vmem>>, vector<16xf32>,
        %scan3A_149 = arith.constant 0 : i32
        scf.yield %scan3A_149 : i32
      }
      %scan3A_66 = arith.constant 128 : i32
      %mul3A_67 = arith.constant 128 : i32
      %mul3A_68 = arith.muli %add3A_4, %mul3A_67 : i32
      "tpu.region"() ({
        %run_scoped3A = tpu.sem_alloc : memref<!tpu.dma_semaphore, #tpu.memory_space<semaphore_mem>>
        %dma_start3A = arith.constant 0 : i32
        %dma_start3A_69 = tpu.memref_slice %arg4[%mul3A_68, %dma_start3A] : memref<10240x128xf32, #tpu.memory_space<hbm>> -> memref<128x128xf32, #tpu.memory_space<hbm>>
        %dma_start3A_70 = arith.constant 0 : i32
        %dma_start3A_71 = tpu.memref_slice %arg4[%mul3A_68, %dma_start3A_70] : memref<10240x128xf32, #tpu.memory_space<hbm>> -> memref<128x128xf32, #tpu.memory_space<hbm>>
        tpu.enqueue_dma source(%arg6 : memref<128x128xf32, #tpu.memory_space<vmem>>) target(%dma_start3A_71 : memref<128x128xf32, #tpu.memory_space<hbm>>) target_semaphore(%run_scoped3A : memref<!tpu.dma_semaphore, #tpu.memory_space<semaphore_mem>>)
        %dma_wait3A_72 = arith.constant 0 : i32
        %dma_wait3A_73 = tpu.memref_slice %arg4[%mul3A_68, %dma_wait3A_72] : memref<10240x128xf32, #tpu.memory_space<hbm>> -> memref<128x128xf32, #tpu.memory_space<hbm>>
        %dma_wait3A_74 = arith.constant 0 : i32
        %dma_wait3A_75 = tpu.memref_slice %arg4[%mul3A_68, %dma_wait3A_74] : memref<10240x128xf32, #tpu.memory_space<hbm>> -> memref<128x128xf32, #tpu.memory_space<hbm>>
        tpu.wait_dma2 semaphore(%run_scoped3A : memref<!tpu.dma_semaphore, #tpu.memory_space<semaphore_mem>>) src(%arg6 : memref<128x128xf32, #tpu.memory_space<vmem>>) dst(%dma_wait3A_75 : memref<128x128xf32, #tpu.memory_space<hbm>>)
        tpu.yield
      }) : () -> ()
    } else {
    }
    %add3A_17 = arith.constant 32 : i32
    %add3A_18 = arith.addi %add3A, %add3A_17 : i32
    %add3A_19 = arith.constant 32 : i32
    %add3A_20 = arith.addi %add3A_18, %add3A_19 : i32
    %lt3A_21 = arith.constant 80 : i32
    %lt3A_22 = arith.cmpi slt, %add3A_20, %lt3A_21 : i32
    %convert_element_type3A_23 = arith.extui %lt3A_22 : i1 to i32
    %cond3A_24 = arith.constant 0 : i32
    %cond3A_25 = arith.cmpi ne, %convert_element_type3A_23, %cond3A_24 : i32
    scf.if %cond3A_25 {
      %dma_start3A = arith.constant 0 : i32
      %dma_start3A_38 = arith.constant 0 : i32
      %dma_start3A_39 = tpu.memref_slice %arg5[%add3A_20, %dma_start3A_38] : memref<80x128xi32, #tpu.memory_space<vmem>> -> memref<1x128xi32, #tpu.memory_space<vmem>>
      %dma_start3A_40 = tpu.memref_squeeze %dma_start3A_39 : memref<1x128xi32, #tpu.memory_space<vmem>> -> memref<128xi32, #tpu.memory_space<vmem>>
      %dma_start3A_41 = arith.constant 0 : i32
      %dma_start3A_42 = arith.constant 0 : i32
      %dma_start3A_43 = tpu.memref_slice %arg3[%dma_start3A, %dma_start3A_41, %dma_start3A_42] : memref<2x10240x128xf32, #tpu.memory_space<hbm>> -> memref<1x10240x128xf32, #tpu.memory_space<hbm>>
      %dma_start3A_44 = tpu.memref_squeeze %dma_start3A_43 : memref<1x10240x128xf32, #tpu.memory_space<hbm>> -> memref<10240x128xf32, #tpu.memory_space<hbm>>
      %dma_start3A_45 = arith.constant 0 : i32
      %dma_start3A_46 = arith.constant 0 : i32
      %dma_start3A_47 = tpu.memref_slice %dma_start3A_44[%dma_start3A_45, %dma_start3A_46] : memref<10240x128xf32, #tpu.memory_space<hbm>> -> memref<10240x128xf32, #tpu.memory_space<hbm>>
      tpu.enqueue_indirect_dma source(%dma_start3A_47 : memref<10240x128xf32, #tpu.memory_space<hbm>>) target(%arg6 : memref<128x128xf32, #tpu.memory_space<vmem>>) offsets(%dma_start3A_40 : memref<128xi32, #tpu.memory_space<vmem>>) semaphore(%arg10 : memref<!tpu.dma_semaphore, #tpu.memory_space<semaphore_mem>>)
      %dma_start3A_48 = arith.constant 1 : i32
      %dma_start3A_49 = arith.constant 0 : i32
      %dma_start3A_50 = tpu.memref_slice %arg5[%add3A_20, %dma_start3A_49] : memref<80x128xi32, #tpu.memory_space<vmem>> -> memref<1x128xi32, #tpu.memory_space<vmem>>
      %dma_start3A_51 = tpu.memref_squeeze %dma_start3A_50 : memref<1x128xi32, #tpu.memory_space<vmem>> -> memref<128xi32, #tpu.memory_space<vmem>>
      %dma_start3A_52 = arith.constant 0 : i32
      %dma_start3A_53 = arith.constant 0 : i32
      %dma_start3A_54 = tpu.memref_slice %arg3[%dma_start3A_48, %dma_start3A_52, %dma_start3A_53] : memref<2x10240x128xf32, #tpu.memory_space<hbm>> -> memref<1x10240x128xf32, #tpu.memory_space<hbm>>
      %dma_start3A_55 = tpu.memref_squeeze %dma_start3A_54 : memref<1x10240x128xf32, #tpu.memory_space<hbm>> -> memref<10240x128xf32, #tpu.memory_space<hbm>>
      %dma_start3A_56 = arith.constant 0 : i32
      %dma_start3A_57 = arith.constant 0 : i32
      %dma_start3A_58 = tpu.memref_slice %dma_start3A_55[%dma_start3A_56, %dma_start3A_57] : memref<10240x128xf32, #tpu.memory_space<hbm>> -> memref<10240x128xf32, #tpu.memory_space<hbm>>
      tpu.enqueue_indirect_dma source(%dma_start3A_58 : memref<10240x128xf32, #tpu.memory_space<hbm>>) target(%arg7 : memref<128x128xf32, #tpu.memory_space<vmem>>) offsets(%dma_start3A_51 : memref<128xi32, #tpu.memory_space<vmem>>) semaphore(%arg10 : memref<!tpu.dma_semaphore, #tpu.memory_space<semaphore_mem>>)
    } else {
    }
    %lt3A_26 = arith.constant 80 : i32
    %lt3A_27 = arith.cmpi slt, %add3A_18, %lt3A_26 : i32
    %convert_element_type3A_28 = arith.extui %lt3A_27 : i1 to i32
    %cond3A_29 = arith.constant 0 : i32
    %cond3A_30 = arith.cmpi ne, %convert_element_type3A_28, %cond3A_29 : i32
    scf.if %cond3A_30 {
      %dma_wait3A = arith.constant 0 : i32
      %dma_wait3A_38 = arith.constant 0 : i32
      %dma_wait3A_39 = arith.constant 0 : i32
      %dma_wait3A_40 = tpu.memref_slice %arg5[%dma_wait3A_38, %dma_wait3A_39] : memref<80x128xi32, #tpu.memory_space<vmem>> -> memref<1x128xi32, #tpu.memory_space<vmem>>
      %dma_wait3A_41 = tpu.memref_squeeze %dma_wait3A_40 : memref<1x128xi32, #tpu.memory_space<vmem>> -> memref<128xi32, #tpu.memory_space<vmem>>
      %dma_wait3A_42 = arith.constant 0 : i32
      %dma_wait3A_43 = arith.constant 0 : i32
      %dma_wait3A_44 = tpu.memref_slice %arg3[%dma_wait3A, %dma_wait3A_42, %dma_wait3A_43] : memref<2x10240x128xf32, #tpu.memory_space<hbm>> -> memref<1x10240x128xf32, #tpu.memory_space<hbm>>
      %dma_wait3A_45 = tpu.memref_squeeze %dma_wait3A_44 : memref<1x10240x128xf32, #tpu.memory_space<hbm>> -> memref<10240x128xf32, #tpu.memory_space<hbm>>
      %dma_wait3A_46 = arith.constant 0 : i32
      %dma_wait3A_47 = arith.constant 0 : i32
      %dma_wait3A_48 = tpu.memref_slice %dma_wait3A_45[%dma_wait3A_46, %dma_wait3A_47] : memref<10240x128xf32, #tpu.memory_space<hbm>> -> memref<10240x128xf32, #tpu.memory_space<hbm>>
      tpu.wait_indirect_dma semaphore(%arg11 : memref<!tpu.dma_semaphore, #tpu.memory_space<semaphore_mem>>) src(%dma_wait3A_48 : memref<10240x128xf32, #tpu.memory_space<hbm>>) dst(%arg8 : memref<128x128xf32, #tpu.memory_space<vmem>>)
      %dma_wait3A_49 = arith.constant 1 : i32
      %dma_wait3A_50 = arith.constant 0 : i32
      %dma_wait3A_51 = arith.constant 0 : i32
      %dma_wait3A_52 = tpu.memref_slice %arg5[%dma_wait3A_50, %dma_wait3A_51] : memref<80x128xi32, #tpu.memory_space<vmem>> -> memref<1x128xi32, #tpu.memory_space<vmem>>
      %dma_wait3A_53 = tpu.memref_squeeze %dma_wait3A_52 : memref<1x128xi32, #tpu.memory_space<vmem>> -> memref<128xi32, #tpu.memory_space<vmem>>
      %dma_wait3A_54 = arith.constant 0 : i32
      %dma_wait3A_55 = arith.constant 0 : i32
      %dma_wait3A_56 = tpu.memref_slice %arg3[%dma_wait3A_49, %dma_wait3A_54, %dma_wait3A_55] : memref<2x10240x128xf32, #tpu.memory_space<hbm>> -> memref<1x10240x128xf32, #tpu.memory_space<hbm>>
      %dma_wait3A_57 = tpu.memref_squeeze %dma_wait3A_56 : memref<1x10240x128xf32, #tpu.memory_space<hbm>> -> memref<10240x128xf32, #tpu.memory_space<hbm>>
      %dma_wait3A_58 = arith.constant 0 : i32
      %dma_wait3A_59 = arith.constant 0 : i32
      %dma_wait3A_60 = tpu.memref_slice %dma_wait3A_57[%dma_wait3A_58, %dma_wait3A_59] : memref<10240x128xf32, #tpu.memory_space<hbm>> -> memref<10240x128xf32, #tpu.memory_space<hbm>>
      tpu.wait_indirect_dma semaphore(%arg11 : memref<!tpu.dma_semaphore, #tpu.memory_space<semaphore_mem>>) src(%dma_wait3A_60 : memref<10240x128xf32, #tpu.memory_space<hbm>>) dst(%arg9 : memref<128x128xf32, #tpu.memory_space<vmem>>)
      %scan3A = arith.constant 0 : i32
      %scan3A_61 = arith.constant 0 : i32
      %scan3A_62 = arith.constant 128 : i32
      %scan3A_63 = arith.addi %scan3A_61, %scan3A_62 : i32
      %scan3A_64 = arith.constant 1 : i32
      %scan3A_65 = scf.for %scan3A_69 = %scan3A_61 to %scan3A_63 step %scan3A_64 iter_args(%scan3A_70 = %scan3A) -> (i32)  : i32 {
        %get3A = arith.index_cast %scan3A_69 : i32 to index
        %get3A_71 = arith.constant 0 : index
        %get3A_72 = tpu.vector_load %arg8[%get3A, %get3A_71] {strides = array<i32>} : memref<128x128xf32, #tpu.memory_space<vmem>>, vector<16xf32>,
        %get3A_73 = arith.index_cast %scan3A_69 : i32 to index
        %get3A_74 = arith.constant 0 : index
        %get3A_75 = tpu.vector_load %arg9[%get3A_73, %get3A_74] {strides = array<i32>} : memref<128x128xf32, #tpu.memory_space<vmem>>, vector<16xf32>,
        %add3A_76 = arith.addf %get3A_72, %get3A_75 : vector<16xf32>
        %swap3A = arith.index_cast %scan3A_69 : i32 to index
        %swap3A_77 = arith.constant 0 : index
        %swap3A_78 = tpu.vector_load %arg8[%swap3A, %swap3A_77] {strides = array<i32>} : memref<128x128xf32, #tpu.memory_space<vmem>>, vector<16xf32>,
        tpu.vector_store %arg8[%swap3A, %swap3A_77], %add3A_76 {strides = array<i32>} : memref<128x128xf32, #tpu.memory_space<vmem>>, vector<16xf32>,
        %get3A_79 = arith.index_cast %scan3A_69 : i32 to index
        %get3A_80 = arith.constant 16 : index
        %get3A_81 = tpu.vector_load %arg8[%get3A_79, %get3A_80] {strides = array<i32>} : memref<128x128xf32, #tpu.memory_space<vmem>>, vector<16xf32>,
        %get3A_82 = arith.index_cast %scan3A_69 : i32 to index
        %get3A_83 = arith.constant 16 : index
        %get3A_84 = tpu.vector_load %arg9[%get3A_82, %get3A_83] {strides = array<i32>} : memref<128x128xf32, #tpu.memory_space<vmem>>, vector<16xf32>,
        %add3A_85 = arith.addf %get3A_81, %get3A_84 : vector<16xf32>
        %swap3A_86 = arith.index_cast %scan3A_69 : i32 to index
        %swap3A_87 = arith.constant 16 : index
        %swap3A_88 = tpu.vector_load %arg8[%swap3A_86, %swap3A_87] {strides = array<i32>} : memref<128x128xf32, #tpu.memory_space<vmem>>, vector<16xf32>,
        tpu.vector_store %arg8[%swap3A_86, %swap3A_87], %add3A_85 {strides = array<i32>} : memref<128x128xf32, #tpu.memory_space<vmem>>, vector<16xf32>,
        %get3A_89 = arith.index_cast %scan3A_69 : i32 to index
        %get3A_90 = arith.constant 32 : index
        %get3A_91 = tpu.vector_load %arg8[%get3A_89, %get3A_90] {strides = array<i32>} : memref<128x128xf32, #tpu.memory_space<vmem>>, vector<16xf32>,
        %get3A_92 = arith.index_cast %scan3A_69 : i32 to index
        %get3A_93 = arith.constant 32 : index
        %get3A_94 = tpu.vector_load %arg9[%get3A_92, %get3A_93] {strides = array<i32>} : memref<128x128xf32, #tpu.memory_space<vmem>>, vector<16xf32>,
        %add3A_95 = arith.addf %get3A_91, %get3A_94 : vector<16xf32>
        %swap3A_96 = arith.index_cast %scan3A_69 : i32 to index
        %swap3A_97 = arith.constant 32 : index
        %swap3A_98 = tpu.vector_load %arg8[%swap3A_96, %swap3A_97] {strides = array<i32>} : memref<128x128xf32, #tpu.memory_space<vmem>>, vector<16xf32>,
        tpu.vector_store %arg8[%swap3A_96, %swap3A_97], %add3A_95 {strides = array<i32>} : memref<128x128xf32, #tpu.memory_space<vmem>>, vector<16xf32>,
        %get3A_99 = arith.index_cast %scan3A_69 : i32 to index
        %get3A_100 = arith.constant 48 : index
        %get3A_101 = tpu.vector_load %arg8[%get3A_99, %get3A_100] {strides = array<i32>} : memref<128x128xf32, #tpu.memory_space<vmem>>, vector<16xf32>,
        %get3A_102 = arith.index_cast %scan3A_69 : i32 to index
        %get3A_103 = arith.constant 48 : index
        %get3A_104 = tpu.vector_load %arg9[%get3A_102, %get3A_103] {strides = array<i32>} : memref<128x128xf32, #tpu.memory_space<vmem>>, vector<16xf32>,
        %add3A_105 = arith.addf %get3A_101, %get3A_104 : vector<16xf32>
        %swap3A_106 = arith.index_cast %scan3A_69 : i32 to index
        %swap3A_107 = arith.constant 48 : index
        %swap3A_108 = tpu.vector_load %arg8[%swap3A_106, %swap3A_107] {strides = array<i32>} : memref<128x128xf32, #tpu.memory_space<vmem>>, vector<16xf32>,
        tpu.vector_store %arg8[%swap3A_106, %swap3A_107], %add3A_105 {strides = array<i32>} : memref<128x128xf32, #tpu.memory_space<vmem>>, vector<16xf32>,
        %get3A_109 = arith.index_cast %scan3A_69 : i32 to index
        %get3A_110 = arith.constant 64 : index
        %get3A_111 = tpu.vector_load %arg8[%get3A_109, %get3A_110] {strides = array<i32>} : memref<128x128xf32, #tpu.memory_space<vmem>>, vector<16xf32>,
        %get3A_112 = arith.index_cast %scan3A_69 : i32 to index
        %get3A_113 = arith.constant 64 : index
        %get3A_114 = tpu.vector_load %arg9[%get3A_112, %get3A_113] {strides = array<i32>} : memref<128x128xf32, #tpu.memory_space<vmem>>, vector<16xf32>,
        %add3A_115 = arith.addf %get3A_111, %get3A_114 : vector<16xf32>
        %swap3A_116 = arith.index_cast %scan3A_69 : i32 to index
        %swap3A_117 = arith.constant 64 : index
        %swap3A_118 = tpu.vector_load %arg8[%swap3A_116, %swap3A_117] {strides = array<i32>} : memref<128x128xf32, #tpu.memory_space<vmem>>, vector<16xf32>,
        tpu.vector_store %arg8[%swap3A_116, %swap3A_117], %add3A_115 {strides = array<i32>} : memref<128x128xf32, #tpu.memory_space<vmem>>, vector<16xf32>,
        %get3A_119 = arith.index_cast %scan3A_69 : i32 to index
        %get3A_120 = arith.constant 80 : index
        %get3A_121 = tpu.vector_load %arg8[%get3A_119, %get3A_120] {strides = array<i32>} : memref<128x128xf32, #tpu.memory_space<vmem>>, vector<16xf32>,
        %get3A_122 = arith.index_cast %scan3A_69 : i32 to index
        %get3A_123 = arith.constant 80 : index
        %get3A_124 = tpu.vector_load %arg9[%get3A_122, %get3A_123] {strides = array<i32>} : memref<128x128xf32, #tpu.memory_space<vmem>>, vector<16xf32>,
        %add3A_125 = arith.addf %get3A_121, %get3A_124 : vector<16xf32>
        %swap3A_126 = arith.index_cast %scan3A_69 : i32 to index
        %swap3A_127 = arith.constant 80 : index
        %swap3A_128 = tpu.vector_load %arg8[%swap3A_126, %swap3A_127] {strides = array<i32>} : memref<128x128xf32, #tpu.memory_space<vmem>>, vector<16xf32>,
        tpu.vector_store %arg8[%swap3A_126, %swap3A_127], %add3A_125 {strides = array<i32>} : memref<128x128xf32, #tpu.memory_space<vmem>>, vector<16xf32>,
        %get3A_129 = arith.index_cast %scan3A_69 : i32 to index
        %get3A_130 = arith.constant 96 : index
        %get3A_131 = tpu.vector_load %arg8[%get3A_129, %get3A_130] {strides = array<i32>} : memref<128x128xf32, #tpu.memory_space<vmem>>, vector<16xf32>,
        %get3A_132 = arith.index_cast %scan3A_69 : i32 to index
        %get3A_133 = arith.constant 96 : index
        %get3A_134 = tpu.vector_load %arg9[%get3A_132, %get3A_133] {strides = array<i32>} : memref<128x128xf32, #tpu.memory_space<vmem>>, vector<16xf32>,
        %add3A_135 = arith.addf %get3A_131, %get3A_134 : vector<16xf32>
        %swap3A_136 = arith.index_cast %scan3A_69 : i32 to index
        %swap3A_137 = arith.constant 96 : index
        %swap3A_138 = tpu.vector_load %arg8[%swap3A_136, %swap3A_137] {strides = array<i32>} : memref<128x128xf32, #tpu.memory_space<vmem>>, vector<16xf32>,
        tpu.vector_store %arg8[%swap3A_136, %swap3A_137], %add3A_135 {strides = array<i32>} : memref<128x128xf32, #tpu.memory_space<vmem>>, vector<16xf32>,
        %get3A_139 = arith.index_cast %scan3A_69 : i32 to index
        %get3A_140 = arith.constant 112 : index
        %get3A_141 = tpu.vector_load %arg8[%get3A_139, %get3A_140] {strides = array<i32>} : memref<128x128xf32, #tpu.memory_space<vmem>>, vector<16xf32>,
        %get3A_142 = arith.index_cast %scan3A_69 : i32 to index
        %get3A_143 = arith.constant 112 : index
        %get3A_144 = tpu.vector_load %arg9[%get3A_142, %get3A_143] {strides = array<i32>} : memref<128x128xf32, #tpu.memory_space<vmem>>, vector<16xf32>,
        %add3A_145 = arith.addf %get3A_141, %get3A_144 : vector<16xf32>
        %swap3A_146 = arith.index_cast %scan3A_69 : i32 to index
        %swap3A_147 = arith.constant 112 : index
        %swap3A_148 = tpu.vector_load %arg8[%swap3A_146, %swap3A_147] {strides = array<i32>} : memref<128x128xf32, #tpu.memory_space<vmem>>, vector<16xf32>,
        tpu.vector_store %arg8[%swap3A_146, %swap3A_147], %add3A_145 {strides = array<i32>} : memref<128x128xf32, #tpu.memory_space<vmem>>, vector<16xf32>,
        %scan3A_149 = arith.constant 0 : i32
        scf.yield %scan3A_149 : i32
      }
      %scan3A_66 = arith.constant 128 : i32
      %mul3A_67 = arith.constant 128 : i32
      %mul3A_68 = arith.muli %add3A_18, %mul3A_67 : i32
      "tpu.region"() ({
        %run_scoped3A = tpu.sem_alloc : memref<!tpu.dma_semaphore, #tpu.memory_space<semaphore_mem>>
        %dma_start3A = arith.constant 0 : i32
        %dma_start3A_69 = tpu.memref_slice %arg4[%mul3A_68, %dma_start3A] : memref<10240x128xf32, #tpu.memory_space<hbm>> -> memref<128x128xf32, #tpu.memory_space<hbm>>
        %dma_start3A_70 = arith.constant 0 : i32
        %dma_start3A_71 = tpu.memref_slice %arg4[%mul3A_68, %dma_start3A_70] : memref<10240x128xf32, #tpu.memory_space<hbm>> -> memref<128x128xf32, #tpu.memory_space<hbm>>
        tpu.enqueue_dma source(%arg8 : memref<128x128xf32, #tpu.memory_space<vmem>>) target(%dma_start3A_71 : memref<128x128xf32, #tpu.memory_space<hbm>>) target_semaphore(%run_scoped3A : memref<!tpu.dma_semaphore, #tpu.memory_space<semaphore_mem>>)
        %dma_wait3A_72 = arith.constant 0 : i32
        %dma_wait3A_73 = tpu.memref_slice %arg4[%mul3A_68, %dma_wait3A_72] : memref<10240x128xf32, #tpu.memory_space<hbm>> -> memref<128x128xf32, #tpu.memory_space<hbm>>
        %dma_wait3A_74 = arith.constant 0 : i32
        %dma_wait3A_75 = tpu.memref_slice %arg4[%mul3A_68, %dma_wait3A_74] : memref<10240x128xf32, #tpu.memory_space<hbm>> -> memref<128x128xf32, #tpu.memory_space<hbm>>
        tpu.wait_dma2 semaphore(%run_scoped3A : memref<!tpu.dma_semaphore, #tpu.memory_space<semaphore_mem>>) src(%arg8 : memref<128x128xf32, #tpu.memory_space<vmem>>) dst(%dma_wait3A_75 : memref<128x128xf32, #tpu.memory_space<hbm>>)
        tpu.yield
      }) : () -> ()
    } else {
    }
    %add3A_31 = arith.constant 64 : i32
    %add3A_32 = arith.addi %add3A, %add3A_31 : i32
    %lt3A_33 = arith.constant 80 : i32
    %lt3A_34 = arith.cmpi slt, %add3A_32, %lt3A_33 : i32
    %convert_element_type3A_35 = arith.extui %lt3A_34 : i1 to i32
    %cond3A_36 = arith.constant 0 : i32
    %cond3A_37 = arith.cmpi ne, %convert_element_type3A_35, %cond3A_36 : i32
    scf.if %cond3A_37 {
      %dma_wait3A = arith.constant 0 : i32
      %dma_wait3A_38 = arith.constant 0 : i32
      %dma_wait3A_39 = arith.constant 0 : i32
      %dma_wait3A_40 = tpu.memref_slice %arg5[%dma_wait3A_38, %dma_wait3A_39] : memref<80x128xi32, #tpu.memory_space<vmem>> -> memref<1x128xi32, #tpu.memory_space<vmem>>
      %dma_wait3A_41 = tpu.memref_squeeze %dma_wait3A_40 : memref<1x128xi32, #tpu.memory_space<vmem>> -> memref<128xi32, #tpu.memory_space<vmem>>
      %dma_wait3A_42 = arith.constant 0 : i32
      %dma_wait3A_43 = arith.constant 0 : i32
      %dma_wait3A_44 = tpu.memref_slice %arg3[%dma_wait3A, %dma_wait3A_42, %dma_wait3A_43] : memref<2x10240x128xf32, #tpu.memory_space<hbm>> -> memref<1x10240x128xf32, #tpu.memory_space<hbm>>
      %dma_wait3A_45 = tpu.memref_squeeze %dma_wait3A_44 : memref<1x10240x128xf32, #tpu.memory_space<hbm>> -> memref<10240x128xf32, #tpu.memory_space<hbm>>
      %dma_wait3A_46 = arith.constant 0 : i32
      %dma_wait3A_47 = arith.constant 0 : i32
      %dma_wait3A_48 = tpu.memref_slice %dma_wait3A_45[%dma_wait3A_46, %dma_wait3A_47] : memref<10240x128xf32, #tpu.memory_space<hbm>> -> memref<10240x128xf32, #tpu.memory_space<hbm>>
      tpu.wait_indirect_dma semaphore(%arg10 : memref<!tpu.dma_semaphore, #tpu.memory_space<semaphore_mem>>) src(%dma_wait3A_48 : memref<10240x128xf32, #tpu.memory_space<hbm>>) dst(%arg6 : memref<128x128xf32, #tpu.memory_space<vmem>>)
      %dma_wait3A_49 = arith.constant 1 : i32
      %dma_wait3A_50 = arith.constant 0 : i32
      %dma_wait3A_51 = arith.constant 0 : i32
      %dma_wait3A_52 = tpu.memref_slice %arg5[%dma_wait3A_50, %dma_wait3A_51] : memref<80x128xi32, #tpu.memory_space<vmem>> -> memref<1x128xi32, #tpu.memory_space<vmem>>
      %dma_wait3A_53 = tpu.memref_squeeze %dma_wait3A_52 : memref<1x128xi32, #tpu.memory_space<vmem>> -> memref<128xi32, #tpu.memory_space<vmem>>
      %dma_wait3A_54 = arith.constant 0 : i32
      %dma_wait3A_55 = arith.constant 0 : i32
      %dma_wait3A_56 = tpu.memref_slice %arg3[%dma_wait3A_49, %dma_wait3A_54, %dma_wait3A_55] : memref<2x10240x128xf32, #tpu.memory_space<hbm>> -> memref<1x10240x128xf32, #tpu.memory_space<hbm>>
      %dma_wait3A_57 = tpu.memref_squeeze %dma_wait3A_56 : memref<1x10240x128xf32, #tpu.memory_space<hbm>> -> memref<10240x128xf32, #tpu.memory_space<hbm>>
      %dma_wait3A_58 = arith.constant 0 : i32
      %dma_wait3A_59 = arith.constant 0 : i32
      %dma_wait3A_60 = tpu.memref_slice %dma_wait3A_57[%dma_wait3A_58, %dma_wait3A_59] : memref<10240x128xf32, #tpu.memory_space<hbm>> -> memref<10240x128xf32, #tpu.memory_space<hbm>>
      tpu.wait_indirect_dma semaphore(%arg10 : memref<!tpu.dma_semaphore, #tpu.memory_space<semaphore_mem>>) src(%dma_wait3A_60 : memref<10240x128xf32, #tpu.memory_space<hbm>>) dst(%arg7 : memref<128x128xf32, #tpu.memory_space<vmem>>)
      %scan3A = arith.constant 0 : i32
      %scan3A_61 = arith.constant 0 : i32
      %scan3A_62 = arith.constant 128 : i32
      %scan3A_63 = arith.addi %scan3A_61, %scan3A_62 : i32
      %scan3A_64 = arith.constant 1 : i32
      %scan3A_65 = scf.for %scan3A_69 = %scan3A_61 to %scan3A_63 step %scan3A_64 iter_args(%scan3A_70 = %scan3A) -> (i32)  : i32 {
        %get3A = arith.index_cast %scan3A_69 : i32 to index
        %get3A_71 = arith.constant 0 : index
        %get3A_72 = tpu.vector_load %arg6[%get3A, %get3A_71] {strides = array<i32>} : memref<128x128xf32, #tpu.memory_space<vmem>>, vector<16xf32>,
        %get3A_73 = arith.index_cast %scan3A_69 : i32 to index
        %get3A_74 = arith.constant 0 : index
        %get3A_75 = tpu.vector_load %arg7[%get3A_73, %get3A_74] {strides = array<i32>} : memref<128x128xf32, #tpu.memory_space<vmem>>, vector<16xf32>,
        %add3A_76 = arith.addf %get3A_72, %get3A_75 : vector<16xf32>
        %swap3A = arith.index_cast %scan3A_69 : i32 to index
        %swap3A_77 = arith.constant 0 : index
        %swap3A_78 = tpu.vector_load %arg6[%swap3A, %swap3A_77] {strides = array<i32>} : memref<128x128xf32, #tpu.memory_space<vmem>>, vector<16xf32>,
        tpu.vector_store %arg6[%swap3A, %swap3A_77], %add3A_76 {strides = array<i32>} : memref<128x128xf32, #tpu.memory_space<vmem>>, vector<16xf32>,
        %get3A_79 = arith.index_cast %scan3A_69 : i32 to index
        %get3A_80 = arith.constant 16 : index
        %get3A_81 = tpu.vector_load %arg6[%get3A_79, %get3A_80] {strides = array<i32>} : memref<128x128xf32, #tpu.memory_space<vmem>>, vector<16xf32>,
        %get3A_82 = arith.index_cast %scan3A_69 : i32 to index
        %get3A_83 = arith.constant 16 : index
        %get3A_84 = tpu.vector_load %arg7[%get3A_82, %get3A_83] {strides = array<i32>} : memref<128x128xf32, #tpu.memory_space<vmem>>, vector<16xf32>,
        %add3A_85 = arith.addf %get3A_81, %get3A_84 : vector<16xf32>
        %swap3A_86 = arith.index_cast %scan3A_69 : i32 to index
        %swap3A_87 = arith.constant 16 : index
        %swap3A_88 = tpu.vector_load %arg6[%swap3A_86, %swap3A_87] {strides = array<i32>} : memref<128x128xf32, #tpu.memory_space<vmem>>, vector<16xf32>,
        tpu.vector_store %arg6[%swap3A_86, %swap3A_87], %add3A_85 {strides = array<i32>} : memref<128x128xf32, #tpu.memory_space<vmem>>, vector<16xf32>,
        %get3A_89 = arith.index_cast %scan3A_69 : i32 to index
        %get3A_90 = arith.constant 32 : index
        %get3A_91 = tpu.vector_load %arg6[%get3A_89, %get3A_90] {strides = array<i32>} : memref<128x128xf32, #tpu.memory_space<vmem>>, vector<16xf32>,
        %get3A_92 = arith.index_cast %scan3A_69 : i32 to index
        %get3A_93 = arith.constant 32 : index
        %get3A_94 = tpu.vector_load %arg7[%get3A_92, %get3A_93] {strides = array<i32>} : memref<128x128xf32, #tpu.memory_space<vmem>>, vector<16xf32>,
        %add3A_95 = arith.addf %get3A_91, %get3A_94 : vector<16xf32>
        %swap3A_96 = arith.index_cast %scan3A_69 : i32 to index
        %swap3A_97 = arith.constant 32 : index
        %swap3A_98 = tpu.vector_load %arg6[%swap3A_96, %swap3A_97] {strides = array<i32>} : memref<128x128xf32, #tpu.memory_space<vmem>>, vector<16xf32>,
        tpu.vector_store %arg6[%swap3A_96, %swap3A_97], %add3A_95 {strides = array<i32>} : memref<128x128xf32, #tpu.memory_space<vmem>>, vector<16xf32>,
        %get3A_99 = arith.index_cast %scan3A_69 : i32 to index
        %get3A_100 = arith.constant 48 : index
        %get3A_101 = tpu.vector_load %arg6[%get3A_99, %get3A_100] {strides = array<i32>} : memref<128x128xf32, #tpu.memory_space<vmem>>, vector<16xf32>,
        %get3A_102 = arith.index_cast %scan3A_69 : i32 to index
        %get3A_103 = arith.constant 48 : index
        %get3A_104 = tpu.vector_load %arg7[%get3A_102, %get3A_103] {strides = array<i32>} : memref<128x128xf32, #tpu.memory_space<vmem>>, vector<16xf32>,
        %add3A_105 = arith.addf %get3A_101, %get3A_104 : vector<16xf32>
        %swap3A_106 = arith.index_cast %scan3A_69 : i32 to index
        %swap3A_107 = arith.constant 48 : index
        %swap3A_108 = tpu.vector_load %arg6[%swap3A_106, %swap3A_107] {strides = array<i32>} : memref<128x128xf32, #tpu.memory_space<vmem>>, vector<16xf32>,
        tpu.vector_store %arg6[%swap3A_106, %swap3A_107], %add3A_105 {strides = array<i32>} : memref<128x128xf32, #tpu.memory_space<vmem>>, vector<16xf32>,
        %get3A_109 = arith.index_cast %scan3A_69 : i32 to index
        %get3A_110 = arith.constant 64 : index
        %get3A_111 = tpu.vector_load %arg6[%get3A_109, %get3A_110] {strides = array<i32>} : memref<128x128xf32, #tpu.memory_space<vmem>>, vector<16xf32>,
        %get3A_112 = arith.index_cast %scan3A_69 : i32 to index
        %get3A_113 = arith.constant 64 : index
        %get3A_114 = tpu.vector_load %arg7[%get3A_112, %get3A_113] {strides = array<i32>} : memref<128x128xf32, #tpu.memory_space<vmem>>, vector<16xf32>,
        %add3A_115 = arith.addf %get3A_111, %get3A_114 : vector<16xf32>
        %swap3A_116 = arith.index_cast %scan3A_69 : i32 to index
        %swap3A_117 = arith.constant 64 : index
        %swap3A_118 = tpu.vector_load %arg6[%swap3A_116, %swap3A_117] {strides = array<i32>} : memref<128x128xf32, #tpu.memory_space<vmem>>, vector<16xf32>,
        tpu.vector_store %arg6[%swap3A_116, %swap3A_117], %add3A_115 {strides = array<i32>} : memref<128x128xf32, #tpu.memory_space<vmem>>, vector<16xf32>,
        %get3A_119 = arith.index_cast %scan3A_69 : i32 to index
        %get3A_120 = arith.constant 80 : index
        %get3A_121 = tpu.vector_load %arg6[%get3A_119, %get3A_120] {strides = array<i32>} : memref<128x128xf32, #tpu.memory_space<vmem>>, vector<16xf32>,
        %get3A_122 = arith.index_cast %scan3A_69 : i32 to index
        %get3A_123 = arith.constant 80 : index
        %get3A_124 = tpu.vector_load %arg7[%get3A_122, %get3A_123] {strides = array<i32>} : memref<128x128xf32, #tpu.memory_space<vmem>>, vector<16xf32>,
        %add3A_125 = arith.addf %get3A_121, %get3A_124 : vector<16xf32>
        %swap3A_126 = arith.index_cast %scan3A_69 : i32 to index
        %swap3A_127 = arith.constant 80 : index
        %swap3A_128 = tpu.vector_load %arg6[%swap3A_126, %swap3A_127] {strides = array<i32>} : memref<128x128xf32, #tpu.memory_space<vmem>>, vector<16xf32>,
        tpu.vector_store %arg6[%swap3A_126, %swap3A_127], %add3A_125 {strides = array<i32>} : memref<128x128xf32, #tpu.memory_space<vmem>>, vector<16xf32>,
        %get3A_129 = arith.index_cast %scan3A_69 : i32 to index
        %get3A_130 = arith.constant 96 : index
        %get3A_131 = tpu.vector_load %arg6[%get3A_129, %get3A_130] {strides = array<i32>} : memref<128x128xf32, #tpu.memory_space<vmem>>, vector<16xf32>,
        %get3A_132 = arith.index_cast %scan3A_69 : i32 to index
        %get3A_133 = arith.constant 96 : index
        %get3A_134 = tpu.vector_load %arg7[%get3A_132, %get3A_133] {strides = array<i32>} : memref<128x128xf32, #tpu.memory_space<vmem>>, vector<16xf32>,
        %add3A_135 = arith.addf %get3A_131, %get3A_134 : vector<16xf32>
        %swap3A_136 = arith.index_cast %scan3A_69 : i32 to index
        %swap3A_137 = arith.constant 96 : index
        %swap3A_138 = tpu.vector_load %arg6[%swap3A_136, %swap3A_137] {strides = array<i32>} : memref<128x128xf32, #tpu.memory_space<vmem>>, vector<16xf32>,
        tpu.vector_store %arg6[%swap3A_136, %swap3A_137], %add3A_135 {strides = array<i32>} : memref<128x128xf32, #tpu.memory_space<vmem>>, vector<16xf32>,
        %get3A_139 = arith.index_cast %scan3A_69 : i32 to index
        %get3A_140 = arith.constant 112 : index
        %get3A_141 = tpu.vector_load %arg6[%get3A_139, %get3A_140] {strides = array<i32>} : memref<128x128xf32, #tpu.memory_space<vmem>>, vector<16xf32>,
        %get3A_142 = arith.index_cast %scan3A_69 : i32 to index
        %get3A_143 = arith.constant 112 : index
        %get3A_144 = tpu.vector_load %arg7[%get3A_142, %get3A_143] {strides = array<i32>} : memref<128x128xf32, #tpu.memory_space<vmem>>, vector<16xf32>,
        %add3A_145 = arith.addf %get3A_141, %get3A_144 : vector<16xf32>
        %swap3A_146 = arith.index_cast %scan3A_69 : i32 to index
        %swap3A_147 = arith.constant 112 : index
        %swap3A_148 = tpu.vector_load %arg6[%swap3A_146, %swap3A_147] {strides = array<i32>} : memref<128x128xf32, #tpu.memory_space<vmem>>, vector<16xf32>,
        tpu.vector_store %arg6[%swap3A_146, %swap3A_147], %add3A_145 {strides = array<i32>} : memref<128x128xf32, #tpu.memory_space<vmem>>, vector<16xf32>,
        %scan3A_149 = arith.constant 0 : i32
        scf.yield %scan3A_149 : i32
      }
      %scan3A_66 = arith.constant 128 : i32
      %mul3A_67 = arith.constant 128 : i32
      %mul3A_68 = arith.muli %add3A_32, %mul3A_67 : i32
      "tpu.region"() ({
        %run_scoped3A = tpu.sem_alloc : memref<!tpu.dma_semaphore, #tpu.memory_space<semaphore_mem>>
        %dma_start3A = arith.constant 0 : i32
        %dma_start3A_69 = tpu.memref_slice %arg4[%mul3A_68, %dma_start3A] : memref<10240x128xf32, #tpu.memory_space<hbm>> -> memref<128x128xf32, #tpu.memory_space<hbm>>
        %dma_start3A_70 = arith.constant 0 : i32
        %dma_start3A_71 = tpu.memref_slice %arg4[%mul3A_68, %dma_start3A_70] : memref<10240x128xf32, #tpu.memory_space<hbm>> -> memref<128x128xf32, #tpu.memory_space<hbm>>
        tpu.enqueue_dma source(%arg6 : memref<128x128xf32, #tpu.memory_space<vmem>>) target(%dma_start3A_71 : memref<128x128xf32, #tpu.memory_space<hbm>>) target_semaphore(%run_scoped3A : memref<!tpu.dma_semaphore, #tpu.memory_space<semaphore_mem>>)
        %dma_wait3A_72 = arith.constant 0 : i32
        %dma_wait3A_73 = tpu.memref_slice %arg4[%mul3A_68, %dma_wait3A_72] : memref<10240x128xf32, #tpu.memory_space<hbm>> -> memref<128x128xf32, #tpu.memory_space<hbm>>
        %dma_wait3A_74 = arith.constant 0 : i32
        %dma_wait3A_75 = tpu.memref_slice %arg4[%mul3A_68, %dma_wait3A_74] : memref<10240x128xf32, #tpu.memory_space<hbm>> -> memref<128x128xf32, #tpu.memory_space<hbm>>
        tpu.wait_dma2 semaphore(%run_scoped3A : memref<!tpu.dma_semaphore, #tpu.memory_space<semaphore_mem>>) src(%arg6 : memref<128x128xf32, #tpu.memory_space<vmem>>) dst(%dma_wait3A_75 : memref<128x128xf32, #tpu.memory_space<hbm>>)
        tpu.yield
      }) : () -> ()
    } else {
    }
    return
  }
}

module attributes {stable_mosaic.version = 14 : i64} {
  func.func @_dense_body(%arg0: i32, %arg1: memref<1280x136xf32, #tpu.memory_space<vmem>>, %arg2: memref<16x1280xf32, #tpu.memory_space<vmem>>, %arg3: memref<16x1280xf32, #tpu.memory_space<vmem>>, %arg4: memref<1x10x128xf32, #tpu.memory_space<vmem>>, %arg5: memref<136x128xf32, #tpu.memory_space<vmem>>, %arg6: memref<1x128xf32, #tpu.memory_space<vmem>>, %arg7: memref<128x128xf32, #tpu.memory_space<vmem>>, %arg8: memref<1x128xf32, #tpu.memory_space<vmem>>, %arg9: memref<128x128xf32, #tpu.memory_space<vmem>>, %arg10: memref<128x128xf32, #tpu.memory_space<vmem>>, %arg11: memref<16x128xf32, #tpu.memory_space<vmem>>, %arg12: memref<1280x128xf32, #tpu.memory_space<vmem>>, %arg13: memref<1280x128xf32, #tpu.memory_space<vmem>>, %arg14: memref<1280x128xf32, #tpu.memory_space<vmem>>) attributes {dimension_semantics = [#tpu.dimension_semantics<arbitrary>], iteration_bounds = array<i64: 256>, scalar_prefetch = 0 : i64, scratch_operands = 0 : i64, tpu.core_type = #tpu.core_type<tc>, window_params = [{transform_indices = @transform_0, window_bounds = array<i64: 1280, 136>}, {transform_indices = @transform_1, window_bounds = array<i64: 16, 1280>}, {transform_indices = @transform_2, window_bounds = array<i64: 16, 1280>}, {transform_indices = @transform_3, window_bounds = array<i64: 1, 10, 128>}, {pipeline_mode = #tpu.pipeline_mode<synchronous>, transform_indices = @transform_4, window_bounds = array<i64: 136, 128>}, {pipeline_mode = #tpu.pipeline_mode<synchronous>, transform_indices = @transform_5, window_bounds = array<i64: 1, 128>}, {pipeline_mode = #tpu.pipeline_mode<synchronous>, transform_indices = @transform_6, window_bounds = array<i64: 128, 128>}, {pipeline_mode = #tpu.pipeline_mode<synchronous>, transform_indices = @transform_7, window_bounds = array<i64: 1, 128>}, {pipeline_mode = #tpu.pipeline_mode<synchronous>, transform_indices = @transform_8, window_bounds = array<i64: 128, 128>}, {pipeline_mode = #tpu.pipeline_mode<synchronous>, transform_indices = @transform_9, window_bounds = array<i64: 128, 128>}, {pipeline_mode = #tpu.pipeline_mode<synchronous>, transform_indices = @transform_10, window_bounds = array<i64: 16, 128>}, {transform_indices = @transform_11, window_bounds = array<i64: 1280, 128>}, {transform_indices = @transform_12, window_bounds = array<i64: 1280, 128>}, {transform_indices = @transform_13, window_bounds = array<i64: 1280, 128>}]} {
    %get3A = arith.constant 0 : index
    %get3A_0 = arith.constant 0 : index
    %get3A_1 = vector.load %arg1[%get3A, %get3A_0] : memref<1280x136xf32, #tpu.memory_space<vmem>>, vector<1280x136xf32>
    %convert_element_type3A = arith.truncf %get3A_1 : vector<1280x136xf32> to vector<1280x136xbf16>
    %get3A_2 = arith.constant 0 : index
    %get3A_3 = arith.constant 0 : index
    %get3A_4 = vector.load %arg5[%get3A_2, %get3A_3] : memref<136x128xf32, #tpu.memory_space<vmem>>, vector<136x128xf32>
    %convert_element_type3A_5 = arith.truncf %get3A_4 : vector<136x128xf32> to vector<136x128xbf16>
    %dot_general3A = arith.constant dense<0.000000e+00> : vector<1280x128xf32>
    %dot_general3A_6 = tpu.matmul %convert_element_type3A, %convert_element_type3A_5, %dot_general3A {dimension_numbers = #tpu.dot_dimension_numbers<[1], [0], [0], [1], [0, 0, 1, 1], [], []>, transpose_lhs_hint = false} : vector<1280x136xbf16>, vector<136x128xbf16>, vector<1280x128xf32> -> vector<1280x128xf32>
    %get3A_7 = arith.constant 0 : index
    %get3A_8 = arith.constant 0 : index
    %get3A_9 = vector.load %arg6[%get3A_7, %get3A_8] : memref<1x128xf32, #tpu.memory_space<vmem>>, vector<1x128xf32>
    %add3A = vector.broadcast %get3A_9 : vector<1x128xf32> to vector<1280x128xf32>
    %add3A_10 = arith.addf %dot_general3A_6, %add3A : vector<1280x128xf32>
    %logistic3A = arith.negf %add3A_10 : vector<1280x128xf32>
    %logistic3A_11 = math.exp %logistic3A : vector<1280x128xf32>
    %logistic3A_12 = arith.constant 1.000000e+00 : f32
    %logistic3A_13 = vector.broadcast %logistic3A_12 : f32 to vector<1280x128xf32>
    %logistic3A_14 = arith.addf %logistic3A_13, %logistic3A_11 : vector<1280x128xf32>
    %logistic3A_15 = arith.divf %logistic3A_13, %logistic3A_14 : vector<1280x128xf32>
    %mul3A = arith.mulf %add3A_10, %logistic3A_15 : vector<1280x128xf32>
    %convert_element_type3A_16 = arith.truncf %mul3A : vector<1280x128xf32> to vector<1280x128xbf16>
    %get3A_17 = arith.constant 0 : index
    %get3A_18 = arith.constant 0 : index
    %get3A_19 = vector.load %arg7[%get3A_17, %get3A_18] : memref<128x128xf32, #tpu.memory_space<vmem>>, vector<128x128xf32>
    %convert_element_type3A_20 = arith.truncf %get3A_19 : vector<128x128xf32> to vector<128x128xbf16>
    %dot_general3A_21 = arith.constant dense<0.000000e+00> : vector<1280x128xf32>
    %dot_general3A_22 = tpu.matmul %convert_element_type3A_16, %convert_element_type3A_20, %dot_general3A_21 {dimension_numbers = #tpu.dot_dimension_numbers<[1], [0], [0], [1], [0, 0, 1, 1], [], []>, transpose_lhs_hint = false} : vector<1280x128xbf16>, vector<128x128xbf16>, vector<1280x128xf32> -> vector<1280x128xf32>
    %get3A_23 = arith.constant 0 : index
    %get3A_24 = arith.constant 0 : index
    %get3A_25 = vector.load %arg8[%get3A_23, %get3A_24] : memref<1x128xf32, #tpu.memory_space<vmem>>, vector<1x128xf32>
    %add3A_26 = vector.broadcast %get3A_25 : vector<1x128xf32> to vector<1280x128xf32>
    %add3A_27 = arith.addf %dot_general3A_22, %add3A_26 : vector<1280x128xf32>
    %get3A_28 = arith.constant 0 : index
    %get3A_29 = arith.constant 0 : index
    %get3A_30 = arith.constant 0 : index
    %get3A_31 = vector.load %arg4[%get3A_28, %get3A_29, %get3A_30] : memref<1x10x128xf32, #tpu.memory_space<vmem>>, vector<1x10x128xf32>
    %get3A_32 = vector.shape_cast %get3A_31 : vector<1x10x128xf32> to vector<10x128xf32>
    %transpose3A = tpu.transpose %get3A_32, [1, 0] : vector<10x128xf32> -> vector<128x10xf32>
    %slice3A = vector.extract_strided_slice %transpose3A {offsets = [0, 0], sizes = [128, 1], strides = [1, 1]} : vector<128x10xf32> to vector<128x1xf32>
    %slice3A_33 = vector.extract_strided_slice %transpose3A {offsets = [0, 1], sizes = [128, 1], strides = [1, 1]} : vector<128x10xf32> to vector<128x1xf32>
    %slice3A_34 = vector.extract_strided_slice %transpose3A {offsets = [0, 2], sizes = [128, 1], strides = [1, 1]} : vector<128x10xf32> to vector<128x1xf32>
    %slice3A_35 = vector.extract_strided_slice %transpose3A {offsets = [0, 3], sizes = [128, 1], strides = [1, 1]} : vector<128x10xf32> to vector<128x1xf32>
    %slice3A_36 = vector.extract_strided_slice %transpose3A {offsets = [0, 4], sizes = [128, 1], strides = [1, 1]} : vector<128x10xf32> to vector<128x1xf32>
    %slice3A_37 = vector.extract_strided_slice %transpose3A {offsets = [0, 5], sizes = [128, 1], strides = [1, 1]} : vector<128x10xf32> to vector<128x1xf32>
    %slice3A_38 = vector.extract_strided_slice %transpose3A {offsets = [0, 6], sizes = [128, 1], strides = [1, 1]} : vector<128x10xf32> to vector<128x1xf32>
    %slice3A_39 = vector.extract_strided_slice %transpose3A {offsets = [0, 7], sizes = [128, 1], strides = [1, 1]} : vector<128x10xf32> to vector<128x1xf32>
    %slice3A_40 = vector.extract_strided_slice %transpose3A {offsets = [0, 8], sizes = [128, 1], strides = [1, 1]} : vector<128x10xf32> to vector<128x1xf32>
    %slice3A_41 = vector.extract_strided_slice %transpose3A {offsets = [0, 9], sizes = [128, 1], strides = [1, 1]} : vector<128x10xf32> to vector<128x1xf32>
    %concatenate3A = tpu.concatenate %slice3A, %slice3A_33, %slice3A_34, %slice3A_35, %slice3A_36, %slice3A_37, %slice3A_38, %slice3A_39, %slice3A_40, %slice3A_41 in 0 : vector<128x1xf32>, vector<128x1xf32>, vector<128x1xf32>, vector<128x1xf32>, vector<128x1xf32>, vector<128x1xf32>, vector<128x1xf32>, vector<128x1xf32>, vector<128x1xf32>, vector<128x1xf32> -> vector<1280x1xf32>
    %mul3A_42 = vector.broadcast %concatenate3A : vector<1280x1xf32> to vector<1280x128xf32>
    %mul3A_43 = arith.mulf %add3A_27, %mul3A_42 : vector<1280x128xf32>
    %swap3A = arith.constant 0 : index
    %swap3A_44 = arith.constant 0 : index
    %swap3A_45 = vector.load %arg12[%swap3A, %swap3A_44] : memref<1280x128xf32, #tpu.memory_space<vmem>>, vector<1280x128xf32>
    tpu.vector_store %arg12[%swap3A, %swap3A_44], %mul3A_43 {strides = array<i32>} : memref<1280x128xf32, #tpu.memory_space<vmem>>, vector<1280x128xf32>,
    %get3A_46 = arith.constant 0 : index
    %get3A_47 = arith.constant 0 : index
    %get3A_48 = vector.load %arg11[%get3A_46, %get3A_47] : memref<16x128xf32, #tpu.memory_space<vmem>>, vector<16x128xf32>
    %convert_element_type3A_49 = arith.truncf %get3A_48 : vector<16x128xf32> to vector<16x128xbf16>
    %get3A_50 = arith.constant 0 : index
    %get3A_51 = arith.constant 0 : index
    %get3A_52 = vector.load %arg12[%get3A_50, %get3A_51] : memref<1280x128xf32, #tpu.memory_space<vmem>>, vector<1280x128xf32>
    %convert_element_type3A_53 = arith.truncf %get3A_52 : vector<1280x128xf32> to vector<1280x128xbf16>
    %get3A_54 = arith.constant 0 : index
    %get3A_55 = arith.constant 0 : index
    %get3A_56 = vector.load %arg9[%get3A_54, %get3A_55] : memref<128x128xf32, #tpu.memory_space<vmem>>, vector<128x128xf32>
    %convert_element_type3A_57 = arith.truncf %get3A_56 : vector<128x128xf32> to vector<128x128xbf16>
    %dot_general3A_58 = arith.constant dense<0.000000e+00> : vector<1280x128xf32>
    %dot_general3A_59 = tpu.matmul %convert_element_type3A_53, %convert_element_type3A_57, %dot_general3A_58 {dimension_numbers = #tpu.dot_dimension_numbers<[1], [0], [0], [1], [0, 0, 1, 1], [], []>, transpose_lhs_hint = false} : vector<1280x128xbf16>, vector<128x128xbf16>, vector<1280x128xf32> -> vector<1280x128xf32>
    %get3A_60 = arith.constant 0 : index
    %get3A_61 = arith.constant 0 : index
    %get3A_62 = vector.load %arg2[%get3A_60, %get3A_61] : memref<16x1280xf32, #tpu.memory_space<vmem>>, vector<16x1280xf32>
    %convert_element_type3A_63 = arith.truncf %get3A_62 : vector<16x1280xf32> to vector<16x1280xbf16>
    %dot_general3A_64 = arith.constant dense<0.000000e+00> : vector<1280x128xf32>
    %dot_general3A_65 = tpu.matmul %convert_element_type3A_63, %convert_element_type3A_49, %dot_general3A_64 {dimension_numbers = #tpu.dot_dimension_numbers<[0], [0], [1], [1], [0, 1, 1, 1], [], []>, transpose_lhs_hint = false} : vector<16x1280xbf16>, vector<16x128xbf16>, vector<1280x128xf32> -> vector<1280x128xf32>
    %mul3A_66 = arith.mulf %dot_general3A_59, %dot_general3A_65 : vector<1280x128xf32>
    %swap3A_67 = arith.constant 0 : index
    %swap3A_68 = arith.constant 0 : index
    %swap3A_69 = vector.load %arg13[%swap3A_67, %swap3A_68] : memref<1280x128xf32, #tpu.memory_space<vmem>>, vector<1280x128xf32>
    tpu.vector_store %arg13[%swap3A_67, %swap3A_68], %mul3A_66 {strides = array<i32>} : memref<1280x128xf32, #tpu.memory_space<vmem>>, vector<1280x128xf32>,
    %get3A_70 = arith.constant 0 : index
    %get3A_71 = arith.constant 0 : index
    %get3A_72 = vector.load %arg10[%get3A_70, %get3A_71] : memref<128x128xf32, #tpu.memory_space<vmem>>, vector<128x128xf32>
    %convert_element_type3A_73 = arith.truncf %get3A_72 : vector<128x128xf32> to vector<128x128xbf16>
    %dot_general3A_74 = arith.constant dense<0.000000e+00> : vector<1280x128xf32>
    %dot_general3A_75 = tpu.matmul %convert_element_type3A_53, %convert_element_type3A_73, %dot_general3A_74 {dimension_numbers = #tpu.dot_dimension_numbers<[1], [0], [0], [1], [0, 0, 1, 1], [], []>, transpose_lhs_hint = false} : vector<1280x128xbf16>, vector<128x128xbf16>, vector<1280x128xf32> -> vector<1280x128xf32>
    %get3A_76 = arith.constant 0 : index
    %get3A_77 = arith.constant 0 : index
    %get3A_78 = vector.load %arg3[%get3A_76, %get3A_77] : memref<16x1280xf32, #tpu.memory_space<vmem>>, vector<16x1280xf32>
    %convert_element_type3A_79 = arith.truncf %get3A_78 : vector<16x1280xf32> to vector<16x1280xbf16>
    %dot_general3A_80 = arith.constant dense<0.000000e+00> : vector<1280x128xf32>
    %dot_general3A_81 = tpu.matmul %convert_element_type3A_79, %convert_element_type3A_49, %dot_general3A_80 {dimension_numbers = #tpu.dot_dimension_numbers<[0], [0], [1], [1], [0, 1, 1, 1], [], []>, transpose_lhs_hint = false} : vector<16x1280xbf16>, vector<16x128xbf16>, vector<1280x128xf32> -> vector<1280x128xf32>
    %mul3A_82 = arith.mulf %dot_general3A_75, %dot_general3A_81 : vector<1280x128xf32>
    %mul3A_83 = arith.constant 0.176776692 : f32
    %mul3A_84 = vector.broadcast %mul3A_83 : f32 to vector<1280x128xf32>
    %mul3A_85 = arith.mulf %mul3A_82, %mul3A_84 : vector<1280x128xf32>
    %swap3A_86 = arith.constant 0 : index
    %swap3A_87 = arith.constant 0 : index
    %swap3A_88 = vector.load %arg14[%swap3A_86, %swap3A_87] : memref<1280x128xf32, #tpu.memory_space<vmem>>, vector<1280x128xf32>
    tpu.vector_store %arg14[%swap3A_86, %swap3A_87], %mul3A_85 {strides = array<i32>} : memref<1280x128xf32, #tpu.memory_space<vmem>>, vector<1280x128xf32>,
    return
  }
  func.func @transform_0(%arg0: i32) -> (i32, i32) {
    %min3A = arith.constant 249 : i32
    %min3A_0 = arith.minsi %arg0, %min3A : i32
    %c0_i32 = arith.constant 0 : i32
    %c0_i32_1 = arith.constant 0 : i32
    return %min3A_0, %c0_i32 : i32, i32
  }
  func.func @transform_1(%arg0: i32) -> (i32, i32) {
    %min3A = arith.constant 249 : i32
    %min3A_0 = arith.minsi %arg0, %min3A : i32
    %c0_i32 = arith.constant 0 : i32
    %c0_i32_1 = arith.constant 0 : i32
    return %c0_i32, %min3A_0 : i32, i32
  }
  func.func @transform_2(%arg0: i32) -> (i32, i32) {
    %min3A = arith.constant 249 : i32
    %min3A_0 = arith.minsi %arg0, %min3A : i32
    %c0_i32 = arith.constant 0 : i32
    %c0_i32_1 = arith.constant 0 : i32
    return %c0_i32, %min3A_0 : i32, i32
  }
  func.func @transform_3(%arg0: i32) -> (i32, i32, i32) {
    %min3A = arith.constant 249 : i32
    %min3A_0 = arith.minsi %arg0, %min3A : i32
    %c0_i32 = arith.constant 0 : i32
    %c0_i32_1 = arith.constant 0 : i32
    %c0_i32_2 = arith.constant 0 : i32
    return %min3A_0, %c0_i32, %c0_i32_1 : i32, i32, i32
  }
  func.func @transform_4(%arg0: i32) -> (i32, i32) {
    %c0_i32 = arith.constant 0 : i32
    %c0_i32_0 = arith.constant 0 : i32
    %c0_i32_1 = arith.constant 0 : i32
    return %c0_i32, %c0_i32_0 : i32, i32
  }
  func.func @transform_5(%arg0: i32) -> (i32, i32) {
    %c0_i32 = arith.constant 0 : i32
    %c0_i32_0 = arith.constant 0 : i32
    %c0_i32_1 = arith.constant 0 : i32
    return %c0_i32, %c0_i32_0 : i32, i32
  }
  func.func @transform_6(%arg0: i32) -> (i32, i32) {
    %c0_i32 = arith.constant 0 : i32
    %c0_i32_0 = arith.constant 0 : i32
    %c0_i32_1 = arith.constant 0 : i32
    return %c0_i32, %c0_i32_0 : i32, i32
  }
  func.func @transform_7(%arg0: i32) -> (i32, i32) {
    %c0_i32 = arith.constant 0 : i32
    %c0_i32_0 = arith.constant 0 : i32
    %c0_i32_1 = arith.constant 0 : i32
    return %c0_i32, %c0_i32_0 : i32, i32
  }
  func.func @transform_8(%arg0: i32) -> (i32, i32) {
    %c0_i32 = arith.constant 0 : i32
    %c0_i32_0 = arith.constant 0 : i32
    %c0_i32_1 = arith.constant 0 : i32
    return %c0_i32, %c0_i32_0 : i32, i32
  }
  func.func @transform_9(%arg0: i32) -> (i32, i32) {
    %c0_i32 = arith.constant 0 : i32
    %c0_i32_0 = arith.constant 0 : i32
    %c0_i32_1 = arith.constant 0 : i32
    return %c0_i32, %c0_i32_0 : i32, i32
  }
  func.func @transform_10(%arg0: i32) -> (i32, i32) {
    %c0_i32 = arith.constant 0 : i32
    %c0_i32_0 = arith.constant 0 : i32
    %c0_i32_1 = arith.constant 0 : i32
    return %c0_i32, %c0_i32_0 : i32, i32
  }
  func.func @transform_11(%arg0: i32) -> (i32, i32) {
    %min3A = arith.constant 249 : i32
    %min3A_0 = arith.minsi %arg0, %min3A : i32
    %c0_i32 = arith.constant 0 : i32
    %c0_i32_1 = arith.constant 0 : i32
    return %min3A_0, %c0_i32 : i32, i32
  }
  func.func @transform_12(%arg0: i32) -> (i32, i32) {
    %min3A = arith.constant 249 : i32
    %min3A_0 = arith.minsi %arg0, %min3A : i32
    %c0_i32 = arith.constant 0 : i32
    %c0_i32_1 = arith.constant 0 : i32
    return %min3A_0, %c0_i32 : i32, i32
  }
  func.func @transform_13(%arg0: i32) -> (i32, i32) {
    %c0_i32 = arith.constant 0 : i32
    %c0_i32_0 = arith.constant 0 : i32
    return %arg0, %c0_i32 : i32, i32
  }
}

</mosaic_0001>

<sc_bundles>
// kernel: kernel.10.cloned.1.call-start
scs
__scs_entry_jumppad:
0x0: {  	(pc) =	sbr.rel $0x88, $3  }
0x1: {  	(tag) =	ssettag $0x0;
	lr =	simm.s32 $0x1  }
0x2: {  	[smem:$0x3F97] =	sst lr;
	_ =	strace $0xD0000000  }
0x3: {  	_ = 	snop  }
0x4: {  	_ = 	snop  }
0x5: {  	_ = 	snop  }
0x6: {  	_ = 	snop  }
0x7: {  	_ = 	snop  }
__scs_overlays_trampoline_lowered:
0x8: {  	[smem:$0x3FA6] =	sst s0  }
0x9: {  	[smem:$0x3FA7] =	sst s1  }
0xa: {  	[smem:$0x3FA8] =	sst s2  }
0xb: {  	[smem:$0x3FA9] =	sst s3  }
0xc: {  	[smem:$0x3FAA] =	sst s4  }
0xd: {  	[smem:$0x3FAB] =	sst s5  }
0xe: {  	[smem:$0x3FAC] =	sst s6  }
0xf: {  	[smem:$0x3FAD] =	sst s7  }
0x10: {  	[smem:$0x3FAE] =	sst s8  }
0x11: {  	[smem:$0x3FAF] =	sst s9;
	s0 =	simm.s32 @!p0 $0x0  }
0x12: {  	s1 =	sld [smem:$0x3F95];
	s0 =	simm.s32 @p0 $0x1  }
0x13: {  	[smem:$0x3FB0] =	sst s0;
	s0 =	simm.s32 @!p1 $0x0  }
0x14: {  	s2 =	sld [smem:$0x3F94];
	s0 =	simm.s32 @p1 $0x1  }
0x15: {  	[smem:$0x3FB1] =	sst s0;
	s0 =	simm.s32 @!p2 $0x0  }
0x16: {  	s3 =	sld [smem:$0x3FDB];
	s0 =	simm.s32 @p2 $0x1  }
0x17: {  	s4 =	simm.s32 $0x1BF5;
	[smem:$0x3FB3] =	sst s0  }
0x18: {  	s0 =	sld [smem:$0x3F96];
	_ =	swait.ge [sflag:s4], $0x0  }
0x19: {  	s7 =	sld [smem:$0x3F97]  }
0x1a: {  	s8 =	sadd.s32 $0xFFFFE003, lr  }
0x1b: {  	s9 =	sadd.s32 $0xFFFFFEF7, lr;
	s5 =	simm.s32 $0xFFFFFFFF;
	p2 =	slt.u32 s8, $0xFFFFF086  }
0x1c: {  	p1 =	slt.u32 s9, $0xF7A;
	s5 =	simm.s32 @!p2 $0x0  }
0x1d: {  	s5 =	simm.s32 @p1 $0x1;
	p0 =	seq.s32 s7, s2  }
0x1e: {  	s7 =	smul.u32 @!p0 $0xF7A, s2;
	p2 =	seq.s32 @!p0 s5, $0x0  }
0x1f: {  	s9 =	smul.u32 $0xF7A, s1;
	s8 =	simm.s32 @!p0 $0x1BF5;
	p2 =	por !p2, p0  }
0x20: {  	[sflag:s8] =	ssyncset.s32 @!p0 $0xFFFFF086;
	s6 =	sadd.s32 @!p0 s3, s7;
	s7 =	simm.s32 @!p0 $0x108  }
0x21: {  	s3 =	sadd.s32 s3, s9;
	s6 =	sadd.s32 @!p0 $0x88, s6;
	s7 =	simm.s32 @p2 $0x1082  }
0x22: {  	[simem:s7], [sflag:s8] =	dma.local @!p0 [hbm:s6], $0xF7A  }
0x23: {  	s9 =	sor.u32 $0xD0000000, s2;
	s6 =	simm.s32 $0x108;
	_ =	swait.ge @!p0 [sflag:s8], $0x0  }
0x24: {  	s3 =	sadd.s32 $0x88, s3;
	s6 =	simm.s32 @!p1 $0x1082;
	[sflag:s4] =	ssyncset.s32 $0xFFFFF086  }
0x25: {  	[simem:s6], [sflag:s4] =	dma.local [hbm:s3], $0xF7A  }
0x26: {  	[smem:$0x3F97] =	sst s1;
	(tag) =	ssettag s2;
	_ =	strace s9  }
0x27: {  	s1 =	sld [smem:$0x3FA7]  }
0x28: {  	s2 =	sld [smem:$0x3FA8]  }
0x29: {  	s4 =	sld [smem:$0x3FAA]  }
0x2a: {  	p0 =	seq.s32 s5, $0x0;
	s5 =	sld [smem:$0x3FAB]  }
0x2b: {  	s6 =	sld [smem:$0x3FAC]  }
0x2c: {  	s7 =	sld [smem:$0x3FAD]  }
0x2d: {  	s3 =	simm.s32 $0x108;
	s8 =	sld [smem:$0x3FAE]  }
0x2e: {  	s3 =	simm.s32 @!p0 $0x1082;
	s9 =	sld [smem:$0x3FAF]  }
0x2f: {  	lr =	sadd.s32 s0, s3;
	s0 =	sld [smem:$0x3FA6]  }
0x30: {  	s3 =	sld [smem:$0x3FA9]  }
0x31: {  	[smem:$0x3FB2] =	sst s10  }
0x32: {  	s10 =	sld [smem:$0x3FB0];
	_ =	sdelay $0x3  }
0x33: {  	p0 =	seq.s32 s10, $0x1;
	s10 =	sld [smem:$0x3FB2];
	_ =	sdelay $0x3  }
0x34: {  	[smem:$0x3FB2] =	sst s10  }
0x35: {  	s10 =	sld [smem:$0x3FB1];
	_ =	sdelay $0x3  }
0x36: {  	p1 =	seq.s32 s10, $0x1;
	s10 =	sld [smem:$0x3FB2];
	_ =	sdelay $0x3  }
0x37: {  	[smem:$0x3FB2] =	sst s10  }
0x38: {  	s10 =	sld [smem:$0x3FB3]  }
0x39: {  	_ = 	snop;
	(pc) =	sbr.ind lr, $3  }
0x3a: {  	_ = 	snop  }
0x3b: {  	_ = 	snop  }
0x3c: {  	p2 =	seq.s32 s10, $0x1;
	s10 =	sld [smem:$0x3FB2]  }
0x3d: {  	_ =	shalt  }
0x3e: {  	_ =	shalt  }
0x3f: {  	_ =	shalt  }
0x40: {  	_ =	shalt  }
0x41: {  	_ =	shalt  }
0x42: {  	_ =	shalt  }
0x43: {  	_ =	shalt  }
0x44: {  	_ =	shalt  }
0x45: {  	_ =	shalt  }
0x46: {  	_ =	shalt  }
0x47: {  	_ =	shalt  }
0x48: {  	_ =	shalt  }
0x49: {  	_ =	shalt  }
0x4a: {  	_ =	shalt  }
0x4b: {  	_ =	shalt  }
0x4c: {  	_ =	shalt  }
0x4d: {  	_ =	shalt  }
0x4e: {  	_ =	shalt  }
0x4f: {  	_ =	shalt  }
0x50: {  	_ =	shalt  }
0x51: {  	_ =	shalt  }
0x52: {  	_ =	shalt  }
0x53: {  	_ =	shalt  }
0x54: {  	_ =	shalt  }
0x55: {  	_ =	shalt  }
0x56: {  	_ =	shalt  }
0x57: {  	_ =	shalt  }
0x58: {  	_ =	shalt  }
0x59: {  	_ =	shalt  }
0x5a: {  	_ =	shalt  }
0x5b: {  	_ =	shalt  }
0x5c: {  	_ =	shalt  }
0x5d: {  	_ =	shalt  }
0x5e: {  	_ =	shalt  }
0x5f: {  	_ =	shalt  }
0x60: {  	_ =	shalt  }
0x61: {  	_ =	shalt  }
0x62: {  	_ =	shalt  }
0x63: {  	_ =	shalt  }
0x64: {  	_ =	shalt  }
0x65: {  	_ =	shalt  }
0x66: {  	_ =	shalt  }
0x67: {  	_ =	shalt  }
0x68: {  	_ =	shalt  }
0x69: {  	_ =	shalt  }
0x6a: {  	_ =	shalt  }
0x6b: {  	_ =	shalt  }
0x6c: {  	_ =	shalt  }
0x6d: {  	_ =	shalt  }
0x6e: {  	_ =	shalt  }
0x6f: {  	_ =	shalt  }
0x70: {  	_ =	shalt  }
0x71: {  	_ =	shalt  }
0x72: {  	_ =	shalt  }
0x73: {  	_ =	shalt  }
0x74: {  	_ =	shalt  }
0x75: {  	_ =	shalt  }
0x76: {  	_ =	shalt  }
0x77: {  	_ =	shalt  }
0x78: {  	_ =	shalt  }
0x79: {  	_ =	shalt  }
0x7a: {  	_ =	shalt  }
0x7b: {  	_ =	shalt  }
0x7c: {  	_ =	shalt  }
0x7d: {  	_ =	shalt  }
0x7e: {  	_ =	shalt  }
0x7f: {  	_ =	shalt  }
0x80: {  	_ =	shalt  }
0x81: {  	_ =	shalt  }
0x82: {  	_ =	shalt  }
0x83: {  	_ =	shalt  }
0x84: {  	_ =	shalt  }
0x85: {  	_ =	shalt  }
0x86: {  	_ =	shalt  }
0x87: {  	_ =	shalt  }
.Lfunc_end0:
.L_simem_size_0:
called_computation.1_lowered:
.L_overlay_start_0:
0x88: {  	s2 =	sld [smem:$0x3FD9]  }
0x89: {  	s3 =	sld [smem:$0x3FFE];
	_ =	sdelay $0x1  }
0x8a: {  	s1 =	srdreg.scid  }
0x8b: {  	s0 =	sand.u32 $0x1, s1  }
0x8c: {  	s15 =	sshll.u32 s0, $0xA;
	s2 =	sadd.s32 s3, s2  }
0x8d: {  	s2 =	sadd.s32 s2, s15  }
0x8e: {  	[smem:$0x3FBE] =	sst s2  }
0x8f: {  	_ = 	snop  }
0x90: {  	s2 =	sld [smem:$0x3FD0];
	_ =	sdelay $0x2  }
0x91: {  	s16 =	simm.s32 $0xB;
	s4 =	simm.s32 $0x10  }
0x92: {  	[smem:s4], [sflag:s16] =	dma.local [hbm:s2], $0x1  }
0x93: {  	_ =	swait.eq [sflag:s16], $0x1  }
0x94: {  	[sflag:s16] =	ssyncset.done $0x0  }
0x95: {  	[sflag:s16] =	ssyncadd.s32 $0xFFFFFFFF  }
0x96: {  	s17 =	sld [smem:$0x12];
	(tm) =	ssettm $0x1  }
0x97: {  	s18 =	sld [smem:$0x3FFB];
	_ =	sdelay $0x3  }
0x98: {  	_ =	strace s18  }
0x99: {  	s2 =	sld [smem:$0x3FFC];
	_ =	sdelay $0x3  }
0x9a: {  	_ =	strace s2  }
0x9b: {  	s2 =	sld [smem:$0x3FFD];
	_ =	sdelay $0x3  }
0x9c: {  	_ =	strace s2  }
0x9d: {  	_ =	strace $0x8FFFFFFF  }
0x9e: {  	s19 =	sld [smem:$0x3FDB];
	_ =	sdelay $0x1  }
0x9f: {  	s20 =	simm.s32 $_scs_section_size  }
0xa0: {  	s5 =	simm.s32 $_size__tile_overlayer_lowered;
	s6 =	simm.s32 $_tile_overlayer_lowered  }
0xa1: {  	s7 =	simm.s32 $0x1BFF;
	s21 =	sshll.u32 s6, $0x1;
	s4 =	sadd.s32 s20, s19  }
0xa2: {  	s22 =	simm.s32 $0x0;
	s5 =	sshll.u32 s5, $0x1;
	s6 =	sadd.s32 s21, s4  }
0xa3: {  	[timem:s22], [sflag:s7] =	dma.local [hbm:s6], s5  }
0xa4: {  	_ =	swait.ge [sflag:s7], s5  }
0xa5: {  	s5 =	ssub.s32 $0x0, s5;
	[sflag:s7] =	ssyncset.done $0x0  }
0xa6: {  	[sflag:s7] =	ssyncadd.s32 s5;
	_ =	sdelay $0x1  }
0xa7: {  	s23 =	simm.s32 $0x1B8B  }
0xa8: {  	_ =	swait.ge [sflag:s23], $0x1  }
0xa9: {  	[sflag:s23] =	ssyncset.done $0x0  }
0xaa: {  	[sflag:s23] =	ssyncadd.s32 $0xFFFFFFFF  }
0xab: {  	s5 =	sld [smem:$0x0]  }
0xac: {  	s6 =	sand.u32 $0xFFFFFFFE, s1  }
0xad: {  	p0 =	sne.s32 s1, s6  }
0xae: {  	s6 =	sshll.u32 @p0 s6, $0xE  }
0xaf: {  	s6 =	sadd.s32 @p0 $0x11B8D, s6;
	s7 =	sshll.u32 @p0 s5, $0x11  }
0xb0: {  	s6 =	sor.u32 @p0 s7, s6  }
0xb1: {  	[sflag:s6] =	ssyncadd.remote.s32 @p0 $0x1;
	_ =	sdelay $0x1  }
0xb2: {  	s6 =	simm.s32 @p0 $0x1B8D  }
0xb3: {  	_ =	swait.eq @p0 [sflag:s6], $0x1  }
0xb4: {  	[sflag:s6] =	ssyncadd.s32 @p0 $0xFFFFFFFF  }
0xb5: {  	s7 =	sshll.u32 @!p0 s1, $0xE  }
0xb6: {  	s7 =	sor.u32 @!p0 $0x4000, s7;
	s6 =	simm.s32 @!p0 $0x1B8D  }
0xb7: {  	s5 =	sshll.u32 @!p0 s5, $0x11;
	s7 =	sadd.s32 @!p0 $0x11B8D, s7;
	_ =	swait.eq @!p0 [sflag:s6], $0x1  }
0xb8: {  	s5 =	sor.u32 @!p0 s5, s7;
	[sflag:s6] =	ssyncadd.s32 @!p0 $0xFFFFFFFF  }
0xb9: {  	s25 =	simm.s32 $0x1B8E;
	s24 =	sld [smem:$0x3FFE];
	[sflag:s5] =	ssyncadd.remote.s32 @!p0 $0x1  }
0xba: {  	s26 =	simm.s32 $execute0_lowered;
	[smem:$0x3FD2] =	sst s25  }
0xbb: {  	s6 =	sshll.u32 s26, $0x1;
	_ =	strace $0x8000004C;
	[dreg:$0x1] =	wrdreg $0xFFFFFFFF  }
0xbc: {  	s28 =	simm.s32 $_size_execute0_lowered;
	s4 =	sadd.s32 s4, s6;
	[dreg:$0x0] =	wrdreg $0x0  }
0xbd: {  	s6 =	sshll.u32 s28, $0x1;
	[dreg:$0x2] =	wrdreg s4  }
0xbe: {  	[dreg:$0x3] =	wrdreg s6  }
0xbf: {  	[dreg:$0x4] =	wrdreg $0xC0  }
0xc0: {  	_ =	task [dreg:s22], $0x5FFFF  }
0xc1: {  	[dreg:$0x1] =	wrdreg $0xFFFFFFFF  }
0xc2: {  	[dreg:$0x0] =	wrdreg $0x60  }
0xc3: {  	[dreg:$0x2] =	wrdreg s24  }
0xc4: {  	[dreg:$0x3] =	wrdreg s17  }
0xc5: {  	[dreg:$0x4] =	wrdreg $0x0  }
0xc6: {  	[dreg:$0x5] =	wrdreg $0xA  }
0xc7: {  	_ =	task.clear_ibuf [dreg:s22], $0x6FFFF;
	_ =	strace $0x9000004C  }
0xc8: {  	s29 =	simm.s32 $0xA;
	_ =	strace $0x8000004E  }
0xc9: {  	_ =	swait.ge [sflag:s29], $0x1  }
0xca: {  	[sflag:s29] =	ssyncadd.s32 $0xFFFFFFFF  }
0xcb: {  	_ =	strace $0x9000004E  }
0xcc: {  	_ =	sfence  }
0xcd: {  	s30 =	sld [smem:$0x0];
	_ =	sdelay $0x2  }
0xce: {  	s31 =	sshll.u32 s1, $0xD;
	s1 =	sshrl.u32 s1, $0x2  }
0xcf: {  	s4 =	sand.u32 $0x4000, s31;
	s1 =	sadd.s32 s1, s30  }
0xd0: {  	s0 =	sor.u32 s4, s0;
	s1 =	sshll.u32 s1, $0x11  }
0xd1: {  	s0 =	sor.u32 s1, s0  }
0xd2: {  	s0 =	sadd.s32 $0x8F2B, s0  }
0xd3: {  	[sflag:s0] =	ssyncadd.remote.s32 $0x1  }
0xd4: {  	_ =	sfence.sel $0xFFFF  }
0xd5: {  	[dreg:$0x0] =	wrdreg $0xFFFFFFFF;
	(pc) =	sbr.abs _section_cstart, $3  }
0xd6: {  	[dreg:$0x1] =	wrdreg $0xFFFFFFFF  }
0xd7: {  	_ =	task.clear_ibuf [dreg:s22], $0x2FFFF;
	_ =	strace $0x9FFFFFFF  }
0xd8: {  	(tm) =	ssettm $0x7FFFFFFF  }
0xd9: {  	_ =	shalt  }
tec
execute0_lowered:
.L_overlay_start_1:
0x0: {  	(tag) =	ssettag $0x1  }
0x1: {  	s0 =	rddreg [dreg:$0x0]  }
0x2: {  	s9 =	rddreg [dreg:$0x1]  }
0x3: {  	s1 =	rddreg [dreg:$0x2];
	s31 =	stileid.u32  }
0x4: {  	s3 =	srdreg.scid;
	s7 =	smul.u32 $0x280, s31  }
0x5: {  	s2 =	simm.s32 $0x0;
	s29 =	simm.s32 $0x0;
	s12 =	smul.u32 $0x50000, s31  }
0x6: {  	s10 =	sand.u32 $0x1, s3;
	[smem:$0x7FF] =	sst s2;
	s25 =	smul.u32 $0x280000, s31  }
0x7: {  	s13 =	sadd.s32 $0xAFF600, s0;
	s6 =	sshll.u32 s31, $0x1;
	s28 =	smul.u32 $0x2800, s31  }
0x8: {  	s14 =	smul.u32 $0x28000, s10;
	_ =	strace $0x8000004D;
	s4 =	ssub.s32 $0x2, s10  }
0x9: {  	s8 =	sor.u32 s10, s6;
	s26 =	smul.u32 $0x140000, s10;
	s5 =	sshrl.u32 s4, $0x1  }
0xa: {  	s15 =	sadd.s32 $0x80, s7;
	s21 =	sshrl.u32 s12, $0x2;
	s16 =	sadd.s32 $0x100, s7  }
0xb: {  	s17 =	sadd.s32 $0x180, s7;
	s18 =	smul.u32 $0x500, s8;
	s20 =	sadd.s32 $0x200, s7  }
0xc: {  	s31 =	sadd.s32 s12, s13;
	s0 =	sadd.s32 s14, s0;
	s11 =	ssub.s32 s4, s5  }
0xd: {  	s22 =	sshll.u32 s15, $0x7;
	s4 =	sadd.s32 s21, s1;
	s23 =	sshll.u32 s16, $0x7  }
0xe: {  	s19 =	sshll.u32 s17, $0x7;
	s21 =	smul.u32 $0x28000, s8;
	s24 =	sshll.u32 s20, $0x7  }
0xf: {  	s30 =	sadd.s32 s26, s25;
	s25 =	sshll.u32 s20, $0x4;
	s14 =	sadd.s32 s14, s31  }
0x10: {  	s5 =	sadd.s32 s22, s1;
	s6 =	sadd.s32 s23, s1;
	s7 =	sadd.s32 s19, s1  }
0x11: {  	s8 =	sadd.s32 s24, s1;
	s9 =	sadd.s32 s9, s18;
	s0 =	sadd.s32 $0x2800, s0  }
0x12: {  	s22 =	sshll.u32 s15, $0x4;
	s23 =	sshll.u32 s16, $0x4;
	s24 =	sshll.u32 s17, $0x4  }
0x13: {  	s15 =	sor.u32 $0x8000, s30;
	s11 =	smax.u32 s11, $0x1;
	s14 =	sadd.s32 $0x800, s14  }
0x14: {  	s16 =	simm.s32 $0x3;
	s17 =	simm.s32 $0x18000;
	s18 =	simm.s32 $0x1  }
0x15: {  	s19 =	simm.s32 $0x80;
	s10 =	sadd.s32 s13, s21;
	s15 =	sshrl.u32 s15, $0x3  }
0x16: {  	s20 =	sadd.s32 s28, s0;
	s21 =	sadd.s32 s22, s0;
	s22 =	sadd.s32 s23, s0  }
0x17: {  	s23 =	sadd.s32 s24, s0;
	s24 =	sadd.s32 s25, s0;
	s25 =	simm.s32 $0x2  }
0x18: {  	v0 =	vimm.f32 $0.0e+00;
	s12 =	sadd.s32 $0x27800, s10;
	s13 =	sadd.s32 s15, s13;
	s15 =	simm.s32 $0x14000  }
.LBB2_1:
0x19: {  	s30 =	simm.s32 $0x0;
	s31 =	simm.s32 $0x200  }
.LBB2_2:
0x1a: {  	p0 =	sne.s32 s31, $0xFE00;
	[tilespmem:s30+$0x14070] =	vst v0  }
0x1b: {  	[tilespmem:s30+$0x14000] =	vst v0  }
0x1c: {  	[tilespmem:s30+$0x14010] =	vst v0  }
.Ltmp0:
0x1d: {  	[tilespmem:s30+$0x14020] =	vst v0;
	(pc) =	sbr.rel @p0 .LBB2_2-.Ltmp0, $4  }
0x1e: {  	[tilespmem:s30+$0x14030] =	vst v0  }
0x1f: {  	[tilespmem:s30+$0x14040] =	vst v0  }
0x20: {  	[tilespmem:s30+$0x14050] =	vst v0  }
0x21: {  	[tilespmem:s30+$0x14060] =	vst v0;
	s30 =	sshra.s32 s31, $0x2;
	s31 =	sadd.s32 $0x200, s31  }
0x22: {  	[tilespmem:s30+$0x14070] =	vst v0  }
0x23: {  	[tilespmem:s30+$0x14000] =	vst v0  }
0x24: {  	[tilespmem:s30+$0x14010] =	vst v0  }
0x25: {  	[tilespmem:s30+$0x14020] =	vst v0  }
0x26: {  	[tilespmem:s30+$0x14030] =	vst v0  }
0x27: {  	[tilespmem:s30+$0x14040] =	vst v0  }
0x28: {  	[tilespmem:s30+$0x14050] =	vst v0  }
0x29: {  	[tilespmem:s30+$0x14060] =	vst v0  }
0x2a: {  	[spmem:s4] =	stream.linear.scatter [tilespmem:s15], [sflag:$0x3], $0x4000, $0x38;
	[tilespmem:$0x1E800] =	vst v63  }
0x2b: {  	_ =	swait.ge [sflag:s16], $0x4000  }
0x2c: {  	[sflag:s16] =	ssyncset.done $0x0  }
0x2d: {  	[sflag:s16] =	ssyncadd.s32 $0xFFFFC000  }
0x2e: {  	[spmem:s5] =	stream.linear.scatter [tilespmem:s15], [sflag:$0x3], $0x4000, $0x38;
	[tilespmem:$0x1E800] =	vst v63  }
0x2f: {  	_ =	swait.ge [sflag:s16], $0x4000  }
0x30: {  	[sflag:s16] =	ssyncset.done $0x0  }
0x31: {  	[sflag:s16] =	ssyncadd.s32 $0xFFFFC000  }
0x32: {  	[spmem:s6] =	stream.linear.scatter [tilespmem:s15], [sflag:$0x3], $0x4000, $0x38;
	[tilespmem:$0x1E800] =	vst v63  }
0x33: {  	_ =	swait.ge [sflag:s16], $0x4000  }
0x34: {  	[sflag:s16] =	ssyncset.done $0x0  }
0x35: {  	[sflag:s16] =	ssyncadd.s32 $0xFFFFC000  }
0x36: {  	[spmem:s7] =	stream.linear.scatter [tilespmem:s15], [sflag:$0x3], $0x4000, $0x38;
	[tilespmem:$0x1E800] =	vst v63  }
0x37: {  	_ =	swait.ge [sflag:s16], $0x4000  }
0x38: {  	[sflag:s16] =	ssyncset.done $0x0  }
0x39: {  	[sflag:s16] =	ssyncadd.s32 $0xFFFFC000  }
0x3a: {  	[spmem:s8] =	stream.linear.scatter [tilespmem:s15], [sflag:$0x3], $0x4000, $0x38;
	[tilespmem:$0x1E800] =	vst v63  }
0x3b: {  	_ =	swait.ge [sflag:s16], $0x4000  }
0x3c: {  	[sflag:s16] =	ssyncset.done $0x0  }
0x3d: {  	[sflag:s16] =	ssyncadd.s32 $0xFFFFC000  }
0x3e: {  	s0 =	simm.s32 $0x0;
	s30 =	simm.s32 $0x1C000;
	[bflag:$0x0] =	sbarrier.arrive $0xFFFF  }
0x3f: {  	[tilespmem:s30], [sflag:$0x3] =	stream.linear.gather [hbm4b:s9+s0], $0x2800, $0x38;
	[tilespmem:$0x1E800] =	vst v63  }
0x40: {  	_ =	swait.ge [sflag:s16], $0x2800  }
0x41: {  	[sflag:s16] =	ssyncset.done $0x0  }
0x42: {  	[sflag:s16] =	ssyncadd.s32 $0xFFFFD800  }
0x43: {  	[tilespmem:s15], [sflag:$0x1] =	stream.linear.gather [hbm4b:s10+s0], $0x4000, $0x38;
	[tilespmem:$0x1E800] =	vst v63  }
0x44: {  	s3 =	sadd.s32 $0x0, s14  }
0x45: {  	[tilespmem:s17], [sflag:$0x2] =	stream.linear.gather [hbm4b:s3+s2], $0x4000, $0x38;
	[tilespmem:$0x1E800] =	vst v63  }
0x46: {  	_ =	swait.ge [sflag:s18], $0x4000  }
0x47: {  	[sflag:s18] =	ssyncset.done $0x0  }
0x48: {  	[sflag:s18] =	ssyncadd.s32 $0xFFFFC000  }
0x49: {  	[spmem:s1] =	stream.indirect.scatter.add.f32 [tilespmem:s15], [sflag:$0x3], $0x80, s30, s19, $0xb8;
	[tilespmem:$0x1E800] =	vst v63  }
0x4a: {  	_ =	swait.ge [sflag:s16], $0x4000  }
0x4b: {  	[sflag:s16] =	ssyncset.done $0x0  }
0x4c: {  	s26 =	sadd.s32 $0x0, s13;
	[sflag:s16] =	ssyncadd.s32 $0xFFFFC000  }
0x4d: {  	[tilespmem:s15], [sflag:$0x1] =	stream.linear.gather [hbm4b:s26+s2], $0x4000, $0x38;
	[tilespmem:$0x1E800] =	vst v63  }
0x4e: {  	_ =	swait.ge [sflag:s25], $0x4000  }
0x4f: {  	[sflag:s25] =	ssyncset.done $0x0  }
0x50: {  	s28 =	simm.s32 $0x1C080;
	[sflag:s25] =	ssyncadd.s32 $0xFFFFC000  }
0x51: {  	[spmem:s1] =	stream.indirect.scatter.add.f32 [tilespmem:s17], [sflag:$0x3], $0x80, s28, s19, $0xb8;
	[tilespmem:$0x1E800] =	vst v63  }
0x52: {  	s31 =	simm.s32 $0x1000;
	_ =	swait.ge [sflag:s16], $0x4000  }
0x53: {  	s0 =	simm.s32 $0x2000;
	s30 =	simm.s32 $0x1C100;
	[sflag:s16] =	ssyncset.done $0x0  }
.LBB2_4:
0x54: {  	s3 =	sadd.s32 s31, s14  }
0x55: {  	[sflag:s16] =	ssyncadd.s32 $0xFFFFC000;
	s26 =	smov.u32 s0;
	s28 =	sadd.s32 $0x1000, s0  }
0x56: {  	[tilespmem:s17], [sflag:$0x2] =	stream.linear.gather [hbm4b:s3+s2], $0x4000, $0x38;
	[tilespmem:$0x1E800] =	vst v63  }
0x57: {  	p0 =	sne.s32 s0, $0x26000;
	_ =	swait.ge [sflag:s18], $0x4000  }
0x58: {  	[sflag:s18] =	ssyncset.done $0x0  }
0x59: {  	[sflag:s18] =	ssyncadd.s32 $0xFFFFC000  }
0x5a: {  	[spmem:s1] =	stream.indirect.scatter.add.f32 [tilespmem:s15], [sflag:$0x3], $0x80, s30, s19, $0xb8;
	[tilespmem:$0x1E800] =	vst v63  }
0x5b: {  	_ =	swait.ge [sflag:s16], $0x4000  }
0x5c: {  	[sflag:s16] =	ssyncset.done $0x0  }
0x5d: {  	s0 =	sadd.s32 s31, s13;
	s31 =	smov.u32 s26;
	[sflag:s16] =	ssyncadd.s32 $0xFFFFC000  }
0x5e: {  	[tilespmem:s15], [sflag:$0x1] =	stream.linear.gather [hbm4b:s0+s2], $0x4000, $0x38;
	[tilespmem:$0x1E800] =	vst v63  }
0x5f: {  	_ =	swait.ge [sflag:s25], $0x4000  }
.Ltmp1:
0x60: {  	[sflag:s25] =	ssyncset.done $0x0;
	(pc) =	sbr.rel @p0 .LBB2_4-.Ltmp1, $4  }
0x61: {  	s0 =	sadd.s32 $0x80, s30;
	[sflag:s25] =	ssyncadd.s32 $0xFFFFC000  }
0x62: {  	[spmem:s1] =	stream.indirect.scatter.add.f32 [tilespmem:s17], [sflag:$0x3], $0x80, s0, s19, $0xb8;
	[tilespmem:$0x1E800] =	vst v63  }
0x63: {  	_ =	swait.ge [sflag:s16], $0x4000  }
0x64: {  	s30 =	sadd.s32 $0x100, s30;
	s0 =	smov.u32 s28;
	[sflag:s16] =	ssyncset.done $0x0  }
0x65: {  	s0 =	sadd.s32 s31, s14;
	[sflag:s16] =	ssyncadd.s32 $0xFFFFC000  }
0x66: {  	[tilespmem:s17], [sflag:$0x2] =	stream.linear.gather [hbm4b:s0+s2], $0x4000, $0x38;
	[tilespmem:$0x1E800] =	vst v63  }
0x67: {  	_ =	swait.ge [sflag:s18], $0x4000  }
0x68: {  	[sflag:s18] =	ssyncset.done $0x0  }
0x69: {  	[sflag:s18] =	ssyncadd.s32 $0xFFFFC000  }
0x6a: {  	[spmem:s1] =	stream.indirect.scatter.add.f32 [tilespmem:s15], [sflag:$0x3], $0x80, s30, s19, $0xb8;
	[tilespmem:$0x1E800] =	vst v63  }
0x6b: {  	_ =	swait.ge [sflag:s16], $0x4000  }
0x6c: {  	[sflag:s16] =	ssyncset.done $0x0  }
0x6d: {  	s26 =	sadd.s32 s31, s13;
	[sflag:s16] =	ssyncadd.s32 $0xFFFFC000  }
0x6e: {  	[tilespmem:s15], [sflag:$0x1] =	stream.linear.gather [hbm4b:s26+s2], $0x4000, $0x38;
	[tilespmem:$0x1E800] =	vst v63  }
0x6f: {  	_ =	swait.ge [sflag:s25], $0x4000  }
0x70: {  	[sflag:s25] =	ssyncset.done $0x0  }
0x71: {  	s28 =	sadd.s32 $0x80, s30;
	[sflag:s25] =	ssyncadd.s32 $0xFFFFC000  }
0x72: {  	[spmem:s1] =	stream.indirect.scatter.add.f32 [tilespmem:s17], [sflag:$0x3], $0x80, s28, s19, $0xb8;
	[tilespmem:$0x1E800] =	vst v63  }
0x73: {  	_ =	swait.ge [sflag:s16], $0x4000  }
0x74: {  	[sflag:s16] =	ssyncset.done $0x0  }
0x75: {  	[sflag:s16] =	ssyncadd.s32 $0xFFFFC000  }
0x76: {  	[tilespmem:s17], [sflag:$0x2] =	stream.linear.gather [hbm4b:s12+s2], $0x4000, $0x38;
	[tilespmem:$0x1E800] =	vst v63  }
0x77: {  	_ =	swait.ge [sflag:s18], $0x4000  }
0x78: {  	[sflag:s18] =	ssyncset.done $0x0  }
0x79: {  	s30 =	simm.s32 $0x1E700;
	[sflag:s18] =	ssyncadd.s32 $0xFFFFC000  }
0x7a: {  	[spmem:s1] =	stream.indirect.scatter.add.f32 [tilespmem:s15], [sflag:$0x3], $0x80, s30, s19, $0xb8;
	[tilespmem:$0x1E800] =	vst v63  }
0x7b: {  	_ =	swait.ge [sflag:s16], $0x4000  }
0x7c: {  	[sflag:s16] =	ssyncset.done $0x0  }
0x7d: {  	[sflag:s16] =	ssyncadd.s32 $0xFFFFC000  }
0x7e: {  	_ =	swait.ge [sflag:s25], $0x4000  }
0x7f: {  	[sflag:s25] =	ssyncset.done $0x0  }
0x80: {  	s31 =	simm.s32 $0x1E780;
	[sflag:s25] =	ssyncadd.s32 $0xFFFFC000  }
0x81: {  	[spmem:s1] =	stream.indirect.scatter.add.f32 [tilespmem:s17], [sflag:$0x3], $0x80, s31, s19, $0xb8;
	[tilespmem:$0x1E800] =	vst v63  }
0x82: {  	_ =	swait.ge [sflag:s16], $0x4000  }
0x83: {  	[sflag:s16] =	ssyncset.done $0x0  }
0x84: {  	[sflag:s16] =	ssyncadd.s32 $0xFFFFC000  }
0x85: {  	[bflag:$0x0] =	sbarrier.arrive $0xFFFF  }
0x86: {  	[tilespmem:s15], [sflag:$0x3] =	stream.linear.gather [spmem:s4], $0x4000, $0x38;
	[tilespmem:$0x1E800] =	vst v63  }
0x87: {  	_ =	swait.ge [sflag:s16], $0x4000  }
0x88: {  	[sflag:s16] =	ssyncset.done $0x0  }
0x89: {  	[sflag:s16] =	ssyncadd.s32 $0xFFFFC000  }
0x8a: {  	[hbm4b:s20+s2] =	stream.linear.scatter [tilespmem:s15], [sflag:$0x3], $0x4000, $0x38;
	[tilespmem:$0x1E800] =	vst v63  }
0x8b: {  	_ =	swait.ge [sflag:s16], $0x4000  }
0x8c: {  	[sflag:s16] =	ssyncset.done $0x0  }
0x8d: {  	[sflag:s16] =	ssyncadd.s32 $0xFFFFC000  }
0x8e: {  	[tilespmem:s15], [sflag:$0x3] =	stream.linear.gather [spmem:s5], $0x4000, $0x38;
	[tilespmem:$0x1E800] =	vst v63  }
0x8f: {  	_ =	swait.ge [sflag:s16], $0x4000  }
0x90: {  	[sflag:s16] =	ssyncset.done $0x0  }
0x91: {  	[sflag:s16] =	ssyncadd.s32 $0xFFFFC000  }
0x92: {  	[hbm4b:s21+s2] =	stream.linear.scatter [tilespmem:s15], [sflag:$0x3], $0x4000, $0x38;
	[tilespmem:$0x1E800] =	vst v63  }
0x93: {  	_ =	swait.ge [sflag:s16], $0x4000  }
0x94: {  	[sflag:s16] =	ssyncset.done $0x0  }
0x95: {  	[sflag:s16] =	ssyncadd.s32 $0xFFFFC000  }
0x96: {  	[tilespmem:s15], [sflag:$0x3] =	stream.linear.gather [spmem:s6], $0x4000, $0x38;
	[tilespmem:$0x1E800] =	vst v63  }
0x97: {  	_ =	swait.ge [sflag:s16], $0x4000  }
0x98: {  	[sflag:s16] =	ssyncset.done $0x0  }
0x99: {  	[sflag:s16] =	ssyncadd.s32 $0xFFFFC000  }
0x9a: {  	[hbm4b:s22+s2] =	stream.linear.scatter [tilespmem:s15], [sflag:$0x3], $0x4000, $0x38;
	[tilespmem:$0x1E800] =	vst v63  }
0x9b: {  	_ =	swait.ge [sflag:s16], $0x4000  }
0x9c: {  	[sflag:s16] =	ssyncset.done $0x0  }
0x9d: {  	[sflag:s16] =	ssyncadd.s32 $0xFFFFC000  }
0x9e: {  	[tilespmem:s15], [sflag:$0x3] =	stream.linear.gather [spmem:s7], $0x4000, $0x38;
	[tilespmem:$0x1E800] =	vst v63  }
0x9f: {  	_ =	swait.ge [sflag:s16], $0x4000  }
0xa0: {  	[sflag:s16] =	ssyncset.done $0x0  }
0xa1: {  	[sflag:s16] =	ssyncadd.s32 $0xFFFFC000  }
0xa2: {  	[hbm4b:s23+s2] =	stream.linear.scatter [tilespmem:s15], [sflag:$0x3], $0x4000, $0x38;
	[tilespmem:$0x1E800] =	vst v63  }
0xa3: {  	_ =	swait.ge [sflag:s16], $0x4000  }
0xa4: {  	[sflag:s16] =	ssyncset.done $0x0  }
0xa5: {  	[sflag:s16] =	ssyncadd.s32 $0xFFFFC000  }
0xa6: {  	[tilespmem:s15], [sflag:$0x3] =	stream.linear.gather [spmem:s8], $0x4000, $0x38;
	[tilespmem:$0x1E800] =	vst v63  }
0xa7: {  	s29 =	sadd.s32 $0x1, s29;
	_ =	swait.ge [sflag:s16], $0x4000  }
0xa8: {  	p0 =	sne.s32 s29, s11;
	[sflag:s16] =	ssyncset.done $0x0  }
.Ltmp2:
0xa9: {  	[sflag:s16] =	ssyncadd.s32 $0xFFFFC000;
	(pc) =	sbr.rel @p0 .LBB2_1-.Ltmp2, $4  }
0xaa: {  	[hbm4b:s24+s2] =	stream.linear.scatter [tilespmem:s15], [sflag:$0x3], $0x4000, $0x38;
	[tilespmem:$0x1E800] =	vst v63  }
0xab: {  	_ =	swait.ge [sflag:s16], $0x4000  }
0xac: {  	[sflag:s16] =	ssyncset.done $0x0  }
0xad: {  	[sflag:s16] =	ssyncadd.s32 $0xFFFFC000  }
0xae: {  	_ =	sfence.sel $0x180000  }
0xaf: {  	[bflag:$0x0] =	sbarrier.arrive $0xFFFF  }
0xb0: {  	_ =	strace $0x9000004D  }
0xb1: {  	s0 =	stileid.u32;
	[bflag:$0x2] =	sbarrier.arrive $0xFFFF  }
0xb2: {  	p0 =	sne.s32 s0, $0x0;
	s0 =	rddreg [dreg:$0x3]  }
0xb3: {  	s0 =	sadd.s32 @!p0 $0x100000, s0  }
0xb4: {  	[sflag:s0] =	ssyncadd.tile.s32 @!p0 $0x1;
	_ =	shalt  }
.Lfunc_end2:
_tile_overlayer_lowered:
.L_overlay_start_2:
0xb5: {  	(tag) =	ssettag $0x2  }
0xb6: {  	s0 =	rddreg [dreg:$0x0];
	s2 =	stileid.u32  }
0xb7: {  	s1 =	rddreg [dreg:$0x1];
	p0 =	sne.s32 s2, $0x0  }
0xb8: {  	s3 =	rddreg [dreg:$0x2];
	[bflag:$0x3] =	sbarrier.arrive $0xFFFF;
	s2 =	simm.s32 @!p0 $0x1C03  }
0xb9: {  	[timem:s3], [sflag:s2] =	dma.local @!p0 [hbm:s0], s1  }
0xba: {  	s0 =	simm.s32 @!p0 $0x3  }
0xbb: {  	_ =	swait.ge @!p0 [sflag:s0], s1  }
0xbc: {  	s1 =	ssub.s32 @!p0 $0x0, s1;
	[sflag:s0] =	ssyncset.done @!p0 $0x0  }
0xbd: {  	[sflag:s0] =	ssyncadd.s32 @!p0 s1  }
0xbe: {  	[bflag:$0x3] =	sbarrier.arrive $0xFFFF  }
0xbf: {  	_ =	shalt  }

// kernel: kernel.13.cloned.1.call-start
scs
__scs_entry_jumppad:
0x0: {  	(pc) =	sbr.rel $0x88, $3  }
0x1: {  	(tag) =	ssettag $0x0;
	lr =	simm.s32 $0x1  }
0x2: {  	[smem:$0x3F97] =	sst lr;
	_ =	strace $0xD0000000  }
0x3: {  	_ = 	snop  }
0x4: {  	_ = 	snop  }
0x5: {  	_ = 	snop  }
0x6: {  	_ = 	snop  }
0x7: {  	_ = 	snop  }
__scs_overlays_trampoline_lowered:
0x8: {  	[smem:$0x3FA6] =	sst s0  }
0x9: {  	[smem:$0x3FA7] =	sst s1  }
0xa: {  	[smem:$0x3FA8] =	sst s2  }
0xb: {  	[smem:$0x3FA9] =	sst s3  }
0xc: {  	[smem:$0x3FAA] =	sst s4  }
0xd: {  	[smem:$0x3FAB] =	sst s5  }
0xe: {  	[smem:$0x3FAC] =	sst s6  }
0xf: {  	[smem:$0x3FAD] =	sst s7  }
0x10: {  	[smem:$0x3FAE] =	sst s8  }
0x11: {  	[smem:$0x3FAF] =	sst s9;
	s0 =	simm.s32 @!p0 $0x0  }
0x12: {  	s1 =	sld [smem:$0x3F95];
	s0 =	simm.s32 @p0 $0x1  }
0x13: {  	[smem:$0x3FB0] =	sst s0;
	s0 =	simm.s32 @!p1 $0x0  }
0x14: {  	s2 =	sld [smem:$0x3F94];
	s0 =	simm.s32 @p1 $0x1  }
0x15: {  	[smem:$0x3FB1] =	sst s0;
	s0 =	simm.s32 @!p2 $0x0  }
0x16: {  	s3 =	sld [smem:$0x3FDB];
	s0 =	simm.s32 @p2 $0x1  }
0x17: {  	s4 =	simm.s32 $0x1BF5;
	[smem:$0x3FB3] =	sst s0  }
0x18: {  	s0 =	sld [smem:$0x3F96];
	_ =	swait.ge [sflag:s4], $0x0  }
0x19: {  	s7 =	sld [smem:$0x3F97]  }
0x1a: {  	s8 =	sadd.s32 $0xFFFFE003, lr  }
0x1b: {  	s9 =	sadd.s32 $0xFFFFFEF7, lr;
	s5 =	simm.s32 $0xFFFFFFFF;
	p2 =	slt.u32 s8, $0xFFFFF086  }
0x1c: {  	p1 =	slt.u32 s9, $0xF7A;
	s5 =	simm.s32 @!p2 $0x0  }
0x1d: {  	s5 =	simm.s32 @p1 $0x1;
	p0 =	seq.s32 s7, s2  }
0x1e: {  	s7 =	smul.u32 @!p0 $0xF7A, s2;
	p2 =	seq.s32 @!p0 s5, $0x0  }
0x1f: {  	s9 =	smul.u32 $0xF7A, s1;
	s8 =	simm.s32 @!p0 $0x1BF5;
	p2 =	por !p2, p0  }
0x20: {  	[sflag:s8] =	ssyncset.s32 @!p0 $0xFFFFF086;
	s6 =	sadd.s32 @!p0 s3, s7;
	s7 =	simm.s32 @!p0 $0x108  }
0x21: {  	s3 =	sadd.s32 s3, s9;
	s6 =	sadd.s32 @!p0 $0x88, s6;
	s7 =	simm.s32 @p2 $0x1082  }
0x22: {  	[simem:s7], [sflag:s8] =	dma.local @!p0 [hbm:s6], $0xF7A  }
0x23: {  	s9 =	sor.u32 $0xD0000000, s2;
	s6 =	simm.s32 $0x108;
	_ =	swait.ge @!p0 [sflag:s8], $0x0  }
0x24: {  	s3 =	sadd.s32 $0x88, s3;
	s6 =	simm.s32 @!p1 $0x1082;
	[sflag:s4] =	ssyncset.s32 $0xFFFFF086  }
0x25: {  	[simem:s6], [sflag:s4] =	dma.local [hbm:s3], $0xF7A  }
0x26: {  	[smem:$0x3F97] =	sst s1;
	(tag) =	ssettag s2;
	_ =	strace s9  }
0x27: {  	s1 =	sld [smem:$0x3FA7]  }
0x28: {  	s2 =	sld [smem:$0x3FA8]  }
0x29: {  	s4 =	sld [smem:$0x3FAA]  }
0x2a: {  	p0 =	seq.s32 s5, $0x0;
	s5 =	sld [smem:$0x3FAB]  }
0x2b: {  	s6 =	sld [smem:$0x3FAC]  }
0x2c: {  	s7 =	sld [smem:$0x3FAD]  }
0x2d: {  	s3 =	simm.s32 $0x108;
	s8 =	sld [smem:$0x3FAE]  }
0x2e: {  	s3 =	simm.s32 @!p0 $0x1082;
	s9 =	sld [smem:$0x3FAF]  }
0x2f: {  	lr =	sadd.s32 s0, s3;
	s0 =	sld [smem:$0x3FA6]  }
0x30: {  	s3 =	sld [smem:$0x3FA9]  }
0x31: {  	[smem:$0x3FB2] =	sst s10  }
0x32: {  	s10 =	sld [smem:$0x3FB0];
	_ =	sdelay $0x3  }
0x33: {  	p0 =	seq.s32 s10, $0x1;
	s10 =	sld [smem:$0x3FB2];
	_ =	sdelay $0x3  }
0x34: {  	[smem:$0x3FB2] =	sst s10  }
0x35: {  	s10 =	sld [smem:$0x3FB1];
	_ =	sdelay $0x3  }
0x36: {  	p1 =	seq.s32 s10, $0x1;
	s10 =	sld [smem:$0x3FB2];
	_ =	sdelay $0x3  }
0x37: {  	[smem:$0x3FB2] =	sst s10  }
0x38: {  	s10 =	sld [smem:$0x3FB3]  }
0x39: {  	_ = 	snop;
	(pc) =	sbr.ind lr, $3  }
0x3a: {  	_ = 	snop  }
0x3b: {  	_ = 	snop  }
0x3c: {  	p2 =	seq.s32 s10, $0x1;
	s10 =	sld [smem:$0x3FB2]  }
0x3d: {  	_ =	shalt  }
0x3e: {  	_ =	shalt  }
0x3f: {  	_ =	shalt  }
0x40: {  	_ =	shalt  }
0x41: {  	_ =	shalt  }
0x42: {  	_ =	shalt  }
0x43: {  	_ =	shalt  }
0x44: {  	_ =	shalt  }
0x45: {  	_ =	shalt  }
0x46: {  	_ =	shalt  }
0x47: {  	_ =	shalt  }
0x48: {  	_ =	shalt  }
0x49: {  	_ =	shalt  }
0x4a: {  	_ =	shalt  }
0x4b: {  	_ =	shalt  }
0x4c: {  	_ =	shalt  }
0x4d: {  	_ =	shalt  }
0x4e: {  	_ =	shalt  }
0x4f: {  	_ =	shalt  }
0x50: {  	_ =	shalt  }
0x51: {  	_ =	shalt  }
0x52: {  	_ =	shalt  }
0x53: {  	_ =	shalt  }
0x54: {  	_ =	shalt  }
0x55: {  	_ =	shalt  }
0x56: {  	_ =	shalt  }
0x57: {  	_ =	shalt  }
0x58: {  	_ =	shalt  }
0x59: {  	_ =	shalt  }
0x5a: {  	_ =	shalt  }
0x5b: {  	_ =	shalt  }
0x5c: {  	_ =	shalt  }
0x5d: {  	_ =	shalt  }
0x5e: {  	_ =	shalt  }
0x5f: {  	_ =	shalt  }
0x60: {  	_ =	shalt  }
0x61: {  	_ =	shalt  }
0x62: {  	_ =	shalt  }
0x63: {  	_ =	shalt  }
0x64: {  	_ =	shalt  }
0x65: {  	_ =	shalt  }
0x66: {  	_ =	shalt  }
0x67: {  	_ =	shalt  }
0x68: {  	_ =	shalt  }
0x69: {  	_ =	shalt  }
0x6a: {  	_ =	shalt  }
0x6b: {  	_ =	shalt  }
0x6c: {  	_ =	shalt  }
0x6d: {  	_ =	shalt  }
0x6e: {  	_ =	shalt  }
0x6f: {  	_ =	shalt  }
0x70: {  	_ =	shalt  }
0x71: {  	_ =	shalt  }
0x72: {  	_ =	shalt  }
0x73: {  	_ =	shalt  }
0x74: {  	_ =	shalt  }
0x75: {  	_ =	shalt  }
0x76: {  	_ =	shalt  }
0x77: {  	_ =	shalt  }
0x78: {  	_ =	shalt  }
0x79: {  	_ =	shalt  }
0x7a: {  	_ =	shalt  }
0x7b: {  	_ =	shalt  }
0x7c: {  	_ =	shalt  }
0x7d: {  	_ =	shalt  }
0x7e: {  	_ =	shalt  }
0x7f: {  	_ =	shalt  }
0x80: {  	_ =	shalt  }
0x81: {  	_ =	shalt  }
0x82: {  	_ =	shalt  }
0x83: {  	_ =	shalt  }
0x84: {  	_ =	shalt  }
0x85: {  	_ =	shalt  }
0x86: {  	_ =	shalt  }
0x87: {  	_ =	shalt  }
.Lfunc_end0:
.L_simem_size_0:
called_computation.2_lowered:
.L_overlay_start_0:
0x88: {  	s2 =	sld [smem:$0x3FD9]  }
0x89: {  	s3 =	sld [smem:$0x3FFE];
	_ =	sdelay $0x1  }
0x8a: {  	s1 =	srdreg.scid  }
0x8b: {  	s0 =	sand.u32 $0x1, s1  }
0x8c: {  	s15 =	sshll.u32 s0, $0xA;
	s2 =	sadd.s32 s3, s2  }
0x8d: {  	s2 =	sadd.s32 s2, s15  }
0x8e: {  	[smem:$0x3FBE] =	sst s2  }
0x8f: {  	_ = 	snop  }
0x90: {  	s2 =	sld [smem:$0x3FD0];
	_ =	sdelay $0x2  }
0x91: {  	s16 =	simm.s32 $0xB;
	s4 =	simm.s32 $0x10  }
0x92: {  	[smem:s4], [sflag:s16] =	dma.local [hbm:s2], $0x1  }
0x93: {  	_ =	swait.eq [sflag:s16], $0x1  }
0x94: {  	[sflag:s16] =	ssyncset.done $0x0  }
0x95: {  	[sflag:s16] =	ssyncadd.s32 $0xFFFFFFFF  }
0x96: {  	s17 =	sld [smem:$0x12];
	(tm) =	ssettm $0x1  }
0x97: {  	s18 =	sld [smem:$0x3FFB];
	_ =	sdelay $0x3  }
0x98: {  	_ =	strace s18  }
0x99: {  	s2 =	sld [smem:$0x3FFC];
	_ =	sdelay $0x3  }
0x9a: {  	_ =	strace s2  }
0x9b: {  	s2 =	sld [smem:$0x3FFD];
	_ =	sdelay $0x3  }
0x9c: {  	_ =	strace s2  }
0x9d: {  	_ =	strace $0x8FFFFFFF  }
0x9e: {  	s19 =	sld [smem:$0x3FDB];
	_ =	sdelay $0x1  }
0x9f: {  	s20 =	simm.s32 $_scs_section_size  }
0xa0: {  	s5 =	simm.s32 $_size__tile_overlayer_lowered;
	s6 =	simm.s32 $_tile_overlayer_lowered  }
0xa1: {  	s7 =	simm.s32 $0x1BFF;
	s21 =	sshll.u32 s6, $0x1;
	s4 =	sadd.s32 s20, s19  }
0xa2: {  	s22 =	simm.s32 $0x0;
	s5 =	sshll.u32 s5, $0x1;
	s6 =	sadd.s32 s21, s4  }
0xa3: {  	[timem:s22], [sflag:s7] =	dma.local [hbm:s6], s5  }
0xa4: {  	_ =	swait.ge [sflag:s7], s5  }
0xa5: {  	s5 =	ssub.s32 $0x0, s5;
	[sflag:s7] =	ssyncset.done $0x0  }
0xa6: {  	[sflag:s7] =	ssyncadd.s32 s5;
	_ =	sdelay $0x1  }
0xa7: {  	s23 =	simm.s32 $0x1B8B  }
0xa8: {  	_ =	swait.ge [sflag:s23], $0x1  }
0xa9: {  	[sflag:s23] =	ssyncset.done $0x0  }
0xaa: {  	[sflag:s23] =	ssyncadd.s32 $0xFFFFFFFF  }
0xab: {  	s5 =	sld [smem:$0x0]  }
0xac: {  	s6 =	sand.u32 $0xFFFFFFFE, s1  }
0xad: {  	p0 =	sne.s32 s1, s6  }
0xae: {  	s6 =	sshll.u32 @p0 s6, $0xE  }
0xaf: {  	s6 =	sadd.s32 @p0 $0x11B8D, s6;
	s7 =	sshll.u32 @p0 s5, $0x11  }
0xb0: {  	s6 =	sor.u32 @p0 s7, s6  }
0xb1: {  	[sflag:s6] =	ssyncadd.remote.s32 @p0 $0x1;
	_ =	sdelay $0x1  }
0xb2: {  	s6 =	simm.s32 @p0 $0x1B8D  }
0xb3: {  	_ =	swait.eq @p0 [sflag:s6], $0x1  }
0xb4: {  	[sflag:s6] =	ssyncadd.s32 @p0 $0xFFFFFFFF  }
0xb5: {  	s7 =	sshll.u32 @!p0 s1, $0xE  }
0xb6: {  	s7 =	sor.u32 @!p0 $0x4000, s7;
	s6 =	simm.s32 @!p0 $0x1B8D  }
0xb7: {  	s5 =	sshll.u32 @!p0 s5, $0x11;
	s7 =	sadd.s32 @!p0 $0x11B8D, s7;
	_ =	swait.eq @!p0 [sflag:s6], $0x1  }
0xb8: {  	s5 =	sor.u32 @!p0 s5, s7;
	[sflag:s6] =	ssyncadd.s32 @!p0 $0xFFFFFFFF  }
0xb9: {  	s25 =	simm.s32 $0x1B8E;
	s24 =	sld [smem:$0x3FFE];
	[sflag:s5] =	ssyncadd.remote.s32 @!p0 $0x1  }
0xba: {  	s26 =	simm.s32 $execute0_lowered;
	[smem:$0x3FD2] =	sst s25  }
0xbb: {  	s6 =	sshll.u32 s26, $0x1;
	_ =	strace $0x80000049;
	[dreg:$0x1] =	wrdreg $0xFFFFFFFF  }
0xbc: {  	s28 =	simm.s32 $_size_execute0_lowered;
	s4 =	sadd.s32 s4, s6;
	[dreg:$0x0] =	wrdreg $0x0  }
0xbd: {  	s6 =	sshll.u32 s28, $0x1;
	[dreg:$0x2] =	wrdreg s4  }
0xbe: {  	[dreg:$0x3] =	wrdreg s6  }
0xbf: {  	[dreg:$0x4] =	wrdreg $0xC0  }
0xc0: {  	_ =	task [dreg:s22], $0x5FFFF  }
0xc1: {  	[dreg:$0x1] =	wrdreg $0xFFFFFFFF  }
0xc2: {  	[dreg:$0x0] =	wrdreg $0x60  }
0xc3: {  	[dreg:$0x2] =	wrdreg s17  }
0xc4: {  	[dreg:$0x3] =	wrdreg s24  }
0xc5: {  	[dreg:$0x4] =	wrdreg $0xE0000  }
0xc6: {  	[dreg:$0x5] =	wrdreg $0x9  }
0xc7: {  	_ =	task.clear_ibuf [dreg:s22], $0x6FFFF;
	_ =	strace $0x90000049  }
0xc8: {  	s29 =	simm.s32 $0x9;
	_ =	strace $0x8000004B  }
0xc9: {  	_ =	swait.ge [sflag:s29], $0x1  }
0xca: {  	[sflag:s29] =	ssyncadd.s32 $0xFFFFFFFF  }
0xcb: {  	_ =	strace $0x9000004B  }
0xcc: {  	_ =	sfence  }
0xcd: {  	s30 =	sld [smem:$0x0];
	_ =	sdelay $0x2  }
0xce: {  	s31 =	sshll.u32 s1, $0xD;
	s1 =	sshrl.u32 s1, $0x2  }
0xcf: {  	s4 =	sand.u32 $0x4000, s31;
	s1 =	sadd.s32 s1, s30  }
0xd0: {  	s0 =	sor.u32 s4, s0;
	s1 =	sshll.u32 s1, $0x11  }
0xd1: {  	s0 =	sor.u32 s1, s0  }
0xd2: {  	s0 =	sadd.s32 $0x8F2B, s0  }
0xd3: {  	[sflag:s0] =	ssyncadd.remote.s32 $0x1  }
0xd4: {  	_ =	sfence.sel $0xFFFF  }
0xd5: {  	[dreg:$0x0] =	wrdreg $0xFFFFFFFF;
	(pc) =	sbr.abs _section_cstart, $3  }
0xd6: {  	[dreg:$0x1] =	wrdreg $0xFFFFFFFF  }
0xd7: {  	_ =	task.clear_ibuf [dreg:s22], $0x2FFFF;
	_ =	strace $0x9FFFFFFF  }
0xd8: {  	(tm) =	ssettm $0x7FFFFFFF  }
0xd9: {  	_ =	shalt  }
tec
execute0_lowered:
.L_overlay_start_1:
0x0: {  	(tag) =	ssettag $0x1  }
0x1: {  	s0 =	rddreg [dreg:$0x0]  }
0x2: {  	s1 =	rddreg [dreg:$0x1]  }
0x3: {  	s21 =	rddreg [dreg:$0x2]  }
0x4: {  	s2 =	srdreg.scid;
	s3 =	simm.s32 $0x0;
	s8 =	stileid.u32  }
0x5: {  	s23 =	simm.s32 $0x2;
	s22 =	simm.s32 $0xA800;
	s24 =	simm.s32 $0xAC00  }
0x6: {  	s28 =	simm.s32 $0xB800;
	s29 =	simm.s32 $0x0;
	s5 =	smul.u32 $0xA000, s8  }
0x7: {  	s2 =	sand.u32 $0x1, s2;
	[smem:$0x7FF] =	sst s3;
	s7 =	smul.u32 $0xA00, s8  }
0x8: {  	s1 =	sadd.s32 $0x13B000, s1;
	s9 =	sadd.s32 $0x7800, s21;
	s10 =	sadd.s32 $0xA000, s21  }
0x9: {  	s11 =	sadd.s32 $0xC800, s21;
	s12 =	sadd.s32 $0xF000, s21;
	s13 =	sadd.s32 $0x11800, s21  }
0xa: {  	s14 =	sadd.s32 $0x14000, s21;
	s15 =	sadd.s32 $0x16800, s21;
	s16 =	sadd.s32 $0x19000, s21  }
0xb: {  	s17 =	sadd.s32 $0x1B800, s21;
	s18 =	sadd.s32 $0x1E000, s21;
	s19 =	sadd.s32 $0x20800, s21  }
0xc: {  	s20 =	sadd.s32 $0x23000, s21;
	s4 =	ssub.s32 $0x2, s2;
	_ =	strace $0x8000004A  }
0xd: {  	[dreg:$0x4] =	wrdreg s1;
	s31 =	sor.u32 s8, s2;
	s8 =	sadd.s32 $0x5000, s21  }
0xe: {  	p0 =	sne.s32 s2, $0x0;
	s2 =	simm.s32 $0xB000;
	s6 =	sshrl.u32 s4, $0x1  }
.Ltmp0:
0xf: {  	s26 =	sshrl.u32 s5, $0x2;
	s0 =	sadd.s32 s0, s7;
	(pc) =	sbr.rel .LBB2_1-.Ltmp0, $4  }
0x10: {  	s7 =	sadd.s32 $0x2800, s21;
	p1 =	sne.s32 s31, $0x0;
	s25 =	ssub.s32 s4, s6  }
0x11: {  	[dreg:$0x5] =	wrdreg s0;
	s30 =	sadd.s32 s26, s21;
	s21 =	sadd.s32 $0x25800, s21  }
0x12: {  	s6 =	simm.s32 $0xA400;
	[dreg:$0x6] =	wrdreg s30;
	s4 =	smax.u32 s25, $0x1  }
0x13: {  	v0 =	vimm.s32 $0x0;
	v1 =	vimm.s32 $0x1;
	v2 =	vlaneseq.u32;
	s26 =	simm.s32 $0x1;
	s25 =	simm.s32 $0xB400;
	[dreg:$0x7] =	wrdreg s4  }
.LBB2_7:
.Ltmp1:
0x14: {  	(pc) =	sbr.rel @!p1 .LBB2_8-.Ltmp1, $3  }
0x15: {  	_ =	sdelay $0x1  }
0x16: {  	[bflag:$0x0] =	sbarrier.arrive $0xFFFF  }
0x17: {  	s30 =	simm.s32 $0x0  }
.LBB2_15:
0x18: {  	s29 =	sadd.s32 $0x1, s29  }
0x19: {  	p2 =	sne.s32 s29, s4  }
.Ltmp2:
0x1a: {  	_ = 	snop;
	(pc) =	sbr.rel @!p2 .LBB2_16-.Ltmp2, $1  }
0x1b: {  	_ =	sdelay $0x3  }
.LBB2_1:
.Ltmp3:
0x1c: {  	(pc) =	sbr.rel @p0 .LBB2_7-.Ltmp3, $1  }
0x1d: {  	_ =	sdelay $0x3  }
0x1e: {  	s0 =	sshra.s32 s3, $0x2;
	s1 =	sadd.s32 $0x200, s3  }
.LBB2_3:
0x1f: {  	p2 =	sne.s32 s1, $0x9E00;
	[tilespmem:s0+$0x70] =	vst v0  }
0x20: {  	[tilespmem:s0+$0x0] =	vst v0  }
0x21: {  	[tilespmem:s0+$0x10] =	vst v0  }
.Ltmp4:
0x22: {  	[tilespmem:s0+$0x20] =	vst v0;
	(pc) =	sbr.rel @p2 .LBB2_3-.Ltmp4, $4  }
0x23: {  	[tilespmem:s0+$0x30] =	vst v0  }
0x24: {  	[tilespmem:s0+$0x40] =	vst v0  }
0x25: {  	[tilespmem:s0+$0x50] =	vst v0  }
0x26: {  	[tilespmem:s0+$0x60] =	vst v0;
	s0 =	sshra.s32 s1, $0x2;
	s1 =	sadd.s32 $0x200, s1  }
0x27: {  	[tilespmem:s0+$0x70] =	vst v0  }
0x28: {  	[tilespmem:s0+$0x0] =	vst v0  }
0x29: {  	[tilespmem:s0+$0x10] =	vst v0  }
0x2a: {  	[tilespmem:s0+$0x20] =	vst v0  }
0x2b: {  	[tilespmem:s0+$0x30] =	vst v0  }
0x2c: {  	[tilespmem:s0+$0x40] =	vst v0  }
0x2d: {  	[tilespmem:s0+$0x50] =	vst v0  }
0x2e: {  	[tilespmem:s0+$0x60] =	vst v0;
	s0 =	simm.s32 $0x0;
	s1 =	rddreg [dreg:$0x5];
	s5 =	simm.s32 $0x2800  }
0x2f: {  	[tilespmem:s5], [sflag:$0x2] =	stream.linear.gather [hbm4b:s1+s0], $0x5000, $0x38;
	[tilespmem:$0x10800] =	vst v63  }
0x30: {  	_ =	swait.ge [sflag:s23], $0x5000  }
0x31: {  	[sflag:s23] =	ssyncset.done $0x0  }
0x32: {  	[sflag:s23] =	ssyncadd.s32 $0xFFFFB000  }
.LBB2_5:
0x33: {  	s1 =	sshra.s32 s0, $0x2  }
0x34: {  	v3 =	vld [tilespmem:s1+$0x2800];
	_ =	sdelay $0x7  }
0x35: {  	[tilespmem:v3+s3+$0x0] =	vst.idx.msk $0xffff, v1  }
0x36: {  	v3 =	vld [tilespmem:s1+$0x2810];
	_ =	sdelay $0x7  }
0x37: {  	[tilespmem:v3+s3+$0x0] =	vst.idx.msk $0xffff, v1  }
0x38: {  	v3 =	vld [tilespmem:s1+$0x2820];
	_ =	sdelay $0x7  }
0x39: {  	[tilespmem:v3+s3+$0x0] =	vst.idx.msk $0xffff, v1  }
0x3a: {  	v3 =	vld [tilespmem:s1+$0x2830];
	_ =	sdelay $0x7  }
0x3b: {  	[tilespmem:v3+s3+$0x0] =	vst.idx.msk $0xffff, v1  }
0x3c: {  	v3 =	vld [tilespmem:s1+$0x2840];
	_ =	sdelay $0x7  }
0x3d: {  	[tilespmem:v3+s3+$0x0] =	vst.idx.msk $0xffff, v1  }
0x3e: {  	v3 =	vld [tilespmem:s1+$0x2850];
	_ =	sdelay $0x7  }
0x3f: {  	[tilespmem:v3+s3+$0x0] =	vst.idx.msk $0xffff, v1  }
0x40: {  	v3 =	vld [tilespmem:s1+$0x2860];
	_ =	sdelay $0x7  }
0x41: {  	[tilespmem:v3+s3+$0x0] =	vst.idx.msk $0xffff, v1  }
0x42: {  	v3 =	vld [tilespmem:s1+$0x2870];
	_ =	sdelay $0x2  }
0x43: {  	p2 =	sne.s32 s0, $0x13E00  }
.Ltmp5:
0x44: {  	_ = 	snop;
	(pc) =	sbr.rel @p2 .LBB2_5-.Ltmp5, $2  }
0x45: {  	_ =	sdelay $0x2  }
0x46: {  	s0 =	sadd.s32 $0x200, s0;
	[tilespmem:v3+s3+$0x0] =	vst.idx.msk $0xffff, v1  }
.Ltmp6:
0x47: {  	s0 =	rddreg [dreg:$0x6];
	(pc) =	sbr.rel .LBB2_7-.Ltmp6, $4  }
0x48: {  	[spmem:s0] =	stream.linear.scatter [tilespmem:s3], [sflag:$0x2], $0x2800, $0x38;
	[tilespmem:$0x10800] =	vst v63  }
0x49: {  	_ =	swait.ge [sflag:s23], $0x2800  }
0x4a: {  	[sflag:s23] =	ssyncset.done $0x0  }
0x4b: {  	[sflag:s23] =	ssyncadd.s32 $0xFFFFD800  }
.LBB2_8:
0x4c: {  	s0 =	sshra.s32 s30, $0x2;
	s1 =	sadd.s32 $0x200, s30  }
.LBB2_9:
0x4d: {  	p2 =	sne.s32 s1, $0x9E00;
	[tilespmem:s0+$0xB870] =	vst v0  }
0x4e: {  	[tilespmem:s0+$0xB800] =	vst v0  }
0x4f: {  	[tilespmem:s0+$0xB810] =	vst v0  }
.Ltmp7:
0x50: {  	[tilespmem:s0+$0xB820] =	vst v0;
	(pc) =	sbr.rel @p2 .LBB2_9-.Ltmp7, $4  }
0x51: {  	[tilespmem:s0+$0xB830] =	vst v0  }
0x52: {  	[tilespmem:s0+$0xB840] =	vst v0  }
0x53: {  	[tilespmem:s0+$0xB850] =	vst v0  }
0x54: {  	[tilespmem:s0+$0xB860] =	vst v0;
	s0 =	sshra.s32 s1, $0x2;
	s1 =	sadd.s32 $0x200, s1  }
0x55: {  	[tilespmem:s0+$0xB870] =	vst v0  }
0x56: {  	[tilespmem:s0+$0xB800] =	vst v0  }
0x57: {  	[tilespmem:s0+$0xB810] =	vst v0  }
0x58: {  	[tilespmem:s0+$0xB820] =	vst v0  }
0x59: {  	[tilespmem:s0+$0xB830] =	vst v0  }
0x5a: {  	[tilespmem:s0+$0xB840] =	vst v0  }
0x5b: {  	[tilespmem:s0+$0xB850] =	vst v0  }
0x5c: {  	[tilespmem:s0+$0xB860] =	vst v0;
	s0 =	simm.s32 $0x0;
	s31 =	simm.s32 $0x0  }
.LBB2_11:
0x5d: {  	s1 =	sshll.u32 s31, $0xA;
	s4 =	rddreg [dreg:$0x2]  }
0x5e: {  	s5 =	simm.s32 $0x7800;
	s4 =	sadd.s32 s1, s4  }
0x5f: {  	[tilespmem:s5], [sflag:$0x1] =	stream.linear.gather [spmem:s4], $0x400, $0x38;
	[tilespmem:$0x10800] =	vst v63  }
0x60: {  	s23 =	simm.s32 $0x7C00;
	s5 =	sadd.s32 s1, s7  }
0x61: {  	[tilespmem:s23], [sflag:$0x1] =	stream.linear.gather [spmem:s5], $0x400, $0x38;
	[tilespmem:$0x10800] =	vst v63  }
0x62: {  	s5 =	sadd.s32 s1, s8;
	s23 =	simm.s32 $0x8000  }
0x63: {  	[tilespmem:s23], [sflag:$0x1] =	stream.linear.gather [spmem:s5], $0x400, $0x38;
	[tilespmem:$0x10800] =	vst v63  }
0x64: {  	s5 =	sadd.s32 s1, s9;
	s23 =	simm.s32 $0x8400  }
0x65: {  	[tilespmem:s23], [sflag:$0x1] =	stream.linear.gather [spmem:s5], $0x400, $0x38;
	[tilespmem:$0x10800] =	vst v63  }
0x66: {  	s5 =	sadd.s32 s1, s10;
	s23 =	simm.s32 $0x8800  }
0x67: {  	[tilespmem:s23], [sflag:$0x1] =	stream.linear.gather [spmem:s5], $0x400, $0x38;
	[tilespmem:$0x10800] =	vst v63  }
0x68: {  	s5 =	sadd.s32 s1, s11;
	s23 =	simm.s32 $0x8C00  }
0x69: {  	[tilespmem:s23], [sflag:$0x1] =	stream.linear.gather [spmem:s5], $0x400, $0x38;
	[tilespmem:$0x10800] =	vst v63  }
0x6a: {  	s5 =	sadd.s32 s1, s12;
	s23 =	simm.s32 $0x9000  }
0x6b: {  	[tilespmem:s23], [sflag:$0x1] =	stream.linear.gather [spmem:s5], $0x400, $0x38;
	[tilespmem:$0x10800] =	vst v63  }
0x6c: {  	s5 =	sadd.s32 s1, s13;
	s23 =	simm.s32 $0x9400  }
0x6d: {  	[tilespmem:s23], [sflag:$0x1] =	stream.linear.gather [spmem:s5], $0x400, $0x38;
	[tilespmem:$0x10800] =	vst v63  }
0x6e: {  	s5 =	sadd.s32 s1, s14;
	s23 =	simm.s32 $0x9800  }
0x6f: {  	[tilespmem:s23], [sflag:$0x1] =	stream.linear.gather [spmem:s5], $0x400, $0x38;
	[tilespmem:$0x10800] =	vst v63  }
0x70: {  	s5 =	sadd.s32 s1, s15;
	s23 =	simm.s32 $0x9C00  }
0x71: {  	[tilespmem:s23], [sflag:$0x1] =	stream.linear.gather [spmem:s5], $0x400, $0x38;
	[tilespmem:$0x10800] =	vst v63  }
0x72: {  	s5 =	sadd.s32 s1, s16;
	s23 =	simm.s32 $0xA000  }
0x73: {  	[tilespmem:s23], [sflag:$0x1] =	stream.linear.gather [spmem:s5], $0x400, $0x38;
	[tilespmem:$0x10800] =	vst v63  }
0x74: {  	s5 =	sadd.s32 s1, s17  }
0x75: {  	[tilespmem:s6], [sflag:$0x1] =	stream.linear.gather [spmem:s5], $0x400, $0x38;
	[tilespmem:$0x10800] =	vst v63  }
0x76: {  	s23 =	sadd.s32 s1, s18  }
0x77: {  	[tilespmem:s22], [sflag:$0x1] =	stream.linear.gather [spmem:s23], $0x400, $0x38;
	[tilespmem:$0x10800] =	vst v63  }
0x78: {  	s5 =	sadd.s32 s1, s19  }
0x79: {  	[tilespmem:s24], [sflag:$0x1] =	stream.linear.gather [spmem:s5], $0x400, $0x38;
	[tilespmem:$0x10800] =	vst v63  }
0x7a: {  	s23 =	sadd.s32 s1, s20  }
0x7b: {  	[tilespmem:s2], [sflag:$0x1] =	stream.linear.gather [spmem:s23], $0x400, $0x38;
	[tilespmem:$0x10800] =	vst v63  }
0x7c: {  	s1 =	sadd.s32 s1, s21  }
0x7d: {  	[tilespmem:s25], [sflag:$0x1] =	stream.linear.gather [spmem:s1], $0x400, $0x38;
	[tilespmem:$0x10800] =	vst v63  }
0x7e: {  	_ =	swait.ge [sflag:s26], $0x400  }
0x7f: {  	[sflag:s26] =	ssyncset.done $0x0  }
0x80: {  	[sflag:s26] =	ssyncadd.s32 $0xFFFFFC00  }
0x81: {  	_ =	swait.ge [sflag:s26], $0x400  }
0x82: {  	[sflag:s26] =	ssyncset.done $0x0  }
0x83: {  	[sflag:s26] =	ssyncadd.s32 $0xFFFFFC00  }
0x84: {  	_ =	swait.ge [sflag:s26], $0x400  }
0x85: {  	[sflag:s26] =	ssyncset.done $0x0  }
0x86: {  	[sflag:s26] =	ssyncadd.s32 $0xFFFFFC00  }
0x87: {  	_ =	swait.ge [sflag:s26], $0x400  }
0x88: {  	[sflag:s26] =	ssyncset.done $0x0  }
0x89: {  	[sflag:s26] =	ssyncadd.s32 $0xFFFFFC00  }
0x8a: {  	_ =	swait.ge [sflag:s26], $0x400  }
0x8b: {  	[sflag:s26] =	ssyncset.done $0x0  }
0x8c: {  	[sflag:s26] =	ssyncadd.s32 $0xFFFFFC00  }
0x8d: {  	_ =	swait.ge [sflag:s26], $0x400  }
0x8e: {  	[sflag:s26] =	ssyncset.done $0x0  }
0x8f: {  	[sflag:s26] =	ssyncadd.s32 $0xFFFFFC00  }
0x90: {  	_ =	swait.ge [sflag:s26], $0x400  }
0x91: {  	[sflag:s26] =	ssyncset.done $0x0  }
0x92: {  	[sflag:s26] =	ssyncadd.s32 $0xFFFFFC00  }
0x93: {  	_ =	swait.ge [sflag:s26], $0x400  }
0x94: {  	[sflag:s26] =	ssyncset.done $0x0  }
0x95: {  	[sflag:s26] =	ssyncadd.s32 $0xFFFFFC00  }
0x96: {  	_ =	swait.ge [sflag:s26], $0x400  }
0x97: {  	[sflag:s26] =	ssyncset.done $0x0  }
0x98: {  	[sflag:s26] =	ssyncadd.s32 $0xFFFFFC00  }
0x99: {  	_ =	swait.ge [sflag:s26], $0x400  }
0x9a: {  	[sflag:s26] =	ssyncset.done $0x0  }
0x9b: {  	[sflag:s26] =	ssyncadd.s32 $0xFFFFFC00  }
0x9c: {  	_ =	swait.ge [sflag:s26], $0x400  }
0x9d: {  	[sflag:s26] =	ssyncset.done $0x0  }
0x9e: {  	[sflag:s26] =	ssyncadd.s32 $0xFFFFFC00  }
0x9f: {  	_ =	swait.ge [sflag:s26], $0x400  }
0xa0: {  	[sflag:s26] =	ssyncset.done $0x0  }
0xa1: {  	[sflag:s26] =	ssyncadd.s32 $0xFFFFFC00  }
0xa2: {  	_ =	swait.ge [sflag:s26], $0x400  }
0xa3: {  	[sflag:s26] =	ssyncset.done $0x0  }
0xa4: {  	[sflag:s26] =	ssyncadd.s32 $0xFFFFFC00  }
0xa5: {  	_ =	swait.ge [sflag:s26], $0x400  }
0xa6: {  	[sflag:s26] =	ssyncset.done $0x0  }
0xa7: {  	[sflag:s26] =	ssyncadd.s32 $0xFFFFFC00  }
0xa8: {  	_ =	swait.ge [sflag:s26], $0x400  }
0xa9: {  	[sflag:s26] =	ssyncset.done $0x0  }
0xaa: {  	[sflag:s26] =	ssyncadd.s32 $0xFFFFFC00  }
0xab: {  	_ =	swait.ge [sflag:s26], $0x400  }
0xac: {  	s5 =	simm.s32 $0x0;
	[sflag:s26] =	ssyncset.done $0x0  }
0xad: {  	s1 =	sand.u32 $0x3F0, s5;
	[sflag:s26] =	ssyncadd.s32 $0xFFFFFC00  }
0xae: {  	v3 =	vld [tilespmem:s1+$0x7C00]  }
0xaf: {  	v4 =	vld [tilespmem:s1+$0x7800]  }
0xb0: {  	v5 =	vld [tilespmem:s1+$0x8000]  }
0xb1: {  	v6 =	vld [tilespmem:s1+$0x8400]  }
0xb2: {  	v7 =	vld [tilespmem:s1+$0x8800]  }
0xb3: {  	v8 =	vld [tilespmem:s1+$0x8C00]  }
0xb4: {  	v3 =	vor.u32 v4, v3;
	v4 =	vld [tilespmem:s1+$0x9000]  }
0xb5: {  	v3 =	vor.u32 v5, v3;
	v5 =	vld [tilespmem:s1+$0x9400]  }
0xb6: {  	v58 =	vld [tilespmem:s1+$0x9800];
	v3 =	vor.u32 v6, v3  }
0xb7: {  	v59 =	vld [tilespmem:s1+$0x9C00];
	v3 =	vor.u32 v7, v3  }
0xb8: {  	v60 =	vld [tilespmem:s1+$0xA000];
	v3 =	vor.u32 v8, v3  }
0xb9: {  	v3 =	vor.u32 v4, v3;
	v4 =	vld [tilespmem:s1+$0xA400]  }
0xba: {  	v3 =	vor.u32 v5, v3;
	v5 =	vld [tilespmem:s1+$0xA800]  }
0xbb: {  	v61 =	vld [tilespmem:s1+$0xAC00];
	v3 =	vor.u32 v58, v3  }
0xbc: {  	v62 =	vld [tilespmem:s1+$0xB000];
	v3 =	vor.u32 v59, v3  }
0xbd: {  	v63 =	vld [tilespmem:s1+$0xB400];
	v3 =	vor.u32 v60, v3  }
0xbe: {  	v3 =	vor.u32 v4, v3  }
0xbf: {  	v3 =	vor.u32 v5, v3  }
0xc0: {  	v3 =	vor.u32 v61, v3  }
0xc1: {  	s23 =	sadd.s32 $0x0, s30;
	v3 =	vor.u32 v62, v3  }
0xc2: {  	v4 =	vmov s23;
	v3 =	vor.u32 v63, v3  }
0xc3: {  	vm1 =	vlt.u32 v4, $0x2710;
	vm0 =	vgt.s32 v3, $0x0  }
0xc4: {  	vm0 =	vmand vm1, vm0  }
0xc5: {  	v3 =	vsel vm0, $0x1, v0  }
0xc6: {  	(xrf0) =	vadd.scan.msk.s32 $0xffff, v3;
	_ =	sdelay $0x2  }
0xc7: {  	v3 =	vmov s0  }
0xc8: {  	v3 =	vadd.s32 $0xFFFFFFFF, v3  }
0xc9: {  	v3 =	vbroadcast v3, $0x0  }
0xca: {  	v4, _, _ =	vpop (xrf0)  }
0xcb: {  	v3 =	vadd.s32 v4, v3;
	(v2sf) =	vpush v4, $0xF;
	_ =	sdelay $0x3  }
0xcc: {  	s1 =	simm.s32 $0x10;
	v5 =	vor.u32 s23, v2  }
0xcd: {  	s4 =	sand.u32 $0x3F0, s1;
	[tilespmem:v3+s28+$0x0] =	vst.idx.msk vm0, v5  }
0xce: {  	s23 =	simm.s32 $0x20;
	v3 =	vld [tilespmem:s4+$0x7C00]  }
.LBB2_12:
0xcf: {  	p2 =	sne.s32 s23, $0x3F0;
	v4 =	vld [tilespmem:s4+$0x7800]  }
0xd0: {  	v5 =	vld [tilespmem:s4+$0x8000]  }
0xd1: {  	v6 =	vld [tilespmem:s4+$0x8400]  }
0xd2: {  	v7 =	vld [tilespmem:s4+$0x8800]  }
0xd3: {  	v8 =	vld [tilespmem:s4+$0x8C00]  }
0xd4: {  	v3 =	vor.u32 v4, v3;
	v4 =	vld [tilespmem:s4+$0x9000]  }
0xd5: {  	v3 =	vor.u32 v5, v3;
	v5 =	vld [tilespmem:s4+$0x9400]  }
0xd6: {  	v3 =	vor.u32 v6, v3;
	v6 =	vld [tilespmem:s4+$0x9800]  }
0xd7: {  	v3 =	vor.u32 v7, v3;
	v7 =	vld [tilespmem:s4+$0x9C00];
	s5 =	spop (v2sf)  }
0xd8: {  	v3 =	vor.u32 v8, v3;
	v8 =	vld [tilespmem:s4+$0xA000];
	s0 =	sadd.s32 s0, s5  }
0xd9: {  	v3 =	vor.u32 v4, v3;
	v4 =	vld [tilespmem:s4+$0xA400];
	v9 =	vmov s0  }
0xda: {  	v3 =	vor.u32 v5, v3;
	v5 =	vld [tilespmem:s4+$0xA800];
	v9 =	vadd.s32 $0xFFFFFFFF, v9  }
0xdb: {  	v3 =	vor.u32 v6, v3;
	v6 =	vld [tilespmem:s4+$0xAC00];
	v9 =	vbroadcast v9, $0x0  }
0xdc: {  	v3 =	vor.u32 v7, v3;
	v7 =	vld [tilespmem:s4+$0xB000]  }
0xdd: {  	v3 =	vor.u32 v8, v3;
	v8 =	vld [tilespmem:s4+$0xB400]  }
0xde: {  	v3 =	vor.u32 v4, v3  }
0xdf: {  	v3 =	vor.u32 v5, v3  }
0xe0: {  	v3 =	vor.u32 v6, v3  }
0xe1: {  	s4 =	sadd.s32 s1, s30;
	s1 =	smov.u32 s23;
	v3 =	vor.u32 v7, v3  }
0xe2: {  	v4 =	vmov s4;
	v3 =	vor.u32 v8, v3  }
0xe3: {  	vm1 =	vlt.u32 v4, $0x2710;
	vm0 =	vgt.s32 v3, $0x0  }
0xe4: {  	vm0 =	vmand vm1, vm0  }
0xe5: {  	v3 =	vsel vm0, $0x1, v0  }
0xe6: {  	(xrf0) =	vadd.scan.msk.s32 $0xffff, v3;
	_ =	sdelay $0x5  }
0xe7: {  	v3, _, _ =	vpop (xrf0)  }
0xe8: {  	v4 =	vadd.s32 v3, v9;
	(v2sf) =	vpush v3, $0xF;
	_ =	sdelay $0x1  }
.Ltmp8:
0xe9: {  	(pc) =	sbr.rel @p2 .LBB2_12-.Ltmp8, $4  }
0xea: {  	_ = 	snop  }
0xeb: {  	v3 =	vor.u32 s4, v2  }
0xec: {  	s4 =	sand.u32 $0x3F0, s23;
	[tilespmem:v4+s28+$0x0] =	vst.idx.msk vm0, v3  }
0xed: {  	s23 =	sadd.s32 $0x10, s23;
	v3 =	vld [tilespmem:s4+$0x7C00]  }
0xee: {  	v4 =	vld [tilespmem:s4+$0x7800]  }
0xef: {  	v5 =	vld [tilespmem:s4+$0x8000]  }
0xf0: {  	v6 =	vld [tilespmem:s4+$0x8400]  }
0xf1: {  	v7 =	vld [tilespmem:s4+$0x8800]  }
0xf2: {  	v8 =	vld [tilespmem:s4+$0x8C00]  }
0xf3: {  	v51 =	vld [tilespmem:s4+$0x9000];
	v3 =	vor.u32 v4, v3  }
0xf4: {  	v52 =	vld [tilespmem:s4+$0x9400];
	v3 =	vor.u32 v5, v3  }
0xf5: {  	v53 =	vld [tilespmem:s4+$0x9800];
	v3 =	vor.u32 v6, v3  }
0xf6: {  	v54 =	vld [tilespmem:s4+$0x9C00];
	v3 =	vor.u32 v7, v3  }
0xf7: {  	v55 =	vld [tilespmem:s4+$0xA000];
	v3 =	vor.u32 v8, v3  }
0xf8: {  	v56 =	vld [tilespmem:s4+$0xA400];
	v3 =	vor.u32 v51, v3  }
0xf9: {  	v57 =	vld [tilespmem:s4+$0xA800];
	v3 =	vor.u32 v52, v3  }
0xfa: {  	v58 =	vld [tilespmem:s4+$0xAC00];
	v3 =	vor.u32 v53, v3  }
0xfb: {  	v59 =	vld [tilespmem:s4+$0xB000];
	v3 =	vor.u32 v54, v3  }
0xfc: {  	v60 =	vld [tilespmem:s4+$0xB400];
	v3 =	vor.u32 v55, v3  }
0xfd: {  	v3 =	vor.u32 v56, v3  }
0xfe: {  	v3 =	vor.u32 v57, v3  }
0xff: {  	v3 =	vor.u32 v58, v3  }
0x100: {  	s1 =	sadd.s32 s1, s30;
	v3 =	vor.u32 v59, v3  }
0x101: {  	v61 =	vmov s1;
	v3 =	vor.u32 v60, v3  }
0x102: {  	vm1 =	vlt.u32 v61, $0x2710;
	vm0 =	vgt.s32 v3, $0x0  }
0x103: {  	vm0 =	vmand vm1, vm0  }
0x104: {  	v3 =	vsel vm0, $0x1, v0  }
0x105: {  	(xrf0) =	vadd.scan.msk.s32 $0xffff, v3;
	_ =	sdelay $0x5  }
0x106: {  	v3, _, _ =	vpop (xrf0)  }
0x107: {  	(v2sf) =	vpush v3, $0xF;
	_ =	sdelay $0x4  }
0x108: {  	s5 =	spop (v2sf)  }
0x109: {  	s0 =	sadd.s32 s0, s5  }
0x10a: {  	v62 =	vmov s0  }
0x10b: {  	v4 =	vadd.s32 $0xFFFFFFFF, v62  }
0x10c: {  	v4 =	vbroadcast v4, $0x0  }
0x10d: {  	s31 =	sadd.s32 $0x1, s31  }
0x10e: {  	p2 =	sne.s32 s31, $0xA;
	v3 =	vadd.s32 v3, v4  }
.Ltmp9:
0x10f: {  	_ = 	snop;
	(pc) =	sbr.rel @p2 .LBB2_11-.Ltmp9, $3  }
0x110: {  	_ =	sdelay $0x1  }
0x111: {  	v63 =	vor.u32 s1, v2;
	s23 =	spop (v2sf)  }
0x112: {  	s30 =	sadd.s32 $0x400, s30;
	[tilespmem:v3+s28+$0x0] =	vst.idx.msk vm0, v63;
	s0 =	sadd.s32 s0, s23  }
.Ltmp10:
0x113: {  	s0 =	rddreg [dreg:$0x4];
	s23 =	simm.s32 $0x2;
	(pc) =	sbr.rel .LBB2_15-.Ltmp10, $4  }
0x114: {  	[hbm4b:s0+s3] =	stream.linear.scatter [tilespmem:s28], [sflag:$0x2], $0x2800, $0x38;
	[tilespmem:$0x10800] =	vst v63  }
0x115: {  	_ =	swait.ge [sflag:s23], $0x2800  }
0x116: {  	[sflag:s23] =	ssyncset.done $0x0  }
0x117: {  	s4 =	rddreg [dreg:$0x7];
	[sflag:s23] =	ssyncadd.s32 $0xFFFFD800  }
.LBB2_16:
0x118: {  	_ =	sfence.sel $0x180000  }
0x119: {  	[bflag:$0x0] =	sbarrier.arrive $0xFFFF  }
0x11a: {  	_ =	strace $0x9000004A  }
0x11b: {  	s0 =	stileid.u32;
	[bflag:$0x2] =	sbarrier.arrive $0xFFFF  }
0x11c: {  	p0 =	sne.s32 s0, $0x0;
	s0 =	rddreg [dreg:$0x3]  }
0x11d: {  	s0 =	sadd.s32 @!p0 $0x100000, s0  }
0x11e: {  	[sflag:s0] =	ssyncadd.tile.s32 @!p0 $0x1;
	_ =	shalt  }
.Lfunc_end2:
_tile_overlayer_lowered:
.L_overlay_start_2:
0x11f: {  	(tag) =	ssettag $0x2  }
0x120: {  	s0 =	rddreg [dreg:$0x0];
	s2 =	stileid.u32  }
0x121: {  	s1 =	rddreg [dreg:$0x1];
	p0 =	sne.s32 s2, $0x0  }
0x122: {  	s3 =	rddreg [dreg:$0x2];
	[bflag:$0x3] =	sbarrier.arrive $0xFFFF;
	s2 =	simm.s32 @!p0 $0x1C02  }
0x123: {  	[timem:s3], [sflag:s2] =	dma.local @!p0 [hbm:s0], s1  }
0x124: {  	s0 =	simm.s32 @!p0 $0x2  }
0x125: {  	_ =	swait.ge @!p0 [sflag:s0], s1  }
0x126: {  	s1 =	ssub.s32 @!p0 $0x0, s1;
	[sflag:s0] =	ssyncset.done @!p0 $0x0  }
0x127: {  	[sflag:s0] =	ssyncadd.s32 @!p0 s1  }
0x128: {  	[bflag:$0x3] =	sbarrier.arrive $0xFFFF  }
0x129: {  	_ =	shalt  }

// kernel: kernel.16.cloned.1.call-start
scs
__scs_entry_jumppad:
0x0: {  	(pc) =	sbr.rel $0x88, $3  }
0x1: {  	(tag) =	ssettag $0x0;
	lr =	simm.s32 $0x1  }
0x2: {  	[smem:$0x3F97] =	sst lr;
	_ =	strace $0xD0000000  }
0x3: {  	_ = 	snop  }
0x4: {  	_ = 	snop  }
0x5: {  	_ = 	snop  }
0x6: {  	_ = 	snop  }
0x7: {  	_ = 	snop  }
__scs_overlays_trampoline_lowered:
0x8: {  	[smem:$0x3FA6] =	sst s0  }
0x9: {  	[smem:$0x3FA7] =	sst s1  }
0xa: {  	[smem:$0x3FA8] =	sst s2  }
0xb: {  	[smem:$0x3FA9] =	sst s3  }
0xc: {  	[smem:$0x3FAA] =	sst s4  }
0xd: {  	[smem:$0x3FAB] =	sst s5  }
0xe: {  	[smem:$0x3FAC] =	sst s6  }
0xf: {  	[smem:$0x3FAD] =	sst s7  }
0x10: {  	[smem:$0x3FAE] =	sst s8  }
0x11: {  	[smem:$0x3FAF] =	sst s9;
	s0 =	simm.s32 @!p0 $0x0  }
0x12: {  	s1 =	sld [smem:$0x3F95];
	s0 =	simm.s32 @p0 $0x1  }
0x13: {  	[smem:$0x3FB0] =	sst s0;
	s0 =	simm.s32 @!p1 $0x0  }
0x14: {  	s2 =	sld [smem:$0x3F94];
	s0 =	simm.s32 @p1 $0x1  }
0x15: {  	[smem:$0x3FB1] =	sst s0;
	s0 =	simm.s32 @!p2 $0x0  }
0x16: {  	s3 =	sld [smem:$0x3FDB];
	s0 =	simm.s32 @p2 $0x1  }
0x17: {  	s4 =	simm.s32 $0x1BF5;
	[smem:$0x3FB3] =	sst s0  }
0x18: {  	s0 =	sld [smem:$0x3F96];
	_ =	swait.ge [sflag:s4], $0x0  }
0x19: {  	s7 =	sld [smem:$0x3F97]  }
0x1a: {  	s8 =	sadd.s32 $0xFFFFE003, lr  }
0x1b: {  	s9 =	sadd.s32 $0xFFFFFEF7, lr;
	s5 =	simm.s32 $0xFFFFFFFF;
	p2 =	slt.u32 s8, $0xFFFFF086  }
0x1c: {  	p1 =	slt.u32 s9, $0xF7A;
	s5 =	simm.s32 @!p2 $0x0  }
0x1d: {  	s5 =	simm.s32 @p1 $0x1;
	p0 =	seq.s32 s7, s2  }
0x1e: {  	s7 =	smul.u32 @!p0 $0xF7A, s2;
	p2 =	seq.s32 @!p0 s5, $0x0  }
0x1f: {  	s9 =	smul.u32 $0xF7A, s1;
	s8 =	simm.s32 @!p0 $0x1BF5;
	p2 =	por !p2, p0  }
0x20: {  	[sflag:s8] =	ssyncset.s32 @!p0 $0xFFFFF086;
	s6 =	sadd.s32 @!p0 s3, s7;
	s7 =	simm.s32 @!p0 $0x108  }
0x21: {  	s3 =	sadd.s32 s3, s9;
	s6 =	sadd.s32 @!p0 $0x88, s6;
	s7 =	simm.s32 @p2 $0x1082  }
0x22: {  	[simem:s7], [sflag:s8] =	dma.local @!p0 [hbm:s6], $0xF7A  }
0x23: {  	s9 =	sor.u32 $0xD0000000, s2;
	s6 =	simm.s32 $0x108;
	_ =	swait.ge @!p0 [sflag:s8], $0x0  }
0x24: {  	s3 =	sadd.s32 $0x88, s3;
	s6 =	simm.s32 @!p1 $0x1082;
	[sflag:s4] =	ssyncset.s32 $0xFFFFF086  }
0x25: {  	[simem:s6], [sflag:s4] =	dma.local [hbm:s3], $0xF7A  }
0x26: {  	[smem:$0x3F97] =	sst s1;
	(tag) =	ssettag s2;
	_ =	strace s9  }
0x27: {  	s1 =	sld [smem:$0x3FA7]  }
0x28: {  	s2 =	sld [smem:$0x3FA8]  }
0x29: {  	s4 =	sld [smem:$0x3FAA]  }
0x2a: {  	p0 =	seq.s32 s5, $0x0;
	s5 =	sld [smem:$0x3FAB]  }
0x2b: {  	s6 =	sld [smem:$0x3FAC]  }
0x2c: {  	s7 =	sld [smem:$0x3FAD]  }
0x2d: {  	s3 =	simm.s32 $0x108;
	s8 =	sld [smem:$0x3FAE]  }
0x2e: {  	s3 =	simm.s32 @!p0 $0x1082;
	s9 =	sld [smem:$0x3FAF]  }
0x2f: {  	lr =	sadd.s32 s0, s3;
	s0 =	sld [smem:$0x3FA6]  }
0x30: {  	s3 =	sld [smem:$0x3FA9]  }
0x31: {  	[smem:$0x3FB2] =	sst s10  }
0x32: {  	s10 =	sld [smem:$0x3FB0];
	_ =	sdelay $0x3  }
0x33: {  	p0 =	seq.s32 s10, $0x1;
	s10 =	sld [smem:$0x3FB2];
	_ =	sdelay $0x3  }
0x34: {  	[smem:$0x3FB2] =	sst s10  }
0x35: {  	s10 =	sld [smem:$0x3FB1];
	_ =	sdelay $0x3  }
0x36: {  	p1 =	seq.s32 s10, $0x1;
	s10 =	sld [smem:$0x3FB2];
	_ =	sdelay $0x3  }
0x37: {  	[smem:$0x3FB2] =	sst s10  }
0x38: {  	s10 =	sld [smem:$0x3FB3]  }
0x39: {  	_ = 	snop;
	(pc) =	sbr.ind lr, $3  }
0x3a: {  	_ = 	snop  }
0x3b: {  	_ = 	snop  }
0x3c: {  	p2 =	seq.s32 s10, $0x1;
	s10 =	sld [smem:$0x3FB2]  }
0x3d: {  	_ =	shalt  }
0x3e: {  	_ =	shalt  }
0x3f: {  	_ =	shalt  }
0x40: {  	_ =	shalt  }
0x41: {  	_ =	shalt  }
0x42: {  	_ =	shalt  }
0x43: {  	_ =	shalt  }
0x44: {  	_ =	shalt  }
0x45: {  	_ =	shalt  }
0x46: {  	_ =	shalt  }
0x47: {  	_ =	shalt  }
0x48: {  	_ =	shalt  }
0x49: {  	_ =	shalt  }
0x4a: {  	_ =	shalt  }
0x4b: {  	_ =	shalt  }
0x4c: {  	_ =	shalt  }
0x4d: {  	_ =	shalt  }
0x4e: {  	_ =	shalt  }
0x4f: {  	_ =	shalt  }
0x50: {  	_ =	shalt  }
0x51: {  	_ =	shalt  }
0x52: {  	_ =	shalt  }
0x53: {  	_ =	shalt  }
0x54: {  	_ =	shalt  }
0x55: {  	_ =	shalt  }
0x56: {  	_ =	shalt  }
0x57: {  	_ =	shalt  }
0x58: {  	_ =	shalt  }
0x59: {  	_ =	shalt  }
0x5a: {  	_ =	shalt  }
0x5b: {  	_ =	shalt  }
0x5c: {  	_ =	shalt  }
0x5d: {  	_ =	shalt  }
0x5e: {  	_ =	shalt  }
0x5f: {  	_ =	shalt  }
0x60: {  	_ =	shalt  }
0x61: {  	_ =	shalt  }
0x62: {  	_ =	shalt  }
0x63: {  	_ =	shalt  }
0x64: {  	_ =	shalt  }
0x65: {  	_ =	shalt  }
0x66: {  	_ =	shalt  }
0x67: {  	_ =	shalt  }
0x68: {  	_ =	shalt  }
0x69: {  	_ =	shalt  }
0x6a: {  	_ =	shalt  }
0x6b: {  	_ =	shalt  }
0x6c: {  	_ =	shalt  }
0x6d: {  	_ =	shalt  }
0x6e: {  	_ =	shalt  }
0x6f: {  	_ =	shalt  }
0x70: {  	_ =	shalt  }
0x71: {  	_ =	shalt  }
0x72: {  	_ =	shalt  }
0x73: {  	_ =	shalt  }
0x74: {  	_ =	shalt  }
0x75: {  	_ =	shalt  }
0x76: {  	_ =	shalt  }
0x77: {  	_ =	shalt  }
0x78: {  	_ =	shalt  }
0x79: {  	_ =	shalt  }
0x7a: {  	_ =	shalt  }
0x7b: {  	_ =	shalt  }
0x7c: {  	_ =	shalt  }
0x7d: {  	_ =	shalt  }
0x7e: {  	_ =	shalt  }
0x7f: {  	_ =	shalt  }
0x80: {  	_ =	shalt  }
0x81: {  	_ =	shalt  }
0x82: {  	_ =	shalt  }
0x83: {  	_ =	shalt  }
0x84: {  	_ =	shalt  }
0x85: {  	_ =	shalt  }
0x86: {  	_ =	shalt  }
0x87: {  	_ =	shalt  }
.Lfunc_end0:
.L_simem_size_0:
called_computation.3_lowered:
.L_overlay_start_0:
0x88: {  	s2 =	sld [smem:$0x3FD9]  }
0x89: {  	s3 =	sld [smem:$0x3FFE];
	_ =	sdelay $0x1  }
0x8a: {  	s1 =	srdreg.scid  }
0x8b: {  	s0 =	sand.u32 $0x1, s1  }
0x8c: {  	s16 =	sshll.u32 s0, $0xA;
	s2 =	sadd.s32 s3, s2  }
0x8d: {  	s2 =	sadd.s32 s2, s16  }
0x8e: {  	[smem:$0x3FBE] =	sst s2  }
0x8f: {  	_ = 	snop  }
0x90: {  	(tm) =	ssettm $0x1  }
0x91: {  	s17 =	sld [smem:$0x3FFB];
	_ =	sdelay $0x3  }
0x92: {  	_ =	strace s17  }
0x93: {  	s2 =	sld [smem:$0x3FFC];
	_ =	sdelay $0x3  }
0x94: {  	_ =	strace s2  }
0x95: {  	s2 =	sld [smem:$0x3FFD];
	_ =	sdelay $0x3  }
0x96: {  	_ =	strace s2  }
0x97: {  	_ =	strace $0x8FFFFFFF  }
0x98: {  	s18 =	sld [smem:$0x3FDB];
	_ =	sdelay $0x1  }
0x99: {  	s19 =	simm.s32 $_scs_section_size  }
0x9a: {  	s4 =	simm.s32 $_size__tile_overlayer_lowered;
	s5 =	simm.s32 $_tile_overlayer_lowered  }
0x9b: {  	s22 =	simm.s32 $0x1BFF;
	s21 =	sshll.u32 s5, $0x1;
	s2 =	sadd.s32 s19, s18  }
0x9c: {  	s6 =	simm.s32 $0x0;
	s20 =	sshll.u32 s4, $0x1;
	s4 =	sadd.s32 s21, s2  }
0x9d: {  	[timem:s6], [sflag:s22] =	dma.local [hbm:s4], s20  }
0x9e: {  	_ =	swait.ge [sflag:s22], s20  }
0x9f: {  	s3 =	ssub.s32 $0x0, s20;
	[sflag:s22] =	ssyncset.done $0x0  }
0xa0: {  	[sflag:s22] =	ssyncadd.s32 s3;
	_ =	sdelay $0x1  }
0xa1: {  	s23 =	simm.s32 $0x1B8B  }
0xa2: {  	_ =	swait.ge [sflag:s23], $0x1  }
0xa3: {  	[sflag:s23] =	ssyncset.done $0x0  }
0xa4: {  	s25 =	simm.s32 $0x1B8E;
	s24 =	sld [smem:$0x3FFE];
	[sflag:s23] =	ssyncadd.s32 $0xFFFFFFFF  }
0xa5: {  	s26 =	simm.s32 $execute0_lowered;
	[smem:$0x3FD2] =	sst s25  }
0xa6: {  	s4 =	sshll.u32 s26, $0x1;
	_ =	strace $0x8000004F;
	[dreg:$0x1] =	wrdreg $0xFFFFFFFF  }
0xa7: {  	s28 =	simm.s32 $_size_execute0_lowered;
	s2 =	sadd.s32 s2, s4;
	[dreg:$0x0] =	wrdreg $0x0  }
0xa8: {  	s4 =	sshll.u32 s28, $0x1;
	[dreg:$0x2] =	wrdreg s2  }
0xa9: {  	[dreg:$0x3] =	wrdreg s4  }
0xaa: {  	[dreg:$0x4] =	wrdreg $0xC0  }
0xab: {  	_ =	task [dreg:s6], $0x5FFFF  }
0xac: {  	[dreg:$0x1] =	wrdreg $0xFFFFFFFF  }
0xad: {  	[dreg:$0x0] =	wrdreg $0x60  }
0xae: {  	[dreg:$0x2] =	wrdreg s24  }
0xaf: {  	[dreg:$0x3] =	wrdreg $0x9  }
0xb0: {  	_ =	task.clear_ibuf [dreg:s6], $0x4FFFF;
	_ =	strace $0x9000004F  }
0xb1: {  	s29 =	simm.s32 $0x9;
	_ =	strace $0x80000051  }
0xb2: {  	_ =	swait.ge [sflag:s29], $0x1  }
0xb3: {  	[sflag:s29] =	ssyncadd.s32 $0xFFFFFFFF  }
0xb4: {  	_ =	strace $0x90000051  }
0xb5: {  	_ =	sfence  }
0xb6: {  	s30 =	sld [smem:$0x0];
	_ =	sdelay $0x2  }
0xb7: {  	s31 =	sshll.u32 s1, $0xD;
	s1 =	sshrl.u32 s1, $0x2  }
0xb8: {  	s3 =	sand.u32 $0x4000, s31;
	s1 =	sadd.s32 s1, s30  }
0xb9: {  	s0 =	sor.u32 s3, s0;
	s1 =	sshll.u32 s1, $0x11  }
0xba: {  	s0 =	sor.u32 s1, s0  }
0xbb: {  	s0 =	sadd.s32 $0x8F2B, s0  }
0xbc: {  	[sflag:s0] =	ssyncadd.remote.s32 $0x1  }
0xbd: {  	_ =	sfence.sel $0xFFFF  }
0xbe: {  	[dreg:$0x0] =	wrdreg $0xFFFFFFFF;
	(pc) =	sbr.abs _section_cstart, $3  }
0xbf: {  	[dreg:$0x1] =	wrdreg $0xFFFFFFFF  }
0xc0: {  	_ =	task.clear_ibuf [dreg:s6], $0x2FFFF;
	_ =	strace $0x9FFFFFFF  }
0xc1: {  	(tm) =	ssettm $0x7FFFFFFF  }
tec
execute0_lowered:
.L_overlay_start_1:
0x0: {  	(tag) =	ssettag $0x1  }
0x1: {  	s6 =	rddreg [dreg:$0x0]  }
0x2: {  	s0 =	rddreg [dreg:$0x1];
	s1 =	simm.s32 $0x0;
	s4 =	srdreg.scid  }
0x3: {  	s2 =	stileid.u32;
	s14 =	simm.s32 $0x80;
	s15 =	simm.s32 $0x2800  }
0x4: {  	s16 =	simm.s32 $0x6800;
	s17 =	simm.s32 $0xA800;
	s18 =	simm.s32 $0xE800  }
0x5: {  	s19 =	simm.s32 $0x1;
	s20 =	simm.s32 $0x2;
	s21 =	simm.s32 $0x0  }
0x6: {  	[smem:$0x7FF] =	sst s1;
	s3 =	sadd.s32 $0x13B000, s6;
	s5 =	sand.u32 $0x1, s4  }
0x7: {  	s4 =	sadd.s32 $0x2800, s6;
	s8 =	sshll.u32 s2, $0x1;
	s11 =	sadd.s32 $0x52800, s6  }
0x8: {  	s6 =	sadd.s32 $0x2A800, s6;
	p0 =	sgt.u32 s2, $0x7;
	s7 =	ssub.s32 $0x2, s5  }
0x9: {  	_ =	strace $0x80000050;
	s10 =	sor.u32 s5, s8;
	s9 =	sshrl.u32 s7, $0x1  }
.Ltmp0:
0xa: {  	s5 =	sshll.u32 s10, $0x7;
	s30 =	sor.u32 $0x20, s10;
	(pc) =	sbr.rel .LBB2_1-.Ltmp0, $4  }
0xb: {  	s8 =	sshll.u32 s10, $0xB;
	s13 =	sor.u32 $0x40, s10;
	s12 =	ssub.s32 s7, s9  }
0xc: {  	s7 =	sshll.u32 s30, $0x7;
	s8 =	sadd.s32 s11, s8;
	s31 =	sshll.u32 s30, $0xB  }
0xd: {  	s9 =	sshll.u32 s13, $0x7;
	s13 =	sshll.u32 s13, $0xB;
	s10 =	sadd.s32 s11, s31  }
0xe: {  	s11 =	sadd.s32 s11, s13;
	s12 =	smax.u32 s12, $0x1;
	s13 =	simm.s32 $0x3  }
.LBB2_8:
0xf: {  	[tilespmem:s22+$0x2800] =	vst v12;
	v5 =	vadd.f32 v5, v10;
	v63 =	vld [tilespmem:s22+$0x2870]  }
0x10: {  	[tilespmem:s22+$0x2810] =	vst v11;
	v4 =	vadd.f32 v4, v9  }
0x11: {  	v3 =	vadd.f32 v3, v8;
	[tilespmem:s22+$0x2820] =	vst v5  }
0x12: {  	v2 =	vadd.f32 v2, v6;
	[tilespmem:s22+$0x2830] =	vst v4  }
0x13: {  	v1 =	vadd.f32 v1, v7;
	[tilespmem:s22+$0x2840] =	vst v3  }
0x14: {  	[tilespmem:s22+$0x2850] =	vst v2;
	v0 =	vadd.f32 v0, v63  }
0x15: {  	[tilespmem:s22+$0x2860] =	vst v1  }
0x16: {  	[tilespmem:s22+$0x2870] =	vst v0  }
0x17: {  	[hbm4b:s11+s1] =	stream.linear.scatter [tilespmem:s15], [sflag:$0x3], $0x4000, $0x38;
	[tilespmem:$0x12800] =	vst v63  }
0x18: {  	_ =	swait.ge [sflag:s13], $0x4000  }
0x19: {  	[sflag:s13] =	ssyncset.done $0x0  }
0x1a: {  	[sflag:s13] =	ssyncadd.s32 $0xFFFFC000  }
.LBB2_9:
0x1b: {  	s21 =	sadd.s32 $0x1, s21  }
0x1c: {  	p1 =	sne.s32 s21, s12  }
.Ltmp1:
0x1d: {  	_ = 	snop;
	(pc) =	sbr.rel @!p1 .LBB2_10-.Ltmp1, $1  }
0x1e: {  	_ =	sdelay $0x3  }
.LBB2_1:
0x1f: {  	[tilespmem:s1], [sflag:$0x3] =	stream.linear.gather [hbm4b:s3+s1], $0x2800, $0x38;
	[tilespmem:$0x12800] =	vst v63  }
0x20: {  	_ =	swait.ge [sflag:s13], $0x2800  }
0x21: {  	[sflag:s13] =	ssyncset.done $0x0  }
0x22: {  	[sflag:s13] =	ssyncadd.s32 $0xFFFFD800  }
0x23: {  	[tilespmem:s15], [sflag:$0x1] =	stream.indirect.gather [hbm4b:s4+s14], $0x80, s5, s14, $0xb8;
	[tilespmem:$0x12800] =	vst v63  }
0x24: {  	_ = 	snop  }
0x25: {  	[tilespmem:s16], [sflag:$0x1] =	stream.indirect.gather [hbm4b:s6+s14], $0x80, s5, s14, $0xb8;
	[tilespmem:$0x12800] =	vst v63  }
0x26: {  	_ = 	snop  }
0x27: {  	[tilespmem:s17], [sflag:$0x2] =	stream.indirect.gather [hbm4b:s4+s14], $0x80, s7, s14, $0xb8;
	[tilespmem:$0x12800] =	vst v63  }
0x28: {  	_ = 	snop  }
0x29: {  	[tilespmem:s18], [sflag:$0x2] =	stream.indirect.gather [hbm4b:s6+s14], $0x80, s7, s14, $0xb8;
	[tilespmem:$0x12800] =	vst v63  }
0x2a: {  	_ =	swait.ge [sflag:s19], $0x4000  }
0x2b: {  	[sflag:s19] =	ssyncset.done $0x0  }
0x2c: {  	[sflag:s19] =	ssyncadd.s32 $0xFFFFC000  }
0x2d: {  	_ =	swait.ge [sflag:s19], $0x4000  }
0x2e: {  	[sflag:s19] =	ssyncset.done $0x0  }
0x2f: {  	s22 =	simm.s32 $0x0;
	[sflag:s19] =	ssyncadd.s32 $0xFFFFC000  }
0x30: {  	v7 =	vld [tilespmem:s22+$0x6800]  }
0x31: {  	v11 =	vld [tilespmem:s22+$0x6810]  }
0x32: {  	v5 =	vld [tilespmem:s22+$0x6820]  }
0x33: {  	v4 =	vld [tilespmem:s22+$0x6830]  }
0x34: {  	v3 =	vld [tilespmem:s22+$0x6840]  }
0x35: {  	v2 =	vld [tilespmem:s22+$0x6850]  }
0x36: {  	v1 =	vld [tilespmem:s22+$0x6860]  }
0x37: {  	v0 =	vld [tilespmem:s22+$0x6870]  }
0x38: {  	v12 =	vld [tilespmem:s22+$0x2800]  }
0x39: {  	v13 =	vld [tilespmem:s22+$0x2810]  }
0x3a: {  	v10 =	vld [tilespmem:s22+$0x2820]  }
0x3b: {  	v9 =	vld [tilespmem:s22+$0x2830]  }
0x3c: {  	v8 =	vld [tilespmem:s22+$0x2840]  }
0x3d: {  	v6 =	vld [tilespmem:s22+$0x2850];
	v12 =	vadd.f32 v7, v12  }
0x3e: {  	s23 =	simm.s32 $0x200;
	v11 =	vadd.f32 v11, v13;
	v7 =	vld [tilespmem:s22+$0x2860]  }
.LBB2_2:
0x3f: {  	s24 =	sshra.s32 s23, $0x2;
	p1 =	sne.s32 s23, $0xFE00;
	[tilespmem:s22+$0x2800] =	vst v12;
	v5 =	vadd.f32 v5, v10;
	v10 =	vld [tilespmem:s22+$0x2870]  }
0x40: {  	v12 =	vld [tilespmem:s24+$0x6800];
	[tilespmem:s22+$0x2810] =	vst v11;
	v4 =	vadd.f32 v4, v9  }
0x41: {  	v11 =	vld [tilespmem:s24+$0x6810];
	[tilespmem:s22+$0x2820] =	vst v5;
	v3 =	vadd.f32 v3, v8  }
0x42: {  	v5 =	vld [tilespmem:s24+$0x6820];
	[tilespmem:s22+$0x2830] =	vst v4;
	v2 =	vadd.f32 v2, v6  }
0x43: {  	v4 =	vld [tilespmem:s24+$0x6830];
	[tilespmem:s22+$0x2840] =	vst v3;
	v1 =	vadd.f32 v1, v7  }
0x44: {  	v3 =	vld [tilespmem:s24+$0x6840];
	[tilespmem:s22+$0x2850] =	vst v2;
	v0 =	vadd.f32 v0, v10  }
0x45: {  	v2 =	vld [tilespmem:s24+$0x6850];
	[tilespmem:s22+$0x2860] =	vst v1  }
0x46: {  	v1 =	vld [tilespmem:s24+$0x6860];
	[tilespmem:s22+$0x2870] =	vst v0;
	s22 =	smov.u32 s24  }
0x47: {  	v0 =	vld [tilespmem:s22+$0x6870]  }
0x48: {  	v6 =	vld [tilespmem:s22+$0x2800]  }
0x49: {  	v7 =	vld [tilespmem:s22+$0x2810]  }
.Ltmp2:
0x4a: {  	v10 =	vld [tilespmem:s22+$0x2820];
	(pc) =	sbr.rel @p1 .LBB2_2-.Ltmp2, $4  }
0x4b: {  	v9 =	vld [tilespmem:s22+$0x2830]  }
0x4c: {  	v8 =	vld [tilespmem:s22+$0x2840]  }
0x4d: {  	v12 =	vadd.f32 v12, v6;
	v6 =	vld [tilespmem:s22+$0x2850]  }
0x4e: {  	s23 =	sadd.s32 $0x200, s23;
	v11 =	vadd.f32 v11, v7;
	v7 =	vld [tilespmem:s22+$0x2860]  }
0x4f: {  	[tilespmem:s22+$0x2800] =	vst v12;
	v5 =	vadd.f32 v5, v10;
	v10 =	vld [tilespmem:s22+$0x2870]  }
0x50: {  	[tilespmem:s22+$0x2810] =	vst v11;
	v4 =	vadd.f32 v4, v9  }
0x51: {  	[tilespmem:s22+$0x2820] =	vst v5;
	v3 =	vadd.f32 v3, v8  }
0x52: {  	[tilespmem:s22+$0x2830] =	vst v4;
	v2 =	vadd.f32 v2, v6  }
0x53: {  	[tilespmem:s22+$0x2840] =	vst v3;
	v1 =	vadd.f32 v1, v7  }
0x54: {  	[tilespmem:s22+$0x2850] =	vst v2;
	v0 =	vadd.f32 v0, v10  }
0x55: {  	[tilespmem:s22+$0x2860] =	vst v1  }
0x56: {  	[tilespmem:s22+$0x2870] =	vst v0  }
0x57: {  	[hbm4b:s8+s1] =	stream.linear.scatter [tilespmem:s15], [sflag:$0x3], $0x4000, $0x38;
	[tilespmem:$0x12800] =	vst v63  }
0x58: {  	_ =	swait.ge [sflag:s13], $0x4000  }
0x59: {  	[sflag:s13] =	ssyncset.done $0x0  }
0x5a: {  	s23 =	simm.s32 @!p0 $0x2800;
	s22 =	simm.s32 @!p0 $0x80;
	[sflag:s13] =	ssyncadd.s32 $0xFFFFC000  }
0x5b: {  	[tilespmem:s23], [sflag:$0x1] =	stream.indirect.gather @!p0 [hbm4b:s4+s22], $0x80, s9, s22, $0xb8;
	[tilespmem:$0x12800] =	vst v63  }
0x5c: {  	s23 =	simm.s32 @!p0 $0x6800  }
0x5d: {  	[tilespmem:s23], [sflag:$0x1] =	stream.indirect.gather @!p0 [hbm4b:s6+s22], $0x80, s9, s22, $0xb8;
	[tilespmem:$0x12800] =	vst v63  }
0x5e: {  	_ =	swait.ge [sflag:s20], $0x4000  }
0x5f: {  	[sflag:s20] =	ssyncset.done $0x0  }
0x60: {  	[sflag:s20] =	ssyncadd.s32 $0xFFFFC000  }
0x61: {  	_ =	swait.ge [sflag:s20], $0x4000  }
0x62: {  	[sflag:s20] =	ssyncset.done $0x0  }
0x63: {  	s22 =	simm.s32 $0x0;
	[sflag:s20] =	ssyncadd.s32 $0xFFFFC000  }
0x64: {  	v7 =	vld [tilespmem:s22+$0xE800]  }
0x65: {  	v11 =	vld [tilespmem:s22+$0xE810]  }
0x66: {  	v5 =	vld [tilespmem:s22+$0xE820]  }
0x67: {  	v4 =	vld [tilespmem:s22+$0xE830]  }
0x68: {  	v3 =	vld [tilespmem:s22+$0xE840]  }
0x69: {  	v2 =	vld [tilespmem:s22+$0xE850]  }
0x6a: {  	v1 =	vld [tilespmem:s22+$0xE860]  }
0x6b: {  	v0 =	vld [tilespmem:s22+$0xE870]  }
0x6c: {  	v12 =	vld [tilespmem:s22+$0xA800]  }
0x6d: {  	v13 =	vld [tilespmem:s22+$0xA810]  }
0x6e: {  	v10 =	vld [tilespmem:s22+$0xA820]  }
0x6f: {  	v9 =	vld [tilespmem:s22+$0xA830]  }
0x70: {  	v8 =	vld [tilespmem:s22+$0xA840]  }
0x71: {  	v6 =	vld [tilespmem:s22+$0xA850];
	v12 =	vadd.f32 v7, v12  }
0x72: {  	s23 =	simm.s32 $0x200;
	v11 =	vadd.f32 v11, v13;
	v7 =	vld [tilespmem:s22+$0xA860]  }
.LBB2_4:
0x73: {  	s24 =	sshra.s32 s23, $0x2;
	p1 =	sne.s32 s23, $0xFE00;
	[tilespmem:s22+$0xA800] =	vst v12;
	v5 =	vadd.f32 v5, v10;
	v10 =	vld [tilespmem:s22+$0xA870]  }
0x74: {  	v12 =	vld [tilespmem:s24+$0xE800];
	[tilespmem:s22+$0xA810] =	vst v11;
	v4 =	vadd.f32 v4, v9  }
0x75: {  	v11 =	vld [tilespmem:s24+$0xE810];
	[tilespmem:s22+$0xA820] =	vst v5;
	v3 =	vadd.f32 v3, v8  }
0x76: {  	v5 =	vld [tilespmem:s24+$0xE820];
	[tilespmem:s22+$0xA830] =	vst v4;
	v2 =	vadd.f32 v2, v6  }
0x77: {  	v4 =	vld [tilespmem:s24+$0xE830];
	[tilespmem:s22+$0xA840] =	vst v3;
	v1 =	vadd.f32 v1, v7  }
0x78: {  	v3 =	vld [tilespmem:s24+$0xE840];
	[tilespmem:s22+$0xA850] =	vst v2;
	v0 =	vadd.f32 v0, v10  }
0x79: {  	v2 =	vld [tilespmem:s24+$0xE850];
	[tilespmem:s22+$0xA860] =	vst v1  }
0x7a: {  	v1 =	vld [tilespmem:s24+$0xE860];
	[tilespmem:s22+$0xA870] =	vst v0;
	s22 =	smov.u32 s24  }
0x7b: {  	v0 =	vld [tilespmem:s22+$0xE870]  }
0x7c: {  	v6 =	vld [tilespmem:s22+$0xA800]  }
0x7d: {  	v7 =	vld [tilespmem:s22+$0xA810]  }
.Ltmp3:
0x7e: {  	v10 =	vld [tilespmem:s22+$0xA820];
	(pc) =	sbr.rel @p1 .LBB2_4-.Ltmp3, $4  }
0x7f: {  	v9 =	vld [tilespmem:s22+$0xA830]  }
0x80: {  	v8 =	vld [tilespmem:s22+$0xA840]  }
0x81: {  	v12 =	vadd.f32 v12, v6;
	v6 =	vld [tilespmem:s22+$0xA850]  }
0x82: {  	s23 =	sadd.s32 $0x200, s23;
	v11 =	vadd.f32 v11, v7;
	v7 =	vld [tilespmem:s22+$0xA860]  }
0x83: {  	[tilespmem:s22+$0xA800] =	vst v12;
	v5 =	vadd.f32 v5, v10;
	v63 =	vld [tilespmem:s22+$0xA870]  }
0x84: {  	[tilespmem:s22+$0xA810] =	vst v11;
	v4 =	vadd.f32 v4, v9  }
0x85: {  	[tilespmem:s22+$0xA820] =	vst v5;
	v3 =	vadd.f32 v3, v8  }
0x86: {  	[tilespmem:s22+$0xA830] =	vst v4;
	v2 =	vadd.f32 v2, v6  }
0x87: {  	[tilespmem:s22+$0xA840] =	vst v3;
	v1 =	vadd.f32 v1, v7  }
0x88: {  	[tilespmem:s22+$0xA850] =	vst v2;
	v0 =	vadd.f32 v0, v63  }
0x89: {  	[tilespmem:s22+$0xA860] =	vst v1  }
.Ltmp4:
0x8a: {  	[tilespmem:s22+$0xA870] =	vst v0;
	(pc) =	sbr.rel @p0 .LBB2_9-.Ltmp4, $4  }
0x8b: {  	[hbm4b:s10+s1] =	stream.linear.scatter [tilespmem:s17], [sflag:$0x3], $0x4000, $0x38;
	[tilespmem:$0x12800] =	vst v63  }
0x8c: {  	_ =	swait.ge [sflag:s13], $0x4000  }
0x8d: {  	[sflag:s13] =	ssyncset.done $0x0  }
0x8e: {  	[sflag:s13] =	ssyncadd.s32 $0xFFFFC000  }
0x8f: {  	_ =	swait.ge [sflag:s19], $0x4000  }
0x90: {  	[sflag:s19] =	ssyncset.done $0x0  }
0x91: {  	[sflag:s19] =	ssyncadd.s32 $0xFFFFC000  }
0x92: {  	_ =	swait.ge [sflag:s19], $0x4000  }
0x93: {  	[sflag:s19] =	ssyncset.done $0x0  }
0x94: {  	s22 =	simm.s32 $0x0;
	[sflag:s19] =	ssyncadd.s32 $0xFFFFC000  }
0x95: {  	v7 =	vld [tilespmem:s22+$0x6800]  }
0x96: {  	v11 =	vld [tilespmem:s22+$0x6810]  }
0x97: {  	v5 =	vld [tilespmem:s22+$0x6820]  }
0x98: {  	v4 =	vld [tilespmem:s22+$0x6830]  }
0x99: {  	v3 =	vld [tilespmem:s22+$0x6840]  }
0x9a: {  	v2 =	vld [tilespmem:s22+$0x6850]  }
0x9b: {  	v1 =	vld [tilespmem:s22+$0x6860]  }
0x9c: {  	v0 =	vld [tilespmem:s22+$0x6870]  }
0x9d: {  	v12 =	vld [tilespmem:s22+$0x2800]  }
0x9e: {  	v13 =	vld [tilespmem:s22+$0x2810]  }
0x9f: {  	v10 =	vld [tilespmem:s22+$0x2820]  }
0xa0: {  	v9 =	vld [tilespmem:s22+$0x2830]  }
0xa1: {  	v8 =	vld [tilespmem:s22+$0x2840]  }
0xa2: {  	v6 =	vld [tilespmem:s22+$0x2850];
	v12 =	vadd.f32 v7, v12  }
0xa3: {  	s23 =	simm.s32 $0x200;
	v11 =	vadd.f32 v11, v13;
	v7 =	vld [tilespmem:s22+$0x2860]  }
.LBB2_7:
0xa4: {  	s24 =	sshra.s32 s23, $0x2;
	p1 =	sne.s32 s23, $0xFE00;
	[tilespmem:s22+$0x2800] =	vst v12;
	v5 =	vadd.f32 v5, v10;
	v10 =	vld [tilespmem:s22+$0x2870]  }
0xa5: {  	v4 =	vadd.f32 v4, v9;
	v12 =	vld [tilespmem:s24+$0x6800];
	[tilespmem:s22+$0x2810] =	vst v11  }
0xa6: {  	v3 =	vadd.f32 v3, v8;
	v11 =	vld [tilespmem:s24+$0x6810];
	[tilespmem:s22+$0x2820] =	vst v5  }
0xa7: {  	v2 =	vadd.f32 v2, v6;
	v5 =	vld [tilespmem:s24+$0x6820];
	[tilespmem:s22+$0x2830] =	vst v4  }
0xa8: {  	v1 =	vadd.f32 v1, v7;
	v4 =	vld [tilespmem:s24+$0x6830];
	[tilespmem:s22+$0x2840] =	vst v3  }
0xa9: {  	v3 =	vld [tilespmem:s24+$0x6840];
	[tilespmem:s22+$0x2850] =	vst v2;
	v0 =	vadd.f32 v0, v10  }
0xaa: {  	v2 =	vld [tilespmem:s24+$0x6850];
	[tilespmem:s22+$0x2860] =	vst v1  }
0xab: {  	v1 =	vld [tilespmem:s24+$0x6860];
	[tilespmem:s22+$0x2870] =	vst v0;
	s22 =	smov.u32 s24  }
0xac: {  	v0 =	vld [tilespmem:s22+$0x6870]  }
0xad: {  	v6 =	vld [tilespmem:s22+$0x2800]  }
0xae: {  	v7 =	vld [tilespmem:s22+$0x2810]  }
.Ltmp5:
0xaf: {  	v10 =	vld [tilespmem:s22+$0x2820];
	(pc) =	sbr.rel @p1 .LBB2_7-.Ltmp5, $4  }
0xb0: {  	v9 =	vld [tilespmem:s22+$0x2830]  }
0xb1: {  	v8 =	vld [tilespmem:s22+$0x2840]  }
0xb2: {  	v12 =	vadd.f32 v12, v6;
	v6 =	vld [tilespmem:s22+$0x2850]  }
0xb3: {  	s23 =	sadd.s32 $0x200, s23;
	v11 =	vadd.f32 v11, v7;
	v7 =	vld [tilespmem:s22+$0x2860]  }
.Ltmp6:
0xb4: {  	_ = 	snop;
	(pc) =	sbr.rel .LBB2_8-.Ltmp6, $1  }
0xb5: {  	_ =	sdelay $0x3  }
.LBB2_10:
0xb6: {  	_ =	sfence.sel $0x180000  }
0xb7: {  	[bflag:$0x0] =	sbarrier.arrive $0xFFFF  }
0xb8: {  	p0 =	sne.s32 s2, $0x0;
	_ =	strace $0x90000050  }
0xb9: {  	s0 =	sadd.s32 @!p0 $0x100000, s0;
	[bflag:$0x2] =	sbarrier.arrive $0xFFFF  }
0xba: {  	[sflag:s0] =	ssyncadd.tile.s32 @!p0 $0x1;
	_ =	shalt  }
.Lfunc_end2:
_tile_overlayer_lowered:
.L_overlay_start_2:
0xbb: {  	(tag) =	ssettag $0x2  }
0xbc: {  	s0 =	rddreg [dreg:$0x0];
	s2 =	stileid.u32  }
0xbd: {  	s1 =	rddreg [dreg:$0x1];
	p0 =	sne.s32 s2, $0x0  }
0xbe: {  	s3 =	rddreg [dreg:$0x2];
	[bflag:$0x3] =	sbarrier.arrive $0xFFFF;
	s2 =	simm.s32 @!p0 $0x1C03  }
0xbf: {  	[timem:s3], [sflag:s2] =	dma.local @!p0 [hbm:s0], s1  }
0xc0: {  	s0 =	simm.s32 @!p0 $0x3  }
0xc1: {  	_ =	swait.ge @!p0 [sflag:s0], s1  }
0xc2: {  	s1 =	ssub.s32 @!p0 $0x0, s1;
	[sflag:s0] =	ssyncset.done @!p0 $0x0  }
0xc3: {  	[sflag:s0] =	ssyncadd.s32 @!p0 s1  }
0xc4: {  	[bflag:$0x3] =	sbarrier.arrive $0xFFFF  }
0xc5: {  	_ =	shalt  }

// kernel: kernel.7.cloned.1.call-start
scs
__scs_entry_jumppad:
0x0: {  	(pc) =	sbr.rel $0x88, $3  }
0x1: {  	(tag) =	ssettag $0x0;
	lr =	simm.s32 $0x1  }
0x2: {  	[smem:$0x3F97] =	sst lr;
	_ =	strace $0xD0000000  }
0x3: {  	_ = 	snop  }
0x4: {  	_ = 	snop  }
0x5: {  	_ = 	snop  }
0x6: {  	_ = 	snop  }
0x7: {  	_ = 	snop  }
__scs_overlays_trampoline_lowered:
0x8: {  	[smem:$0x3FA6] =	sst s0  }
0x9: {  	[smem:$0x3FA7] =	sst s1  }
0xa: {  	[smem:$0x3FA8] =	sst s2  }
0xb: {  	[smem:$0x3FA9] =	sst s3  }
0xc: {  	[smem:$0x3FAA] =	sst s4  }
0xd: {  	[smem:$0x3FAB] =	sst s5  }
0xe: {  	[smem:$0x3FAC] =	sst s6  }
0xf: {  	[smem:$0x3FAD] =	sst s7  }
0x10: {  	[smem:$0x3FAE] =	sst s8  }
0x11: {  	[smem:$0x3FAF] =	sst s9;
	s0 =	simm.s32 @!p0 $0x0  }
0x12: {  	s1 =	sld [smem:$0x3F95];
	s0 =	simm.s32 @p0 $0x1  }
0x13: {  	[smem:$0x3FB0] =	sst s0;
	s0 =	simm.s32 @!p1 $0x0  }
0x14: {  	s2 =	sld [smem:$0x3F94];
	s0 =	simm.s32 @p1 $0x1  }
0x15: {  	[smem:$0x3FB1] =	sst s0;
	s0 =	simm.s32 @!p2 $0x0  }
0x16: {  	s3 =	sld [smem:$0x3FDB];
	s0 =	simm.s32 @p2 $0x1  }
0x17: {  	s4 =	simm.s32 $0x1BF5;
	[smem:$0x3FB3] =	sst s0  }
0x18: {  	s0 =	sld [smem:$0x3F96];
	_ =	swait.ge [sflag:s4], $0x0  }
0x19: {  	s7 =	sld [smem:$0x3F97]  }
0x1a: {  	s8 =	sadd.s32 $0xFFFFE003, lr  }
0x1b: {  	s9 =	sadd.s32 $0xFFFFFEF7, lr;
	s5 =	simm.s32 $0xFFFFFFFF;
	p2 =	slt.u32 s8, $0xFFFFF086  }
0x1c: {  	p1 =	slt.u32 s9, $0xF7A;
	s5 =	simm.s32 @!p2 $0x0  }
0x1d: {  	s5 =	simm.s32 @p1 $0x1;
	p0 =	seq.s32 s7, s2  }
0x1e: {  	s7 =	smul.u32 @!p0 $0xF7A, s2;
	p2 =	seq.s32 @!p0 s5, $0x0  }
0x1f: {  	s9 =	smul.u32 $0xF7A, s1;
	s8 =	simm.s32 @!p0 $0x1BF5;
	p2 =	por !p2, p0  }
0x20: {  	[sflag:s8] =	ssyncset.s32 @!p0 $0xFFFFF086;
	s6 =	sadd.s32 @!p0 s3, s7;
	s7 =	simm.s32 @!p0 $0x108  }
0x21: {  	s3 =	sadd.s32 s3, s9;
	s6 =	sadd.s32 @!p0 $0x88, s6;
	s7 =	simm.s32 @p2 $0x1082  }
0x22: {  	[simem:s7], [sflag:s8] =	dma.local @!p0 [hbm:s6], $0xF7A  }
0x23: {  	s9 =	sor.u32 $0xD0000000, s2;
	s6 =	simm.s32 $0x108;
	_ =	swait.ge @!p0 [sflag:s8], $0x0  }
0x24: {  	s3 =	sadd.s32 $0x88, s3;
	s6 =	simm.s32 @!p1 $0x1082;
	[sflag:s4] =	ssyncset.s32 $0xFFFFF086  }
0x25: {  	[simem:s6], [sflag:s4] =	dma.local [hbm:s3], $0xF7A  }
0x26: {  	[smem:$0x3F97] =	sst s1;
	(tag) =	ssettag s2;
	_ =	strace s9  }
0x27: {  	s1 =	sld [smem:$0x3FA7]  }
0x28: {  	s2 =	sld [smem:$0x3FA8]  }
0x29: {  	s4 =	sld [smem:$0x3FAA]  }
0x2a: {  	p0 =	seq.s32 s5, $0x0;
	s5 =	sld [smem:$0x3FAB]  }
0x2b: {  	s6 =	sld [smem:$0x3FAC]  }
0x2c: {  	s7 =	sld [smem:$0x3FAD]  }
0x2d: {  	s3 =	simm.s32 $0x108;
	s8 =	sld [smem:$0x3FAE]  }
0x2e: {  	s3 =	simm.s32 @!p0 $0x1082;
	s9 =	sld [smem:$0x3FAF]  }
0x2f: {  	lr =	sadd.s32 s0, s3;
	s0 =	sld [smem:$0x3FA6]  }
0x30: {  	s3 =	sld [smem:$0x3FA9]  }
0x31: {  	[smem:$0x3FB2] =	sst s10  }
0x32: {  	s10 =	sld [smem:$0x3FB0];
	_ =	sdelay $0x3  }
0x33: {  	p0 =	seq.s32 s10, $0x1;
	s10 =	sld [smem:$0x3FB2];
	_ =	sdelay $0x3  }
0x34: {  	[smem:$0x3FB2] =	sst s10  }
0x35: {  	s10 =	sld [smem:$0x3FB1];
	_ =	sdelay $0x3  }
0x36: {  	p1 =	seq.s32 s10, $0x1;
	s10 =	sld [smem:$0x3FB2];
	_ =	sdelay $0x3  }
0x37: {  	[smem:$0x3FB2] =	sst s10  }
0x38: {  	s10 =	sld [smem:$0x3FB3]  }
0x39: {  	_ = 	snop;
	(pc) =	sbr.ind lr, $3  }
0x3a: {  	_ = 	snop  }
0x3b: {  	_ = 	snop  }
0x3c: {  	p2 =	seq.s32 s10, $0x1;
	s10 =	sld [smem:$0x3FB2]  }
0x3d: {  	_ =	shalt  }
0x3e: {  	_ =	shalt  }
0x3f: {  	_ =	shalt  }
0x40: {  	_ =	shalt  }
0x41: {  	_ =	shalt  }
0x42: {  	_ =	shalt  }
0x43: {  	_ =	shalt  }
0x44: {  	_ =	shalt  }
0x45: {  	_ =	shalt  }
0x46: {  	_ =	shalt  }
0x47: {  	_ =	shalt  }
0x48: {  	_ =	shalt  }
0x49: {  	_ =	shalt  }
0x4a: {  	_ =	shalt  }
0x4b: {  	_ =	shalt  }
0x4c: {  	_ =	shalt  }
0x4d: {  	_ =	shalt  }
0x4e: {  	_ =	shalt  }
0x4f: {  	_ =	shalt  }
0x50: {  	_ =	shalt  }
0x51: {  	_ =	shalt  }
0x52: {  	_ =	shalt  }
0x53: {  	_ =	shalt  }
0x54: {  	_ =	shalt  }
0x55: {  	_ =	shalt  }
0x56: {  	_ =	shalt  }
0x57: {  	_ =	shalt  }
0x58: {  	_ =	shalt  }
0x59: {  	_ =	shalt  }
0x5a: {  	_ =	shalt  }
0x5b: {  	_ =	shalt  }
0x5c: {  	_ =	shalt  }
0x5d: {  	_ =	shalt  }
0x5e: {  	_ =	shalt  }
0x5f: {  	_ =	shalt  }
0x60: {  	_ =	shalt  }
0x61: {  	_ =	shalt  }
0x62: {  	_ =	shalt  }
0x63: {  	_ =	shalt  }
0x64: {  	_ =	shalt  }
0x65: {  	_ =	shalt  }
0x66: {  	_ =	shalt  }
0x67: {  	_ =	shalt  }
0x68: {  	_ =	shalt  }
0x69: {  	_ =	shalt  }
0x6a: {  	_ =	shalt  }
0x6b: {  	_ =	shalt  }
0x6c: {  	_ =	shalt  }
0x6d: {  	_ =	shalt  }
0x6e: {  	_ =	shalt  }
0x6f: {  	_ =	shalt  }
0x70: {  	_ =	shalt  }
0x71: {  	_ =	shalt  }
0x72: {  	_ =	shalt  }
0x73: {  	_ =	shalt  }
0x74: {  	_ =	shalt  }
0x75: {  	_ =	shalt  }
0x76: {  	_ =	shalt  }
0x77: {  	_ =	shalt  }
0x78: {  	_ =	shalt  }
0x79: {  	_ =	shalt  }
0x7a: {  	_ =	shalt  }
0x7b: {  	_ =	shalt  }
0x7c: {  	_ =	shalt  }
0x7d: {  	_ =	shalt  }
0x7e: {  	_ =	shalt  }
0x7f: {  	_ =	shalt  }
0x80: {  	_ =	shalt  }
0x81: {  	_ =	shalt  }
0x82: {  	_ =	shalt  }
0x83: {  	_ =	shalt  }
0x84: {  	_ =	shalt  }
0x85: {  	_ =	shalt  }
0x86: {  	_ =	shalt  }
0x87: {  	_ =	shalt  }
.Lfunc_end0:
.L_simem_size_0:
called_computation_lowered:
.L_overlay_start_0:
0x88: {  	s2 =	sld [smem:$0x3FD9]  }
0x89: {  	s3 =	sld [smem:$0x3FFE];
	_ =	sdelay $0x1  }
0x8a: {  	s1 =	srdreg.scid  }
0x8b: {  	s0 =	sand.u32 $0x1, s1  }
0x8c: {  	s14 =	sshll.u32 s0, $0xA;
	s2 =	sadd.s32 s3, s2  }
0x8d: {  	s2 =	sadd.s32 s2, s14  }
0x8e: {  	[smem:$0x3FBE] =	sst s2  }
0x8f: {  	_ = 	snop  }
0x90: {  	s2 =	sld [smem:$0x3FD0];
	_ =	sdelay $0x2  }
0x91: {  	s15 =	simm.s32 $0xB;
	s4 =	simm.s32 $0x10  }
0x92: {  	[smem:s4], [sflag:s15] =	dma.local [hbm:s2], $0x1  }
0x93: {  	_ =	swait.eq [sflag:s15], $0x1  }
0x94: {  	[sflag:s15] =	ssyncset.done $0x0  }
0x95: {  	s16 =	sld [smem:$0x10];
	[sflag:s15] =	ssyncadd.s32 $0xFFFFFFFF  }
0x96: {  	s17 =	sld [smem:$0x11];
	(tm) =	ssettm $0x1  }
0x97: {  	s18 =	sld [smem:$0x3FFB];
	_ =	sdelay $0x3  }
0x98: {  	_ =	strace s18  }
0x99: {  	s4 =	sld [smem:$0x3FFC];
	_ =	sdelay $0x3  }
0x9a: {  	_ =	strace s4  }
0x9b: {  	s4 =	sld [smem:$0x3FFD];
	_ =	sdelay $0x3  }
0x9c: {  	_ =	strace s4  }
0x9d: {  	_ =	strace $0x8FFFFFFF  }
0x9e: {  	s19 =	sld [smem:$0x3FDB];
	_ =	sdelay $0x1  }
0x9f: {  	s5 =	simm.s32 $_scs_section_size  }
0xa0: {  	s6 =	simm.s32 $_size__tile_overlayer_lowered;
	s7 =	simm.s32 $_tile_overlayer_lowered  }
0xa1: {  	s22 =	simm.s32 $0x1BFF;
	s21 =	sshll.u32 s7, $0x1;
	s4 =	sadd.s32 s5, s19  }
0xa2: {  	s8 =	simm.s32 $0x0;
	s20 =	sshll.u32 s6, $0x1;
	s6 =	sadd.s32 s21, s4  }
0xa3: {  	[timem:s8], [sflag:s22] =	dma.local [hbm:s6], s20  }
0xa4: {  	_ =	swait.ge [sflag:s22], s20  }
0xa5: {  	s5 =	ssub.s32 $0x0, s20;
	[sflag:s22] =	ssyncset.done $0x0  }
0xa6: {  	[sflag:s22] =	ssyncadd.s32 s5;
	_ =	sdelay $0x1  }
0xa7: {  	s23 =	simm.s32 $0x1B8B  }
0xa8: {  	_ =	swait.ge [sflag:s23], $0x1  }
0xa9: {  	[sflag:s23] =	ssyncset.done $0x0  }
0xaa: {  	s25 =	simm.s32 $0x1B8E;
	s24 =	sld [smem:$0x3FFE];
	[sflag:s23] =	ssyncadd.s32 $0xFFFFFFFF  }
0xab: {  	s26 =	simm.s32 $execute0_lowered;
	[smem:$0x3FD2] =	sst s25  }
0xac: {  	s6 =	sshll.u32 s26, $0x1;
	_ =	strace $0x80000046;
	[dreg:$0x1] =	wrdreg $0xFFFFFFFF  }
0xad: {  	s28 =	simm.s32 $_size_execute0_lowered;
	s4 =	sadd.s32 s4, s6;
	[dreg:$0x0] =	wrdreg $0x0  }
0xae: {  	s6 =	sshll.u32 s28, $0x1;
	[dreg:$0x2] =	wrdreg s4  }
0xaf: {  	[dreg:$0x3] =	wrdreg s6  }
0xb0: {  	[dreg:$0x4] =	wrdreg $0xC0  }
0xb1: {  	_ =	task [dreg:s8], $0x5FFFF  }
0xb2: {  	[dreg:$0x1] =	wrdreg $0xFFFFFFFF  }
0xb3: {  	[dreg:$0x0] =	wrdreg $0x60  }
0xb4: {  	[dreg:$0x2] =	wrdreg s17  }
0xb5: {  	[dreg:$0x3] =	wrdreg s16  }
0xb6: {  	[dreg:$0x4] =	wrdreg s24  }
0xb7: {  	[dreg:$0x5] =	wrdreg $0xA  }
0xb8: {  	_ =	task.clear_ibuf [dreg:s8], $0x6FFFF;
	_ =	strace $0x90000046  }
0xb9: {  	s29 =	simm.s32 $0xA;
	_ =	strace $0x80000048  }
0xba: {  	_ =	swait.ge [sflag:s29], $0x1  }
0xbb: {  	[sflag:s29] =	ssyncadd.s32 $0xFFFFFFFF  }
0xbc: {  	_ =	strace $0x90000048  }
0xbd: {  	_ =	sfence  }
0xbe: {  	s30 =	sld [smem:$0x0];
	_ =	sdelay $0x2  }
0xbf: {  	s31 =	sshll.u32 s1, $0xD;
	s1 =	sshrl.u32 s1, $0x2  }
0xc0: {  	s3 =	sand.u32 $0x4000, s31;
	s1 =	sadd.s32 s1, s30  }
0xc1: {  	s0 =	sor.u32 s3, s0;
	s1 =	sshll.u32 s1, $0x11  }
0xc2: {  	s0 =	sor.u32 s1, s0  }
0xc3: {  	s0 =	sadd.s32 $0x8F2B, s0  }
0xc4: {  	[sflag:s0] =	ssyncadd.remote.s32 $0x1  }
0xc5: {  	_ =	sfence.sel $0xFFFF  }
0xc6: {  	[dreg:$0x0] =	wrdreg $0xFFFFFFFF;
	(pc) =	sbr.abs _section_cstart, $3  }
0xc7: {  	[dreg:$0x1] =	wrdreg $0xFFFFFFFF  }
0xc8: {  	_ =	task.clear_ibuf [dreg:s8], $0x2FFFF;
	_ =	strace $0x9FFFFFFF  }
0xc9: {  	(tm) =	ssettm $0x7FFFFFFF  }
tec
execute0_lowered:
.L_overlay_start_1:
0x0: {  	(tag) =	ssettag $0x1  }
0x1: {  	s1 =	rddreg [dreg:$0x0]  }
0x2: {  	s2 =	rddreg [dreg:$0x1]  }
0x3: {  	s7 =	rddreg [dreg:$0x2]  }
0x4: {  	s4 =	simm.s32 $0x0;
	s5 =	srdreg.scid;
	s3 =	stileid.u32  }
0x5: {  	s13 =	simm.s32 $0x1;
	s14 =	simm.s32 $0x800;
	s15 =	simm.s32 $0x271000  }
0x6: {  	s16 =	simm.s32 $0x10000;
	s17 =	simm.s32 $0x2;
	s18 =	simm.s32 $0x8000  }
0x7: {  	s19 =	simm.s32 $0x11000;
	s20 =	simm.s32 $0x3;
	s21 =	simm.s32 $0x4  }
0x8: {  	s22 =	simm.s32 $0x0;
	[smem:$0x7FF] =	sst s4;
	s6 =	sand.u32 $0x1, s5  }
.Ltmp0:
0x9: {  	s9 =	sshll.u32 s3, $0x1;
	s5 =	sadd.s32 $0x2800, s7;
	(pc) =	sbr.rel .LBB2_1-.Ltmp0, $4  }
0xa: {  	s7 =	sadd.s32 $0x9EC00, s7;
	s11 =	sadd.s32 $0x40000, s2;
	s8 =	ssub.s32 $0x2, s6  }
0xb: {  	_ =	strace $0x80000047;
	s6 =	sor.u32 s6, s9;
	s10 =	sshrl.u32 s8, $0x1  }
0xc: {  	v0 =	vlaneseq.u32;
	s9 =	sadd.s32 $0x40000, s1;
	s31 =	sshll.u32 s6, $0xC;
	s12 =	ssub.s32 s8, s10  }
0xd: {  	v0 =	vmul.u32 $0x80, v0;
	s8 =	sadd.s32 s1, s31;
	s10 =	sadd.s32 s2, s31;
	s12 =	smax.u32 s12, $0x1  }
.LBB2_21:
0xe: {  	s22 =	sadd.s32 $0x1, s22  }
0xf: {  	_ =	swait.ge [sflag:s20], $0x1000;
	p0 =	sne.s32 s22, s12  }
.Ltmp1:
0x10: {  	[sflag:s20] =	ssyncset.done $0x0;
	(pc) =	sbr.rel @!p0 .LBB2_22-.Ltmp1, $4  }
0x11: {  	[sflag:s20] =	ssyncadd.s32 $0xFFFFF000  }
0x12: {  	_ =	swait.ge [sflag:s21], $0x1000  }
0x13: {  	[sflag:s21] =	ssyncset.done $0x0  }
0x14: {  	[sflag:s21] =	ssyncadd.s32 $0xFFFFF000  }
.LBB2_1:
.Ltmp2:
0x15: {  	(pc) =	sbr.rel .LBB2_2-.Ltmp2, $3  }
0x16: {  	_ =	sdelay $0x1  }
0x17: {  	[tilespmem:s4], [sflag:$0x1] =	stream.linear.gather [hbm4b:s8+s4], $0x8000, $0x38;
	[tilespmem:$0x12000] =	vst v63  }
0x18: {  	s23 =	simm.s32 $0x0  }
.LBB2_10:
0x19: {  	s23 =	sadd.s32 $0x1, s23  }
0x1a: {  	p0 =	sne.s32 s23, $0x14  }
.Ltmp3:
0x1b: {  	_ = 	snop;
	(pc) =	sbr.rel @!p0 .LBB2_11-.Ltmp3, $1  }
0x1c: {  	_ =	sdelay $0x3  }
.LBB2_2:
0x1d: {  	s24 =	sshll.u32 s23, $0x6  }
0x1e: {  	s25 =	sor.u32 s6, s24  }
0x1f: {  	s24 =	sor.u32 $0x20, s25  }
0x20: {  	p1 =	sgt.u32 s24, $0x4E1  }
0x21: {  	s26 =	sshll.u32 @!p1 s24, $0xC;
	s29 =	simm.s32 @!p1 $0x0  }
0x22: {  	s30 =	simm.s32 @!p1 $0x8000;
	s28 =	sadd.s32 @!p1 s1, s26;
	s26 =	simm.s32 $0x0  }
0x23: {  	[tilespmem:s30], [sflag:$0x2] =	stream.linear.gather @!p1 [hbm4b:s28+s29], $0x8000, $0x38;
	v1 =	vmov s26;
	[tilespmem:$0x12000] =	vst v63  }
0x24: {  	_ =	swait.ge [sflag:s13], $0x8000;
	v1 =	vshll.u32 v1, $0x7  }
0x25: {  	p0 =	seq.s32 s23, $0x0;
	[sflag:s13] =	ssyncset.done $0x0;
	v1 =	vor.u32 v0, v1  }
0x26: {  	s28 =	simm.s32 @!p0 $0x3;
	[sflag:s13] =	ssyncadd.s32 $0xFFFF8000  }
0x27: {  	_ =	swait.ge @!p0 [sflag:s28], $0x1000  }
0x28: {  	[sflag:s28] =	ssyncset.done @!p0 $0x0  }
0x29: {  	[sflag:s28] =	ssyncadd.s32 @!p0 $0xFFFFF000  }
0x2a: {  	v2 =	vld.idx.msk [tilespmem:v1+s4+$0x0], $0xffff  }
0x2b: {  	v3 =	vor.u32 $0x1, v1;
	_ =	sdelay $0x1  }
0x2c: {  	s29 =	sand.u32 $0x400, s26;
	s28 =	sand.u32 $0x70, s26  }
0x2d: {  	s28 =	sor.u32 s28, s29  }
0x2e: {  	[tilespmem:s28+$0x10000] =	vst v2  }
0x2f: {  	v2 =	vld.idx.msk [tilespmem:v3+s4+$0x0], $0xffff  }
0x30: {  	v3 =	vor.u32 $0x2, v1;
	_ =	sdelay $0x3  }
0x31: {  	[tilespmem:s28+$0x10080] =	vst v2  }
0x32: {  	v2 =	vld.idx.msk [tilespmem:v3+s4+$0x0], $0xffff  }
0x33: {  	v3 =	vor.u32 $0x3, v1;
	_ =	sdelay $0x3  }
0x34: {  	[tilespmem:s28+$0x10100] =	vst v2  }
0x35: {  	v2 =	vld.idx.msk [tilespmem:v3+s4+$0x0], $0xffff  }
0x36: {  	v3 =	vor.u32 $0x4, v1;
	_ =	sdelay $0x3  }
0x37: {  	[tilespmem:s28+$0x10180] =	vst v2  }
0x38: {  	v2 =	vld.idx.msk [tilespmem:v3+s4+$0x0], $0xffff  }
0x39: {  	v3 =	vor.u32 $0x5, v1;
	_ =	sdelay $0x3  }
0x3a: {  	[tilespmem:s28+$0x10200] =	vst v2  }
0x3b: {  	v2 =	vld.idx.msk [tilespmem:v3+s4+$0x0], $0xffff  }
0x3c: {  	v3 =	vor.u32 $0x6, v1;
	_ =	sdelay $0x3  }
0x3d: {  	[tilespmem:s28+$0x10280] =	vst v2  }
0x3e: {  	v2 =	vld.idx.msk [tilespmem:v3+s4+$0x0], $0xffff  }
0x3f: {  	v3 =	vor.u32 $0x7, v1;
	_ =	sdelay $0x3  }
0x40: {  	[tilespmem:s28+$0x10300] =	vst v2  }
0x41: {  	v2 =	vld.idx.msk [tilespmem:v3+s4+$0x0], $0xffff  }
0x42: {  	v3 =	vor.u32 $0x8, v1;
	_ =	sdelay $0x1  }
0x43: {  	s29 =	sor.u32 s26, s26  }
0x44: {  	s29 =	sor.u32 $0x380, s29  }
0x45: {  	[tilespmem:s29+$0x10000] =	vst v2  }
0x46: {  	v2 =	vld.idx.msk [tilespmem:v3+s4+$0x0], $0xffff  }
0x47: {  	v3 =	vor.u32 $0x9, v1;
	_ =	sdelay $0x3  }
0x48: {  	[tilespmem:s28+$0x10800] =	vst v2  }
0x49: {  	v2 =	vld.idx.msk [tilespmem:v3+s4+$0x0], $0xffff  }
0x4a: {  	v3 =	vor.u32 $0xA, v1;
	_ =	sdelay $0x3  }
0x4b: {  	[tilespmem:s28+$0x10880] =	vst v2  }
0x4c: {  	v2 =	vld.idx.msk [tilespmem:v3+s4+$0x0], $0xffff  }
0x4d: {  	v3 =	vor.u32 $0xB, v1;
	_ =	sdelay $0x3  }
0x4e: {  	[tilespmem:s28+$0x10900] =	vst v2  }
0x4f: {  	v2 =	vld.idx.msk [tilespmem:v3+s4+$0x0], $0xffff  }
0x50: {  	v3 =	vor.u32 $0xC, v1;
	_ =	sdelay $0x3  }
0x51: {  	[tilespmem:s28+$0x10980] =	vst v2  }
0x52: {  	v2 =	vld.idx.msk [tilespmem:v3+s4+$0x0], $0xffff  }
0x53: {  	v3 =	vor.u32 $0xD, v1;
	_ =	sdelay $0x3  }
0x54: {  	[tilespmem:s28+$0x10A00] =	vst v2  }
0x55: {  	v2 =	vld.idx.msk [tilespmem:v3+s4+$0x0], $0xffff  }
0x56: {  	v3 =	vor.u32 $0xE, v1;
	_ =	sdelay $0x3  }
0x57: {  	[tilespmem:s28+$0x10A80] =	vst v2  }
0x58: {  	v2 =	vld.idx.msk [tilespmem:v3+s4+$0x0], $0xffff  }
0x59: {  	v3 =	vor.u32 $0xF, v1;
	_ =	sdelay $0x3  }
0x5a: {  	s29 =	simm.s32 $0x10;
	[tilespmem:s28+$0x10B00] =	vst v2  }
0x5b: {  	s30 =	simm.s32 $0x20;
	v1 =	vmov s29;
	v2 =	vld.idx.msk [tilespmem:v3+s4+$0x0], $0xffff  }
.LBB2_3:
0x5c: {  	p2 =	sne.s32 s30, $0xF0;
	v1 =	vshll.u32 v1, $0x7  }
0x5d: {  	v1 =	vor.u32 v0, v1;
	_ =	sdelay $0x3  }
0x5e: {  	[tilespmem:s28+$0x10B80] =	vst v2  }
0x5f: {  	v2 =	vld.idx.msk [tilespmem:v1+s4+$0x0], $0xffff;
	_ =	sdelay $0x1  }
0x60: {  	v3 =	vor.u32 $0x1, v1  }
0x61: {  	s26 =	sadd.s32 $0x80, s26  }
0x62: {  	s31 =	sand.u32 $0x400, s26;
	s28 =	sand.u32 $0x70, s29  }
0x63: {  	s28 =	sor.u32 s28, s31  }
0x64: {  	[tilespmem:s28+$0x10000] =	vst v2  }
0x65: {  	v2 =	vld.idx.msk [tilespmem:v3+s4+$0x0], $0xffff;
	_ =	sdelay $0x1  }
0x66: {  	v3 =	vor.u32 $0x2, v1;
	_ =	sdelay $0x3  }
0x67: {  	[tilespmem:s28+$0x10080] =	vst v2  }
0x68: {  	v2 =	vld.idx.msk [tilespmem:v3+s4+$0x0], $0xffff;
	_ =	sdelay $0x1  }
0x69: {  	v3 =	vor.u32 $0x3, v1;
	_ =	sdelay $0x3  }
0x6a: {  	[tilespmem:s28+$0x10100] =	vst v2  }
0x6b: {  	v2 =	vld.idx.msk [tilespmem:v3+s4+$0x0], $0xffff;
	_ =	sdelay $0x1  }
0x6c: {  	v3 =	vor.u32 $0x4, v1;
	_ =	sdelay $0x3  }
0x6d: {  	[tilespmem:s28+$0x10180] =	vst v2  }
0x6e: {  	v2 =	vld.idx.msk [tilespmem:v3+s4+$0x0], $0xffff;
	_ =	sdelay $0x1  }
0x6f: {  	v3 =	vor.u32 $0x5, v1;
	_ =	sdelay $0x3  }
0x70: {  	[tilespmem:s28+$0x10200] =	vst v2  }
0x71: {  	v2 =	vld.idx.msk [tilespmem:v3+s4+$0x0], $0xffff;
	_ =	sdelay $0x1  }
0x72: {  	v3 =	vor.u32 $0x6, v1;
	_ =	sdelay $0x3  }
0x73: {  	[tilespmem:s28+$0x10280] =	vst v2  }
0x74: {  	v2 =	vld.idx.msk [tilespmem:v3+s4+$0x0], $0xffff;
	_ =	sdelay $0x1  }
0x75: {  	v3 =	vor.u32 $0x7, v1;
	_ =	sdelay $0x3  }
0x76: {  	[tilespmem:s28+$0x10300] =	vst v2  }
0x77: {  	v2 =	vld.idx.msk [tilespmem:v3+s4+$0x0], $0xffff;
	_ =	sdelay $0x1  }
0x78: {  	v3 =	vor.u32 $0x8, v1;
	_ =	sdelay $0x1  }
0x79: {  	s31 =	sor.u32 s26, s29;
	s29 =	smov.u32 s30  }
0x7a: {  	s31 =	sor.u32 $0x380, s31  }
0x7b: {  	[tilespmem:s31+$0x10000] =	vst v2  }
0x7c: {  	v2 =	vld.idx.msk [tilespmem:v3+s4+$0x0], $0xffff;
	_ =	sdelay $0x1  }
0x7d: {  	v3 =	vor.u32 $0x9, v1;
	_ =	sdelay $0x3  }
0x7e: {  	[tilespmem:s28+$0x10800] =	vst v2  }
0x7f: {  	v2 =	vld.idx.msk [tilespmem:v3+s4+$0x0], $0xffff;
	_ =	sdelay $0x1  }
0x80: {  	v3 =	vor.u32 $0xA, v1;
	_ =	sdelay $0x3  }
0x81: {  	[tilespmem:s28+$0x10880] =	vst v2  }
0x82: {  	v2 =	vld.idx.msk [tilespmem:v3+s4+$0x0], $0xffff;
	_ =	sdelay $0x1  }
0x83: {  	v3 =	vor.u32 $0xB, v1;
	_ =	sdelay $0x3  }
0x84: {  	[tilespmem:s28+$0x10900] =	vst v2  }
0x85: {  	v2 =	vld.idx.msk [tilespmem:v3+s4+$0x0], $0xffff;
	_ =	sdelay $0x1  }
0x86: {  	v3 =	vor.u32 $0xC, v1;
	_ =	sdelay $0x3  }
0x87: {  	[tilespmem:s28+$0x10980] =	vst v2  }
0x88: {  	v2 =	vld.idx.msk [tilespmem:v3+s4+$0x0], $0xffff;
	_ =	sdelay $0x1  }
0x89: {  	v3 =	vor.u32 $0xD, v1;
	_ =	sdelay $0x3  }
0x8a: {  	[tilespmem:s28+$0x10A00] =	vst v2  }
0x8b: {  	v2 =	vld.idx.msk [tilespmem:v3+s4+$0x0], $0xffff;
	_ =	sdelay $0x1  }
0x8c: {  	v3 =	vor.u32 $0xE, v1;
	_ =	sdelay $0x3  }
0x8d: {  	[tilespmem:s28+$0x10A80] =	vst v2  }
0x8e: {  	v2 =	vld.idx.msk [tilespmem:v3+s4+$0x0], $0xffff;
	_ =	sdelay $0x1  }
0x8f: {  	v3 =	vor.u32 $0xF, v1  }
.Ltmp4:
0x90: {  	(pc) =	sbr.rel @p2 .LBB2_3-.Ltmp4, $3  }
0x91: {  	_ =	sdelay $0x1  }
0x92: {  	[tilespmem:s28+$0x10B00] =	vst v2  }
0x93: {  	s30 =	sadd.s32 $0x10, s30;
	v1 =	vmov s29;
	v2 =	vld.idx.msk [tilespmem:v3+s4+$0x0], $0xffff  }
0x94: {  	v1 =	vshll.u32 v1, $0x7  }
0x95: {  	v1 =	vor.u32 v0, v1;
	_ =	sdelay $0x3  }
0x96: {  	[tilespmem:s28+$0x10B80] =	vst v2  }
0x97: {  	v2 =	vld.idx.msk [tilespmem:v1+s4+$0x0], $0xffff  }
0x98: {  	v3 =	vor.u32 $0x1, v1  }
0x99: {  	s26 =	sadd.s32 $0x80, s26  }
0x9a: {  	s0 =	sand.u32 $0x70, s29;
	s30 =	sand.u32 $0x400, s26  }
0x9b: {  	s28 =	sor.u32 s0, s30  }
0x9c: {  	[tilespmem:s28+$0x10000] =	vst v2  }
0x9d: {  	v2 =	vld.idx.msk [tilespmem:v3+s4+$0x0], $0xffff  }
0x9e: {  	v3 =	vor.u32 $0x2, v1;
	_ =	sdelay $0x3  }
0x9f: {  	[tilespmem:s28+$0x10080] =	vst v2  }
0xa0: {  	v2 =	vld.idx.msk [tilespmem:v3+s4+$0x0], $0xffff  }
0xa1: {  	v3 =	vor.u32 $0x3, v1;
	_ =	sdelay $0x3  }
0xa2: {  	[tilespmem:s28+$0x10100] =	vst v2  }
0xa3: {  	v2 =	vld.idx.msk [tilespmem:v3+s4+$0x0], $0xffff  }
0xa4: {  	v3 =	vor.u32 $0x4, v1;
	_ =	sdelay $0x3  }
0xa5: {  	[tilespmem:s28+$0x10180] =	vst v2  }
0xa6: {  	v2 =	vld.idx.msk [tilespmem:v3+s4+$0x0], $0xffff  }
0xa7: {  	v3 =	vor.u32 $0x5, v1;
	_ =	sdelay $0x3  }
0xa8: {  	[tilespmem:s28+$0x10200] =	vst v2  }
0xa9: {  	v2 =	vld.idx.msk [tilespmem:v3+s4+$0x0], $0xffff  }
0xaa: {  	v3 =	vor.u32 $0x6, v1;
	_ =	sdelay $0x3  }
0xab: {  	[tilespmem:s28+$0x10280] =	vst v2  }
0xac: {  	v2 =	vld.idx.msk [tilespmem:v3+s4+$0x0], $0xffff  }
0xad: {  	v3 =	vor.u32 $0x7, v1;
	_ =	sdelay $0x3  }
0xae: {  	[tilespmem:s28+$0x10300] =	vst v2  }
0xaf: {  	v2 =	vld.idx.msk [tilespmem:v3+s4+$0x0], $0xffff  }
0xb0: {  	v3 =	vor.u32 $0x8, v1;
	_ =	sdelay $0x1  }
0xb1: {  	s26 =	sor.u32 s26, s29  }
0xb2: {  	s26 =	sor.u32 $0x380, s26  }
0xb3: {  	[tilespmem:s26+$0x10000] =	vst v2  }
0xb4: {  	v2 =	vld.idx.msk [tilespmem:v3+s4+$0x0], $0xffff  }
0xb5: {  	v3 =	vor.u32 $0x9, v1;
	_ =	sdelay $0x3  }
0xb6: {  	[tilespmem:s28+$0x10800] =	vst v2  }
0xb7: {  	v2 =	vld.idx.msk [tilespmem:v3+s4+$0x0], $0xffff  }
0xb8: {  	v3 =	vor.u32 $0xA, v1;
	_ =	sdelay $0x3  }
0xb9: {  	[tilespmem:s28+$0x10880] =	vst v2  }
0xba: {  	v2 =	vld.idx.msk [tilespmem:v3+s4+$0x0], $0xffff  }
0xbb: {  	v3 =	vor.u32 $0xB, v1;
	_ =	sdelay $0x3  }
0xbc: {  	[tilespmem:s28+$0x10900] =	vst v2  }
0xbd: {  	v2 =	vld.idx.msk [tilespmem:v3+s4+$0x0], $0xffff  }
0xbe: {  	v3 =	vor.u32 $0xC, v1;
	_ =	sdelay $0x3  }
0xbf: {  	[tilespmem:s28+$0x10980] =	vst v2  }
0xc0: {  	v2 =	vld.idx.msk [tilespmem:v3+s4+$0x0], $0xffff  }
0xc1: {  	v3 =	vor.u32 $0xD, v1;
	_ =	sdelay $0x3  }
0xc2: {  	[tilespmem:s28+$0x10A00] =	vst v2  }
0xc3: {  	v2 =	vld.idx.msk [tilespmem:v3+s4+$0x0], $0xffff  }
0xc4: {  	v3 =	vor.u32 $0xE, v1;
	_ =	sdelay $0x3  }
0xc5: {  	[tilespmem:s28+$0x10A80] =	vst v2  }
0xc6: {  	v2 =	vld.idx.msk [tilespmem:v3+s4+$0x0], $0xffff  }
0xc7: {  	v1 =	vor.u32 $0xF, v1;
	_ =	sdelay $0x3  }
0xc8: {  	[tilespmem:s28+$0x10B00] =	vst v2  }
0xc9: {  	v1 =	vld.idx.msk [tilespmem:v1+s4+$0x0], $0xffff  }
0xca: {  	p2 =	sgt.u32 s25, $0x4A1  }
.Ltmp5:
0xcb: {  	_ = 	snop;
	(pc) =	sbr.rel @p2 .LBB2_6-.Ltmp5, $4  }
0xcc: {  	_ = 	snop  }
0xcd: {  	s31 =	sshll.u32 s25, $0x8  }
0xce: {  	s26 =	sadd.s32 s5, s31;
	[tilespmem:s28+$0x10B80] =	vst v1  }
0xcf: {  	[hbm4b:s26+s14] =	stream.strided.scatter [tilespmem:s16], [sflag:$0x3], $0x1000, s15, s14, $0x38;
	[tilespmem:$0x12000] =	vst v63  }
.Ltmp6:
0xd0: {  	(pc) =	sbr.rel .LBB2_7-.Ltmp6, $4  }
0xd1: {  	_ = 	snop  }
0xd2: {  	s25 =	sshll.u32 s25, $0xC  }
0xd3: {  	s25 =	sadd.s32 s25, s9  }
0xd4: {  	[tilespmem:s4], [sflag:$0x1] =	stream.linear.gather [hbm4b:s25+s4], $0x8000, $0x38;
	[tilespmem:$0x12000] =	vst v63  }
.LBB2_6:
.Ltmp7:
0xd5: {  	(pc) =	sbr.rel @p1 .LBB2_10-.Ltmp7, $1  }
0xd6: {  	_ =	sdelay $0x3  }
.LBB2_7:
0xd7: {  	s25 =	simm.s32 $0x0  }
0xd8: {  	v1 =	vmov s25  }
0xd9: {  	_ =	swait.ge [sflag:s17], $0x8000;
	v1 =	vshll.u32 v1, $0x7  }
0xda: {  	[sflag:s17] =	ssyncset.done $0x0;
	v1 =	vor.u32 v0, v1  }
0xdb: {  	s26 =	simm.s32 @!p0 $0x4;
	[sflag:s17] =	ssyncadd.s32 $0xFFFF8000  }
0xdc: {  	_ =	swait.ge @!p0 [sflag:s26], $0x1000  }
0xdd: {  	[sflag:s26] =	ssyncset.done @!p0 $0x0  }
0xde: {  	[sflag:s26] =	ssyncadd.s32 @!p0 $0xFFFFF000  }
0xdf: {  	v2 =	vld.idx.msk [tilespmem:v1+s18+$0x0], $0xffff  }
0xe0: {  	v3 =	vor.u32 $0x1, v1;
	_ =	sdelay $0x1  }
0xe1: {  	s31 =	sand.u32 $0x70, s25;
	s28 =	sand.u32 $0x400, s25  }
0xe2: {  	s26 =	sor.u32 s31, s28  }
0xe3: {  	[tilespmem:s26+$0x11000] =	vst v2  }
0xe4: {  	v2 =	vld.idx.msk [tilespmem:v3+s18+$0x0], $0xffff  }
0xe5: {  	v3 =	vor.u32 $0x2, v1;
	_ =	sdelay $0x3  }
0xe6: {  	[tilespmem:s26+$0x11080] =	vst v2  }
0xe7: {  	v2 =	vld.idx.msk [tilespmem:v3+s18+$0x0], $0xffff  }
0xe8: {  	v3 =	vor.u32 $0x3, v1;
	_ =	sdelay $0x3  }
0xe9: {  	[tilespmem:s26+$0x11100] =	vst v2  }
0xea: {  	v2 =	vld.idx.msk [tilespmem:v3+s18+$0x0], $0xffff  }
0xeb: {  	v3 =	vor.u32 $0x4, v1;
	_ =	sdelay $0x3  }
0xec: {  	[tilespmem:s26+$0x11180] =	vst v2  }
0xed: {  	v2 =	vld.idx.msk [tilespmem:v3+s18+$0x0], $0xffff  }
0xee: {  	v3 =	vor.u32 $0x5, v1;
	_ =	sdelay $0x3  }
0xef: {  	[tilespmem:s26+$0x11200] =	vst v2  }
0xf0: {  	v2 =	vld.idx.msk [tilespmem:v3+s18+$0x0], $0xffff  }
0xf1: {  	v3 =	vor.u32 $0x6, v1;
	_ =	sdelay $0x3  }
0xf2: {  	[tilespmem:s26+$0x11280] =	vst v2  }
0xf3: {  	v2 =	vld.idx.msk [tilespmem:v3+s18+$0x0], $0xffff  }
0xf4: {  	v3 =	vor.u32 $0x7, v1;
	_ =	sdelay $0x3  }
0xf5: {  	[tilespmem:s26+$0x11300] =	vst v2  }
0xf6: {  	v2 =	vld.idx.msk [tilespmem:v3+s18+$0x0], $0xffff  }
0xf7: {  	v3 =	vor.u32 $0x8, v1;
	_ =	sdelay $0x1  }
0xf8: {  	s28 =	sor.u32 s25, s25  }
0xf9: {  	s28 =	sor.u32 $0x380, s28  }
0xfa: {  	[tilespmem:s28+$0x11000] =	vst v2  }
0xfb: {  	v2 =	vld.idx.msk [tilespmem:v3+s18+$0x0], $0xffff  }
0xfc: {  	v3 =	vor.u32 $0x9, v1;
	_ =	sdelay $0x3  }
0xfd: {  	[tilespmem:s26+$0x11800] =	vst v2  }
0xfe: {  	v2 =	vld.idx.msk [tilespmem:v3+s18+$0x0], $0xffff  }
0xff: {  	v3 =	vor.u32 $0xA, v1;
	_ =	sdelay $0x3  }
0x100: {  	[tilespmem:s26+$0x11880] =	vst v2  }
0x101: {  	v2 =	vld.idx.msk [tilespmem:v3+s18+$0x0], $0xffff  }
0x102: {  	v3 =	vor.u32 $0xB, v1;
	_ =	sdelay $0x3  }
0x103: {  	[tilespmem:s26+$0x11900] =	vst v2  }
0x104: {  	v2 =	vld.idx.msk [tilespmem:v3+s18+$0x0], $0xffff  }
0x105: {  	v3 =	vor.u32 $0xC, v1;
	_ =	sdelay $0x3  }
0x106: {  	[tilespmem:s26+$0x11980] =	vst v2  }
0x107: {  	v2 =	vld.idx.msk [tilespmem:v3+s18+$0x0], $0xffff  }
0x108: {  	v3 =	vor.u32 $0xD, v1;
	_ =	sdelay $0x3  }
0x109: {  	[tilespmem:s26+$0x11A00] =	vst v2  }
0x10a: {  	v2 =	vld.idx.msk [tilespmem:v3+s18+$0x0], $0xffff  }
0x10b: {  	v3 =	vor.u32 $0xE, v1;
	_ =	sdelay $0x3  }
0x10c: {  	[tilespmem:s26+$0x11A80] =	vst v2  }
0x10d: {  	v2 =	vld.idx.msk [tilespmem:v3+s18+$0x0], $0xffff  }
0x10e: {  	v3 =	vor.u32 $0xF, v1;
	_ =	sdelay $0x3  }
0x10f: {  	s28 =	simm.s32 $0x10;
	[tilespmem:s26+$0x11B00] =	vst v2  }
0x110: {  	s29 =	simm.s32 $0x20;
	v1 =	vmov s28;
	v2 =	vld.idx.msk [tilespmem:v3+s18+$0x0], $0xffff  }
.LBB2_8:
0x111: {  	p0 =	sne.s32 s29, $0xF0;
	v1 =	vshll.u32 v1, $0x7  }
0x112: {  	v1 =	vor.u32 v0, v1;
	_ =	sdelay $0x3  }
0x113: {  	[tilespmem:s26+$0x11B80] =	vst v2  }
0x114: {  	v2 =	vld.idx.msk [tilespmem:v1+s18+$0x0], $0xffff;
	_ =	sdelay $0x1  }
0x115: {  	v3 =	vor.u32 $0x1, v1  }
0x116: {  	s25 =	sadd.s32 $0x80, s25  }
0x117: {  	s30 =	sand.u32 $0x400, s25;
	s26 =	sand.u32 $0x70, s28  }
0x118: {  	s26 =	sor.u32 s26, s30  }
0x119: {  	[tilespmem:s26+$0x11000] =	vst v2  }
0x11a: {  	v2 =	vld.idx.msk [tilespmem:v3+s18+$0x0], $0xffff;
	_ =	sdelay $0x1  }
0x11b: {  	v3 =	vor.u32 $0x2, v1;
	_ =	sdelay $0x3  }
0x11c: {  	[tilespmem:s26+$0x11080] =	vst v2  }
0x11d: {  	v2 =	vld.idx.msk [tilespmem:v3+s18+$0x0], $0xffff;
	_ =	sdelay $0x1  }
0x11e: {  	v3 =	vor.u32 $0x3, v1;
	_ =	sdelay $0x3  }
0x11f: {  	[tilespmem:s26+$0x11100] =	vst v2  }
0x120: {  	v2 =	vld.idx.msk [tilespmem:v3+s18+$0x0], $0xffff;
	_ =	sdelay $0x1  }
0x121: {  	v3 =	vor.u32 $0x4, v1;
	_ =	sdelay $0x3  }
0x122: {  	[tilespmem:s26+$0x11180] =	vst v2  }
0x123: {  	v2 =	vld.idx.msk [tilespmem:v3+s18+$0x0], $0xffff;
	_ =	sdelay $0x1  }
0x124: {  	v3 =	vor.u32 $0x5, v1;
	_ =	sdelay $0x3  }
0x125: {  	[tilespmem:s26+$0x11200] =	vst v2  }
0x126: {  	v2 =	vld.idx.msk [tilespmem:v3+s18+$0x0], $0xffff;
	_ =	sdelay $0x1  }
0x127: {  	v3 =	vor.u32 $0x6, v1;
	_ =	sdelay $0x3  }
0x128: {  	[tilespmem:s26+$0x11280] =	vst v2  }
0x129: {  	v2 =	vld.idx.msk [tilespmem:v3+s18+$0x0], $0xffff;
	_ =	sdelay $0x1  }
0x12a: {  	v3 =	vor.u32 $0x7, v1;
	_ =	sdelay $0x3  }
0x12b: {  	[tilespmem:s26+$0x11300] =	vst v2  }
0x12c: {  	v2 =	vld.idx.msk [tilespmem:v3+s18+$0x0], $0xffff;
	_ =	sdelay $0x1  }
0x12d: {  	v3 =	vor.u32 $0x8, v1;
	_ =	sdelay $0x1  }
0x12e: {  	s30 =	sor.u32 s25, s28;
	s28 =	smov.u32 s29  }
0x12f: {  	s30 =	sor.u32 $0x380, s30  }
0x130: {  	[tilespmem:s30+$0x11000] =	vst v2  }
0x131: {  	v2 =	vld.idx.msk [tilespmem:v3+s18+$0x0], $0xffff;
	_ =	sdelay $0x1  }
0x132: {  	v3 =	vor.u32 $0x9, v1;
	_ =	sdelay $0x3  }
0x133: {  	[tilespmem:s26+$0x11800] =	vst v2  }
0x134: {  	v2 =	vld.idx.msk [tilespmem:v3+s18+$0x0], $0xffff;
	_ =	sdelay $0x1  }
0x135: {  	v3 =	vor.u32 $0xA, v1;
	_ =	sdelay $0x3  }
0x136: {  	[tilespmem:s26+$0x11880] =	vst v2  }
0x137: {  	v2 =	vld.idx.msk [tilespmem:v3+s18+$0x0], $0xffff;
	_ =	sdelay $0x1  }
0x138: {  	v3 =	vor.u32 $0xB, v1;
	_ =	sdelay $0x3  }
0x139: {  	[tilespmem:s26+$0x11900] =	vst v2  }
0x13a: {  	v2 =	vld.idx.msk [tilespmem:v3+s18+$0x0], $0xffff;
	_ =	sdelay $0x1  }
0x13b: {  	v3 =	vor.u32 $0xC, v1;
	_ =	sdelay $0x3  }
0x13c: {  	[tilespmem:s26+$0x11980] =	vst v2  }
0x13d: {  	v2 =	vld.idx.msk [tilespmem:v3+s18+$0x0], $0xffff;
	_ =	sdelay $0x1  }
0x13e: {  	v3 =	vor.u32 $0xD, v1;
	_ =	sdelay $0x3  }
0x13f: {  	[tilespmem:s26+$0x11A00] =	vst v2  }
0x140: {  	v2 =	vld.idx.msk [tilespmem:v3+s18+$0x0], $0xffff;
	_ =	sdelay $0x1  }
0x141: {  	v3 =	vor.u32 $0xE, v1;
	_ =	sdelay $0x3  }
0x142: {  	[tilespmem:s26+$0x11A80] =	vst v2  }
0x143: {  	v2 =	vld.idx.msk [tilespmem:v3+s18+$0x0], $0xffff;
	_ =	sdelay $0x1  }
0x144: {  	v3 =	vor.u32 $0xF, v1  }
.Ltmp8:
0x145: {  	(pc) =	sbr.rel @p0 .LBB2_8-.Ltmp8, $3  }
0x146: {  	_ =	sdelay $0x1  }
0x147: {  	[tilespmem:s26+$0x11B00] =	vst v2  }
0x148: {  	s29 =	sadd.s32 $0x10, s29;
	v1 =	vmov s28;
	v2 =	vld.idx.msk [tilespmem:v3+s18+$0x0], $0xffff  }
0x149: {  	v1 =	vshll.u32 v1, $0x7  }
0x14a: {  	v1 =	vor.u32 v0, v1;
	_ =	sdelay $0x3  }
0x14b: {  	[tilespmem:s26+$0x11B80] =	vst v2  }
0x14c: {  	v2 =	vld.idx.msk [tilespmem:v1+s18+$0x0], $0xffff  }
0x14d: {  	v3 =	vor.u32 $0x1, v1  }
0x14e: {  	s25 =	sadd.s32 $0x80, s25  }
0x14f: {  	s31 =	sand.u32 $0x70, s28;
	s29 =	sand.u32 $0x400, s25  }
0x150: {  	s26 =	sor.u32 s31, s29  }
0x151: {  	[tilespmem:s26+$0x11000] =	vst v2  }
0x152: {  	v2 =	vld.idx.msk [tilespmem:v3+s18+$0x0], $0xffff  }
0x153: {  	v3 =	vor.u32 $0x2, v1;
	_ =	sdelay $0x3  }
0x154: {  	[tilespmem:s26+$0x11080] =	vst v2  }
0x155: {  	v2 =	vld.idx.msk [tilespmem:v3+s18+$0x0], $0xffff  }
0x156: {  	v3 =	vor.u32 $0x3, v1;
	_ =	sdelay $0x3  }
0x157: {  	[tilespmem:s26+$0x11100] =	vst v2  }
0x158: {  	v2 =	vld.idx.msk [tilespmem:v3+s18+$0x0], $0xffff  }
0x159: {  	v3 =	vor.u32 $0x4, v1;
	_ =	sdelay $0x3  }
0x15a: {  	[tilespmem:s26+$0x11180] =	vst v2  }
0x15b: {  	v2 =	vld.idx.msk [tilespmem:v3+s18+$0x0], $0xffff  }
0x15c: {  	v3 =	vor.u32 $0x5, v1;
	_ =	sdelay $0x3  }
0x15d: {  	[tilespmem:s26+$0x11200] =	vst v2  }
0x15e: {  	v2 =	vld.idx.msk [tilespmem:v3+s18+$0x0], $0xffff  }
0x15f: {  	v3 =	vor.u32 $0x6, v1;
	_ =	sdelay $0x3  }
0x160: {  	[tilespmem:s26+$0x11280] =	vst v2  }
0x161: {  	v2 =	vld.idx.msk [tilespmem:v3+s18+$0x0], $0xffff  }
0x162: {  	v3 =	vor.u32 $0x7, v1;
	_ =	sdelay $0x3  }
0x163: {  	[tilespmem:s26+$0x11300] =	vst v2  }
0x164: {  	v2 =	vld.idx.msk [tilespmem:v3+s18+$0x0], $0xffff  }
0x165: {  	v3 =	vor.u32 $0x8, v1;
	_ =	sdelay $0x1  }
0x166: {  	s25 =	sor.u32 s25, s28  }
0x167: {  	s25 =	sor.u32 $0x380, s25  }
0x168: {  	[tilespmem:s25+$0x11000] =	vst v2  }
0x169: {  	v2 =	vld.idx.msk [tilespmem:v3+s18+$0x0], $0xffff  }
0x16a: {  	v3 =	vor.u32 $0x9, v1;
	_ =	sdelay $0x3  }
0x16b: {  	[tilespmem:s26+$0x11800] =	vst v2  }
0x16c: {  	v2 =	vld.idx.msk [tilespmem:v3+s18+$0x0], $0xffff  }
0x16d: {  	v3 =	vor.u32 $0xA, v1;
	_ =	sdelay $0x3  }
0x16e: {  	[tilespmem:s26+$0x11880] =	vst v2  }
0x16f: {  	v2 =	vld.idx.msk [tilespmem:v3+s18+$0x0], $0xffff  }
0x170: {  	v3 =	vor.u32 $0xB, v1;
	_ =	sdelay $0x3  }
0x171: {  	[tilespmem:s26+$0x11900] =	vst v2  }
0x172: {  	v2 =	vld.idx.msk [tilespmem:v3+s18+$0x0], $0xffff  }
0x173: {  	v3 =	vor.u32 $0xC, v1;
	_ =	sdelay $0x3  }
0x174: {  	[tilespmem:s26+$0x11980] =	vst v2  }
0x175: {  	v2 =	vld.idx.msk [tilespmem:v3+s18+$0x0], $0xffff  }
0x176: {  	v3 =	vor.u32 $0xD, v1;
	_ =	sdelay $0x3  }
0x177: {  	[tilespmem:s26+$0x11A00] =	vst v2  }
0x178: {  	v2 =	vld.idx.msk [tilespmem:v3+s18+$0x0], $0xffff  }
0x179: {  	v3 =	vor.u32 $0xE, v1;
	_ =	sdelay $0x3  }
0x17a: {  	[tilespmem:s26+$0x11A80] =	vst v2  }
0x17b: {  	v2 =	vld.idx.msk [tilespmem:v3+s18+$0x0], $0xffff  }
0x17c: {  	v1 =	vor.u32 $0xF, v1;
	_ =	sdelay $0x3  }
0x17d: {  	[tilespmem:s26+$0x11B00] =	vst v2  }
0x17e: {  	v1 =	vld.idx.msk [tilespmem:v1+s18+$0x0], $0xffff;
	_ =	sdelay $0x1  }
.Ltmp9:
0x17f: {  	_ = 	snop;
	(pc) =	sbr.rel .LBB2_10-.Ltmp9, $4  }
0x180: {  	_ = 	snop  }
0x181: {  	s24 =	sshll.u32 s24, $0x8  }
0x182: {  	s24 =	sadd.s32 s5, s24;
	[tilespmem:s26+$0x11B80] =	vst v1  }
0x183: {  	[hbm4b:s24+s14] =	stream.strided.scatter [tilespmem:s19], [sflag:$0x4], $0x1000, s15, s14, $0x38;
	[tilespmem:$0x12000] =	vst v63  }
.LBB2_11:
0x184: {  	_ =	swait.ge [sflag:s20], $0x1000  }
0x185: {  	[sflag:s20] =	ssyncset.done $0x0  }
.Ltmp10:
0x186: {  	[sflag:s20] =	ssyncadd.s32 $0xFFFFF000;
	(pc) =	sbr.rel .LBB2_12-.Ltmp10, $4  }
0x187: {  	_ =	swait.ge [sflag:s21], $0x1000  }
0x188: {  	[sflag:s21] =	ssyncset.done $0x0  }
0x189: {  	s23 =	simm.s32 $0x0;
	s24 =	simm.s32 $0x0;
	[sflag:s21] =	ssyncadd.s32 $0xFFFFF000  }
0x18a: {  	[tilespmem:s23], [sflag:$0x1] =	stream.linear.gather [hbm4b:s10+s23], $0x8000, $0x38;
	[tilespmem:$0x12000] =	vst v63  }
.LBB2_20:
0x18b: {  	s24 =	sadd.s32 $0x1, s24  }
0x18c: {  	p0 =	sne.s32 s24, $0x14  }
.Ltmp11:
0x18d: {  	_ = 	snop;
	(pc) =	sbr.rel @!p0 .LBB2_21-.Ltmp11, $1  }
0x18e: {  	_ =	sdelay $0x3  }
.LBB2_12:
0x18f: {  	s25 =	sshll.u32 s24, $0x6  }
0x190: {  	s26 =	sor.u32 s6, s25  }
0x191: {  	s25 =	sor.u32 $0x20, s26  }
0x192: {  	p1 =	sgt.u32 s25, $0x4E1  }
0x193: {  	s28 =	sshll.u32 @!p1 s25, $0xC  }
0x194: {  	s29 =	simm.s32 @!p1 $0x0;
	s30 =	simm.s32 @!p1 $0x8000;
	s28 =	sadd.s32 @!p1 s2, s28  }
0x195: {  	v1 =	vmov s23;
	[tilespmem:s30], [sflag:$0x2] =	stream.linear.gather @!p1 [hbm4b:s28+s29], $0x8000, $0x38;
	[tilespmem:$0x12000] =	vst v63  }
0x196: {  	v1 =	vshll.u32 v1, $0x7;
	_ =	swait.ge [sflag:s13], $0x8000  }
0x197: {  	p0 =	seq.s32 s24, $0x0;
	v1 =	vor.u32 v0, v1;
	[sflag:s13] =	ssyncset.done $0x0  }
0x198: {  	s28 =	simm.s32 @!p0 $0x3;
	[sflag:s13] =	ssyncadd.s32 $0xFFFF8000  }
0x199: {  	_ =	swait.ge @!p0 [sflag:s28], $0x1000  }
0x19a: {  	[sflag:s28] =	ssyncset.done @!p0 $0x0  }
0x19b: {  	[sflag:s28] =	ssyncadd.s32 @!p0 $0xFFFFF000  }
0x19c: {  	v2 =	vld.idx.msk [tilespmem:v1+s4+$0x0], $0xffff  }
0x19d: {  	v3 =	vor.u32 $0x1, v1;
	_ =	sdelay $0x1  }
0x19e: {  	s29 =	sand.u32 $0x400, s23;
	s28 =	sand.u32 $0x70, s23  }
0x19f: {  	s28 =	sor.u32 s28, s29  }
0x1a0: {  	[tilespmem:s28+$0x10000] =	vst v2  }
0x1a1: {  	v2 =	vld.idx.msk [tilespmem:v3+s4+$0x0], $0xffff  }
0x1a2: {  	v3 =	vor.u32 $0x2, v1;
	_ =	sdelay $0x3  }
0x1a3: {  	[tilespmem:s28+$0x10080] =	vst v2  }
0x1a4: {  	v2 =	vld.idx.msk [tilespmem:v3+s4+$0x0], $0xffff  }
0x1a5: {  	v3 =	vor.u32 $0x3, v1;
	_ =	sdelay $0x3  }
0x1a6: {  	[tilespmem:s28+$0x10100] =	vst v2  }
0x1a7: {  	v2 =	vld.idx.msk [tilespmem:v3+s4+$0x0], $0xffff  }
0x1a8: {  	v3 =	vor.u32 $0x4, v1;
	_ =	sdelay $0x3  }
0x1a9: {  	[tilespmem:s28+$0x10180] =	vst v2  }
0x1aa: {  	v2 =	vld.idx.msk [tilespmem:v3+s4+$0x0], $0xffff  }
0x1ab: {  	v3 =	vor.u32 $0x5, v1;
	_ =	sdelay $0x3  }
0x1ac: {  	[tilespmem:s28+$0x10200] =	vst v2  }
0x1ad: {  	v2 =	vld.idx.msk [tilespmem:v3+s4+$0x0], $0xffff  }
0x1ae: {  	v3 =	vor.u32 $0x6, v1;
	_ =	sdelay $0x3  }
0x1af: {  	[tilespmem:s28+$0x10280] =	vst v2  }
0x1b0: {  	v2 =	vld.idx.msk [tilespmem:v3+s4+$0x0], $0xffff  }
0x1b1: {  	v3 =	vor.u32 $0x7, v1;
	_ =	sdelay $0x3  }
0x1b2: {  	[tilespmem:s28+$0x10300] =	vst v2  }
0x1b3: {  	v2 =	vld.idx.msk [tilespmem:v3+s4+$0x0], $0xffff  }
0x1b4: {  	v3 =	vor.u32 $0x8, v1;
	_ =	sdelay $0x1  }
0x1b5: {  	s29 =	sor.u32 s23, s23  }
0x1b6: {  	s29 =	sor.u32 $0x380, s29  }
0x1b7: {  	[tilespmem:s29+$0x10000] =	vst v2  }
0x1b8: {  	v2 =	vld.idx.msk [tilespmem:v3+s4+$0x0], $0xffff  }
0x1b9: {  	v3 =	vor.u32 $0x9, v1;
	_ =	sdelay $0x3  }
0x1ba: {  	[tilespmem:s28+$0x10800] =	vst v2  }
0x1bb: {  	v2 =	vld.idx.msk [tilespmem:v3+s4+$0x0], $0xffff  }
0x1bc: {  	v3 =	vor.u32 $0xA, v1;
	_ =	sdelay $0x3  }
0x1bd: {  	[tilespmem:s28+$0x10880] =	vst v2  }
0x1be: {  	v2 =	vld.idx.msk [tilespmem:v3+s4+$0x0], $0xffff  }
0x1bf: {  	v3 =	vor.u32 $0xB, v1;
	_ =	sdelay $0x3  }
0x1c0: {  	[tilespmem:s28+$0x10900] =	vst v2  }
0x1c1: {  	v2 =	vld.idx.msk [tilespmem:v3+s4+$0x0], $0xffff  }
0x1c2: {  	v3 =	vor.u32 $0xC, v1;
	_ =	sdelay $0x3  }
0x1c3: {  	[tilespmem:s28+$0x10980] =	vst v2  }
0x1c4: {  	v2 =	vld.idx.msk [tilespmem:v3+s4+$0x0], $0xffff  }
0x1c5: {  	v3 =	vor.u32 $0xD, v1;
	_ =	sdelay $0x3  }
0x1c6: {  	[tilespmem:s28+$0x10A00] =	vst v2  }
0x1c7: {  	v2 =	vld.idx.msk [tilespmem:v3+s4+$0x0], $0xffff  }
0x1c8: {  	v3 =	vor.u32 $0xE, v1;
	_ =	sdelay $0x3  }
0x1c9: {  	[tilespmem:s28+$0x10A80] =	vst v2  }
0x1ca: {  	v2 =	vld.idx.msk [tilespmem:v3+s4+$0x0], $0xffff  }
0x1cb: {  	v3 =	vor.u32 $0xF, v1;
	_ =	sdelay $0x3  }
0x1cc: {  	s29 =	simm.s32 $0x10;
	[tilespmem:s28+$0x10B00] =	vst v2  }
0x1cd: {  	s31 =	simm.s32 $0x20;
	s30 =	simm.s32 $0x0;
	v1 =	vmov s29;
	v2 =	vld.idx.msk [tilespmem:v3+s4+$0x0], $0xffff  }
.LBB2_13:
0x1ce: {  	p2 =	sne.s32 s31, $0xF0;
	v1 =	vshll.u32 v1, $0x7  }
0x1cf: {  	v1 =	vor.u32 v0, v1;
	_ =	sdelay $0x3  }
0x1d0: {  	[tilespmem:s28+$0x10B80] =	vst v2  }
0x1d1: {  	v2 =	vld.idx.msk [tilespmem:v1+s4+$0x0], $0xffff;
	_ =	sdelay $0x1  }
0x1d2: {  	v3 =	vor.u32 $0x1, v1  }
0x1d3: {  	s30 =	sadd.s32 $0x80, s30  }
0x1d4: {  	s0 =	sand.u32 $0x400, s30;
	s28 =	sand.u32 $0x70, s29  }
0x1d5: {  	s28 =	sor.u32 s28, s0  }
0x1d6: {  	[tilespmem:s28+$0x10000] =	vst v2  }
0x1d7: {  	v2 =	vld.idx.msk [tilespmem:v3+s4+$0x0], $0xffff;
	_ =	sdelay $0x1  }
0x1d8: {  	v3 =	vor.u32 $0x2, v1;
	_ =	sdelay $0x3  }
0x1d9: {  	[tilespmem:s28+$0x10080] =	vst v2  }
0x1da: {  	v2 =	vld.idx.msk [tilespmem:v3+s4+$0x0], $0xffff;
	_ =	sdelay $0x1  }
0x1db: {  	v3 =	vor.u32 $0x3, v1;
	_ =	sdelay $0x3  }
0x1dc: {  	[tilespmem:s28+$0x10100] =	vst v2  }
0x1dd: {  	v2 =	vld.idx.msk [tilespmem:v3+s4+$0x0], $0xffff;
	_ =	sdelay $0x1  }
0x1de: {  	v3 =	vor.u32 $0x4, v1;
	_ =	sdelay $0x3  }
0x1df: {  	[tilespmem:s28+$0x10180] =	vst v2  }
0x1e0: {  	v2 =	vld.idx.msk [tilespmem:v3+s4+$0x0], $0xffff;
	_ =	sdelay $0x1  }
0x1e1: {  	v3 =	vor.u32 $0x5, v1;
	_ =	sdelay $0x3  }
0x1e2: {  	[tilespmem:s28+$0x10200] =	vst v2  }
0x1e3: {  	v2 =	vld.idx.msk [tilespmem:v3+s4+$0x0], $0xffff;
	_ =	sdelay $0x1  }
0x1e4: {  	v3 =	vor.u32 $0x6, v1;
	_ =	sdelay $0x3  }
0x1e5: {  	[tilespmem:s28+$0x10280] =	vst v2  }
0x1e6: {  	v2 =	vld.idx.msk [tilespmem:v3+s4+$0x0], $0xffff;
	_ =	sdelay $0x1  }
0x1e7: {  	v3 =	vor.u32 $0x7, v1;
	_ =	sdelay $0x3  }
0x1e8: {  	[tilespmem:s28+$0x10300] =	vst v2  }
0x1e9: {  	v2 =	vld.idx.msk [tilespmem:v3+s4+$0x0], $0xffff;
	_ =	sdelay $0x1  }
0x1ea: {  	v3 =	vor.u32 $0x8, v1;
	_ =	sdelay $0x1  }
0x1eb: {  	s0 =	sor.u32 s30, s29;
	s29 =	smov.u32 s31  }
0x1ec: {  	s0 =	sor.u32 $0x380, s0  }
0x1ed: {  	[tilespmem:s0+$0x10000] =	vst v2  }
0x1ee: {  	v2 =	vld.idx.msk [tilespmem:v3+s4+$0x0], $0xffff;
	_ =	sdelay $0x1  }
0x1ef: {  	v3 =	vor.u32 $0x9, v1;
	_ =	sdelay $0x3  }
0x1f0: {  	[tilespmem:s28+$0x10800] =	vst v2  }
0x1f1: {  	v2 =	vld.idx.msk [tilespmem:v3+s4+$0x0], $0xffff;
	_ =	sdelay $0x1  }
0x1f2: {  	v3 =	vor.u32 $0xA, v1;
	_ =	sdelay $0x3  }
0x1f3: {  	[tilespmem:s28+$0x10880] =	vst v2  }
0x1f4: {  	v2 =	vld.idx.msk [tilespmem:v3+s4+$0x0], $0xffff;
	_ =	sdelay $0x1  }
0x1f5: {  	v3 =	vor.u32 $0xB, v1;
	_ =	sdelay $0x3  }
0x1f6: {  	[tilespmem:s28+$0x10900] =	vst v2  }
0x1f7: {  	v2 =	vld.idx.msk [tilespmem:v3+s4+$0x0], $0xffff;
	_ =	sdelay $0x1  }
0x1f8: {  	v3 =	vor.u32 $0xC, v1;
	_ =	sdelay $0x3  }
0x1f9: {  	[tilespmem:s28+$0x10980] =	vst v2  }
0x1fa: {  	v2 =	vld.idx.msk [tilespmem:v3+s4+$0x0], $0xffff;
	_ =	sdelay $0x1  }
0x1fb: {  	v3 =	vor.u32 $0xD, v1;
	_ =	sdelay $0x3  }
0x1fc: {  	[tilespmem:s28+$0x10A00] =	vst v2  }
0x1fd: {  	v2 =	vld.idx.msk [tilespmem:v3+s4+$0x0], $0xffff;
	_ =	sdelay $0x1  }
0x1fe: {  	v3 =	vor.u32 $0xE, v1;
	_ =	sdelay $0x3  }
0x1ff: {  	[tilespmem:s28+$0x10A80] =	vst v2  }
0x200: {  	v2 =	vld.idx.msk [tilespmem:v3+s4+$0x0], $0xffff;
	_ =	sdelay $0x1  }
0x201: {  	v3 =	vor.u32 $0xF, v1  }
.Ltmp12:
0x202: {  	(pc) =	sbr.rel @p2 .LBB2_13-.Ltmp12, $3  }
0x203: {  	_ =	sdelay $0x1  }
0x204: {  	[tilespmem:s28+$0x10B00] =	vst v2  }
0x205: {  	s31 =	sadd.s32 $0x10, s31;
	v1 =	vmov s29;
	v2 =	vld.idx.msk [tilespmem:v3+s4+$0x0], $0xffff  }
0x206: {  	v1 =	vshll.u32 v1, $0x7  }
0x207: {  	v1 =	vor.u32 v0, v1;
	_ =	sdelay $0x3  }
0x208: {  	[tilespmem:s28+$0x10B80] =	vst v2  }
0x209: {  	v2 =	vld.idx.msk [tilespmem:v1+s4+$0x0], $0xffff  }
0x20a: {  	v3 =	vor.u32 $0x1, v1  }
0x20b: {  	s0 =	sadd.s32 $0x80, s30  }
0x20c: {  	s31 =	sand.u32 $0x70, s29;
	s30 =	sand.u32 $0x400, s0  }
0x20d: {  	s28 =	sor.u32 s31, s30  }
0x20e: {  	[tilespmem:s28+$0x10000] =	vst v2  }
0x20f: {  	v2 =	vld.idx.msk [tilespmem:v3+s4+$0x0], $0xffff  }
0x210: {  	v3 =	vor.u32 $0x2, v1;
	_ =	sdelay $0x3  }
0x211: {  	[tilespmem:s28+$0x10080] =	vst v2  }
0x212: {  	v2 =	vld.idx.msk [tilespmem:v3+s4+$0x0], $0xffff  }
0x213: {  	v3 =	vor.u32 $0x3, v1;
	_ =	sdelay $0x3  }
0x214: {  	[tilespmem:s28+$0x10100] =	vst v2  }
0x215: {  	v2 =	vld.idx.msk [tilespmem:v3+s4+$0x0], $0xffff  }
0x216: {  	v3 =	vor.u32 $0x4, v1;
	_ =	sdelay $0x3  }
0x217: {  	[tilespmem:s28+$0x10180] =	vst v2  }
0x218: {  	v2 =	vld.idx.msk [tilespmem:v3+s4+$0x0], $0xffff  }
0x219: {  	v3 =	vor.u32 $0x5, v1;
	_ =	sdelay $0x3  }
0x21a: {  	[tilespmem:s28+$0x10200] =	vst v2  }
0x21b: {  	v2 =	vld.idx.msk [tilespmem:v3+s4+$0x0], $0xffff  }
0x21c: {  	v3 =	vor.u32 $0x6, v1;
	_ =	sdelay $0x3  }
0x21d: {  	[tilespmem:s28+$0x10280] =	vst v2  }
0x21e: {  	v2 =	vld.idx.msk [tilespmem:v3+s4+$0x0], $0xffff  }
0x21f: {  	v3 =	vor.u32 $0x7, v1;
	_ =	sdelay $0x3  }
0x220: {  	[tilespmem:s28+$0x10300] =	vst v2  }
0x221: {  	v2 =	vld.idx.msk [tilespmem:v3+s4+$0x0], $0xffff  }
0x222: {  	v3 =	vor.u32 $0x8, v1;
	_ =	sdelay $0x1  }
0x223: {  	s0 =	sor.u32 s0, s29  }
0x224: {  	s0 =	sor.u32 $0x380, s0  }
0x225: {  	[tilespmem:s0+$0x10000] =	vst v2  }
0x226: {  	v2 =	vld.idx.msk [tilespmem:v3+s4+$0x0], $0xffff  }
0x227: {  	v3 =	vor.u32 $0x9, v1;
	_ =	sdelay $0x3  }
0x228: {  	[tilespmem:s28+$0x10800] =	vst v2  }
0x229: {  	v2 =	vld.idx.msk [tilespmem:v3+s4+$0x0], $0xffff  }
0x22a: {  	v3 =	vor.u32 $0xA, v1;
	_ =	sdelay $0x3  }
0x22b: {  	[tilespmem:s28+$0x10880] =	vst v2  }
0x22c: {  	v2 =	vld.idx.msk [tilespmem:v3+s4+$0x0], $0xffff  }
0x22d: {  	v3 =	vor.u32 $0xB, v1;
	_ =	sdelay $0x3  }
0x22e: {  	[tilespmem:s28+$0x10900] =	vst v2  }
0x22f: {  	v2 =	vld.idx.msk [tilespmem:v3+s4+$0x0], $0xffff  }
0x230: {  	v3 =	vor.u32 $0xC, v1;
	_ =	sdelay $0x3  }
0x231: {  	[tilespmem:s28+$0x10980] =	vst v2  }
0x232: {  	v2 =	vld.idx.msk [tilespmem:v3+s4+$0x0], $0xffff  }
0x233: {  	v3 =	vor.u32 $0xD, v1;
	_ =	sdelay $0x3  }
0x234: {  	[tilespmem:s28+$0x10A00] =	vst v2  }
0x235: {  	v2 =	vld.idx.msk [tilespmem:v3+s4+$0x0], $0xffff  }
0x236: {  	v3 =	vor.u32 $0xE, v1;
	_ =	sdelay $0x3  }
0x237: {  	[tilespmem:s28+$0x10A80] =	vst v2  }
0x238: {  	v2 =	vld.idx.msk [tilespmem:v3+s4+$0x0], $0xffff  }
0x239: {  	v1 =	vor.u32 $0xF, v1;
	_ =	sdelay $0x3  }
0x23a: {  	[tilespmem:s28+$0x10B00] =	vst v2  }
0x23b: {  	v1 =	vld.idx.msk [tilespmem:v1+s4+$0x0], $0xffff  }
0x23c: {  	p2 =	sgt.u32 s26, $0x4A1  }
.Ltmp13:
0x23d: {  	_ = 	snop;
	(pc) =	sbr.rel @p2 .LBB2_16-.Ltmp13, $4  }
0x23e: {  	_ = 	snop  }
0x23f: {  	s31 =	sshll.u32 s26, $0x8  }
0x240: {  	s0 =	sadd.s32 s7, s31;
	[tilespmem:s28+$0x10B80] =	vst v1  }
0x241: {  	[hbm4b:s0+s14] =	stream.strided.scatter [tilespmem:s16], [sflag:$0x3], $0x1000, s15, s14, $0x38;
	[tilespmem:$0x12000] =	vst v63  }
.Ltmp14:
0x242: {  	(pc) =	sbr.rel .LBB2_17-.Ltmp14, $4  }
0x243: {  	_ = 	snop  }
0x244: {  	s0 =	sshll.u32 s26, $0xC  }
0x245: {  	s0 =	sadd.s32 s0, s11  }
0x246: {  	[tilespmem:s4], [sflag:$0x1] =	stream.linear.gather [hbm4b:s0+s4], $0x8000, $0x38;
	[tilespmem:$0x12000] =	vst v63  }
.LBB2_16:
.Ltmp15:
0x247: {  	(pc) =	sbr.rel @p1 .LBB2_20-.Ltmp15, $1  }
0x248: {  	_ =	sdelay $0x3  }
.LBB2_17:
0x249: {  	s26 =	simm.s32 $0x0  }
0x24a: {  	v1 =	vmov s26  }
0x24b: {  	_ =	swait.ge [sflag:s17], $0x8000;
	v1 =	vshll.u32 v1, $0x7  }
0x24c: {  	[sflag:s17] =	ssyncset.done $0x0;
	v1 =	vor.u32 v0, v1  }
0x24d: {  	s0 =	simm.s32 @!p0 $0x4;
	[sflag:s17] =	ssyncadd.s32 $0xFFFF8000  }
0x24e: {  	_ =	swait.ge @!p0 [sflag:s0], $0x1000  }
0x24f: {  	[sflag:s0] =	ssyncset.done @!p0 $0x0  }
0x250: {  	[sflag:s0] =	ssyncadd.s32 @!p0 $0xFFFFF000  }
0x251: {  	v2 =	vld.idx.msk [tilespmem:v1+s18+$0x0], $0xffff  }
0x252: {  	v3 =	vor.u32 $0x1, v1;
	_ =	sdelay $0x1  }
0x253: {  	s31 =	sand.u32 $0x70, s26;
	s28 =	sand.u32 $0x400, s26  }
0x254: {  	s28 =	sor.u32 s31, s28  }
0x255: {  	[tilespmem:s28+$0x11000] =	vst v2  }
0x256: {  	v2 =	vld.idx.msk [tilespmem:v3+s18+$0x0], $0xffff  }
0x257: {  	v3 =	vor.u32 $0x2, v1;
	_ =	sdelay $0x3  }
0x258: {  	[tilespmem:s28+$0x11080] =	vst v2  }
0x259: {  	v2 =	vld.idx.msk [tilespmem:v3+s18+$0x0], $0xffff  }
0x25a: {  	v3 =	vor.u32 $0x3, v1;
	_ =	sdelay $0x3  }
0x25b: {  	[tilespmem:s28+$0x11100] =	vst v2  }
0x25c: {  	v2 =	vld.idx.msk [tilespmem:v3+s18+$0x0], $0xffff  }
0x25d: {  	v3 =	vor.u32 $0x4, v1;
	_ =	sdelay $0x3  }
0x25e: {  	[tilespmem:s28+$0x11180] =	vst v2  }
0x25f: {  	v2 =	vld.idx.msk [tilespmem:v3+s18+$0x0], $0xffff  }
0x260: {  	v3 =	vor.u32 $0x5, v1;
	_ =	sdelay $0x3  }
0x261: {  	[tilespmem:s28+$0x11200] =	vst v2  }
0x262: {  	v2 =	vld.idx.msk [tilespmem:v3+s18+$0x0], $0xffff  }
0x263: {  	v3 =	vor.u32 $0x6, v1;
	_ =	sdelay $0x3  }
0x264: {  	[tilespmem:s28+$0x11280] =	vst v2  }
0x265: {  	v2 =	vld.idx.msk [tilespmem:v3+s18+$0x0], $0xffff  }
0x266: {  	v3 =	vor.u32 $0x7, v1;
	_ =	sdelay $0x3  }
0x267: {  	[tilespmem:s28+$0x11300] =	vst v2  }
0x268: {  	v2 =	vld.idx.msk [tilespmem:v3+s18+$0x0], $0xffff  }
0x269: {  	v3 =	vor.u32 $0x8, v1;
	_ =	sdelay $0x1  }
0x26a: {  	s31 =	sor.u32 s26, s26  }
0x26b: {  	s0 =	sor.u32 $0x380, s31  }
0x26c: {  	[tilespmem:s0+$0x11000] =	vst v2  }
0x26d: {  	v2 =	vld.idx.msk [tilespmem:v3+s18+$0x0], $0xffff  }
0x26e: {  	v3 =	vor.u32 $0x9, v1;
	_ =	sdelay $0x3  }
0x26f: {  	[tilespmem:s28+$0x11800] =	vst v2  }
0x270: {  	v2 =	vld.idx.msk [tilespmem:v3+s18+$0x0], $0xffff  }
0x271: {  	v3 =	vor.u32 $0xA, v1;
	_ =	sdelay $0x3  }
0x272: {  	[tilespmem:s28+$0x11880] =	vst v2  }
0x273: {  	v2 =	vld.idx.msk [tilespmem:v3+s18+$0x0], $0xffff  }
0x274: {  	v3 =	vor.u32 $0xB, v1;
	_ =	sdelay $0x3  }
0x275: {  	[tilespmem:s28+$0x11900] =	vst v2  }
0x276: {  	v2 =	vld.idx.msk [tilespmem:v3+s18+$0x0], $0xffff  }
0x277: {  	v3 =	vor.u32 $0xC, v1;
	_ =	sdelay $0x3  }
0x278: {  	[tilespmem:s28+$0x11980] =	vst v2  }
0x279: {  	v2 =	vld.idx.msk [tilespmem:v3+s18+$0x0], $0xffff  }
0x27a: {  	v3 =	vor.u32 $0xD, v1;
	_ =	sdelay $0x3  }
0x27b: {  	[tilespmem:s28+$0x11A00] =	vst v2  }
0x27c: {  	v2 =	vld.idx.msk [tilespmem:v3+s18+$0x0], $0xffff  }
0x27d: {  	v3 =	vor.u32 $0xE, v1;
	_ =	sdelay $0x3  }
0x27e: {  	[tilespmem:s28+$0x11A80] =	vst v2  }
0x27f: {  	v2 =	vld.idx.msk [tilespmem:v3+s18+$0x0], $0xffff  }
0x280: {  	v3 =	vor.u32 $0xF, v1;
	_ =	sdelay $0x3  }
0x281: {  	s29 =	simm.s32 $0x10;
	[tilespmem:s28+$0x11B00] =	vst v2  }
0x282: {  	s30 =	simm.s32 $0x20;
	v1 =	vmov s29;
	v2 =	vld.idx.msk [tilespmem:v3+s18+$0x0], $0xffff  }
.LBB2_18:
0x283: {  	p0 =	sne.s32 s30, $0xF0;
	v1 =	vshll.u32 v1, $0x7  }
0x284: {  	v1 =	vor.u32 v0, v1;
	_ =	sdelay $0x3  }
0x285: {  	[tilespmem:s28+$0x11B80] =	vst v2  }
0x286: {  	v2 =	vld.idx.msk [tilespmem:v1+s18+$0x0], $0xffff;
	_ =	sdelay $0x1  }
0x287: {  	v3 =	vor.u32 $0x1, v1  }
0x288: {  	s26 =	sadd.s32 $0x80, s26  }
0x289: {  	s0 =	sand.u32 $0x70, s29;
	s28 =	sand.u32 $0x400, s26  }
0x28a: {  	s28 =	sor.u32 s0, s28  }
0x28b: {  	[tilespmem:s28+$0x11000] =	vst v2  }
0x28c: {  	v2 =	vld.idx.msk [tilespmem:v3+s18+$0x0], $0xffff;
	_ =	sdelay $0x1  }
0x28d: {  	v3 =	vor.u32 $0x2, v1;
	_ =	sdelay $0x3  }
0x28e: {  	[tilespmem:s28+$0x11080] =	vst v2  }
0x28f: {  	v2 =	vld.idx.msk [tilespmem:v3+s18+$0x0], $0xffff;
	_ =	sdelay $0x1  }
0x290: {  	v3 =	vor.u32 $0x3, v1;
	_ =	sdelay $0x3  }
0x291: {  	[tilespmem:s28+$0x11100] =	vst v2  }
0x292: {  	v2 =	vld.idx.msk [tilespmem:v3+s18+$0x0], $0xffff;
	_ =	sdelay $0x1  }
0x293: {  	v3 =	vor.u32 $0x4, v1;
	_ =	sdelay $0x3  }
0x294: {  	[tilespmem:s28+$0x11180] =	vst v2  }
0x295: {  	v2 =	vld.idx.msk [tilespmem:v3+s18+$0x0], $0xffff;
	_ =	sdelay $0x1  }
0x296: {  	v3 =	vor.u32 $0x5, v1;
	_ =	sdelay $0x3  }
0x297: {  	[tilespmem:s28+$0x11200] =	vst v2  }
0x298: {  	v2 =	vld.idx.msk [tilespmem:v3+s18+$0x0], $0xffff;
	_ =	sdelay $0x1  }
0x299: {  	v3 =	vor.u32 $0x6, v1;
	_ =	sdelay $0x3  }
0x29a: {  	[tilespmem:s28+$0x11280] =	vst v2  }
0x29b: {  	v2 =	vld.idx.msk [tilespmem:v3+s18+$0x0], $0xffff;
	_ =	sdelay $0x1  }
0x29c: {  	v3 =	vor.u32 $0x7, v1;
	_ =	sdelay $0x3  }
0x29d: {  	[tilespmem:s28+$0x11300] =	vst v2  }
0x29e: {  	v2 =	vld.idx.msk [tilespmem:v3+s18+$0x0], $0xffff;
	_ =	sdelay $0x1  }
0x29f: {  	v3 =	vor.u32 $0x8, v1;
	_ =	sdelay $0x1  }
0x2a0: {  	s0 =	sor.u32 s26, s29;
	s29 =	smov.u32 s30  }
0x2a1: {  	s0 =	sor.u32 $0x380, s0  }
0x2a2: {  	[tilespmem:s0+$0x11000] =	vst v2  }
0x2a3: {  	v2 =	vld.idx.msk [tilespmem:v3+s18+$0x0], $0xffff;
	_ =	sdelay $0x1  }
0x2a4: {  	v3 =	vor.u32 $0x9, v1;
	_ =	sdelay $0x3  }
0x2a5: {  	[tilespmem:s28+$0x11800] =	vst v2  }
0x2a6: {  	v2 =	vld.idx.msk [tilespmem:v3+s18+$0x0], $0xffff;
	_ =	sdelay $0x1  }
0x2a7: {  	v3 =	vor.u32 $0xA, v1;
	_ =	sdelay $0x3  }
0x2a8: {  	[tilespmem:s28+$0x11880] =	vst v2  }
0x2a9: {  	v2 =	vld.idx.msk [tilespmem:v3+s18+$0x0], $0xffff;
	_ =	sdelay $0x1  }
0x2aa: {  	v3 =	vor.u32 $0xB, v1;
	_ =	sdelay $0x3  }
0x2ab: {  	[tilespmem:s28+$0x11900] =	vst v2  }
0x2ac: {  	v2 =	vld.idx.msk [tilespmem:v3+s18+$0x0], $0xffff;
	_ =	sdelay $0x1  }
0x2ad: {  	v3 =	vor.u32 $0xC, v1;
	_ =	sdelay $0x3  }
0x2ae: {  	[tilespmem:s28+$0x11980] =	vst v2  }
0x2af: {  	v2 =	vld.idx.msk [tilespmem:v3+s18+$0x0], $0xffff;
	_ =	sdelay $0x1  }
0x2b0: {  	v3 =	vor.u32 $0xD, v1;
	_ =	sdelay $0x3  }
0x2b1: {  	[tilespmem:s28+$0x11A00] =	vst v2  }
0x2b2: {  	v2 =	vld.idx.msk [tilespmem:v3+s18+$0x0], $0xffff;
	_ =	sdelay $0x1  }
0x2b3: {  	v3 =	vor.u32 $0xE, v1;
	_ =	sdelay $0x3  }
0x2b4: {  	[tilespmem:s28+$0x11A80] =	vst v2  }
0x2b5: {  	v2 =	vld.idx.msk [tilespmem:v3+s18+$0x0], $0xffff;
	_ =	sdelay $0x1  }
0x2b6: {  	v3 =	vor.u32 $0xF, v1  }
.Ltmp16:
0x2b7: {  	(pc) =	sbr.rel @p0 .LBB2_18-.Ltmp16, $3  }
0x2b8: {  	_ =	sdelay $0x1  }
0x2b9: {  	[tilespmem:s28+$0x11B00] =	vst v2  }
0x2ba: {  	s30 =	sadd.s32 $0x10, s30;
	v1 =	vmov s29;
	v2 =	vld.idx.msk [tilespmem:v3+s18+$0x0], $0xffff  }
0x2bb: {  	v1 =	vshll.u32 v1, $0x7  }
0x2bc: {  	v1 =	vor.u32 v0, v1;
	_ =	sdelay $0x3  }
0x2bd: {  	[tilespmem:s28+$0x11B80] =	vst v2  }
0x2be: {  	v2 =	vld.idx.msk [tilespmem:v1+s18+$0x0], $0xffff  }
0x2bf: {  	v3 =	vor.u32 $0x1, v1  }
0x2c0: {  	s0 =	sadd.s32 $0x80, s26  }
0x2c1: {  	s31 =	sand.u32 $0x70, s29;
	s30 =	sand.u32 $0x400, s0  }
0x2c2: {  	s26 =	sor.u32 s31, s30  }
0x2c3: {  	[tilespmem:s26+$0x11000] =	vst v2  }
0x2c4: {  	v2 =	vld.idx.msk [tilespmem:v3+s18+$0x0], $0xffff  }
0x2c5: {  	v3 =	vor.u32 $0x2, v1;
	_ =	sdelay $0x3  }
0x2c6: {  	[tilespmem:s26+$0x11080] =	vst v2  }
0x2c7: {  	v2 =	vld.idx.msk [tilespmem:v3+s18+$0x0], $0xffff  }
0x2c8: {  	v3 =	vor.u32 $0x3, v1;
	_ =	sdelay $0x3  }
0x2c9: {  	[tilespmem:s26+$0x11100] =	vst v2  }
0x2ca: {  	v2 =	vld.idx.msk [tilespmem:v3+s18+$0x0], $0xffff  }
0x2cb: {  	v3 =	vor.u32 $0x4, v1;
	_ =	sdelay $0x3  }
0x2cc: {  	[tilespmem:s26+$0x11180] =	vst v2  }
0x2cd: {  	v2 =	vld.idx.msk [tilespmem:v3+s18+$0x0], $0xffff  }
0x2ce: {  	v3 =	vor.u32 $0x5, v1;
	_ =	sdelay $0x3  }
0x2cf: {  	[tilespmem:s26+$0x11200] =	vst v2  }
0x2d0: {  	v2 =	vld.idx.msk [tilespmem:v3+s18+$0x0], $0xffff  }
0x2d1: {  	v3 =	vor.u32 $0x6, v1;
	_ =	sdelay $0x3  }
0x2d2: {  	[tilespmem:s26+$0x11280] =	vst v2  }
0x2d3: {  	v2 =	vld.idx.msk [tilespmem:v3+s18+$0x0], $0xffff  }
0x2d4: {  	v3 =	vor.u32 $0x7, v1;
	_ =	sdelay $0x3  }
0x2d5: {  	[tilespmem:s26+$0x11300] =	vst v2  }
0x2d6: {  	v2 =	vld.idx.msk [tilespmem:v3+s18+$0x0], $0xffff  }
0x2d7: {  	v3 =	vor.u32 $0x8, v1;
	_ =	sdelay $0x1  }
0x2d8: {  	s0 =	sor.u32 s0, s29  }
0x2d9: {  	s0 =	sor.u32 $0x380, s0  }
0x2da: {  	[tilespmem:s0+$0x11000] =	vst v2  }
0x2db: {  	v2 =	vld.idx.msk [tilespmem:v3+s18+$0x0], $0xffff  }
0x2dc: {  	v3 =	vor.u32 $0x9, v1;
	_ =	sdelay $0x3  }
0x2dd: {  	[tilespmem:s26+$0x11800] =	vst v2  }
0x2de: {  	v2 =	vld.idx.msk [tilespmem:v3+s18+$0x0], $0xffff  }
0x2df: {  	v3 =	vor.u32 $0xA, v1;
	_ =	sdelay $0x3  }
0x2e0: {  	[tilespmem:s26+$0x11880] =	vst v2  }
0x2e1: {  	v2 =	vld.idx.msk [tilespmem:v3+s18+$0x0], $0xffff  }
0x2e2: {  	v3 =	vor.u32 $0xB, v1;
	_ =	sdelay $0x3  }
0x2e3: {  	[tilespmem:s26+$0x11900] =	vst v2  }
0x2e4: {  	v2 =	vld.idx.msk [tilespmem:v3+s18+$0x0], $0xffff  }
0x2e5: {  	v3 =	vor.u32 $0xC, v1;
	_ =	sdelay $0x3  }
0x2e6: {  	[tilespmem:s26+$0x11980] =	vst v2  }
0x2e7: {  	v2 =	vld.idx.msk [tilespmem:v3+s18+$0x0], $0xffff  }
0x2e8: {  	v3 =	vor.u32 $0xD, v1;
	_ =	sdelay $0x3  }
0x2e9: {  	[tilespmem:s26+$0x11A00] =	vst v2  }
0x2ea: {  	v2 =	vld.idx.msk [tilespmem:v3+s18+$0x0], $0xffff  }
0x2eb: {  	v3 =	vor.u32 $0xE, v1;
	_ =	sdelay $0x3  }
0x2ec: {  	[tilespmem:s26+$0x11A80] =	vst v2  }
0x2ed: {  	v2 =	vld.idx.msk [tilespmem:v3+s18+$0x0], $0xffff  }
0x2ee: {  	v1 =	vor.u32 $0xF, v1;
	_ =	sdelay $0x3  }
0x2ef: {  	[tilespmem:s26+$0x11B00] =	vst v2  }
0x2f0: {  	v1 =	vld.idx.msk [tilespmem:v1+s18+$0x0], $0xffff;
	_ =	sdelay $0x1  }
.Ltmp17:
0x2f1: {  	_ = 	snop;
	(pc) =	sbr.rel .LBB2_20-.Ltmp17, $4  }
0x2f2: {  	_ = 	snop  }
0x2f3: {  	s31 =	sshll.u32 s25, $0x8  }
0x2f4: {  	s0 =	sadd.s32 s7, s31;
	[tilespmem:s26+$0x11B80] =	vst v1  }
0x2f5: {  	[hbm4b:s0+s14] =	stream.strided.scatter [tilespmem:s19], [sflag:$0x4], $0x1000, s15, s14, $0x38;
	[tilespmem:$0x12000] =	vst v63  }
.LBB2_22:
0x2f6: {  	_ =	sfence.sel $0x180000  }
0x2f7: {  	[bflag:$0x0] =	sbarrier.arrive $0xFFFF  }
0x2f8: {  	_ =	strace $0x90000047  }
0x2f9: {  	[bflag:$0x2] =	sbarrier.arrive $0xFFFF  }
0x2fa: {  	p0 =	sne.s32 s3, $0x0;
	s0 =	rddreg [dreg:$0x3]  }
0x2fb: {  	s0 =	sadd.s32 @!p0 $0x100000, s0  }
0x2fc: {  	[sflag:s0] =	ssyncadd.tile.s32 @!p0 $0x1;
	_ =	shalt  }
.Lfunc_end2:
_tile_overlayer_lowered:
.L_overlay_start_2:
0x2fd: {  	(tag) =	ssettag $0x2  }
0x2fe: {  	s0 =	rddreg [dreg:$0x0];
	s2 =	stileid.u32  }
0x2ff: {  	s1 =	rddreg [dreg:$0x1];
	p0 =	sne.s32 s2, $0x0  }
0x300: {  	s3 =	rddreg [dreg:$0x2];
	[bflag:$0x3] =	sbarrier.arrive $0xFFFF;
	s2 =	simm.s32 @!p0 $0x1C05  }
0x301: {  	[timem:s3], [sflag:s2] =	dma.local @!p0 [hbm:s0], s1  }
0x302: {  	s0 =	simm.s32 @!p0 $0x5  }
0x303: {  	_ =	swait.ge @!p0 [sflag:s0], s1  }
0x304: {  	s1 =	ssub.s32 @!p0 $0x0, s1;
	[sflag:s0] =	ssyncset.done @!p0 $0x0  }
0x305: {  	[sflag:s0] =	ssyncadd.s32 @!p0 s1  }
0x306: {  	[bflag:$0x3] =	sbarrier.arrive $0xFFFF  }
0x307: {  	_ =	shalt  }

</sc_bundles>
